<compile_context>
chip_gen: v7x
topology: tpu7x:2x2x1
jax: 0.10.2.dev20260603
libtpu: 0.0.44.dev20260713+nightly
codegen_flags: <defaults>
</compile_context>

<pallas_src>
import functools

import jax
import jax.numpy as jnp
from jax import lax
from jax.experimental import pallas as pl
from jax.experimental.pallas import tpu as pltpu
from jax.experimental.pallas import tpu_sc as plsc

_N_NODES = 100000
_N_EDGES = 6400000
_CUTOFF = 5.0
_N_BASES = 6

_NC = 2
_NS = 16
_NW = _NC * _NS
_L = 16

_C = 1024
_NCHUNKS = _N_EDGES // _C
_GROUPS = _C // _L
_IDX_B = 128
_NIDX = 2 * _C // _IDX_B
_RPC = _C // _IDX_B
_BPC = _C // _IDX_B
_DPAD = 8
_NK = 196
_NBLK = _N_EDGES // _IDX_B

_COSC = (1.00000000e+00, -5.00000000e-01, 4.16666665e-02, -1.38888849e-03,
         2.48011029e-05, -2.75271125e-07, 1.99427735e-09)
_SINC = (1.00000000e+00, -1.66666666e-01, 8.33332995e-03, -1.98407728e-04,
         2.75219338e-06, -2.38435661e-08)

_PI = 3.14159265358979
_W1 = _PI / _CUTOFF
_PREF = 0.6324555320336759


def _rsqrt(x):
    i = lax.bitcast_convert_type(x, jnp.int32)
    i = jnp.int32(0x5F3759DF) - lax.shift_right_arithmetic(i, jnp.int32(1))
    y = lax.bitcast_convert_type(i, jnp.float32)
    half = jnp.float32(0.5) * x
    for _ in range(2):
        y = y * (jnp.float32(1.5) - half * y * y)
    return y


def _sc_body(pos_hbm, send_hbm, recv_hbm, shx_hbm, shy_hbm, shz_hbm,
             len_out, emb_out, unit_out,
             idx_v, rows_v, shx_v, shy_v, shz_v,
             len_v, e_v, u_v, sem0, sem1, osem0, osem1):
    wid = lax.axis_index("s") * _NC + lax.axis_index("c")
    sems = (sem0, sem1)
    osems = (osem0, osem1)

    def out_copies(b, cid):
        base = cid * _C
        bbase = cid * _BPC
        return ((len_v.at[b], len_out.at[pl.ds(base, _C)]),
                (e_v.at[b], emb_out.at[pl.ds(bbase, _BPC)]),
                (u_v.at[b], unit_out.at[pl.ds(bbase, _BPC)]))

    def drain_outputs(b, cid):

        def _go():
            for src, dst in out_copies(b, cid):
                pltpu.make_async_copy(src, dst, osems[b]).wait()

        pl.when(jnp.logical_and(cid >= 0, cid < _NCHUNKS))(_go)

    def gather_copies(b, cid):
        base = cid * _C
        cps = []
        for j in range(_NIDX):
            cps.append((pos_hbm.at[idx_v.at[b, j]],
                        rows_v.at[b, pl.ds(j * _IDX_B, _IDX_B)]))
        cps.append((shx_hbm.at[pl.ds(base, _C)], shx_v.at[b]))
        cps.append((shy_hbm.at[pl.ds(base, _C)], shy_v.at[b]))
        cps.append((shz_hbm.at[pl.ds(base, _C)], shz_v.at[b]))
        return cps

    def start(b, k):
        cid = wid + k * _NW

        def _go():
            rbase = cid * _RPC
            pltpu.sync_copy(send_hbm.at[pl.ds(rbase, _RPC)],
                            idx_v.at[b, pl.ds(0, _RPC)])
            pltpu.sync_copy(recv_hbm.at[pl.ds(rbase, _RPC)],
                            idx_v.at[b, pl.ds(_RPC, _RPC)])
            for src, dst in gather_copies(b, cid):
                pltpu.async_copy(src, dst, sems[b])

        pl.when(cid < _NCHUNKS)(_go)

    def finish(b, k):
        cid = wid + k * _NW

        def _go():
            for src, dst in gather_copies(b, cid):
                pltpu.make_async_copy(src, dst, sems[b]).wait()

            @plsc.parallel_loop(0, _C, _L, unroll=4)
            def group(o):
                blk = lax.div(o, jnp.int32(_IDX_B))
                ol = o - blk * _IDX_B
                e = lax.iota(jnp.int32, _L) + o
                er = e + _C
                c0 = jnp.zeros((_L,), jnp.int32)
                c1i = jnp.full((_L,), 1, jnp.int32)
                c2i = jnp.full((_L,), 2, jnp.int32)
                rv = rows_v.at[b]
                dx = (plsc.load_gather(rv, [er, c0])
                      - plsc.load_gather(rv, [e, c0])
                      + shx_v[b, pl.ds(o, _L)])
                dy = (plsc.load_gather(rv, [er, c1i])
                      - plsc.load_gather(rv, [e, c1i])
                      + shy_v[b, pl.ds(o, _L)])
                dz = (plsc.load_gather(rv, [er, c2i])
                      - plsc.load_gather(rv, [e, c2i])
                      + shz_v[b, pl.ds(o, _L)])
                len2 = dx * dx + dy * dy + dz * dz
                inv = _rsqrt(len2)
                length = len2 * inv
                len_v[b, pl.ds(o, _L)] = length
                u_v[b, blk, 0, pl.ds(ol, _L)] = dx * inv
                u_v[b, blk, 1, pl.ds(ol, _L)] = dy * inv
                u_v[b, blk, 2, pl.ds(ol, _L)] = dz * inv

                t = jnp.float32(_W1) * lax.min(length, jnp.float32(_CUTOFF))
                u = t - jnp.float32(_PI / 2)
                v = u * u
                s1 = jnp.float32(_COSC[6])
                for cc in (_COSC[5], _COSC[4], _COSC[3], _COSC[2], _COSC[1],
                           _COSC[0]):
                    s1 = s1 * v + jnp.float32(cc)
                cpoly = jnp.float32(_SINC[5])
                for cc in (_SINC[4], _SINC[3], _SINC[2], _SINC[1], _SINC[0]):
                    cpoly = cpoly * v + jnp.float32(cc)
                ct = -(cpoly * u)

                x = length * jnp.float32(1.0 / _CUTOFF)
                x2 = x * x
                x3 = x2 * x
                x6 = x3 * x3
                x7 = x6 * x
                x8 = x7 * x
                env = (jnp.float32(1.0) - jnp.float32(28.0) * x6
                       + jnp.float32(48.0) * x7 - jnp.float32(21.0) * x8)
                env = jnp.where(x < jnp.float32(1.0), env, jnp.float32(0.0))
                scale = jnp.float32(_PREF) * inv * env

                twoc = jnp.float32(2.0) * ct
                sprev = jnp.zeros((_L,), jnp.float32)
                scur = s1
                for n in range(_N_BASES):
                    e_v[b, blk, n, pl.ds(ol, _L)] = scur * scale
                    snext = twoc * scur - sprev
                    sprev, scur = scur, snext

            for src, dst in out_copies(b, cid):
                pltpu.async_copy(src, dst, osems[b])

        drain_outputs(b, cid - 2 * _NW)
        pl.when(cid < _NCHUNKS)(_go)

    start(0, 0)

    def pair(i, carry):
        k = 2 * i
        start(1, k + 1)
        finish(0, k)
        start(0, k + 2)
        finish(1, k + 1)
        return carry

    lax.fori_loop(0, _NK // 2, pair, 0)
    drain_outputs(0, wid + (_NK - 2) * _NW)
    drain_outputs(1, wid + (_NK - 1) * _NW)


_sc_kernel = functools.partial(
    pl.kernel,
    mesh=plsc.VectorSubcoreMesh(core_axis_name="c", subcore_axis_name="s"),
    out_type=(
        jax.ShapeDtypeStruct((_N_EDGES,), jnp.float32),
        jax.ShapeDtypeStruct((_NBLK, 8, _IDX_B), jnp.float32),
        jax.ShapeDtypeStruct((_NBLK, 4, _IDX_B), jnp.float32),
    ),
    scratch_types=[
        pltpu.VMEM((2, 2 * _C // _IDX_B, _IDX_B), jnp.int32),
        pltpu.VMEM((2, 2 * _C, _DPAD), jnp.float32),
        pltpu.VMEM((2, _C), jnp.float32),
        pltpu.VMEM((2, _C), jnp.float32),
        pltpu.VMEM((2, _C), jnp.float32),
        pltpu.VMEM((2, _C), jnp.float32),
        pltpu.VMEM((2, _BPC, 8, _IDX_B), jnp.float32),
        pltpu.VMEM((2, _BPC, 4, _IDX_B), jnp.float32),
        pltpu.SemaphoreType.DMA,
        pltpu.SemaphoreType.DMA,
        pltpu.SemaphoreType.DMA,
        pltpu.SemaphoreType.DMA,
    ],
    compiler_params=pltpu.CompilerParams(
        needs_layout_passes=False, use_tc_tiling_on_sc=False),
)(_sc_body)


@jax.jit
def kernel(positions, edge_index, shifts):
    pos_pad = jnp.concatenate(
        [positions, jnp.zeros((_N_NODES, _DPAD - 3), jnp.float32)], axis=1)
    sender = edge_index[0].reshape(_N_EDGES // _IDX_B, _IDX_B)
    receiver = edge_index[1].reshape(_N_EDGES // _IDX_B, _IDX_B)
    lengths, emb3, unit3 = _sc_kernel(pos_pad, sender, receiver,
                                      shifts[:, 0], shifts[:, 1],
                                      shifts[:, 2])
    emb = emb3.transpose(0, 2, 1).reshape(_N_EDGES, 8)[:, :_N_BASES]
    unit = unit3.transpose(0, 2, 1).reshape(_N_EDGES, 4)[:, :3]
    return (lengths.reshape(_N_EDGES, 1), emb, unit)

# --- scband reference (transcript-rebuilt; emitter-appended) ---
"""Pipeline reference for scband-base-model-72980084294214 (READ-ONLY COPY).

The authoritative reference and input builder live on the scoring server;
editing this copy changes nothing except your own understanding.
"""

import jax, jax.numpy as jnp
import numpy as np

N_NODES = 100000
N_EDGES = 6400000
CUTOFF = 5.0
N_BASES = 6
N_POLY = 6


def setup_inputs(seed: int = 0) -> dict:
    key = jax.random.key(seed)
    k1, k2, k3 = jax.random.split(key, 3)
    positions = jax.random.normal(k1, (N_NODES, 3), dtype=jnp.float32)
    edge_index = jax.random.randint(k2, (2, N_EDGES), 0, N_NODES, dtype=jnp.int32)
    shifts = jax.random.uniform(k3, (N_EDGES, 3), dtype=jnp.float32)
    return {"positions": positions, "edge_index": edge_index, "shifts": shifts}


def _radial_embedding(lengths):
    # BesselBasis (MACE-style): sqrt(2/r_c) * sin(n*pi*r/r_c) / r, n = 1..n_bases
    bessel_weights = jnp.pi * jnp.arange(1, N_BASES + 1, dtype=jnp.float32) / CUTOFF
    prefactor = jnp.sqrt(jnp.asarray(2.0 / CUTOFF, dtype=jnp.float32))
    bessel = prefactor * jnp.sin(lengths * bessel_weights) / lengths  # [E, n_bases]
    # PolynomialCutoff of order p
    p = float(N_POLY)
    x = lengths / CUTOFF
    envelope = (
        1.0
        - ((p + 1.0) * (p + 2.0) / 2.0) * x ** p
        + p * (p + 2.0) * x ** (p + 1.0)
        - (p * (p + 1.0) / 2.0) * x ** (p + 2.0)
    )
    envelope = envelope * (x < 1.0).astype(lengths.dtype)  # [E, 1]
    return bessel * envelope  # [E, n_bases]


def reference(positions, edge_index, shifts):
    # get_edge_vectors_and_lengths with normalize=True
    sender = edge_index[0]
    receiver = edge_index[1]
    vectors = positions[receiver] - positions[sender] + shifts  # gather [E, 3]
    lengths = jnp.linalg.norm(vectors, axis=-1, keepdims=True)  # [E, 1]
    unit_vectors = vectors / lengths  # normalized edge vectors [E, 3]
    edge_embeddings = _radial_embedding(lengths)  # [E, n_bases]
    return (lengths, edge_embeddings, unit_vectors)

if __name__ == "__main__":
    import jax
    _d = setup_inputs()
    print(jax.jit(kernel)(*tuple(_d.values())))

</pallas_src>

<mosaic_0001>
#map = affine_map<(d0, d1) -> (0, 0)>
#map1 = affine_map<(d0, d1) -> (0)>
#map2 = affine_map<(d0, d1) -> (0, 0, 0)>
module attributes {stable_mosaic.version = 14 : i64} {
  func.func @_sc_body(%arg0: i32, %arg1: i32, %arg2: memref<100000x8xf32, #tpu.memory_space<hbm>>, %arg3: memref<50000x128xi32, #tpu.memory_space<hbm>>, %arg4: memref<50000x128xi32, #tpu.memory_space<hbm>>, %arg5: memref<6400000xf32, #tpu.memory_space<hbm>>, %arg6: memref<6400000xf32, #tpu.memory_space<hbm>>, %arg7: memref<6400000xf32, #tpu.memory_space<hbm>>, %arg8: memref<6400000xf32, #tpu.memory_space<hbm>>, %arg9: memref<50000x8x128xf32, #tpu.memory_space<hbm>>, %arg10: memref<50000x4x128xf32, #tpu.memory_space<hbm>>, %arg11: memref<2x16x128xi32, #tpu.memory_space<vmem>>, %arg12: memref<2x2048x8xf32, #tpu.memory_space<vmem>>, %arg13: memref<2x1024xf32, #tpu.memory_space<vmem>>, %arg14: memref<2x1024xf32, #tpu.memory_space<vmem>>, %arg15: memref<2x1024xf32, #tpu.memory_space<vmem>>, %arg16: memref<2x1024xf32, #tpu.memory_space<vmem>>, %arg17: memref<2x8x8x128xf32, #tpu.memory_space<vmem>>, %arg18: memref<2x8x4x128xf32, #tpu.memory_space<vmem>>, %arg19: memref<!tpu.dma_semaphore, #tpu.memory_space<semaphore_mem>>, %arg20: memref<!tpu.dma_semaphore, #tpu.memory_space<semaphore_mem>>, %arg21: memref<!tpu.dma_semaphore, #tpu.memory_space<semaphore_mem>>, %arg22: memref<!tpu.dma_semaphore, #tpu.memory_space<semaphore_mem>>) attributes {dimension_semantics = [#tpu.dimension_semantics<core_parallel>, #tpu.dimension_semantics<subcore_parallel>], iteration_bounds = array<i64: 2, 16>, scalar_prefetch = 0 : i64, scratch_operands = 12 : i64, tpu.core_type = #tpu.core_type<sc_vector_subcore>, window_params = [{transform_indices = #map}, {transform_indices = #map}, {transform_indices = #map}, {transform_indices = #map1}, {transform_indices = #map1}, {transform_indices = #map1}, {transform_indices = #map1}, {transform_indices = #map2}, {transform_indices = #map2}]} {
    %mul3A = arith.constant 2 : i32
    %mul3A_0 = arith.muli %arg1, %mul3A : i32
    %add3A = arith.addi %mul3A_0, %arg0 : i32
    %add3A_1 = arith.constant 0 : i32
    %add3A_2 = arith.addi %add3A, %add3A_1 : i32
    %lt3A = arith.constant 6250 : i32
    %lt3A_3 = arith.cmpi slt, %add3A_2, %lt3A : i32
    %convert_element_type3A = arith.extui %lt3A_3 : i1 to i32
    %cond3A = arith.constant 0 : i32
    %cond3A_4 = arith.cmpi ne, %convert_element_type3A, %cond3A : i32
    scf.if %cond3A_4 {
      %mul3A_28 = arith.constant 8 : i32
      %mul3A_29 = arith.muli %add3A_2, %mul3A_28 : i32
      %run_scoped3A = arith.constant 0 : i32
      "tpu.region"() ({
        %run_scoped3A_267 = tpu.sem_alloc : memref<!tpu.dma_semaphore, #tpu.memory_space<semaphore_mem>>
        %dma_start3A_268 = arith.constant 0 : i32
        %dma_start3A_269 = arith.constant 0 : i32
        %dma_start3A_270 = tpu.memref_slice %arg11[%run_scoped3A, %dma_start3A_268, %dma_start3A_269] : memref<2x16x128xi32, #tpu.memory_space<vmem>> -> memref<1x8x128xi32, #tpu.memory_space<vmem>>
        %dma_start3A_271 = tpu.memref_squeeze %dma_start3A_270 : memref<1x8x128xi32, #tpu.memory_space<vmem>> -> memref<8x128xi32, #tpu.memory_space<vmem>>
        %dma_start3A_272 = arith.constant 0 : i32
        %dma_start3A_273 = tpu.memref_slice %arg3[%mul3A_29, %dma_start3A_272] : memref<50000x128xi32, #tpu.memory_space<hbm>> -> memref<8x128xi32, #tpu.memory_space<hbm>>
        %dma_start3A_274 = arith.constant 0 : i32
        %dma_start3A_275 = arith.constant 0 : i32
        %dma_start3A_276 = tpu.memref_slice %arg11[%run_scoped3A, %dma_start3A_274, %dma_start3A_275] : memref<2x16x128xi32, #tpu.memory_space<vmem>> -> memref<1x8x128xi32, #tpu.memory_space<vmem>>
        %dma_start3A_277 = tpu.memref_squeeze %dma_start3A_276 : memref<1x8x128xi32, #tpu.memory_space<vmem>> -> memref<8x128xi32, #tpu.memory_space<vmem>>
        %dma_start3A_278 = arith.constant 0 : i32
        %dma_start3A_279 = tpu.memref_slice %arg3[%mul3A_29, %dma_start3A_278] : memref<50000x128xi32, #tpu.memory_space<hbm>> -> memref<8x128xi32, #tpu.memory_space<hbm>>
        tpu.enqueue_dma source(%dma_start3A_279 : memref<8x128xi32, #tpu.memory_space<hbm>>) target(%dma_start3A_277 : memref<8x128xi32, #tpu.memory_space<vmem>>) target_semaphore(%run_scoped3A_267 : memref<!tpu.dma_semaphore, #tpu.memory_space<semaphore_mem>>)
        %dma_wait3A = arith.constant 0 : i32
        %dma_wait3A_280 = arith.constant 0 : i32
        %dma_wait3A_281 = tpu.memref_slice %arg11[%run_scoped3A, %dma_wait3A, %dma_wait3A_280] : memref<2x16x128xi32, #tpu.memory_space<vmem>> -> memref<1x8x128xi32, #tpu.memory_space<vmem>>
        %dma_wait3A_282 = tpu.memref_squeeze %dma_wait3A_281 : memref<1x8x128xi32, #tpu.memory_space<vmem>> -> memref<8x128xi32, #tpu.memory_space<vmem>>
        %dma_wait3A_283 = arith.constant 0 : i32
        %dma_wait3A_284 = tpu.memref_slice %arg3[%mul3A_29, %dma_wait3A_283] : memref<50000x128xi32, #tpu.memory_space<hbm>> -> memref<8x128xi32, #tpu.memory_space<hbm>>
        %dma_wait3A_285 = arith.constant 0 : i32
        %dma_wait3A_286 = arith.constant 0 : i32
        %dma_wait3A_287 = tpu.memref_slice %arg11[%run_scoped3A, %dma_wait3A_285, %dma_wait3A_286] : memref<2x16x128xi32, #tpu.memory_space<vmem>> -> memref<1x8x128xi32, #tpu.memory_space<vmem>>
        %dma_wait3A_288 = tpu.memref_squeeze %dma_wait3A_287 : memref<1x8x128xi32, #tpu.memory_space<vmem>> -> memref<8x128xi32, #tpu.memory_space<vmem>>
        %dma_wait3A_289 = arith.constant 0 : i32
        %dma_wait3A_290 = tpu.memref_slice %arg3[%mul3A_29, %dma_wait3A_289] : memref<50000x128xi32, #tpu.memory_space<hbm>> -> memref<8x128xi32, #tpu.memory_space<hbm>>
        tpu.wait_dma2 semaphore(%run_scoped3A_267 : memref<!tpu.dma_semaphore, #tpu.memory_space<semaphore_mem>>) src(%dma_wait3A_290 : memref<8x128xi32, #tpu.memory_space<hbm>>) dst(%dma_wait3A_288 : memref<8x128xi32, #tpu.memory_space<vmem>>)
        tpu.yield
      }) : () -> ()
      %run_scoped3A_30 = arith.constant 0 : i32
      "tpu.region"() ({
        %run_scoped3A_267 = tpu.sem_alloc : memref<!tpu.dma_semaphore, #tpu.memory_space<semaphore_mem>>
        %dma_start3A_268 = arith.constant 8 : i32
        %dma_start3A_269 = arith.constant 0 : i32
        %dma_start3A_270 = tpu.memref_slice %arg11[%run_scoped3A_30, %dma_start3A_268, %dma_start3A_269] : memref<2x16x128xi32, #tpu.memory_space<vmem>> -> memref<1x8x128xi32, #tpu.memory_space<vmem>>
        %dma_start3A_271 = tpu.memref_squeeze %dma_start3A_270 : memref<1x8x128xi32, #tpu.memory_space<vmem>> -> memref<8x128xi32, #tpu.memory_space<vmem>>
        %dma_start3A_272 = arith.constant 0 : i32
        %dma_start3A_273 = tpu.memref_slice %arg4[%mul3A_29, %dma_start3A_272] : memref<50000x128xi32, #tpu.memory_space<hbm>> -> memref<8x128xi32, #tpu.memory_space<hbm>>
        %dma_start3A_274 = arith.constant 8 : i32
        %dma_start3A_275 = arith.constant 0 : i32
        %dma_start3A_276 = tpu.memref_slice %arg11[%run_scoped3A_30, %dma_start3A_274, %dma_start3A_275] : memref<2x16x128xi32, #tpu.memory_space<vmem>> -> memref<1x8x128xi32, #tpu.memory_space<vmem>>
        %dma_start3A_277 = tpu.memref_squeeze %dma_start3A_276 : memref<1x8x128xi32, #tpu.memory_space<vmem>> -> memref<8x128xi32, #tpu.memory_space<vmem>>
        %dma_start3A_278 = arith.constant 0 : i32
        %dma_start3A_279 = tpu.memref_slice %arg4[%mul3A_29, %dma_start3A_278] : memref<50000x128xi32, #tpu.memory_space<hbm>> -> memref<8x128xi32, #tpu.memory_space<hbm>>
        tpu.enqueue_dma source(%dma_start3A_279 : memref<8x128xi32, #tpu.memory_space<hbm>>) target(%dma_start3A_277 : memref<8x128xi32, #tpu.memory_space<vmem>>) target_semaphore(%run_scoped3A_267 : memref<!tpu.dma_semaphore, #tpu.memory_space<semaphore_mem>>)
        %dma_wait3A = arith.constant 8 : i32
        %dma_wait3A_280 = arith.constant 0 : i32
        %dma_wait3A_281 = tpu.memref_slice %arg11[%run_scoped3A_30, %dma_wait3A, %dma_wait3A_280] : memref<2x16x128xi32, #tpu.memory_space<vmem>> -> memref<1x8x128xi32, #tpu.memory_space<vmem>>
        %dma_wait3A_282 = tpu.memref_squeeze %dma_wait3A_281 : memref<1x8x128xi32, #tpu.memory_space<vmem>> -> memref<8x128xi32, #tpu.memory_space<vmem>>
        %dma_wait3A_283 = arith.constant 0 : i32
        %dma_wait3A_284 = tpu.memref_slice %arg4[%mul3A_29, %dma_wait3A_283] : memref<50000x128xi32, #tpu.memory_space<hbm>> -> memref<8x128xi32, #tpu.memory_space<hbm>>
        %dma_wait3A_285 = arith.constant 8 : i32
        %dma_wait3A_286 = arith.constant 0 : i32
        %dma_wait3A_287 = tpu.memref_slice %arg11[%run_scoped3A_30, %dma_wait3A_285, %dma_wait3A_286] : memref<2x16x128xi32, #tpu.memory_space<vmem>> -> memref<1x8x128xi32, #tpu.memory_space<vmem>>
        %dma_wait3A_288 = tpu.memref_squeeze %dma_wait3A_287 : memref<1x8x128xi32, #tpu.memory_space<vmem>> -> memref<8x128xi32, #tpu.memory_space<vmem>>
        %dma_wait3A_289 = arith.constant 0 : i32
        %dma_wait3A_290 = tpu.memref_slice %arg4[%mul3A_29, %dma_wait3A_289] : memref<50000x128xi32, #tpu.memory_space<hbm>> -> memref<8x128xi32, #tpu.memory_space<hbm>>
        tpu.wait_dma2 semaphore(%run_scoped3A_267 : memref<!tpu.dma_semaphore, #tpu.memory_space<semaphore_mem>>) src(%dma_wait3A_290 : memref<8x128xi32, #tpu.memory_space<hbm>>) dst(%dma_wait3A_288 : memref<8x128xi32, #tpu.memory_space<vmem>>)
        tpu.yield
      }) : () -> ()
      %mul3A_31 = arith.constant 1024 : i32
      %mul3A_32 = arith.muli %add3A_2, %mul3A_31 : i32
      %dma_start3A = arith.constant 0 : i32
      %dma_start3A_33 = arith.constant 0 : i32
      %dma_start3A_34 = arith.constant 0 : i32
      %dma_start3A_35 = arith.constant 0 : i32
      %dma_start3A_36 = arith.constant 0 : i32
      %dma_start3A_37 = tpu.memref_slice %arg12[%dma_start3A_34, %dma_start3A_35, %dma_start3A_36] : memref<2x2048x8xf32, #tpu.memory_space<vmem>> -> memref<1x128x8xf32, #tpu.memory_space<vmem>>
      %dma_start3A_38 = tpu.memref_squeeze %dma_start3A_37 : memref<1x128x8xf32, #tpu.memory_space<vmem>> -> memref<128x8xf32, #tpu.memory_space<vmem>>
      %dma_start3A_39 = arith.constant 0 : i32
      %dma_start3A_40 = tpu.memref_slice %arg11[%dma_start3A, %dma_start3A_33, %dma_start3A_39] : memref<2x16x128xi32, #tpu.memory_space<vmem>> -> memref<1x1x128xi32, #tpu.memory_space<vmem>>
      %dma_start3A_41 = tpu.memref_squeeze %dma_start3A_40 : memref<1x1x128xi32, #tpu.memory_space<vmem>> -> memref<128xi32, #tpu.memory_space<vmem>>
      %dma_start3A_42 = arith.constant 0 : i32
      %dma_start3A_43 = arith.constant 0 : i32
      %dma_start3A_44 = tpu.memref_slice %arg2[%dma_start3A_42, %dma_start3A_43] : memref<100000x8xf32, #tpu.memory_space<hbm>> -> memref<100000x8xf32, #tpu.memory_space<hbm>>
      tpu.enqueue_indirect_dma source(%dma_start3A_44 : memref<100000x8xf32, #tpu.memory_space<hbm>>) target(%dma_start3A_38 : memref<128x8xf32, #tpu.memory_space<vmem>>) offsets(%dma_start3A_41 : memref<128xi32, #tpu.memory_space<vmem>>) semaphore(%arg19 : memref<!tpu.dma_semaphore, #tpu.memory_space<semaphore_mem>>)
      %dma_start3A_45 = arith.constant 0 : i32
      %dma_start3A_46 = arith.constant 1 : i32
      %dma_start3A_47 = arith.constant 0 : i32
      %dma_start3A_48 = arith.constant 128 : i32
      %dma_start3A_49 = arith.constant 0 : i32
      %dma_start3A_50 = tpu.memref_slice %arg12[%dma_start3A_47, %dma_start3A_48, %dma_start3A_49] : memref<2x2048x8xf32, #tpu.memory_space<vmem>> -> memref<1x128x8xf32, #tpu.memory_space<vmem>>
      %dma_start3A_51 = tpu.memref_squeeze %dma_start3A_50 : memref<1x128x8xf32, #tpu.memory_space<vmem>> -> memref<128x8xf32, #tpu.memory_space<vmem>>
      %dma_start3A_52 = arith.constant 0 : i32
      %dma_start3A_53 = tpu.memref_slice %arg11[%dma_start3A_45, %dma_start3A_46, %dma_start3A_52] : memref<2x16x128xi32, #tpu.memory_space<vmem>> -> memref<1x1x128xi32, #tpu.memory_space<vmem>>
      %dma_start3A_54 = tpu.memref_squeeze %dma_start3A_53 : memref<1x1x128xi32, #tpu.memory_space<vmem>> -> memref<128xi32, #tpu.memory_space<vmem>>
      %dma_start3A_55 = arith.constant 0 : i32
      %dma_start3A_56 = arith.constant 0 : i32
      %dma_start3A_57 = tpu.memref_slice %arg2[%dma_start3A_55, %dma_start3A_56] : memref<100000x8xf32, #tpu.memory_space<hbm>> -> memref<100000x8xf32, #tpu.memory_space<hbm>>
      tpu.enqueue_indirect_dma source(%dma_start3A_57 : memref<100000x8xf32, #tpu.memory_space<hbm>>) target(%dma_start3A_51 : memref<128x8xf32, #tpu.memory_space<vmem>>) offsets(%dma_start3A_54 : memref<128xi32, #tpu.memory_space<vmem>>) semaphore(%arg19 : memref<!tpu.dma_semaphore, #tpu.memory_space<semaphore_mem>>)
      %dma_start3A_58 = arith.constant 0 : i32
      %dma_start3A_59 = arith.constant 2 : i32
      %dma_start3A_60 = arith.constant 0 : i32
      %dma_start3A_61 = arith.constant 256 : i32
      %dma_start3A_62 = arith.constant 0 : i32
      %dma_start3A_63 = tpu.memref_slice %arg12[%dma_start3A_60, %dma_start3A_61, %dma_start3A_62] : memref<2x2048x8xf32, #tpu.memory_space<vmem>> -> memref<1x128x8xf32, #tpu.memory_space<vmem>>
      %dma_start3A_64 = tpu.memref_squeeze %dma_start3A_63 : memref<1x128x8xf32, #tpu.memory_space<vmem>> -> memref<128x8xf32, #tpu.memory_space<vmem>>
      %dma_start3A_65 = arith.constant 0 : i32
      %dma_start3A_66 = tpu.memref_slice %arg11[%dma_start3A_58, %dma_start3A_59, %dma_start3A_65] : memref<2x16x128xi32, #tpu.memory_space<vmem>> -> memref<1x1x128xi32, #tpu.memory_space<vmem>>
      %dma_start3A_67 = tpu.memref_squeeze %dma_start3A_66 : memref<1x1x128xi32, #tpu.memory_space<vmem>> -> memref<128xi32, #tpu.memory_space<vmem>>
      %dma_start3A_68 = arith.constant 0 : i32
      %dma_start3A_69 = arith.constant 0 : i32
      %dma_start3A_70 = tpu.memref_slice %arg2[%dma_start3A_68, %dma_start3A_69] : memref<100000x8xf32, #tpu.memory_space<hbm>> -> memref<100000x8xf32, #tpu.memory_space<hbm>>
      tpu.enqueue_indirect_dma source(%dma_start3A_70 : memref<100000x8xf32, #tpu.memory_space<hbm>>) target(%dma_start3A_64 : memref<128x8xf32, #tpu.memory_space<vmem>>) offsets(%dma_start3A_67 : memref<128xi32, #tpu.memory_space<vmem>>) semaphore(%arg19 : memref<!tpu.dma_semaphore, #tpu.memory_space<semaphore_mem>>)
      %dma_start3A_71 = arith.constant 0 : i32
      %dma_start3A_72 = arith.constant 3 : i32
      %dma_start3A_73 = arith.constant 0 : i32
      %dma_start3A_74 = arith.constant 384 : i32
      %dma_start3A_75 = arith.constant 0 : i32
      %dma_start3A_76 = tpu.memref_slice %arg12[%dma_start3A_73, %dma_start3A_74, %dma_start3A_75] : memref<2x2048x8xf32, #tpu.memory_space<vmem>> -> memref<1x128x8xf32, #tpu.memory_space<vmem>>
      %dma_start3A_77 = tpu.memref_squeeze %dma_start3A_76 : memref<1x128x8xf32, #tpu.memory_space<vmem>> -> memref<128x8xf32, #tpu.memory_space<vmem>>
      %dma_start3A_78 = arith.constant 0 : i32
      %dma_start3A_79 = tpu.memref_slice %arg11[%dma_start3A_71, %dma_start3A_72, %dma_start3A_78] : memref<2x16x128xi32, #tpu.memory_space<vmem>> -> memref<1x1x128xi32, #tpu.memory_space<vmem>>
      %dma_start3A_80 = tpu.memref_squeeze %dma_start3A_79 : memref<1x1x128xi32, #tpu.memory_space<vmem>> -> memref<128xi32, #tpu.memory_space<vmem>>
      %dma_start3A_81 = arith.constant 0 : i32
      %dma_start3A_82 = arith.constant 0 : i32
      %dma_start3A_83 = tpu.memref_slice %arg2[%dma_start3A_81, %dma_start3A_82] : memref<100000x8xf32, #tpu.memory_space<hbm>> -> memref<100000x8xf32, #tpu.memory_space<hbm>>
      tpu.enqueue_indirect_dma source(%dma_start3A_83 : memref<100000x8xf32, #tpu.memory_space<hbm>>) target(%dma_start3A_77 : memref<128x8xf32, #tpu.memory_space<vmem>>) offsets(%dma_start3A_80 : memref<128xi32, #tpu.memory_space<vmem>>) semaphore(%arg19 : memref<!tpu.dma_semaphore, #tpu.memory_space<semaphore_mem>>)
      %dma_start3A_84 = arith.constant 0 : i32
      %dma_start3A_85 = arith.constant 4 : i32
      %dma_start3A_86 = arith.constant 0 : i32
      %dma_start3A_87 = arith.constant 512 : i32
      %dma_start3A_88 = arith.constant 0 : i32
      %dma_start3A_89 = tpu.memref_slice %arg12[%dma_start3A_86, %dma_start3A_87, %dma_start3A_88] : memref<2x2048x8xf32, #tpu.memory_space<vmem>> -> memref<1x128x8xf32, #tpu.memory_space<vmem>>
      %dma_start3A_90 = tpu.memref_squeeze %dma_start3A_89 : memref<1x128x8xf32, #tpu.memory_space<vmem>> -> memref<128x8xf32, #tpu.memory_space<vmem>>
      %dma_start3A_91 = arith.constant 0 : i32
      %dma_start3A_92 = tpu.memref_slice %arg11[%dma_start3A_84, %dma_start3A_85, %dma_start3A_91] : memref<2x16x128xi32, #tpu.memory_space<vmem>> -> memref<1x1x128xi32, #tpu.memory_space<vmem>>
      %dma_start3A_93 = tpu.memref_squeeze %dma_start3A_92 : memref<1x1x128xi32, #tpu.memory_space<vmem>> -> memref<128xi32, #tpu.memory_space<vmem>>
      %dma_start3A_94 = arith.constant 0 : i32
      %dma_start3A_95 = arith.constant 0 : i32
      %dma_start3A_96 = tpu.memref_slice %arg2[%dma_start3A_94, %dma_start3A_95] : memref<100000x8xf32, #tpu.memory_space<hbm>> -> memref<100000x8xf32, #tpu.memory_space<hbm>>
      tpu.enqueue_indirect_dma source(%dma_start3A_96 : memref<100000x8xf32, #tpu.memory_space<hbm>>) target(%dma_start3A_90 : memref<128x8xf32, #tpu.memory_space<vmem>>) offsets(%dma_start3A_93 : memref<128xi32, #tpu.memory_space<vmem>>) semaphore(%arg19 : memref<!tpu.dma_semaphore, #tpu.memory_space<semaphore_mem>>)
      %dma_start3A_97 = arith.constant 0 : i32
      %dma_start3A_98 = arith.constant 5 : i32
      %dma_start3A_99 = arith.constant 0 : i32
      %dma_start3A_100 = arith.constant 640 : i32
      %dma_start3A_101 = arith.constant 0 : i32
      %dma_start3A_102 = tpu.memref_slice %arg12[%dma_start3A_99, %dma_start3A_100, %dma_start3A_101] : memref<2x2048x8xf32, #tpu.memory_space<vmem>> -> memref<1x128x8xf32, #tpu.memory_space<vmem>>
      %dma_start3A_103 = tpu.memref_squeeze %dma_start3A_102 : memref<1x128x8xf32, #tpu.memory_space<vmem>> -> memref<128x8xf32, #tpu.memory_space<vmem>>
      %dma_start3A_104 = arith.constant 0 : i32
      %dma_start3A_105 = tpu.memref_slice %arg11[%dma_start3A_97, %dma_start3A_98, %dma_start3A_104] : memref<2x16x128xi32, #tpu.memory_space<vmem>> -> memref<1x1x128xi32, #tpu.memory_space<vmem>>
      %dma_start3A_106 = tpu.memref_squeeze %dma_start3A_105 : memref<1x1x128xi32, #tpu.memory_space<vmem>> -> memref<128xi32, #tpu.memory_space<vmem>>
      %dma_start3A_107 = arith.constant 0 : i32
      %dma_start3A_108 = arith.constant 0 : i32
      %dma_start3A_109 = tpu.memref_slice %arg2[%dma_start3A_107, %dma_start3A_108] : memref<100000x8xf32, #tpu.memory_space<hbm>> -> memref<100000x8xf32, #tpu.memory_space<hbm>>
      tpu.enqueue_indirect_dma source(%dma_start3A_109 : memref<100000x8xf32, #tpu.memory_space<hbm>>) target(%dma_start3A_103 : memref<128x8xf32, #tpu.memory_space<vmem>>) offsets(%dma_start3A_106 : memref<128xi32, #tpu.memory_space<vmem>>) semaphore(%arg19 : memref<!tpu.dma_semaphore, #tpu.memory_space<semaphore_mem>>)
      %dma_start3A_110 = arith.constant 0 : i32
      %dma_start3A_111 = arith.constant 6 : i32
      %dma_start3A_112 = arith.constant 0 : i32
      %dma_start3A_113 = arith.constant 768 : i32
      %dma_start3A_114 = arith.constant 0 : i32
      %dma_start3A_115 = tpu.memref_slice %arg12[%dma_start3A_112, %dma_start3A_113, %dma_start3A_114] : memref<2x2048x8xf32, #tpu.memory_space<vmem>> -> memref<1x128x8xf32, #tpu.memory_space<vmem>>
      %dma_start3A_116 = tpu.memref_squeeze %dma_start3A_115 : memref<1x128x8xf32, #tpu.memory_space<vmem>> -> memref<128x8xf32, #tpu.memory_space<vmem>>
      %dma_start3A_117 = arith.constant 0 : i32
      %dma_start3A_118 = tpu.memref_slice %arg11[%dma_start3A_110, %dma_start3A_111, %dma_start3A_117] : memref<2x16x128xi32, #tpu.memory_space<vmem>> -> memref<1x1x128xi32, #tpu.memory_space<vmem>>
      %dma_start3A_119 = tpu.memref_squeeze %dma_start3A_118 : memref<1x1x128xi32, #tpu.memory_space<vmem>> -> memref<128xi32, #tpu.memory_space<vmem>>
      %dma_start3A_120 = arith.constant 0 : i32
      %dma_start3A_121 = arith.constant 0 : i32
      %dma_start3A_122 = tpu.memref_slice %arg2[%dma_start3A_120, %dma_start3A_121] : memref<100000x8xf32, #tpu.memory_space<hbm>> -> memref<100000x8xf32, #tpu.memory_space<hbm>>
      tpu.enqueue_indirect_dma source(%dma_start3A_122 : memref<100000x8xf32, #tpu.memory_space<hbm>>) target(%dma_start3A_116 : memref<128x8xf32, #tpu.memory_space<vmem>>) offsets(%dma_start3A_119 : memref<128xi32, #tpu.memory_space<vmem>>) semaphore(%arg19 : memref<!tpu.dma_semaphore, #tpu.memory_space<semaphore_mem>>)
      %dma_start3A_123 = arith.constant 0 : i32
      %dma_start3A_124 = arith.constant 7 : i32
      %dma_start3A_125 = arith.constant 0 : i32
      %dma_start3A_126 = arith.constant 896 : i32
      %dma_start3A_127 = arith.constant 0 : i32
      %dma_start3A_128 = tpu.memref_slice %arg12[%dma_start3A_125, %dma_start3A_126, %dma_start3A_127] : memref<2x2048x8xf32, #tpu.memory_space<vmem>> -> memref<1x128x8xf32, #tpu.memory_space<vmem>>
      %dma_start3A_129 = tpu.memref_squeeze %dma_start3A_128 : memref<1x128x8xf32, #tpu.memory_space<vmem>> -> memref<128x8xf32, #tpu.memory_space<vmem>>
      %dma_start3A_130 = arith.constant 0 : i32
      %dma_start3A_131 = tpu.memref_slice %arg11[%dma_start3A_123, %dma_start3A_124, %dma_start3A_130] : memref<2x16x128xi32, #tpu.memory_space<vmem>> -> memref<1x1x128xi32, #tpu.memory_space<vmem>>
      %dma_start3A_132 = tpu.memref_squeeze %dma_start3A_131 : memref<1x1x128xi32, #tpu.memory_space<vmem>> -> memref<128xi32, #tpu.memory_space<vmem>>
      %dma_start3A_133 = arith.constant 0 : i32
      %dma_start3A_134 = arith.constant 0 : i32
      %dma_start3A_135 = tpu.memref_slice %arg2[%dma_start3A_133, %dma_start3A_134] : memref<100000x8xf32, #tpu.memory_space<hbm>> -> memref<100000x8xf32, #tpu.memory_space<hbm>>
      tpu.enqueue_indirect_dma source(%dma_start3A_135 : memref<100000x8xf32, #tpu.memory_space<hbm>>) target(%dma_start3A_129 : memref<128x8xf32, #tpu.memory_space<vmem>>) offsets(%dma_start3A_132 : memref<128xi32, #tpu.memory_space<vmem>>) semaphore(%arg19 : memref<!tpu.dma_semaphore, #tpu.memory_space<semaphore_mem>>)
      %dma_start3A_136 = arith.constant 0 : i32
      %dma_start3A_137 = arith.constant 8 : i32
      %dma_start3A_138 = arith.constant 0 : i32
      %dma_start3A_139 = arith.constant 1024 : i32
      %dma_start3A_140 = arith.constant 0 : i32
      %dma_start3A_141 = tpu.memref_slice %arg12[%dma_start3A_138, %dma_start3A_139, %dma_start3A_140] : memref<2x2048x8xf32, #tpu.memory_space<vmem>> -> memref<1x128x8xf32, #tpu.memory_space<vmem>>
      %dma_start3A_142 = tpu.memref_squeeze %dma_start3A_141 : memref<1x128x8xf32, #tpu.memory_space<vmem>> -> memref<128x8xf32, #tpu.memory_space<vmem>>
      %dma_start3A_143 = arith.constant 0 : i32
      %dma_start3A_144 = tpu.memref_slice %arg11[%dma_start3A_136, %dma_start3A_137, %dma_start3A_143] : memref<2x16x128xi32, #tpu.memory_space<vmem>> -> memref<1x1x128xi32, #tpu.memory_space<vmem>>
      %dma_start3A_145 = tpu.memref_squeeze %dma_start3A_144 : memref<1x1x128xi32, #tpu.memory_space<vmem>> -> memref<128xi32, #tpu.memory_space<vmem>>
      %dma_start3A_146 = arith.constant 0 : i32
      %dma_start3A_147 = arith.constant 0 : i32
      %dma_start3A_148 = tpu.memref_slice %arg2[%dma_start3A_146, %dma_start3A_147] : memref<100000x8xf32, #tpu.memory_space<hbm>> -> memref<100000x8xf32, #tpu.memory_space<hbm>>
      tpu.enqueue_indirect_dma source(%dma_start3A_148 : memref<100000x8xf32, #tpu.memory_space<hbm>>) target(%dma_start3A_142 : memref<128x8xf32, #tpu.memory_space<vmem>>) offsets(%dma_start3A_145 : memref<128xi32, #tpu.memory_space<vmem>>) semaphore(%arg19 : memref<!tpu.dma_semaphore, #tpu.memory_space<semaphore_mem>>)
      %dma_start3A_149 = arith.constant 0 : i32
      %dma_start3A_150 = arith.constant 9 : i32
      %dma_start3A_151 = arith.constant 0 : i32
      %dma_start3A_152 = arith.constant 1152 : i32
      %dma_start3A_153 = arith.constant 0 : i32
      %dma_start3A_154 = tpu.memref_slice %arg12[%dma_start3A_151, %dma_start3A_152, %dma_start3A_153] : memref<2x2048x8xf32, #tpu.memory_space<vmem>> -> memref<1x128x8xf32, #tpu.memory_space<vmem>>
      %dma_start3A_155 = tpu.memref_squeeze %dma_start3A_154 : memref<1x128x8xf32, #tpu.memory_space<vmem>> -> memref<128x8xf32, #tpu.memory_space<vmem>>
      %dma_start3A_156 = arith.constant 0 : i32
      %dma_start3A_157 = tpu.memref_slice %arg11[%dma_start3A_149, %dma_start3A_150, %dma_start3A_156] : memref<2x16x128xi32, #tpu.memory_space<vmem>> -> memref<1x1x128xi32, #tpu.memory_space<vmem>>
      %dma_start3A_158 = tpu.memref_squeeze %dma_start3A_157 : memref<1x1x128xi32, #tpu.memory_space<vmem>> -> memref<128xi32, #tpu.memory_space<vmem>>
      %dma_start3A_159 = arith.constant 0 : i32
      %dma_start3A_160 = arith.constant 0 : i32
      %dma_start3A_161 = tpu.memref_slice %arg2[%dma_start3A_159, %dma_start3A_160] : memref<100000x8xf32, #tpu.memory_space<hbm>> -> memref<100000x8xf32, #tpu.memory_space<hbm>>
      tpu.enqueue_indirect_dma source(%dma_start3A_161 : memref<100000x8xf32, #tpu.memory_space<hbm>>) target(%dma_start3A_155 : memref<128x8xf32, #tpu.memory_space<vmem>>) offsets(%dma_start3A_158 : memref<128xi32, #tpu.memory_space<vmem>>) semaphore(%arg19 : memref<!tpu.dma_semaphore, #tpu.memory_space<semaphore_mem>>)
      %dma_start3A_162 = arith.constant 0 : i32
      %dma_start3A_163 = arith.constant 10 : i32
      %dma_start3A_164 = arith.constant 0 : i32
      %dma_start3A_165 = arith.constant 1280 : i32
      %dma_start3A_166 = arith.constant 0 : i32
      %dma_start3A_167 = tpu.memref_slice %arg12[%dma_start3A_164, %dma_start3A_165, %dma_start3A_166] : memref<2x2048x8xf32, #tpu.memory_space<vmem>> -> memref<1x128x8xf32, #tpu.memory_space<vmem>>
      %dma_start3A_168 = tpu.memref_squeeze %dma_start3A_167 : memref<1x128x8xf32, #tpu.memory_space<vmem>> -> memref<128x8xf32, #tpu.memory_space<vmem>>
      %dma_start3A_169 = arith.constant 0 : i32
      %dma_start3A_170 = tpu.memref_slice %arg11[%dma_start3A_162, %dma_start3A_163, %dma_start3A_169] : memref<2x16x128xi32, #tpu.memory_space<vmem>> -> memref<1x1x128xi32, #tpu.memory_space<vmem>>
      %dma_start3A_171 = tpu.memref_squeeze %dma_start3A_170 : memref<1x1x128xi32, #tpu.memory_space<vmem>> -> memref<128xi32, #tpu.memory_space<vmem>>
      %dma_start3A_172 = arith.constant 0 : i32
      %dma_start3A_173 = arith.constant 0 : i32
      %dma_start3A_174 = tpu.memref_slice %arg2[%dma_start3A_172, %dma_start3A_173] : memref<100000x8xf32, #tpu.memory_space<hbm>> -> memref<100000x8xf32, #tpu.memory_space<hbm>>
      tpu.enqueue_indirect_dma source(%dma_start3A_174 : memref<100000x8xf32, #tpu.memory_space<hbm>>) target(%dma_start3A_168 : memref<128x8xf32, #tpu.memory_space<vmem>>) offsets(%dma_start3A_171 : memref<128xi32, #tpu.memory_space<vmem>>) semaphore(%arg19 : memref<!tpu.dma_semaphore, #tpu.memory_space<semaphore_mem>>)
      %dma_start3A_175 = arith.constant 0 : i32
      %dma_start3A_176 = arith.constant 11 : i32
      %dma_start3A_177 = arith.constant 0 : i32
      %dma_start3A_178 = arith.constant 1408 : i32
      %dma_start3A_179 = arith.constant 0 : i32
      %dma_start3A_180 = tpu.memref_slice %arg12[%dma_start3A_177, %dma_start3A_178, %dma_start3A_179] : memref<2x2048x8xf32, #tpu.memory_space<vmem>> -> memref<1x128x8xf32, #tpu.memory_space<vmem>>
      %dma_start3A_181 = tpu.memref_squeeze %dma_start3A_180 : memref<1x128x8xf32, #tpu.memory_space<vmem>> -> memref<128x8xf32, #tpu.memory_space<vmem>>
      %dma_start3A_182 = arith.constant 0 : i32
      %dma_start3A_183 = tpu.memref_slice %arg11[%dma_start3A_175, %dma_start3A_176, %dma_start3A_182] : memref<2x16x128xi32, #tpu.memory_space<vmem>> -> memref<1x1x128xi32, #tpu.memory_space<vmem>>
      %dma_start3A_184 = tpu.memref_squeeze %dma_start3A_183 : memref<1x1x128xi32, #tpu.memory_space<vmem>> -> memref<128xi32, #tpu.memory_space<vmem>>
      %dma_start3A_185 = arith.constant 0 : i32
      %dma_start3A_186 = arith.constant 0 : i32
      %dma_start3A_187 = tpu.memref_slice %arg2[%dma_start3A_185, %dma_start3A_186] : memref<100000x8xf32, #tpu.memory_space<hbm>> -> memref<100000x8xf32, #tpu.memory_space<hbm>>
      tpu.enqueue_indirect_dma source(%dma_start3A_187 : memref<100000x8xf32, #tpu.memory_space<hbm>>) target(%dma_start3A_181 : memref<128x8xf32, #tpu.memory_space<vmem>>) offsets(%dma_start3A_184 : memref<128xi32, #tpu.memory_space<vmem>>) semaphore(%arg19 : memref<!tpu.dma_semaphore, #tpu.memory_space<semaphore_mem>>)
      %dma_start3A_188 = arith.constant 0 : i32
      %dma_start3A_189 = arith.constant 12 : i32
      %dma_start3A_190 = arith.constant 0 : i32
      %dma_start3A_191 = arith.constant 1536 : i32
      %dma_start3A_192 = arith.constant 0 : i32
      %dma_start3A_193 = tpu.memref_slice %arg12[%dma_start3A_190, %dma_start3A_191, %dma_start3A_192] : memref<2x2048x8xf32, #tpu.memory_space<vmem>> -> memref<1x128x8xf32, #tpu.memory_space<vmem>>
      %dma_start3A_194 = tpu.memref_squeeze %dma_start3A_193 : memref<1x128x8xf32, #tpu.memory_space<vmem>> -> memref<128x8xf32, #tpu.memory_space<vmem>>
      %dma_start3A_195 = arith.constant 0 : i32
      %dma_start3A_196 = tpu.memref_slice %arg11[%dma_start3A_188, %dma_start3A_189, %dma_start3A_195] : memref<2x16x128xi32, #tpu.memory_space<vmem>> -> memref<1x1x128xi32, #tpu.memory_space<vmem>>
      %dma_start3A_197 = tpu.memref_squeeze %dma_start3A_196 : memref<1x1x128xi32, #tpu.memory_space<vmem>> -> memref<128xi32, #tpu.memory_space<vmem>>
      %dma_start3A_198 = arith.constant 0 : i32
      %dma_start3A_199 = arith.constant 0 : i32
      %dma_start3A_200 = tpu.memref_slice %arg2[%dma_start3A_198, %dma_start3A_199] : memref<100000x8xf32, #tpu.memory_space<hbm>> -> memref<100000x8xf32, #tpu.memory_space<hbm>>
      tpu.enqueue_indirect_dma source(%dma_start3A_200 : memref<100000x8xf32, #tpu.memory_space<hbm>>) target(%dma_start3A_194 : memref<128x8xf32, #tpu.memory_space<vmem>>) offsets(%dma_start3A_197 : memref<128xi32, #tpu.memory_space<vmem>>) semaphore(%arg19 : memref<!tpu.dma_semaphore, #tpu.memory_space<semaphore_mem>>)
      %dma_start3A_201 = arith.constant 0 : i32
      %dma_start3A_202 = arith.constant 13 : i32
      %dma_start3A_203 = arith.constant 0 : i32
      %dma_start3A_204 = arith.constant 1664 : i32
      %dma_start3A_205 = arith.constant 0 : i32
      %dma_start3A_206 = tpu.memref_slice %arg12[%dma_start3A_203, %dma_start3A_204, %dma_start3A_205] : memref<2x2048x8xf32, #tpu.memory_space<vmem>> -> memref<1x128x8xf32, #tpu.memory_space<vmem>>
      %dma_start3A_207 = tpu.memref_squeeze %dma_start3A_206 : memref<1x128x8xf32, #tpu.memory_space<vmem>> -> memref<128x8xf32, #tpu.memory_space<vmem>>
      %dma_start3A_208 = arith.constant 0 : i32
      %dma_start3A_209 = tpu.memref_slice %arg11[%dma_start3A_201, %dma_start3A_202, %dma_start3A_208] : memref<2x16x128xi32, #tpu.memory_space<vmem>> -> memref<1x1x128xi32, #tpu.memory_space<vmem>>
      %dma_start3A_210 = tpu.memref_squeeze %dma_start3A_209 : memref<1x1x128xi32, #tpu.memory_space<vmem>> -> memref<128xi32, #tpu.memory_space<vmem>>
      %dma_start3A_211 = arith.constant 0 : i32
      %dma_start3A_212 = arith.constant 0 : i32
      %dma_start3A_213 = tpu.memref_slice %arg2[%dma_start3A_211, %dma_start3A_212] : memref<100000x8xf32, #tpu.memory_space<hbm>> -> memref<100000x8xf32, #tpu.memory_space<hbm>>
      tpu.enqueue_indirect_dma source(%dma_start3A_213 : memref<100000x8xf32, #tpu.memory_space<hbm>>) target(%dma_start3A_207 : memref<128x8xf32, #tpu.memory_space<vmem>>) offsets(%dma_start3A_210 : memref<128xi32, #tpu.memory_space<vmem>>) semaphore(%arg19 : memref<!tpu.dma_semaphore, #tpu.memory_space<semaphore_mem>>)
      %dma_start3A_214 = arith.constant 0 : i32
      %dma_start3A_215 = arith.constant 14 : i32
      %dma_start3A_216 = arith.constant 0 : i32
      %dma_start3A_217 = arith.constant 1792 : i32
      %dma_start3A_218 = arith.constant 0 : i32
      %dma_start3A_219 = tpu.memref_slice %arg12[%dma_start3A_216, %dma_start3A_217, %dma_start3A_218] : memref<2x2048x8xf32, #tpu.memory_space<vmem>> -> memref<1x128x8xf32, #tpu.memory_space<vmem>>
      %dma_start3A_220 = tpu.memref_squeeze %dma_start3A_219 : memref<1x128x8xf32, #tpu.memory_space<vmem>> -> memref<128x8xf32, #tpu.memory_space<vmem>>
      %dma_start3A_221 = arith.constant 0 : i32
      %dma_start3A_222 = tpu.memref_slice %arg11[%dma_start3A_214, %dma_start3A_215, %dma_start3A_221] : memref<2x16x128xi32, #tpu.memory_space<vmem>> -> memref<1x1x128xi32, #tpu.memory_space<vmem>>
      %dma_start3A_223 = tpu.memref_squeeze %dma_start3A_222 : memref<1x1x128xi32, #tpu.memory_space<vmem>> -> memref<128xi32, #tpu.memory_space<vmem>>
      %dma_start3A_224 = arith.constant 0 : i32
      %dma_start3A_225 = arith.constant 0 : i32
      %dma_start3A_226 = tpu.memref_slice %arg2[%dma_start3A_224, %dma_start3A_225] : memref<100000x8xf32, #tpu.memory_space<hbm>> -> memref<100000x8xf32, #tpu.memory_space<hbm>>
      tpu.enqueue_indirect_dma source(%dma_start3A_226 : memref<100000x8xf32, #tpu.memory_space<hbm>>) target(%dma_start3A_220 : memref<128x8xf32, #tpu.memory_space<vmem>>) offsets(%dma_start3A_223 : memref<128xi32, #tpu.memory_space<vmem>>) semaphore(%arg19 : memref<!tpu.dma_semaphore, #tpu.memory_space<semaphore_mem>>)
      %dma_start3A_227 = arith.constant 0 : i32
      %dma_start3A_228 = arith.constant 15 : i32
      %dma_start3A_229 = arith.constant 0 : i32
      %dma_start3A_230 = arith.constant 1920 : i32
      %dma_start3A_231 = arith.constant 0 : i32
      %dma_start3A_232 = tpu.memref_slice %arg12[%dma_start3A_229, %dma_start3A_230, %dma_start3A_231] : memref<2x2048x8xf32, #tpu.memory_space<vmem>> -> memref<1x128x8xf32, #tpu.memory_space<vmem>>
      %dma_start3A_233 = tpu.memref_squeeze %dma_start3A_232 : memref<1x128x8xf32, #tpu.memory_space<vmem>> -> memref<128x8xf32, #tpu.memory_space<vmem>>
      %dma_start3A_234 = arith.constant 0 : i32
      %dma_start3A_235 = tpu.memref_slice %arg11[%dma_start3A_227, %dma_start3A_228, %dma_start3A_234] : memref<2x16x128xi32, #tpu.memory_space<vmem>> -> memref<1x1x128xi32, #tpu.memory_space<vmem>>
      %dma_start3A_236 = tpu.memref_squeeze %dma_start3A_235 : memref<1x1x128xi32, #tpu.memory_space<vmem>> -> memref<128xi32, #tpu.memory_space<vmem>>
      %dma_start3A_237 = arith.constant 0 : i32
      %dma_start3A_238 = arith.constant 0 : i32
      %dma_start3A_239 = tpu.memref_slice %arg2[%dma_start3A_237, %dma_start3A_238] : memref<100000x8xf32, #tpu.memory_space<hbm>> -> memref<100000x8xf32, #tpu.memory_space<hbm>>
      tpu.enqueue_indirect_dma source(%dma_start3A_239 : memref<100000x8xf32, #tpu.memory_space<hbm>>) target(%dma_start3A_233 : memref<128x8xf32, #tpu.memory_space<vmem>>) offsets(%dma_start3A_236 : memref<128xi32, #tpu.memory_space<vmem>>) semaphore(%arg19 : memref<!tpu.dma_semaphore, #tpu.memory_space<semaphore_mem>>)
      %dma_start3A_240 = arith.constant 0 : i32
      %dma_start3A_241 = arith.constant 0 : i32
      %dma_start3A_242 = tpu.memref_slice %arg13[%dma_start3A_240, %dma_start3A_241] : memref<2x1024xf32, #tpu.memory_space<vmem>> -> memref<1x1024xf32, #tpu.memory_space<vmem>>
      %dma_start3A_243 = tpu.memref_squeeze %dma_start3A_242 : memref<1x1024xf32, #tpu.memory_space<vmem>> -> memref<1024xf32, #tpu.memory_space<vmem>>
      %dma_start3A_244 = tpu.memref_slice %arg5[%mul3A_32] : memref<6400000xf32, #tpu.memory_space<hbm>> -> memref<1024xf32, #tpu.memory_space<hbm>>
      %dma_start3A_245 = arith.constant 0 : i32
      %dma_start3A_246 = tpu.memref_slice %arg13[%dma_start3A_240, %dma_start3A_245] : memref<2x1024xf32, #tpu.memory_space<vmem>> -> memref<1x1024xf32, #tpu.memory_space<vmem>>
      %dma_start3A_247 = tpu.memref_squeeze %dma_start3A_246 : memref<1x1024xf32, #tpu.memory_space<vmem>> -> memref<1024xf32, #tpu.memory_space<vmem>>
      %dma_start3A_248 = tpu.memref_slice %arg5[%mul3A_32] : memref<6400000xf32, #tpu.memory_space<hbm>> -> memref<1024xf32, #tpu.memory_space<hbm>>
      tpu.enqueue_dma source(%dma_start3A_248 : memref<1024xf32, #tpu.memory_space<hbm>>) target(%dma_start3A_247 : memref<1024xf32, #tpu.memory_space<vmem>>) target_semaphore(%arg19 : memref<!tpu.dma_semaphore, #tpu.memory_space<semaphore_mem>>)
      %dma_start3A_249 = arith.constant 0 : i32
      %dma_start3A_250 = arith.constant 0 : i32
      %dma_start3A_251 = tpu.memref_slice %arg14[%dma_start3A_249, %dma_start3A_250] : memref<2x1024xf32, #tpu.memory_space<vmem>> -> memref<1x1024xf32, #tpu.memory_space<vmem>>
      %dma_start3A_252 = tpu.memref_squeeze %dma_start3A_251 : memref<1x1024xf32, #tpu.memory_space<vmem>> -> memref<1024xf32, #tpu.memory_space<vmem>>
      %dma_start3A_253 = tpu.memref_slice %arg6[%mul3A_32] : memref<6400000xf32, #tpu.memory_space<hbm>> -> memref<1024xf32, #tpu.memory_space<hbm>>
      %dma_start3A_254 = arith.constant 0 : i32
      %dma_start3A_255 = tpu.memref_slice %arg14[%dma_start3A_249, %dma_start3A_254] : memref<2x1024xf32, #tpu.memory_space<vmem>> -> memref<1x1024xf32, #tpu.memory_space<vmem>>
      %dma_start3A_256 = tpu.memref_squeeze %dma_start3A_255 : memref<1x1024xf32, #tpu.memory_space<vmem>> -> memref<1024xf32, #tpu.memory_space<vmem>>
      %dma_start3A_257 = tpu.memref_slice %arg6[%mul3A_32] : memref<6400000xf32, #tpu.memory_space<hbm>> -> memref<1024xf32, #tpu.memory_space<hbm>>
      tpu.enqueue_dma source(%dma_start3A_257 : memref<1024xf32, #tpu.memory_space<hbm>>) target(%dma_start3A_256 : memref<1024xf32, #tpu.memory_space<vmem>>) target_semaphore(%arg19 : memref<!tpu.dma_semaphore, #tpu.memory_space<semaphore_mem>>)
      %dma_start3A_258 = arith.constant 0 : i32
      %dma_start3A_259 = arith.constant 0 : i32
      %dma_start3A_260 = tpu.memref_slice %arg15[%dma_start3A_258, %dma_start3A_259] : memref<2x1024xf32, #tpu.memory_space<vmem>> -> memref<1x1024xf32, #tpu.memory_space<vmem>>
      %dma_start3A_261 = tpu.memref_squeeze %dma_start3A_260 : memref<1x1024xf32, #tpu.memory_space<vmem>> -> memref<1024xf32, #tpu.memory_space<vmem>>
      %dma_start3A_262 = tpu.memref_slice %arg7[%mul3A_32] : memref<6400000xf32, #tpu.memory_space<hbm>> -> memref<1024xf32, #tpu.memory_space<hbm>>
      %dma_start3A_263 = arith.constant 0 : i32
      %dma_start3A_264 = tpu.memref_slice %arg15[%dma_start3A_258, %dma_start3A_263] : memref<2x1024xf32, #tpu.memory_space<vmem>> -> memref<1x1024xf32, #tpu.memory_space<vmem>>
      %dma_start3A_265 = tpu.memref_squeeze %dma_start3A_264 : memref<1x1024xf32, #tpu.memory_space<vmem>> -> memref<1024xf32, #tpu.memory_space<vmem>>
      %dma_start3A_266 = tpu.memref_slice %arg7[%mul3A_32] : memref<6400000xf32, #tpu.memory_space<hbm>> -> memref<1024xf32, #tpu.memory_space<hbm>>
      tpu.enqueue_dma source(%dma_start3A_266 : memref<1024xf32, #tpu.memory_space<hbm>>) target(%dma_start3A_265 : memref<1024xf32, #tpu.memory_space<vmem>>) target_semaphore(%arg19 : memref<!tpu.dma_semaphore, #tpu.memory_space<semaphore_mem>>)
    } else {
    }
    %scan3A = arith.constant 0 : i32
    %scan3A_5 = arith.constant 0 : i32
    %scan3A_6 = arith.constant 98 : i32
    %scan3A_7 = arith.addi %scan3A_5, %scan3A_6 : i32
    %scan3A_8 = arith.constant 1 : i32
    scf.for %scan3A_28 = %scan3A_5 to %scan3A_7 step %scan3A_8  : i32 {
      %mul3A_29 = arith.constant 2 : i32
      %mul3A_30 = arith.muli %mul3A_29, %scan3A_28 : i32
      %add3A_31 = arith.constant 1 : i32
      %add3A_32 = arith.addi %mul3A_30, %add3A_31 : i32
      %mul3A_33 = arith.constant 32 : i32
      %mul3A_34 = arith.muli %add3A_32, %mul3A_33 : i32
      %add3A_35 = arith.addi %add3A, %mul3A_34 : i32
      %lt3A_36 = arith.constant 6250 : i32
      %lt3A_37 = arith.cmpi slt, %add3A_35, %lt3A_36 : i32
      %convert_element_type3A_38 = arith.extui %lt3A_37 : i1 to i32
      %cond3A_39 = arith.constant 0 : i32
      %cond3A_40 = arith.cmpi ne, %convert_element_type3A_38, %cond3A_39 : i32
      scf.if %cond3A_40 {
        %mul3A_88 = arith.constant 8 : i32
        %mul3A_89 = arith.muli %add3A_35, %mul3A_88 : i32
        %run_scoped3A = arith.constant 1 : i32
        "tpu.region"() ({
          %run_scoped3A_327 = tpu.sem_alloc : memref<!tpu.dma_semaphore, #tpu.memory_space<semaphore_mem>>
          %dma_start3A_328 = arith.constant 0 : i32
          %dma_start3A_329 = arith.constant 0 : i32
          %dma_start3A_330 = tpu.memref_slice %arg11[%run_scoped3A, %dma_start3A_328, %dma_start3A_329] : memref<2x16x128xi32, #tpu.memory_space<vmem>> -> memref<1x8x128xi32, #tpu.memory_space<vmem>>
          %dma_start3A_331 = tpu.memref_squeeze %dma_start3A_330 : memref<1x8x128xi32, #tpu.memory_space<vmem>> -> memref<8x128xi32, #tpu.memory_space<vmem>>
          %dma_start3A_332 = arith.constant 0 : i32
          %dma_start3A_333 = tpu.memref_slice %arg3[%mul3A_89, %dma_start3A_332] : memref<50000x128xi32, #tpu.memory_space<hbm>> -> memref<8x128xi32, #tpu.memory_space<hbm>>
          %dma_start3A_334 = arith.constant 0 : i32
          %dma_start3A_335 = arith.constant 0 : i32
          %dma_start3A_336 = tpu.memref_slice %arg11[%run_scoped3A, %dma_start3A_334, %dma_start3A_335] : memref<2x16x128xi32, #tpu.memory_space<vmem>> -> memref<1x8x128xi32, #tpu.memory_space<vmem>>
          %dma_start3A_337 = tpu.memref_squeeze %dma_start3A_336 : memref<1x8x128xi32, #tpu.memory_space<vmem>> -> memref<8x128xi32, #tpu.memory_space<vmem>>
          %dma_start3A_338 = arith.constant 0 : i32
          %dma_start3A_339 = tpu.memref_slice %arg3[%mul3A_89, %dma_start3A_338] : memref<50000x128xi32, #tpu.memory_space<hbm>> -> memref<8x128xi32, #tpu.memory_space<hbm>>
          tpu.enqueue_dma source(%dma_start3A_339 : memref<8x128xi32, #tpu.memory_space<hbm>>) target(%dma_start3A_337 : memref<8x128xi32, #tpu.memory_space<vmem>>) target_semaphore(%run_scoped3A_327 : memref<!tpu.dma_semaphore, #tpu.memory_space<semaphore_mem>>)
          %dma_wait3A = arith.constant 0 : i32
          %dma_wait3A_340 = arith.constant 0 : i32
          %dma_wait3A_341 = tpu.memref_slice %arg11[%run_scoped3A, %dma_wait3A, %dma_wait3A_340] : memref<2x16x128xi32, #tpu.memory_space<vmem>> -> memref<1x8x128xi32, #tpu.memory_space<vmem>>
          %dma_wait3A_342 = tpu.memref_squeeze %dma_wait3A_341 : memref<1x8x128xi32, #tpu.memory_space<vmem>> -> memref<8x128xi32, #tpu.memory_space<vmem>>
          %dma_wait3A_343 = arith.constant 0 : i32
          %dma_wait3A_344 = tpu.memref_slice %arg3[%mul3A_89, %dma_wait3A_343] : memref<50000x128xi32, #tpu.memory_space<hbm>> -> memref<8x128xi32, #tpu.memory_space<hbm>>
          %dma_wait3A_345 = arith.constant 0 : i32
          %dma_wait3A_346 = arith.constant 0 : i32
          %dma_wait3A_347 = tpu.memref_slice %arg11[%run_scoped3A, %dma_wait3A_345, %dma_wait3A_346] : memref<2x16x128xi32, #tpu.memory_space<vmem>> -> memref<1x8x128xi32, #tpu.memory_space<vmem>>
          %dma_wait3A_348 = tpu.memref_squeeze %dma_wait3A_347 : memref<1x8x128xi32, #tpu.memory_space<vmem>> -> memref<8x128xi32, #tpu.memory_space<vmem>>
          %dma_wait3A_349 = arith.constant 0 : i32
          %dma_wait3A_350 = tpu.memref_slice %arg3[%mul3A_89, %dma_wait3A_349] : memref<50000x128xi32, #tpu.memory_space<hbm>> -> memref<8x128xi32, #tpu.memory_space<hbm>>
          tpu.wait_dma2 semaphore(%run_scoped3A_327 : memref<!tpu.dma_semaphore, #tpu.memory_space<semaphore_mem>>) src(%dma_wait3A_350 : memref<8x128xi32, #tpu.memory_space<hbm>>) dst(%dma_wait3A_348 : memref<8x128xi32, #tpu.memory_space<vmem>>)
          tpu.yield
        }) : () -> ()
        %run_scoped3A_90 = arith.constant 1 : i32
        "tpu.region"() ({
          %run_scoped3A_327 = tpu.sem_alloc : memref<!tpu.dma_semaphore, #tpu.memory_space<semaphore_mem>>
          %dma_start3A_328 = arith.constant 8 : i32
          %dma_start3A_329 = arith.constant 0 : i32
          %dma_start3A_330 = tpu.memref_slice %arg11[%run_scoped3A_90, %dma_start3A_328, %dma_start3A_329] : memref<2x16x128xi32, #tpu.memory_space<vmem>> -> memref<1x8x128xi32, #tpu.memory_space<vmem>>
          %dma_start3A_331 = tpu.memref_squeeze %dma_start3A_330 : memref<1x8x128xi32, #tpu.memory_space<vmem>> -> memref<8x128xi32, #tpu.memory_space<vmem>>
          %dma_start3A_332 = arith.constant 0 : i32
          %dma_start3A_333 = tpu.memref_slice %arg4[%mul3A_89, %dma_start3A_332] : memref<50000x128xi32, #tpu.memory_space<hbm>> -> memref<8x128xi32, #tpu.memory_space<hbm>>
          %dma_start3A_334 = arith.constant 8 : i32
          %dma_start3A_335 = arith.constant 0 : i32
          %dma_start3A_336 = tpu.memref_slice %arg11[%run_scoped3A_90, %dma_start3A_334, %dma_start3A_335] : memref<2x16x128xi32, #tpu.memory_space<vmem>> -> memref<1x8x128xi32, #tpu.memory_space<vmem>>
          %dma_start3A_337 = tpu.memref_squeeze %dma_start3A_336 : memref<1x8x128xi32, #tpu.memory_space<vmem>> -> memref<8x128xi32, #tpu.memory_space<vmem>>
          %dma_start3A_338 = arith.constant 0 : i32
          %dma_start3A_339 = tpu.memref_slice %arg4[%mul3A_89, %dma_start3A_338] : memref<50000x128xi32, #tpu.memory_space<hbm>> -> memref<8x128xi32, #tpu.memory_space<hbm>>
          tpu.enqueue_dma source(%dma_start3A_339 : memref<8x128xi32, #tpu.memory_space<hbm>>) target(%dma_start3A_337 : memref<8x128xi32, #tpu.memory_space<vmem>>) target_semaphore(%run_scoped3A_327 : memref<!tpu.dma_semaphore, #tpu.memory_space<semaphore_mem>>)
          %dma_wait3A = arith.constant 8 : i32
          %dma_wait3A_340 = arith.constant 0 : i32
          %dma_wait3A_341 = tpu.memref_slice %arg11[%run_scoped3A_90, %dma_wait3A, %dma_wait3A_340] : memref<2x16x128xi32, #tpu.memory_space<vmem>> -> memref<1x8x128xi32, #tpu.memory_space<vmem>>
          %dma_wait3A_342 = tpu.memref_squeeze %dma_wait3A_341 : memref<1x8x128xi32, #tpu.memory_space<vmem>> -> memref<8x128xi32, #tpu.memory_space<vmem>>
          %dma_wait3A_343 = arith.constant 0 : i32
          %dma_wait3A_344 = tpu.memref_slice %arg4[%mul3A_89, %dma_wait3A_343] : memref<50000x128xi32, #tpu.memory_space<hbm>> -> memref<8x128xi32, #tpu.memory_space<hbm>>
          %dma_wait3A_345 = arith.constant 8 : i32
          %dma_wait3A_346 = arith.constant 0 : i32
          %dma_wait3A_347 = tpu.memref_slice %arg11[%run_scoped3A_90, %dma_wait3A_345, %dma_wait3A_346] : memref<2x16x128xi32, #tpu.memory_space<vmem>> -> memref<1x8x128xi32, #tpu.memory_space<vmem>>
          %dma_wait3A_348 = tpu.memref_squeeze %dma_wait3A_347 : memref<1x8x128xi32, #tpu.memory_space<vmem>> -> memref<8x128xi32, #tpu.memory_space<vmem>>
          %dma_wait3A_349 = arith.constant 0 : i32
          %dma_wait3A_350 = tpu.memref_slice %arg4[%mul3A_89, %dma_wait3A_349] : memref<50000x128xi32, #tpu.memory_space<hbm>> -> memref<8x128xi32, #tpu.memory_space<hbm>>
          tpu.wait_dma2 semaphore(%run_scoped3A_327 : memref<!tpu.dma_semaphore, #tpu.memory_space<semaphore_mem>>) src(%dma_wait3A_350 : memref<8x128xi32, #tpu.memory_space<hbm>>) dst(%dma_wait3A_348 : memref<8x128xi32, #tpu.memory_space<vmem>>)
          tpu.yield
        }) : () -> ()
        %mul3A_91 = arith.constant 1024 : i32
        %mul3A_92 = arith.muli %add3A_35, %mul3A_91 : i32
        %dma_start3A = arith.constant 1 : i32
        %dma_start3A_93 = arith.constant 0 : i32
        %dma_start3A_94 = arith.constant 1 : i32
        %dma_start3A_95 = arith.constant 0 : i32
        %dma_start3A_96 = arith.constant 0 : i32
        %dma_start3A_97 = tpu.memref_slice %arg12[%dma_start3A_94, %dma_start3A_95, %dma_start3A_96] : memref<2x2048x8xf32, #tpu.memory_space<vmem>> -> memref<1x128x8xf32, #tpu.memory_space<vmem>>
        %dma_start3A_98 = tpu.memref_squeeze %dma_start3A_97 : memref<1x128x8xf32, #tpu.memory_space<vmem>> -> memref<128x8xf32, #tpu.memory_space<vmem>>
        %dma_start3A_99 = arith.constant 0 : i32
        %dma_start3A_100 = tpu.memref_slice %arg11[%dma_start3A, %dma_start3A_93, %dma_start3A_99] : memref<2x16x128xi32, #tpu.memory_space<vmem>> -> memref<1x1x128xi32, #tpu.memory_space<vmem>>
        %dma_start3A_101 = tpu.memref_squeeze %dma_start3A_100 : memref<1x1x128xi32, #tpu.memory_space<vmem>> -> memref<128xi32, #tpu.memory_space<vmem>>
        %dma_start3A_102 = arith.constant 0 : i32
        %dma_start3A_103 = arith.constant 0 : i32
        %dma_start3A_104 = tpu.memref_slice %arg2[%dma_start3A_102, %dma_start3A_103] : memref<100000x8xf32, #tpu.memory_space<hbm>> -> memref<100000x8xf32, #tpu.memory_space<hbm>>
        tpu.enqueue_indirect_dma source(%dma_start3A_104 : memref<100000x8xf32, #tpu.memory_space<hbm>>) target(%dma_start3A_98 : memref<128x8xf32, #tpu.memory_space<vmem>>) offsets(%dma_start3A_101 : memref<128xi32, #tpu.memory_space<vmem>>) semaphore(%arg20 : memref<!tpu.dma_semaphore, #tpu.memory_space<semaphore_mem>>)
        %dma_start3A_105 = arith.constant 1 : i32
        %dma_start3A_106 = arith.constant 1 : i32
        %dma_start3A_107 = arith.constant 1 : i32
        %dma_start3A_108 = arith.constant 128 : i32
        %dma_start3A_109 = arith.constant 0 : i32
        %dma_start3A_110 = tpu.memref_slice %arg12[%dma_start3A_107, %dma_start3A_108, %dma_start3A_109] : memref<2x2048x8xf32, #tpu.memory_space<vmem>> -> memref<1x128x8xf32, #tpu.memory_space<vmem>>
        %dma_start3A_111 = tpu.memref_squeeze %dma_start3A_110 : memref<1x128x8xf32, #tpu.memory_space<vmem>> -> memref<128x8xf32, #tpu.memory_space<vmem>>
        %dma_start3A_112 = arith.constant 0 : i32
        %dma_start3A_113 = tpu.memref_slice %arg11[%dma_start3A_105, %dma_start3A_106, %dma_start3A_112] : memref<2x16x128xi32, #tpu.memory_space<vmem>> -> memref<1x1x128xi32, #tpu.memory_space<vmem>>
        %dma_start3A_114 = tpu.memref_squeeze %dma_start3A_113 : memref<1x1x128xi32, #tpu.memory_space<vmem>> -> memref<128xi32, #tpu.memory_space<vmem>>
        %dma_start3A_115 = arith.constant 0 : i32
        %dma_start3A_116 = arith.constant 0 : i32
        %dma_start3A_117 = tpu.memref_slice %arg2[%dma_start3A_115, %dma_start3A_116] : memref<100000x8xf32, #tpu.memory_space<hbm>> -> memref<100000x8xf32, #tpu.memory_space<hbm>>
        tpu.enqueue_indirect_dma source(%dma_start3A_117 : memref<100000x8xf32, #tpu.memory_space<hbm>>) target(%dma_start3A_111 : memref<128x8xf32, #tpu.memory_space<vmem>>) offsets(%dma_start3A_114 : memref<128xi32, #tpu.memory_space<vmem>>) semaphore(%arg20 : memref<!tpu.dma_semaphore, #tpu.memory_space<semaphore_mem>>)
        %dma_start3A_118 = arith.constant 1 : i32
        %dma_start3A_119 = arith.constant 2 : i32
        %dma_start3A_120 = arith.constant 1 : i32
        %dma_start3A_121 = arith.constant 256 : i32
        %dma_start3A_122 = arith.constant 0 : i32
        %dma_start3A_123 = tpu.memref_slice %arg12[%dma_start3A_120, %dma_start3A_121, %dma_start3A_122] : memref<2x2048x8xf32, #tpu.memory_space<vmem>> -> memref<1x128x8xf32, #tpu.memory_space<vmem>>
        %dma_start3A_124 = tpu.memref_squeeze %dma_start3A_123 : memref<1x128x8xf32, #tpu.memory_space<vmem>> -> memref<128x8xf32, #tpu.memory_space<vmem>>
        %dma_start3A_125 = arith.constant 0 : i32
        %dma_start3A_126 = tpu.memref_slice %arg11[%dma_start3A_118, %dma_start3A_119, %dma_start3A_125] : memref<2x16x128xi32, #tpu.memory_space<vmem>> -> memref<1x1x128xi32, #tpu.memory_space<vmem>>
        %dma_start3A_127 = tpu.memref_squeeze %dma_start3A_126 : memref<1x1x128xi32, #tpu.memory_space<vmem>> -> memref<128xi32, #tpu.memory_space<vmem>>
        %dma_start3A_128 = arith.constant 0 : i32
        %dma_start3A_129 = arith.constant 0 : i32
        %dma_start3A_130 = tpu.memref_slice %arg2[%dma_start3A_128, %dma_start3A_129] : memref<100000x8xf32, #tpu.memory_space<hbm>> -> memref<100000x8xf32, #tpu.memory_space<hbm>>
        tpu.enqueue_indirect_dma source(%dma_start3A_130 : memref<100000x8xf32, #tpu.memory_space<hbm>>) target(%dma_start3A_124 : memref<128x8xf32, #tpu.memory_space<vmem>>) offsets(%dma_start3A_127 : memref<128xi32, #tpu.memory_space<vmem>>) semaphore(%arg20 : memref<!tpu.dma_semaphore, #tpu.memory_space<semaphore_mem>>)
        %dma_start3A_131 = arith.constant 1 : i32
        %dma_start3A_132 = arith.constant 3 : i32
        %dma_start3A_133 = arith.constant 1 : i32
        %dma_start3A_134 = arith.constant 384 : i32
        %dma_start3A_135 = arith.constant 0 : i32
        %dma_start3A_136 = tpu.memref_slice %arg12[%dma_start3A_133, %dma_start3A_134, %dma_start3A_135] : memref<2x2048x8xf32, #tpu.memory_space<vmem>> -> memref<1x128x8xf32, #tpu.memory_space<vmem>>
        %dma_start3A_137 = tpu.memref_squeeze %dma_start3A_136 : memref<1x128x8xf32, #tpu.memory_space<vmem>> -> memref<128x8xf32, #tpu.memory_space<vmem>>
        %dma_start3A_138 = arith.constant 0 : i32
        %dma_start3A_139 = tpu.memref_slice %arg11[%dma_start3A_131, %dma_start3A_132, %dma_start3A_138] : memref<2x16x128xi32, #tpu.memory_space<vmem>> -> memref<1x1x128xi32, #tpu.memory_space<vmem>>
        %dma_start3A_140 = tpu.memref_squeeze %dma_start3A_139 : memref<1x1x128xi32, #tpu.memory_space<vmem>> -> memref<128xi32, #tpu.memory_space<vmem>>
        %dma_start3A_141 = arith.constant 0 : i32
        %dma_start3A_142 = arith.constant 0 : i32
        %dma_start3A_143 = tpu.memref_slice %arg2[%dma_start3A_141, %dma_start3A_142] : memref<100000x8xf32, #tpu.memory_space<hbm>> -> memref<100000x8xf32, #tpu.memory_space<hbm>>
        tpu.enqueue_indirect_dma source(%dma_start3A_143 : memref<100000x8xf32, #tpu.memory_space<hbm>>) target(%dma_start3A_137 : memref<128x8xf32, #tpu.memory_space<vmem>>) offsets(%dma_start3A_140 : memref<128xi32, #tpu.memory_space<vmem>>) semaphore(%arg20 : memref<!tpu.dma_semaphore, #tpu.memory_space<semaphore_mem>>)
        %dma_start3A_144 = arith.constant 1 : i32
        %dma_start3A_145 = arith.constant 4 : i32
        %dma_start3A_146 = arith.constant 1 : i32
        %dma_start3A_147 = arith.constant 512 : i32
        %dma_start3A_148 = arith.constant 0 : i32
        %dma_start3A_149 = tpu.memref_slice %arg12[%dma_start3A_146, %dma_start3A_147, %dma_start3A_148] : memref<2x2048x8xf32, #tpu.memory_space<vmem>> -> memref<1x128x8xf32, #tpu.memory_space<vmem>>
        %dma_start3A_150 = tpu.memref_squeeze %dma_start3A_149 : memref<1x128x8xf32, #tpu.memory_space<vmem>> -> memref<128x8xf32, #tpu.memory_space<vmem>>
        %dma_start3A_151 = arith.constant 0 : i32
        %dma_start3A_152 = tpu.memref_slice %arg11[%dma_start3A_144, %dma_start3A_145, %dma_start3A_151] : memref<2x16x128xi32, #tpu.memory_space<vmem>> -> memref<1x1x128xi32, #tpu.memory_space<vmem>>
        %dma_start3A_153 = tpu.memref_squeeze %dma_start3A_152 : memref<1x1x128xi32, #tpu.memory_space<vmem>> -> memref<128xi32, #tpu.memory_space<vmem>>
        %dma_start3A_154 = arith.constant 0 : i32
        %dma_start3A_155 = arith.constant 0 : i32
        %dma_start3A_156 = tpu.memref_slice %arg2[%dma_start3A_154, %dma_start3A_155] : memref<100000x8xf32, #tpu.memory_space<hbm>> -> memref<100000x8xf32, #tpu.memory_space<hbm>>
        tpu.enqueue_indirect_dma source(%dma_start3A_156 : memref<100000x8xf32, #tpu.memory_space<hbm>>) target(%dma_start3A_150 : memref<128x8xf32, #tpu.memory_space<vmem>>) offsets(%dma_start3A_153 : memref<128xi32, #tpu.memory_space<vmem>>) semaphore(%arg20 : memref<!tpu.dma_semaphore, #tpu.memory_space<semaphore_mem>>)
        %dma_start3A_157 = arith.constant 1 : i32
        %dma_start3A_158 = arith.constant 5 : i32
        %dma_start3A_159 = arith.constant 1 : i32
        %dma_start3A_160 = arith.constant 640 : i32
        %dma_start3A_161 = arith.constant 0 : i32
        %dma_start3A_162 = tpu.memref_slice %arg12[%dma_start3A_159, %dma_start3A_160, %dma_start3A_161] : memref<2x2048x8xf32, #tpu.memory_space<vmem>> -> memref<1x128x8xf32, #tpu.memory_space<vmem>>
        %dma_start3A_163 = tpu.memref_squeeze %dma_start3A_162 : memref<1x128x8xf32, #tpu.memory_space<vmem>> -> memref<128x8xf32, #tpu.memory_space<vmem>>
        %dma_start3A_164 = arith.constant 0 : i32
        %dma_start3A_165 = tpu.memref_slice %arg11[%dma_start3A_157, %dma_start3A_158, %dma_start3A_164] : memref<2x16x128xi32, #tpu.memory_space<vmem>> -> memref<1x1x128xi32, #tpu.memory_space<vmem>>
        %dma_start3A_166 = tpu.memref_squeeze %dma_start3A_165 : memref<1x1x128xi32, #tpu.memory_space<vmem>> -> memref<128xi32, #tpu.memory_space<vmem>>
        %dma_start3A_167 = arith.constant 0 : i32
        %dma_start3A_168 = arith.constant 0 : i32
        %dma_start3A_169 = tpu.memref_slice %arg2[%dma_start3A_167, %dma_start3A_168] : memref<100000x8xf32, #tpu.memory_space<hbm>> -> memref<100000x8xf32, #tpu.memory_space<hbm>>
        tpu.enqueue_indirect_dma source(%dma_start3A_169 : memref<100000x8xf32, #tpu.memory_space<hbm>>) target(%dma_start3A_163 : memref<128x8xf32, #tpu.memory_space<vmem>>) offsets(%dma_start3A_166 : memref<128xi32, #tpu.memory_space<vmem>>) semaphore(%arg20 : memref<!tpu.dma_semaphore, #tpu.memory_space<semaphore_mem>>)
        %dma_start3A_170 = arith.constant 1 : i32
        %dma_start3A_171 = arith.constant 6 : i32
        %dma_start3A_172 = arith.constant 1 : i32
        %dma_start3A_173 = arith.constant 768 : i32
        %dma_start3A_174 = arith.constant 0 : i32
        %dma_start3A_175 = tpu.memref_slice %arg12[%dma_start3A_172, %dma_start3A_173, %dma_start3A_174] : memref<2x2048x8xf32, #tpu.memory_space<vmem>> -> memref<1x128x8xf32, #tpu.memory_space<vmem>>
        %dma_start3A_176 = tpu.memref_squeeze %dma_start3A_175 : memref<1x128x8xf32, #tpu.memory_space<vmem>> -> memref<128x8xf32, #tpu.memory_space<vmem>>
        %dma_start3A_177 = arith.constant 0 : i32
        %dma_start3A_178 = tpu.memref_slice %arg11[%dma_start3A_170, %dma_start3A_171, %dma_start3A_177] : memref<2x16x128xi32, #tpu.memory_space<vmem>> -> memref<1x1x128xi32, #tpu.memory_space<vmem>>
        %dma_start3A_179 = tpu.memref_squeeze %dma_start3A_178 : memref<1x1x128xi32, #tpu.memory_space<vmem>> -> memref<128xi32, #tpu.memory_space<vmem>>
        %dma_start3A_180 = arith.constant 0 : i32
        %dma_start3A_181 = arith.constant 0 : i32
        %dma_start3A_182 = tpu.memref_slice %arg2[%dma_start3A_180, %dma_start3A_181] : memref<100000x8xf32, #tpu.memory_space<hbm>> -> memref<100000x8xf32, #tpu.memory_space<hbm>>
        tpu.enqueue_indirect_dma source(%dma_start3A_182 : memref<100000x8xf32, #tpu.memory_space<hbm>>) target(%dma_start3A_176 : memref<128x8xf32, #tpu.memory_space<vmem>>) offsets(%dma_start3A_179 : memref<128xi32, #tpu.memory_space<vmem>>) semaphore(%arg20 : memref<!tpu.dma_semaphore, #tpu.memory_space<semaphore_mem>>)
        %dma_start3A_183 = arith.constant 1 : i32
        %dma_start3A_184 = arith.constant 7 : i32
        %dma_start3A_185 = arith.constant 1 : i32
        %dma_start3A_186 = arith.constant 896 : i32
        %dma_start3A_187 = arith.constant 0 : i32
        %dma_start3A_188 = tpu.memref_slice %arg12[%dma_start3A_185, %dma_start3A_186, %dma_start3A_187] : memref<2x2048x8xf32, #tpu.memory_space<vmem>> -> memref<1x128x8xf32, #tpu.memory_space<vmem>>
        %dma_start3A_189 = tpu.memref_squeeze %dma_start3A_188 : memref<1x128x8xf32, #tpu.memory_space<vmem>> -> memref<128x8xf32, #tpu.memory_space<vmem>>
        %dma_start3A_190 = arith.constant 0 : i32
        %dma_start3A_191 = tpu.memref_slice %arg11[%dma_start3A_183, %dma_start3A_184, %dma_start3A_190] : memref<2x16x128xi32, #tpu.memory_space<vmem>> -> memref<1x1x128xi32, #tpu.memory_space<vmem>>
        %dma_start3A_192 = tpu.memref_squeeze %dma_start3A_191 : memref<1x1x128xi32, #tpu.memory_space<vmem>> -> memref<128xi32, #tpu.memory_space<vmem>>
        %dma_start3A_193 = arith.constant 0 : i32
        %dma_start3A_194 = arith.constant 0 : i32
        %dma_start3A_195 = tpu.memref_slice %arg2[%dma_start3A_193, %dma_start3A_194] : memref<100000x8xf32, #tpu.memory_space<hbm>> -> memref<100000x8xf32, #tpu.memory_space<hbm>>
        tpu.enqueue_indirect_dma source(%dma_start3A_195 : memref<100000x8xf32, #tpu.memory_space<hbm>>) target(%dma_start3A_189 : memref<128x8xf32, #tpu.memory_space<vmem>>) offsets(%dma_start3A_192 : memref<128xi32, #tpu.memory_space<vmem>>) semaphore(%arg20 : memref<!tpu.dma_semaphore, #tpu.memory_space<semaphore_mem>>)
        %dma_start3A_196 = arith.constant 1 : i32
        %dma_start3A_197 = arith.constant 8 : i32
        %dma_start3A_198 = arith.constant 1 : i32
        %dma_start3A_199 = arith.constant 1024 : i32
        %dma_start3A_200 = arith.constant 0 : i32
        %dma_start3A_201 = tpu.memref_slice %arg12[%dma_start3A_198, %dma_start3A_199, %dma_start3A_200] : memref<2x2048x8xf32, #tpu.memory_space<vmem>> -> memref<1x128x8xf32, #tpu.memory_space<vmem>>
        %dma_start3A_202 = tpu.memref_squeeze %dma_start3A_201 : memref<1x128x8xf32, #tpu.memory_space<vmem>> -> memref<128x8xf32, #tpu.memory_space<vmem>>
        %dma_start3A_203 = arith.constant 0 : i32
        %dma_start3A_204 = tpu.memref_slice %arg11[%dma_start3A_196, %dma_start3A_197, %dma_start3A_203] : memref<2x16x128xi32, #tpu.memory_space<vmem>> -> memref<1x1x128xi32, #tpu.memory_space<vmem>>
        %dma_start3A_205 = tpu.memref_squeeze %dma_start3A_204 : memref<1x1x128xi32, #tpu.memory_space<vmem>> -> memref<128xi32, #tpu.memory_space<vmem>>
        %dma_start3A_206 = arith.constant 0 : i32
        %dma_start3A_207 = arith.constant 0 : i32
        %dma_start3A_208 = tpu.memref_slice %arg2[%dma_start3A_206, %dma_start3A_207] : memref<100000x8xf32, #tpu.memory_space<hbm>> -> memref<100000x8xf32, #tpu.memory_space<hbm>>
        tpu.enqueue_indirect_dma source(%dma_start3A_208 : memref<100000x8xf32, #tpu.memory_space<hbm>>) target(%dma_start3A_202 : memref<128x8xf32, #tpu.memory_space<vmem>>) offsets(%dma_start3A_205 : memref<128xi32, #tpu.memory_space<vmem>>) semaphore(%arg20 : memref<!tpu.dma_semaphore, #tpu.memory_space<semaphore_mem>>)
        %dma_start3A_209 = arith.constant 1 : i32
        %dma_start3A_210 = arith.constant 9 : i32
        %dma_start3A_211 = arith.constant 1 : i32
        %dma_start3A_212 = arith.constant 1152 : i32
        %dma_start3A_213 = arith.constant 0 : i32
        %dma_start3A_214 = tpu.memref_slice %arg12[%dma_start3A_211, %dma_start3A_212, %dma_start3A_213] : memref<2x2048x8xf32, #tpu.memory_space<vmem>> -> memref<1x128x8xf32, #tpu.memory_space<vmem>>
        %dma_start3A_215 = tpu.memref_squeeze %dma_start3A_214 : memref<1x128x8xf32, #tpu.memory_space<vmem>> -> memref<128x8xf32, #tpu.memory_space<vmem>>
        %dma_start3A_216 = arith.constant 0 : i32
        %dma_start3A_217 = tpu.memref_slice %arg11[%dma_start3A_209, %dma_start3A_210, %dma_start3A_216] : memref<2x16x128xi32, #tpu.memory_space<vmem>> -> memref<1x1x128xi32, #tpu.memory_space<vmem>>
        %dma_start3A_218 = tpu.memref_squeeze %dma_start3A_217 : memref<1x1x128xi32, #tpu.memory_space<vmem>> -> memref<128xi32, #tpu.memory_space<vmem>>
        %dma_start3A_219 = arith.constant 0 : i32
        %dma_start3A_220 = arith.constant 0 : i32
        %dma_start3A_221 = tpu.memref_slice %arg2[%dma_start3A_219, %dma_start3A_220] : memref<100000x8xf32, #tpu.memory_space<hbm>> -> memref<100000x8xf32, #tpu.memory_space<hbm>>
        tpu.enqueue_indirect_dma source(%dma_start3A_221 : memref<100000x8xf32, #tpu.memory_space<hbm>>) target(%dma_start3A_215 : memref<128x8xf32, #tpu.memory_space<vmem>>) offsets(%dma_start3A_218 : memref<128xi32, #tpu.memory_space<vmem>>) semaphore(%arg20 : memref<!tpu.dma_semaphore, #tpu.memory_space<semaphore_mem>>)
        %dma_start3A_222 = arith.constant 1 : i32
        %dma_start3A_223 = arith.constant 10 : i32
        %dma_start3A_224 = arith.constant 1 : i32
        %dma_start3A_225 = arith.constant 1280 : i32
        %dma_start3A_226 = arith.constant 0 : i32
        %dma_start3A_227 = tpu.memref_slice %arg12[%dma_start3A_224, %dma_start3A_225, %dma_start3A_226] : memref<2x2048x8xf32, #tpu.memory_space<vmem>> -> memref<1x128x8xf32, #tpu.memory_space<vmem>>
        %dma_start3A_228 = tpu.memref_squeeze %dma_start3A_227 : memref<1x128x8xf32, #tpu.memory_space<vmem>> -> memref<128x8xf32, #tpu.memory_space<vmem>>
        %dma_start3A_229 = arith.constant 0 : i32
        %dma_start3A_230 = tpu.memref_slice %arg11[%dma_start3A_222, %dma_start3A_223, %dma_start3A_229] : memref<2x16x128xi32, #tpu.memory_space<vmem>> -> memref<1x1x128xi32, #tpu.memory_space<vmem>>
        %dma_start3A_231 = tpu.memref_squeeze %dma_start3A_230 : memref<1x1x128xi32, #tpu.memory_space<vmem>> -> memref<128xi32, #tpu.memory_space<vmem>>
        %dma_start3A_232 = arith.constant 0 : i32
        %dma_start3A_233 = arith.constant 0 : i32
        %dma_start3A_234 = tpu.memref_slice %arg2[%dma_start3A_232, %dma_start3A_233] : memref<100000x8xf32, #tpu.memory_space<hbm>> -> memref<100000x8xf32, #tpu.memory_space<hbm>>
        tpu.enqueue_indirect_dma source(%dma_start3A_234 : memref<100000x8xf32, #tpu.memory_space<hbm>>) target(%dma_start3A_228 : memref<128x8xf32, #tpu.memory_space<vmem>>) offsets(%dma_start3A_231 : memref<128xi32, #tpu.memory_space<vmem>>) semaphore(%arg20 : memref<!tpu.dma_semaphore, #tpu.memory_space<semaphore_mem>>)
        %dma_start3A_235 = arith.constant 1 : i32
        %dma_start3A_236 = arith.constant 11 : i32
        %dma_start3A_237 = arith.constant 1 : i32
        %dma_start3A_238 = arith.constant 1408 : i32
        %dma_start3A_239 = arith.constant 0 : i32
        %dma_start3A_240 = tpu.memref_slice %arg12[%dma_start3A_237, %dma_start3A_238, %dma_start3A_239] : memref<2x2048x8xf32, #tpu.memory_space<vmem>> -> memref<1x128x8xf32, #tpu.memory_space<vmem>>
        %dma_start3A_241 = tpu.memref_squeeze %dma_start3A_240 : memref<1x128x8xf32, #tpu.memory_space<vmem>> -> memref<128x8xf32, #tpu.memory_space<vmem>>
        %dma_start3A_242 = arith.constant 0 : i32
        %dma_start3A_243 = tpu.memref_slice %arg11[%dma_start3A_235, %dma_start3A_236, %dma_start3A_242] : memref<2x16x128xi32, #tpu.memory_space<vmem>> -> memref<1x1x128xi32, #tpu.memory_space<vmem>>
        %dma_start3A_244 = tpu.memref_squeeze %dma_start3A_243 : memref<1x1x128xi32, #tpu.memory_space<vmem>> -> memref<128xi32, #tpu.memory_space<vmem>>
        %dma_start3A_245 = arith.constant 0 : i32
        %dma_start3A_246 = arith.constant 0 : i32
        %dma_start3A_247 = tpu.memref_slice %arg2[%dma_start3A_245, %dma_start3A_246] : memref<100000x8xf32, #tpu.memory_space<hbm>> -> memref<100000x8xf32, #tpu.memory_space<hbm>>
        tpu.enqueue_indirect_dma source(%dma_start3A_247 : memref<100000x8xf32, #tpu.memory_space<hbm>>) target(%dma_start3A_241 : memref<128x8xf32, #tpu.memory_space<vmem>>) offsets(%dma_start3A_244 : memref<128xi32, #tpu.memory_space<vmem>>) semaphore(%arg20 : memref<!tpu.dma_semaphore, #tpu.memory_space<semaphore_mem>>)
        %dma_start3A_248 = arith.constant 1 : i32
        %dma_start3A_249 = arith.constant 12 : i32
        %dma_start3A_250 = arith.constant 1 : i32
        %dma_start3A_251 = arith.constant 1536 : i32
        %dma_start3A_252 = arith.constant 0 : i32
        %dma_start3A_253 = tpu.memref_slice %arg12[%dma_start3A_250, %dma_start3A_251, %dma_start3A_252] : memref<2x2048x8xf32, #tpu.memory_space<vmem>> -> memref<1x128x8xf32, #tpu.memory_space<vmem>>
        %dma_start3A_254 = tpu.memref_squeeze %dma_start3A_253 : memref<1x128x8xf32, #tpu.memory_space<vmem>> -> memref<128x8xf32, #tpu.memory_space<vmem>>
        %dma_start3A_255 = arith.constant 0 : i32
        %dma_start3A_256 = tpu.memref_slice %arg11[%dma_start3A_248, %dma_start3A_249, %dma_start3A_255] : memref<2x16x128xi32, #tpu.memory_space<vmem>> -> memref<1x1x128xi32, #tpu.memory_space<vmem>>
        %dma_start3A_257 = tpu.memref_squeeze %dma_start3A_256 : memref<1x1x128xi32, #tpu.memory_space<vmem>> -> memref<128xi32, #tpu.memory_space<vmem>>
        %dma_start3A_258 = arith.constant 0 : i32
        %dma_start3A_259 = arith.constant 0 : i32
        %dma_start3A_260 = tpu.memref_slice %arg2[%dma_start3A_258, %dma_start3A_259] : memref<100000x8xf32, #tpu.memory_space<hbm>> -> memref<100000x8xf32, #tpu.memory_space<hbm>>
        tpu.enqueue_indirect_dma source(%dma_start3A_260 : memref<100000x8xf32, #tpu.memory_space<hbm>>) target(%dma_start3A_254 : memref<128x8xf32, #tpu.memory_space<vmem>>) offsets(%dma_start3A_257 : memref<128xi32, #tpu.memory_space<vmem>>) semaphore(%arg20 : memref<!tpu.dma_semaphore, #tpu.memory_space<semaphore_mem>>)
        %dma_start3A_261 = arith.constant 1 : i32
        %dma_start3A_262 = arith.constant 13 : i32
        %dma_start3A_263 = arith.constant 1 : i32
        %dma_start3A_264 = arith.constant 1664 : i32
        %dma_start3A_265 = arith.constant 0 : i32
        %dma_start3A_266 = tpu.memref_slice %arg12[%dma_start3A_263, %dma_start3A_264, %dma_start3A_265] : memref<2x2048x8xf32, #tpu.memory_space<vmem>> -> memref<1x128x8xf32, #tpu.memory_space<vmem>>
        %dma_start3A_267 = tpu.memref_squeeze %dma_start3A_266 : memref<1x128x8xf32, #tpu.memory_space<vmem>> -> memref<128x8xf32, #tpu.memory_space<vmem>>
        %dma_start3A_268 = arith.constant 0 : i32
        %dma_start3A_269 = tpu.memref_slice %arg11[%dma_start3A_261, %dma_start3A_262, %dma_start3A_268] : memref<2x16x128xi32, #tpu.memory_space<vmem>> -> memref<1x1x128xi32, #tpu.memory_space<vmem>>
        %dma_start3A_270 = tpu.memref_squeeze %dma_start3A_269 : memref<1x1x128xi32, #tpu.memory_space<vmem>> -> memref<128xi32, #tpu.memory_space<vmem>>
        %dma_start3A_271 = arith.constant 0 : i32
        %dma_start3A_272 = arith.constant 0 : i32
        %dma_start3A_273 = tpu.memref_slice %arg2[%dma_start3A_271, %dma_start3A_272] : memref<100000x8xf32, #tpu.memory_space<hbm>> -> memref<100000x8xf32, #tpu.memory_space<hbm>>
        tpu.enqueue_indirect_dma source(%dma_start3A_273 : memref<100000x8xf32, #tpu.memory_space<hbm>>) target(%dma_start3A_267 : memref<128x8xf32, #tpu.memory_space<vmem>>) offsets(%dma_start3A_270 : memref<128xi32, #tpu.memory_space<vmem>>) semaphore(%arg20 : memref<!tpu.dma_semaphore, #tpu.memory_space<semaphore_mem>>)
        %dma_start3A_274 = arith.constant 1 : i32
        %dma_start3A_275 = arith.constant 14 : i32
        %dma_start3A_276 = arith.constant 1 : i32
        %dma_start3A_277 = arith.constant 1792 : i32
        %dma_start3A_278 = arith.constant 0 : i32
        %dma_start3A_279 = tpu.memref_slice %arg12[%dma_start3A_276, %dma_start3A_277, %dma_start3A_278] : memref<2x2048x8xf32, #tpu.memory_space<vmem>> -> memref<1x128x8xf32, #tpu.memory_space<vmem>>
        %dma_start3A_280 = tpu.memref_squeeze %dma_start3A_279 : memref<1x128x8xf32, #tpu.memory_space<vmem>> -> memref<128x8xf32, #tpu.memory_space<vmem>>
        %dma_start3A_281 = arith.constant 0 : i32
        %dma_start3A_282 = tpu.memref_slice %arg11[%dma_start3A_274, %dma_start3A_275, %dma_start3A_281] : memref<2x16x128xi32, #tpu.memory_space<vmem>> -> memref<1x1x128xi32, #tpu.memory_space<vmem>>
        %dma_start3A_283 = tpu.memref_squeeze %dma_start3A_282 : memref<1x1x128xi32, #tpu.memory_space<vmem>> -> memref<128xi32, #tpu.memory_space<vmem>>
        %dma_start3A_284 = arith.constant 0 : i32
        %dma_start3A_285 = arith.constant 0 : i32
        %dma_start3A_286 = tpu.memref_slice %arg2[%dma_start3A_284, %dma_start3A_285] : memref<100000x8xf32, #tpu.memory_space<hbm>> -> memref<100000x8xf32, #tpu.memory_space<hbm>>
        tpu.enqueue_indirect_dma source(%dma_start3A_286 : memref<100000x8xf32, #tpu.memory_space<hbm>>) target(%dma_start3A_280 : memref<128x8xf32, #tpu.memory_space<vmem>>) offsets(%dma_start3A_283 : memref<128xi32, #tpu.memory_space<vmem>>) semaphore(%arg20 : memref<!tpu.dma_semaphore, #tpu.memory_space<semaphore_mem>>)
        %dma_start3A_287 = arith.constant 1 : i32
        %dma_start3A_288 = arith.constant 15 : i32
        %dma_start3A_289 = arith.constant 1 : i32
        %dma_start3A_290 = arith.constant 1920 : i32
        %dma_start3A_291 = arith.constant 0 : i32
        %dma_start3A_292 = tpu.memref_slice %arg12[%dma_start3A_289, %dma_start3A_290, %dma_start3A_291] : memref<2x2048x8xf32, #tpu.memory_space<vmem>> -> memref<1x128x8xf32, #tpu.memory_space<vmem>>
        %dma_start3A_293 = tpu.memref_squeeze %dma_start3A_292 : memref<1x128x8xf32, #tpu.memory_space<vmem>> -> memref<128x8xf32, #tpu.memory_space<vmem>>
        %dma_start3A_294 = arith.constant 0 : i32
        %dma_start3A_295 = tpu.memref_slice %arg11[%dma_start3A_287, %dma_start3A_288, %dma_start3A_294] : memref<2x16x128xi32, #tpu.memory_space<vmem>> -> memref<1x1x128xi32, #tpu.memory_space<vmem>>
        %dma_start3A_296 = tpu.memref_squeeze %dma_start3A_295 : memref<1x1x128xi32, #tpu.memory_space<vmem>> -> memref<128xi32, #tpu.memory_space<vmem>>
        %dma_start3A_297 = arith.constant 0 : i32
        %dma_start3A_298 = arith.constant 0 : i32
        %dma_start3A_299 = tpu.memref_slice %arg2[%dma_start3A_297, %dma_start3A_298] : memref<100000x8xf32, #tpu.memory_space<hbm>> -> memref<100000x8xf32, #tpu.memory_space<hbm>>
        tpu.enqueue_indirect_dma source(%dma_start3A_299 : memref<100000x8xf32, #tpu.memory_space<hbm>>) target(%dma_start3A_293 : memref<128x8xf32, #tpu.memory_space<vmem>>) offsets(%dma_start3A_296 : memref<128xi32, #tpu.memory_space<vmem>>) semaphore(%arg20 : memref<!tpu.dma_semaphore, #tpu.memory_space<semaphore_mem>>)
        %dma_start3A_300 = arith.constant 1 : i32
        %dma_start3A_301 = arith.constant 0 : i32
        %dma_start3A_302 = tpu.memref_slice %arg13[%dma_start3A_300, %dma_start3A_301] : memref<2x1024xf32, #tpu.memory_space<vmem>> -> memref<1x1024xf32, #tpu.memory_space<vmem>>
        %dma_start3A_303 = tpu.memref_squeeze %dma_start3A_302 : memref<1x1024xf32, #tpu.memory_space<vmem>> -> memref<1024xf32, #tpu.memory_space<vmem>>
        %dma_start3A_304 = tpu.memref_slice %arg5[%mul3A_92] : memref<6400000xf32, #tpu.memory_space<hbm>> -> memref<1024xf32, #tpu.memory_space<hbm>>
        %dma_start3A_305 = arith.constant 0 : i32
        %dma_start3A_306 = tpu.memref_slice %arg13[%dma_start3A_300, %dma_start3A_305] : memref<2x1024xf32, #tpu.memory_space<vmem>> -> memref<1x1024xf32, #tpu.memory_space<vmem>>
        %dma_start3A_307 = tpu.memref_squeeze %dma_start3A_306 : memref<1x1024xf32, #tpu.memory_space<vmem>> -> memref<1024xf32, #tpu.memory_space<vmem>>
        %dma_start3A_308 = tpu.memref_slice %arg5[%mul3A_92] : memref<6400000xf32, #tpu.memory_space<hbm>> -> memref<1024xf32, #tpu.memory_space<hbm>>
        tpu.enqueue_dma source(%dma_start3A_308 : memref<1024xf32, #tpu.memory_space<hbm>>) target(%dma_start3A_307 : memref<1024xf32, #tpu.memory_space<vmem>>) target_semaphore(%arg20 : memref<!tpu.dma_semaphore, #tpu.memory_space<semaphore_mem>>)
        %dma_start3A_309 = arith.constant 1 : i32
        %dma_start3A_310 = arith.constant 0 : i32
        %dma_start3A_311 = tpu.memref_slice %arg14[%dma_start3A_309, %dma_start3A_310] : memref<2x1024xf32, #tpu.memory_space<vmem>> -> memref<1x1024xf32, #tpu.memory_space<vmem>>
        %dma_start3A_312 = tpu.memref_squeeze %dma_start3A_311 : memref<1x1024xf32, #tpu.memory_space<vmem>> -> memref<1024xf32, #tpu.memory_space<vmem>>
        %dma_start3A_313 = tpu.memref_slice %arg6[%mul3A_92] : memref<6400000xf32, #tpu.memory_space<hbm>> -> memref<1024xf32, #tpu.memory_space<hbm>>
        %dma_start3A_314 = arith.constant 0 : i32
        %dma_start3A_315 = tpu.memref_slice %arg14[%dma_start3A_309, %dma_start3A_314] : memref<2x1024xf32, #tpu.memory_space<vmem>> -> memref<1x1024xf32, #tpu.memory_space<vmem>>
        %dma_start3A_316 = tpu.memref_squeeze %dma_start3A_315 : memref<1x1024xf32, #tpu.memory_space<vmem>> -> memref<1024xf32, #tpu.memory_space<vmem>>
        %dma_start3A_317 = tpu.memref_slice %arg6[%mul3A_92] : memref<6400000xf32, #tpu.memory_space<hbm>> -> memref<1024xf32, #tpu.memory_space<hbm>>
        tpu.enqueue_dma source(%dma_start3A_317 : memref<1024xf32, #tpu.memory_space<hbm>>) target(%dma_start3A_316 : memref<1024xf32, #tpu.memory_space<vmem>>) target_semaphore(%arg20 : memref<!tpu.dma_semaphore, #tpu.memory_space<semaphore_mem>>)
        %dma_start3A_318 = arith.constant 1 : i32
        %dma_start3A_319 = arith.constant 0 : i32
        %dma_start3A_320 = tpu.memref_slice %arg15[%dma_start3A_318, %dma_start3A_319] : memref<2x1024xf32, #tpu.memory_space<vmem>> -> memref<1x1024xf32, #tpu.memory_space<vmem>>
        %dma_start3A_321 = tpu.memref_squeeze %dma_start3A_320 : memref<1x1024xf32, #tpu.memory_space<vmem>> -> memref<1024xf32, #tpu.memory_space<vmem>>
        %dma_start3A_322 = tpu.memref_slice %arg7[%mul3A_92] : memref<6400000xf32, #tpu.memory_space<hbm>> -> memref<1024xf32, #tpu.memory_space<hbm>>
        %dma_start3A_323 = arith.constant 0 : i32
        %dma_start3A_324 = tpu.memref_slice %arg15[%dma_start3A_318, %dma_start3A_323] : memref<2x1024xf32, #tpu.memory_space<vmem>> -> memref<1x1024xf32, #tpu.memory_space<vmem>>
        %dma_start3A_325 = tpu.memref_squeeze %dma_start3A_324 : memref<1x1024xf32, #tpu.memory_space<vmem>> -> memref<1024xf32, #tpu.memory_space<vmem>>
        %dma_start3A_326 = tpu.memref_slice %arg7[%mul3A_92] : memref<6400000xf32, #tpu.memory_space<hbm>> -> memref<1024xf32, #tpu.memory_space<hbm>>
        tpu.enqueue_dma source(%dma_start3A_326 : memref<1024xf32, #tpu.memory_space<hbm>>) target(%dma_start3A_325 : memref<1024xf32, #tpu.memory_space<vmem>>) target_semaphore(%arg20 : memref<!tpu.dma_semaphore, #tpu.memory_space<semaphore_mem>>)
      } else {
      }
      %mul3A_41 = arith.constant 32 : i32
      %mul3A_42 = arith.muli %mul3A_30, %mul3A_41 : i32
      %add3A_43 = arith.addi %add3A, %mul3A_42 : i32
      %sub3A = arith.constant 64 : i32
      %sub3A_44 = arith.subi %add3A_43, %sub3A : i32
      %ge3A_45 = arith.constant 0 : i32
      %ge3A_46 = arith.cmpi sge, %sub3A_44, %ge3A_45 : i32
      %lt3A_47 = arith.constant 6250 : i32
      %lt3A_48 = arith.cmpi slt, %sub3A_44, %lt3A_47 : i32
      %and3A_49 = arith.andi %ge3A_46, %lt3A_48 : i1
      %convert_element_type3A_50 = arith.extui %and3A_49 : i1 to i32
      %cond3A_51 = arith.constant 0 : i32
      %cond3A_52 = arith.cmpi ne, %convert_element_type3A_50, %cond3A_51 : i32
      scf.if %cond3A_52 {
        %mul3A_88 = arith.constant 1024 : i32
        %mul3A_89 = arith.muli %sub3A_44, %mul3A_88 : i32
        %mul3A_90 = arith.constant 8 : i32
        %mul3A_91 = arith.muli %sub3A_44, %mul3A_90 : i32
        %dma_wait3A = arith.constant 0 : i32
        %dma_wait3A_92 = arith.constant 0 : i32
        %dma_wait3A_93 = tpu.memref_slice %arg16[%dma_wait3A, %dma_wait3A_92] : memref<2x1024xf32, #tpu.memory_space<vmem>> -> memref<1x1024xf32, #tpu.memory_space<vmem>>
        %dma_wait3A_94 = tpu.memref_squeeze %dma_wait3A_93 : memref<1x1024xf32, #tpu.memory_space<vmem>> -> memref<1024xf32, #tpu.memory_space<vmem>>
        %dma_wait3A_95 = tpu.memref_slice %arg8[%mul3A_89] : memref<6400000xf32, #tpu.memory_space<hbm>> -> memref<1024xf32, #tpu.memory_space<hbm>>
        %dma_wait3A_96 = tpu.memref_slice %arg8[%mul3A_89] : memref<6400000xf32, #tpu.memory_space<hbm>> -> memref<1024xf32, #tpu.memory_space<hbm>>
        %dma_wait3A_97 = arith.constant 0 : i32
        %dma_wait3A_98 = tpu.memref_slice %arg16[%dma_wait3A, %dma_wait3A_97] : memref<2x1024xf32, #tpu.memory_space<vmem>> -> memref<1x1024xf32, #tpu.memory_space<vmem>>
        %dma_wait3A_99 = tpu.memref_squeeze %dma_wait3A_98 : memref<1x1024xf32, #tpu.memory_space<vmem>> -> memref<1024xf32, #tpu.memory_space<vmem>>
        tpu.wait_dma2 semaphore(%arg21 : memref<!tpu.dma_semaphore, #tpu.memory_space<semaphore_mem>>) src(%dma_wait3A_99 : memref<1024xf32, #tpu.memory_space<vmem>>) dst(%dma_wait3A_96 : memref<1024xf32, #tpu.memory_space<hbm>>)
        %dma_wait3A_100 = arith.constant 0 : i32
        %dma_wait3A_101 = arith.constant 0 : i32
        %dma_wait3A_102 = arith.constant 0 : i32
        %dma_wait3A_103 = arith.constant 0 : i32
        %dma_wait3A_104 = tpu.memref_slice %arg17[%dma_wait3A_100, %dma_wait3A_101, %dma_wait3A_102, %dma_wait3A_103] : memref<2x8x8x128xf32, #tpu.memory_space<vmem>> -> memref<1x8x8x128xf32, #tpu.memory_space<vmem>>
        %dma_wait3A_105 = tpu.memref_squeeze %dma_wait3A_104 : memref<1x8x8x128xf32, #tpu.memory_space<vmem>> -> memref<8x8x128xf32, #tpu.memory_space<vmem>>
        %dma_wait3A_106 = arith.constant 0 : i32
        %dma_wait3A_107 = arith.constant 0 : i32
        %dma_wait3A_108 = tpu.memref_slice %arg9[%mul3A_91, %dma_wait3A_106, %dma_wait3A_107] : memref<50000x8x128xf32, #tpu.memory_space<hbm>> -> memref<8x8x128xf32, #tpu.memory_space<hbm>>
        %dma_wait3A_109 = arith.constant 0 : i32
        %dma_wait3A_110 = arith.constant 0 : i32
        %dma_wait3A_111 = tpu.memref_slice %arg9[%mul3A_91, %dma_wait3A_109, %dma_wait3A_110] : memref<50000x8x128xf32, #tpu.memory_space<hbm>> -> memref<8x8x128xf32, #tpu.memory_space<hbm>>
        %dma_wait3A_112 = arith.constant 0 : i32
        %dma_wait3A_113 = arith.constant 0 : i32
        %dma_wait3A_114 = arith.constant 0 : i32
        %dma_wait3A_115 = tpu.memref_slice %arg17[%dma_wait3A_100, %dma_wait3A_112, %dma_wait3A_113, %dma_wait3A_114] : memref<2x8x8x128xf32, #tpu.memory_space<vmem>> -> memref<1x8x8x128xf32, #tpu.memory_space<vmem>>
        %dma_wait3A_116 = tpu.memref_squeeze %dma_wait3A_115 : memref<1x8x8x128xf32, #tpu.memory_space<vmem>> -> memref<8x8x128xf32, #tpu.memory_space<vmem>>
        tpu.wait_dma2 semaphore(%arg21 : memref<!tpu.dma_semaphore, #tpu.memory_space<semaphore_mem>>) src(%dma_wait3A_116 : memref<8x8x128xf32, #tpu.memory_space<vmem>>) dst(%dma_wait3A_111 : memref<8x8x128xf32, #tpu.memory_space<hbm>>)
        %dma_wait3A_117 = arith.constant 0 : i32
        %dma_wait3A_118 = arith.constant 0 : i32
        %dma_wait3A_119 = arith.constant 0 : i32
        %dma_wait3A_120 = arith.constant 0 : i32
        %dma_wait3A_121 = tpu.memref_slice %arg18[%dma_wait3A_117, %dma_wait3A_118, %dma_wait3A_119, %dma_wait3A_120] : memref<2x8x4x128xf32, #tpu.memory_space<vmem>> -> memref<1x8x4x128xf32, #tpu.memory_space<vmem>>
        %dma_wait3A_122 = tpu.memref_squeeze %dma_wait3A_121 : memref<1x8x4x128xf32, #tpu.memory_space<vmem>> -> memref<8x4x128xf32, #tpu.memory_space<vmem>>
        %dma_wait3A_123 = arith.constant 0 : i32
        %dma_wait3A_124 = arith.constant 0 : i32
        %dma_wait3A_125 = tpu.memref_slice %arg10[%mul3A_91, %dma_wait3A_123, %dma_wait3A_124] : memref<50000x4x128xf32, #tpu.memory_space<hbm>> -> memref<8x4x128xf32, #tpu.memory_space<hbm>>
        %dma_wait3A_126 = arith.constant 0 : i32
        %dma_wait3A_127 = arith.constant 0 : i32
        %dma_wait3A_128 = tpu.memref_slice %arg10[%mul3A_91, %dma_wait3A_126, %dma_wait3A_127] : memref<50000x4x128xf32, #tpu.memory_space<hbm>> -> memref<8x4x128xf32, #tpu.memory_space<hbm>>
        %dma_wait3A_129 = arith.constant 0 : i32
        %dma_wait3A_130 = arith.constant 0 : i32
        %dma_wait3A_131 = arith.constant 0 : i32
        %dma_wait3A_132 = tpu.memref_slice %arg18[%dma_wait3A_117, %dma_wait3A_129, %dma_wait3A_130, %dma_wait3A_131] : memref<2x8x4x128xf32, #tpu.memory_space<vmem>> -> memref<1x8x4x128xf32, #tpu.memory_space<vmem>>
        %dma_wait3A_133 = tpu.memref_squeeze %dma_wait3A_132 : memref<1x8x4x128xf32, #tpu.memory_space<vmem>> -> memref<8x4x128xf32, #tpu.memory_space<vmem>>
        tpu.wait_dma2 semaphore(%arg21 : memref<!tpu.dma_semaphore, #tpu.memory_space<semaphore_mem>>) src(%dma_wait3A_133 : memref<8x4x128xf32, #tpu.memory_space<vmem>>) dst(%dma_wait3A_128 : memref<8x4x128xf32, #tpu.memory_space<hbm>>)
      } else {
      }
      %lt3A_53 = arith.constant 6250 : i32
      %lt3A_54 = arith.cmpi slt, %add3A_43, %lt3A_53 : i32
      %convert_element_type3A_55 = arith.extui %lt3A_54 : i1 to i32
      %cond3A_56 = arith.constant 0 : i32
      %cond3A_57 = arith.cmpi ne, %convert_element_type3A_55, %cond3A_56 : i32
      scf.if %cond3A_57 {
        %mul3A_88 = arith.constant 1024 : i32
        %mul3A_89 = arith.muli %add3A_43, %mul3A_88 : i32
        %dma_wait3A = arith.constant 0 : i32
        %dma_wait3A_90 = arith.constant 0 : i32
        %dma_wait3A_91 = arith.constant 0 : i32
        %dma_wait3A_92 = arith.constant 0 : i32
        %dma_wait3A_93 = arith.constant 0 : i32
        %dma_wait3A_94 = tpu.memref_slice %arg12[%dma_wait3A_91, %dma_wait3A_92, %dma_wait3A_93] : memref<2x2048x8xf32, #tpu.memory_space<vmem>> -> memref<1x128x8xf32, #tpu.memory_space<vmem>>
        %dma_wait3A_95 = tpu.memref_squeeze %dma_wait3A_94 : memref<1x128x8xf32, #tpu.memory_space<vmem>> -> memref<128x8xf32, #tpu.memory_space<vmem>>
        %dma_wait3A_96 = arith.constant 0 : i32
        %dma_wait3A_97 = tpu.memref_slice %arg11[%dma_wait3A, %dma_wait3A_90, %dma_wait3A_96] : memref<2x16x128xi32, #tpu.memory_space<vmem>> -> memref<1x1x128xi32, #tpu.memory_space<vmem>>
        %dma_wait3A_98 = tpu.memref_squeeze %dma_wait3A_97 : memref<1x1x128xi32, #tpu.memory_space<vmem>> -> memref<128xi32, #tpu.memory_space<vmem>>
        %dma_wait3A_99 = arith.constant 0 : i32
        %dma_wait3A_100 = arith.constant 0 : i32
        %dma_wait3A_101 = tpu.memref_slice %arg2[%dma_wait3A_99, %dma_wait3A_100] : memref<100000x8xf32, #tpu.memory_space<hbm>> -> memref<100000x8xf32, #tpu.memory_space<hbm>>
        tpu.wait_indirect_dma semaphore(%arg19 : memref<!tpu.dma_semaphore, #tpu.memory_space<semaphore_mem>>) src(%dma_wait3A_101 : memref<100000x8xf32, #tpu.memory_space<hbm>>) dst(%dma_wait3A_95 : memref<128x8xf32, #tpu.memory_space<vmem>>)
        %dma_wait3A_102 = arith.constant 0 : i32
        %dma_wait3A_103 = arith.constant 1 : i32
        %dma_wait3A_104 = arith.constant 0 : i32
        %dma_wait3A_105 = arith.constant 128 : i32
        %dma_wait3A_106 = arith.constant 0 : i32
        %dma_wait3A_107 = tpu.memref_slice %arg12[%dma_wait3A_104, %dma_wait3A_105, %dma_wait3A_106] : memref<2x2048x8xf32, #tpu.memory_space<vmem>> -> memref<1x128x8xf32, #tpu.memory_space<vmem>>
        %dma_wait3A_108 = tpu.memref_squeeze %dma_wait3A_107 : memref<1x128x8xf32, #tpu.memory_space<vmem>> -> memref<128x8xf32, #tpu.memory_space<vmem>>
        %dma_wait3A_109 = arith.constant 0 : i32
        %dma_wait3A_110 = tpu.memref_slice %arg11[%dma_wait3A_102, %dma_wait3A_103, %dma_wait3A_109] : memref<2x16x128xi32, #tpu.memory_space<vmem>> -> memref<1x1x128xi32, #tpu.memory_space<vmem>>
        %dma_wait3A_111 = tpu.memref_squeeze %dma_wait3A_110 : memref<1x1x128xi32, #tpu.memory_space<vmem>> -> memref<128xi32, #tpu.memory_space<vmem>>
        %dma_wait3A_112 = arith.constant 0 : i32
        %dma_wait3A_113 = arith.constant 0 : i32
        %dma_wait3A_114 = tpu.memref_slice %arg2[%dma_wait3A_112, %dma_wait3A_113] : memref<100000x8xf32, #tpu.memory_space<hbm>> -> memref<100000x8xf32, #tpu.memory_space<hbm>>
        tpu.wait_indirect_dma semaphore(%arg19 : memref<!tpu.dma_semaphore, #tpu.memory_space<semaphore_mem>>) src(%dma_wait3A_114 : memref<100000x8xf32, #tpu.memory_space<hbm>>) dst(%dma_wait3A_108 : memref<128x8xf32, #tpu.memory_space<vmem>>)
        %dma_wait3A_115 = arith.constant 0 : i32
        %dma_wait3A_116 = arith.constant 2 : i32
        %dma_wait3A_117 = arith.constant 0 : i32
        %dma_wait3A_118 = arith.constant 256 : i32
        %dma_wait3A_119 = arith.constant 0 : i32
        %dma_wait3A_120 = tpu.memref_slice %arg12[%dma_wait3A_117, %dma_wait3A_118, %dma_wait3A_119] : memref<2x2048x8xf32, #tpu.memory_space<vmem>> -> memref<1x128x8xf32, #tpu.memory_space<vmem>>
        %dma_wait3A_121 = tpu.memref_squeeze %dma_wait3A_120 : memref<1x128x8xf32, #tpu.memory_space<vmem>> -> memref<128x8xf32, #tpu.memory_space<vmem>>
        %dma_wait3A_122 = arith.constant 0 : i32
        %dma_wait3A_123 = tpu.memref_slice %arg11[%dma_wait3A_115, %dma_wait3A_116, %dma_wait3A_122] : memref<2x16x128xi32, #tpu.memory_space<vmem>> -> memref<1x1x128xi32, #tpu.memory_space<vmem>>
        %dma_wait3A_124 = tpu.memref_squeeze %dma_wait3A_123 : memref<1x1x128xi32, #tpu.memory_space<vmem>> -> memref<128xi32, #tpu.memory_space<vmem>>
        %dma_wait3A_125 = arith.constant 0 : i32
        %dma_wait3A_126 = arith.constant 0 : i32
        %dma_wait3A_127 = tpu.memref_slice %arg2[%dma_wait3A_125, %dma_wait3A_126] : memref<100000x8xf32, #tpu.memory_space<hbm>> -> memref<100000x8xf32, #tpu.memory_space<hbm>>
        tpu.wait_indirect_dma semaphore(%arg19 : memref<!tpu.dma_semaphore, #tpu.memory_space<semaphore_mem>>) src(%dma_wait3A_127 : memref<100000x8xf32, #tpu.memory_space<hbm>>) dst(%dma_wait3A_121 : memref<128x8xf32, #tpu.memory_space<vmem>>)
        %dma_wait3A_128 = arith.constant 0 : i32
        %dma_wait3A_129 = arith.constant 3 : i32
        %dma_wait3A_130 = arith.constant 0 : i32
        %dma_wait3A_131 = arith.constant 384 : i32
        %dma_wait3A_132 = arith.constant 0 : i32
        %dma_wait3A_133 = tpu.memref_slice %arg12[%dma_wait3A_130, %dma_wait3A_131, %dma_wait3A_132] : memref<2x2048x8xf32, #tpu.memory_space<vmem>> -> memref<1x128x8xf32, #tpu.memory_space<vmem>>
        %dma_wait3A_134 = tpu.memref_squeeze %dma_wait3A_133 : memref<1x128x8xf32, #tpu.memory_space<vmem>> -> memref<128x8xf32, #tpu.memory_space<vmem>>
        %dma_wait3A_135 = arith.constant 0 : i32
        %dma_wait3A_136 = tpu.memref_slice %arg11[%dma_wait3A_128, %dma_wait3A_129, %dma_wait3A_135] : memref<2x16x128xi32, #tpu.memory_space<vmem>> -> memref<1x1x128xi32, #tpu.memory_space<vmem>>
        %dma_wait3A_137 = tpu.memref_squeeze %dma_wait3A_136 : memref<1x1x128xi32, #tpu.memory_space<vmem>> -> memref<128xi32, #tpu.memory_space<vmem>>
        %dma_wait3A_138 = arith.constant 0 : i32
        %dma_wait3A_139 = arith.constant 0 : i32
        %dma_wait3A_140 = tpu.memref_slice %arg2[%dma_wait3A_138, %dma_wait3A_139] : memref<100000x8xf32, #tpu.memory_space<hbm>> -> memref<100000x8xf32, #tpu.memory_space<hbm>>
        tpu.wait_indirect_dma semaphore(%arg19 : memref<!tpu.dma_semaphore, #tpu.memory_space<semaphore_mem>>) src(%dma_wait3A_140 : memref<100000x8xf32, #tpu.memory_space<hbm>>) dst(%dma_wait3A_134 : memref<128x8xf32, #tpu.memory_space<vmem>>)
        %dma_wait3A_141 = arith.constant 0 : i32
        %dma_wait3A_142 = arith.constant 4 : i32
        %dma_wait3A_143 = arith.constant 0 : i32
        %dma_wait3A_144 = arith.constant 512 : i32
        %dma_wait3A_145 = arith.constant 0 : i32
        %dma_wait3A_146 = tpu.memref_slice %arg12[%dma_wait3A_143, %dma_wait3A_144, %dma_wait3A_145] : memref<2x2048x8xf32, #tpu.memory_space<vmem>> -> memref<1x128x8xf32, #tpu.memory_space<vmem>>
        %dma_wait3A_147 = tpu.memref_squeeze %dma_wait3A_146 : memref<1x128x8xf32, #tpu.memory_space<vmem>> -> memref<128x8xf32, #tpu.memory_space<vmem>>
        %dma_wait3A_148 = arith.constant 0 : i32
        %dma_wait3A_149 = tpu.memref_slice %arg11[%dma_wait3A_141, %dma_wait3A_142, %dma_wait3A_148] : memref<2x16x128xi32, #tpu.memory_space<vmem>> -> memref<1x1x128xi32, #tpu.memory_space<vmem>>
        %dma_wait3A_150 = tpu.memref_squeeze %dma_wait3A_149 : memref<1x1x128xi32, #tpu.memory_space<vmem>> -> memref<128xi32, #tpu.memory_space<vmem>>
        %dma_wait3A_151 = arith.constant 0 : i32
        %dma_wait3A_152 = arith.constant 0 : i32
        %dma_wait3A_153 = tpu.memref_slice %arg2[%dma_wait3A_151, %dma_wait3A_152] : memref<100000x8xf32, #tpu.memory_space<hbm>> -> memref<100000x8xf32, #tpu.memory_space<hbm>>
        tpu.wait_indirect_dma semaphore(%arg19 : memref<!tpu.dma_semaphore, #tpu.memory_space<semaphore_mem>>) src(%dma_wait3A_153 : memref<100000x8xf32, #tpu.memory_space<hbm>>) dst(%dma_wait3A_147 : memref<128x8xf32, #tpu.memory_space<vmem>>)
        %dma_wait3A_154 = arith.constant 0 : i32
        %dma_wait3A_155 = arith.constant 5 : i32
        %dma_wait3A_156 = arith.constant 0 : i32
        %dma_wait3A_157 = arith.constant 640 : i32
        %dma_wait3A_158 = arith.constant 0 : i32
        %dma_wait3A_159 = tpu.memref_slice %arg12[%dma_wait3A_156, %dma_wait3A_157, %dma_wait3A_158] : memref<2x2048x8xf32, #tpu.memory_space<vmem>> -> memref<1x128x8xf32, #tpu.memory_space<vmem>>
        %dma_wait3A_160 = tpu.memref_squeeze %dma_wait3A_159 : memref<1x128x8xf32, #tpu.memory_space<vmem>> -> memref<128x8xf32, #tpu.memory_space<vmem>>
        %dma_wait3A_161 = arith.constant 0 : i32
        %dma_wait3A_162 = tpu.memref_slice %arg11[%dma_wait3A_154, %dma_wait3A_155, %dma_wait3A_161] : memref<2x16x128xi32, #tpu.memory_space<vmem>> -> memref<1x1x128xi32, #tpu.memory_space<vmem>>
        %dma_wait3A_163 = tpu.memref_squeeze %dma_wait3A_162 : memref<1x1x128xi32, #tpu.memory_space<vmem>> -> memref<128xi32, #tpu.memory_space<vmem>>
        %dma_wait3A_164 = arith.constant 0 : i32
        %dma_wait3A_165 = arith.constant 0 : i32
        %dma_wait3A_166 = tpu.memref_slice %arg2[%dma_wait3A_164, %dma_wait3A_165] : memref<100000x8xf32, #tpu.memory_space<hbm>> -> memref<100000x8xf32, #tpu.memory_space<hbm>>
        tpu.wait_indirect_dma semaphore(%arg19 : memref<!tpu.dma_semaphore, #tpu.memory_space<semaphore_mem>>) src(%dma_wait3A_166 : memref<100000x8xf32, #tpu.memory_space<hbm>>) dst(%dma_wait3A_160 : memref<128x8xf32, #tpu.memory_space<vmem>>)
        %dma_wait3A_167 = arith.constant 0 : i32
        %dma_wait3A_168 = arith.constant 6 : i32
        %dma_wait3A_169 = arith.constant 0 : i32
        %dma_wait3A_170 = arith.constant 768 : i32
        %dma_wait3A_171 = arith.constant 0 : i32
        %dma_wait3A_172 = tpu.memref_slice %arg12[%dma_wait3A_169, %dma_wait3A_170, %dma_wait3A_171] : memref<2x2048x8xf32, #tpu.memory_space<vmem>> -> memref<1x128x8xf32, #tpu.memory_space<vmem>>
        %dma_wait3A_173 = tpu.memref_squeeze %dma_wait3A_172 : memref<1x128x8xf32, #tpu.memory_space<vmem>> -> memref<128x8xf32, #tpu.memory_space<vmem>>
        %dma_wait3A_174 = arith.constant 0 : i32
        %dma_wait3A_175 = tpu.memref_slice %arg11[%dma_wait3A_167, %dma_wait3A_168, %dma_wait3A_174] : memref<2x16x128xi32, #tpu.memory_space<vmem>> -> memref<1x1x128xi32, #tpu.memory_space<vmem>>
        %dma_wait3A_176 = tpu.memref_squeeze %dma_wait3A_175 : memref<1x1x128xi32, #tpu.memory_space<vmem>> -> memref<128xi32, #tpu.memory_space<vmem>>
        %dma_wait3A_177 = arith.constant 0 : i32
        %dma_wait3A_178 = arith.constant 0 : i32
        %dma_wait3A_179 = tpu.memref_slice %arg2[%dma_wait3A_177, %dma_wait3A_178] : memref<100000x8xf32, #tpu.memory_space<hbm>> -> memref<100000x8xf32, #tpu.memory_space<hbm>>
        tpu.wait_indirect_dma semaphore(%arg19 : memref<!tpu.dma_semaphore, #tpu.memory_space<semaphore_mem>>) src(%dma_wait3A_179 : memref<100000x8xf32, #tpu.memory_space<hbm>>) dst(%dma_wait3A_173 : memref<128x8xf32, #tpu.memory_space<vmem>>)
        %dma_wait3A_180 = arith.constant 0 : i32
        %dma_wait3A_181 = arith.constant 7 : i32
        %dma_wait3A_182 = arith.constant 0 : i32
        %dma_wait3A_183 = arith.constant 896 : i32
        %dma_wait3A_184 = arith.constant 0 : i32
        %dma_wait3A_185 = tpu.memref_slice %arg12[%dma_wait3A_182, %dma_wait3A_183, %dma_wait3A_184] : memref<2x2048x8xf32, #tpu.memory_space<vmem>> -> memref<1x128x8xf32, #tpu.memory_space<vmem>>
        %dma_wait3A_186 = tpu.memref_squeeze %dma_wait3A_185 : memref<1x128x8xf32, #tpu.memory_space<vmem>> -> memref<128x8xf32, #tpu.memory_space<vmem>>
        %dma_wait3A_187 = arith.constant 0 : i32
        %dma_wait3A_188 = tpu.memref_slice %arg11[%dma_wait3A_180, %dma_wait3A_181, %dma_wait3A_187] : memref<2x16x128xi32, #tpu.memory_space<vmem>> -> memref<1x1x128xi32, #tpu.memory_space<vmem>>
        %dma_wait3A_189 = tpu.memref_squeeze %dma_wait3A_188 : memref<1x1x128xi32, #tpu.memory_space<vmem>> -> memref<128xi32, #tpu.memory_space<vmem>>
        %dma_wait3A_190 = arith.constant 0 : i32
        %dma_wait3A_191 = arith.constant 0 : i32
        %dma_wait3A_192 = tpu.memref_slice %arg2[%dma_wait3A_190, %dma_wait3A_191] : memref<100000x8xf32, #tpu.memory_space<hbm>> -> memref<100000x8xf32, #tpu.memory_space<hbm>>
        tpu.wait_indirect_dma semaphore(%arg19 : memref<!tpu.dma_semaphore, #tpu.memory_space<semaphore_mem>>) src(%dma_wait3A_192 : memref<100000x8xf32, #tpu.memory_space<hbm>>) dst(%dma_wait3A_186 : memref<128x8xf32, #tpu.memory_space<vmem>>)
        %dma_wait3A_193 = arith.constant 0 : i32
        %dma_wait3A_194 = arith.constant 8 : i32
        %dma_wait3A_195 = arith.constant 0 : i32
        %dma_wait3A_196 = arith.constant 1024 : i32
        %dma_wait3A_197 = arith.constant 0 : i32
        %dma_wait3A_198 = tpu.memref_slice %arg12[%dma_wait3A_195, %dma_wait3A_196, %dma_wait3A_197] : memref<2x2048x8xf32, #tpu.memory_space<vmem>> -> memref<1x128x8xf32, #tpu.memory_space<vmem>>
        %dma_wait3A_199 = tpu.memref_squeeze %dma_wait3A_198 : memref<1x128x8xf32, #tpu.memory_space<vmem>> -> memref<128x8xf32, #tpu.memory_space<vmem>>
        %dma_wait3A_200 = arith.constant 0 : i32
        %dma_wait3A_201 = tpu.memref_slice %arg11[%dma_wait3A_193, %dma_wait3A_194, %dma_wait3A_200] : memref<2x16x128xi32, #tpu.memory_space<vmem>> -> memref<1x1x128xi32, #tpu.memory_space<vmem>>
        %dma_wait3A_202 = tpu.memref_squeeze %dma_wait3A_201 : memref<1x1x128xi32, #tpu.memory_space<vmem>> -> memref<128xi32, #tpu.memory_space<vmem>>
        %dma_wait3A_203 = arith.constant 0 : i32
        %dma_wait3A_204 = arith.constant 0 : i32
        %dma_wait3A_205 = tpu.memref_slice %arg2[%dma_wait3A_203, %dma_wait3A_204] : memref<100000x8xf32, #tpu.memory_space<hbm>> -> memref<100000x8xf32, #tpu.memory_space<hbm>>
        tpu.wait_indirect_dma semaphore(%arg19 : memref<!tpu.dma_semaphore, #tpu.memory_space<semaphore_mem>>) src(%dma_wait3A_205 : memref<100000x8xf32, #tpu.memory_space<hbm>>) dst(%dma_wait3A_199 : memref<128x8xf32, #tpu.memory_space<vmem>>)
        %dma_wait3A_206 = arith.constant 0 : i32
        %dma_wait3A_207 = arith.constant 9 : i32
        %dma_wait3A_208 = arith.constant 0 : i32
        %dma_wait3A_209 = arith.constant 1152 : i32
        %dma_wait3A_210 = arith.constant 0 : i32
        %dma_wait3A_211 = tpu.memref_slice %arg12[%dma_wait3A_208, %dma_wait3A_209, %dma_wait3A_210] : memref<2x2048x8xf32, #tpu.memory_space<vmem>> -> memref<1x128x8xf32, #tpu.memory_space<vmem>>
        %dma_wait3A_212 = tpu.memref_squeeze %dma_wait3A_211 : memref<1x128x8xf32, #tpu.memory_space<vmem>> -> memref<128x8xf32, #tpu.memory_space<vmem>>
        %dma_wait3A_213 = arith.constant 0 : i32
        %dma_wait3A_214 = tpu.memref_slice %arg11[%dma_wait3A_206, %dma_wait3A_207, %dma_wait3A_213] : memref<2x16x128xi32, #tpu.memory_space<vmem>> -> memref<1x1x128xi32, #tpu.memory_space<vmem>>
        %dma_wait3A_215 = tpu.memref_squeeze %dma_wait3A_214 : memref<1x1x128xi32, #tpu.memory_space<vmem>> -> memref<128xi32, #tpu.memory_space<vmem>>
        %dma_wait3A_216 = arith.constant 0 : i32
        %dma_wait3A_217 = arith.constant 0 : i32
        %dma_wait3A_218 = tpu.memref_slice %arg2[%dma_wait3A_216, %dma_wait3A_217] : memref<100000x8xf32, #tpu.memory_space<hbm>> -> memref<100000x8xf32, #tpu.memory_space<hbm>>
        tpu.wait_indirect_dma semaphore(%arg19 : memref<!tpu.dma_semaphore, #tpu.memory_space<semaphore_mem>>) src(%dma_wait3A_218 : memref<100000x8xf32, #tpu.memory_space<hbm>>) dst(%dma_wait3A_212 : memref<128x8xf32, #tpu.memory_space<vmem>>)
        %dma_wait3A_219 = arith.constant 0 : i32
        %dma_wait3A_220 = arith.constant 10 : i32
        %dma_wait3A_221 = arith.constant 0 : i32
        %dma_wait3A_222 = arith.constant 1280 : i32
        %dma_wait3A_223 = arith.constant 0 : i32
        %dma_wait3A_224 = tpu.memref_slice %arg12[%dma_wait3A_221, %dma_wait3A_222, %dma_wait3A_223] : memref<2x2048x8xf32, #tpu.memory_space<vmem>> -> memref<1x128x8xf32, #tpu.memory_space<vmem>>
        %dma_wait3A_225 = tpu.memref_squeeze %dma_wait3A_224 : memref<1x128x8xf32, #tpu.memory_space<vmem>> -> memref<128x8xf32, #tpu.memory_space<vmem>>
        %dma_wait3A_226 = arith.constant 0 : i32
        %dma_wait3A_227 = tpu.memref_slice %arg11[%dma_wait3A_219, %dma_wait3A_220, %dma_wait3A_226] : memref<2x16x128xi32, #tpu.memory_space<vmem>> -> memref<1x1x128xi32, #tpu.memory_space<vmem>>
        %dma_wait3A_228 = tpu.memref_squeeze %dma_wait3A_227 : memref<1x1x128xi32, #tpu.memory_space<vmem>> -> memref<128xi32, #tpu.memory_space<vmem>>
        %dma_wait3A_229 = arith.constant 0 : i32
        %dma_wait3A_230 = arith.constant 0 : i32
        %dma_wait3A_231 = tpu.memref_slice %arg2[%dma_wait3A_229, %dma_wait3A_230] : memref<100000x8xf32, #tpu.memory_space<hbm>> -> memref<100000x8xf32, #tpu.memory_space<hbm>>
        tpu.wait_indirect_dma semaphore(%arg19 : memref<!tpu.dma_semaphore, #tpu.memory_space<semaphore_mem>>) src(%dma_wait3A_231 : memref<100000x8xf32, #tpu.memory_space<hbm>>) dst(%dma_wait3A_225 : memref<128x8xf32, #tpu.memory_space<vmem>>)
        %dma_wait3A_232 = arith.constant 0 : i32
        %dma_wait3A_233 = arith.constant 11 : i32
        %dma_wait3A_234 = arith.constant 0 : i32
        %dma_wait3A_235 = arith.constant 1408 : i32
        %dma_wait3A_236 = arith.constant 0 : i32
        %dma_wait3A_237 = tpu.memref_slice %arg12[%dma_wait3A_234, %dma_wait3A_235, %dma_wait3A_236] : memref<2x2048x8xf32, #tpu.memory_space<vmem>> -> memref<1x128x8xf32, #tpu.memory_space<vmem>>
        %dma_wait3A_238 = tpu.memref_squeeze %dma_wait3A_237 : memref<1x128x8xf32, #tpu.memory_space<vmem>> -> memref<128x8xf32, #tpu.memory_space<vmem>>
        %dma_wait3A_239 = arith.constant 0 : i32
        %dma_wait3A_240 = tpu.memref_slice %arg11[%dma_wait3A_232, %dma_wait3A_233, %dma_wait3A_239] : memref<2x16x128xi32, #tpu.memory_space<vmem>> -> memref<1x1x128xi32, #tpu.memory_space<vmem>>
        %dma_wait3A_241 = tpu.memref_squeeze %dma_wait3A_240 : memref<1x1x128xi32, #tpu.memory_space<vmem>> -> memref<128xi32, #tpu.memory_space<vmem>>
        %dma_wait3A_242 = arith.constant 0 : i32
        %dma_wait3A_243 = arith.constant 0 : i32
        %dma_wait3A_244 = tpu.memref_slice %arg2[%dma_wait3A_242, %dma_wait3A_243] : memref<100000x8xf32, #tpu.memory_space<hbm>> -> memref<100000x8xf32, #tpu.memory_space<hbm>>
        tpu.wait_indirect_dma semaphore(%arg19 : memref<!tpu.dma_semaphore, #tpu.memory_space<semaphore_mem>>) src(%dma_wait3A_244 : memref<100000x8xf32, #tpu.memory_space<hbm>>) dst(%dma_wait3A_238 : memref<128x8xf32, #tpu.memory_space<vmem>>)
        %dma_wait3A_245 = arith.constant 0 : i32
        %dma_wait3A_246 = arith.constant 12 : i32
        %dma_wait3A_247 = arith.constant 0 : i32
        %dma_wait3A_248 = arith.constant 1536 : i32
        %dma_wait3A_249 = arith.constant 0 : i32
        %dma_wait3A_250 = tpu.memref_slice %arg12[%dma_wait3A_247, %dma_wait3A_248, %dma_wait3A_249] : memref<2x2048x8xf32, #tpu.memory_space<vmem>> -> memref<1x128x8xf32, #tpu.memory_space<vmem>>
        %dma_wait3A_251 = tpu.memref_squeeze %dma_wait3A_250 : memref<1x128x8xf32, #tpu.memory_space<vmem>> -> memref<128x8xf32, #tpu.memory_space<vmem>>
        %dma_wait3A_252 = arith.constant 0 : i32
        %dma_wait3A_253 = tpu.memref_slice %arg11[%dma_wait3A_245, %dma_wait3A_246, %dma_wait3A_252] : memref<2x16x128xi32, #tpu.memory_space<vmem>> -> memref<1x1x128xi32, #tpu.memory_space<vmem>>
        %dma_wait3A_254 = tpu.memref_squeeze %dma_wait3A_253 : memref<1x1x128xi32, #tpu.memory_space<vmem>> -> memref<128xi32, #tpu.memory_space<vmem>>
        %dma_wait3A_255 = arith.constant 0 : i32
        %dma_wait3A_256 = arith.constant 0 : i32
        %dma_wait3A_257 = tpu.memref_slice %arg2[%dma_wait3A_255, %dma_wait3A_256] : memref<100000x8xf32, #tpu.memory_space<hbm>> -> memref<100000x8xf32, #tpu.memory_space<hbm>>
        tpu.wait_indirect_dma semaphore(%arg19 : memref<!tpu.dma_semaphore, #tpu.memory_space<semaphore_mem>>) src(%dma_wait3A_257 : memref<100000x8xf32, #tpu.memory_space<hbm>>) dst(%dma_wait3A_251 : memref<128x8xf32, #tpu.memory_space<vmem>>)
        %dma_wait3A_258 = arith.constant 0 : i32
        %dma_wait3A_259 = arith.constant 13 : i32
        %dma_wait3A_260 = arith.constant 0 : i32
        %dma_wait3A_261 = arith.constant 1664 : i32
        %dma_wait3A_262 = arith.constant 0 : i32
        %dma_wait3A_263 = tpu.memref_slice %arg12[%dma_wait3A_260, %dma_wait3A_261, %dma_wait3A_262] : memref<2x2048x8xf32, #tpu.memory_space<vmem>> -> memref<1x128x8xf32, #tpu.memory_space<vmem>>
        %dma_wait3A_264 = tpu.memref_squeeze %dma_wait3A_263 : memref<1x128x8xf32, #tpu.memory_space<vmem>> -> memref<128x8xf32, #tpu.memory_space<vmem>>
        %dma_wait3A_265 = arith.constant 0 : i32
        %dma_wait3A_266 = tpu.memref_slice %arg11[%dma_wait3A_258, %dma_wait3A_259, %dma_wait3A_265] : memref<2x16x128xi32, #tpu.memory_space<vmem>> -> memref<1x1x128xi32, #tpu.memory_space<vmem>>
        %dma_wait3A_267 = tpu.memref_squeeze %dma_wait3A_266 : memref<1x1x128xi32, #tpu.memory_space<vmem>> -> memref<128xi32, #tpu.memory_space<vmem>>
        %dma_wait3A_268 = arith.constant 0 : i32
        %dma_wait3A_269 = arith.constant 0 : i32
        %dma_wait3A_270 = tpu.memref_slice %arg2[%dma_wait3A_268, %dma_wait3A_269] : memref<100000x8xf32, #tpu.memory_space<hbm>> -> memref<100000x8xf32, #tpu.memory_space<hbm>>
        tpu.wait_indirect_dma semaphore(%arg19 : memref<!tpu.dma_semaphore, #tpu.memory_space<semaphore_mem>>) src(%dma_wait3A_270 : memref<100000x8xf32, #tpu.memory_space<hbm>>) dst(%dma_wait3A_264 : memref<128x8xf32, #tpu.memory_space<vmem>>)
        %dma_wait3A_271 = arith.constant 0 : i32
        %dma_wait3A_272 = arith.constant 14 : i32
        %dma_wait3A_273 = arith.constant 0 : i32
        %dma_wait3A_274 = arith.constant 1792 : i32
        %dma_wait3A_275 = arith.constant 0 : i32
        %dma_wait3A_276 = tpu.memref_slice %arg12[%dma_wait3A_273, %dma_wait3A_274, %dma_wait3A_275] : memref<2x2048x8xf32, #tpu.memory_space<vmem>> -> memref<1x128x8xf32, #tpu.memory_space<vmem>>
        %dma_wait3A_277 = tpu.memref_squeeze %dma_wait3A_276 : memref<1x128x8xf32, #tpu.memory_space<vmem>> -> memref<128x8xf32, #tpu.memory_space<vmem>>
        %dma_wait3A_278 = arith.constant 0 : i32
        %dma_wait3A_279 = tpu.memref_slice %arg11[%dma_wait3A_271, %dma_wait3A_272, %dma_wait3A_278] : memref<2x16x128xi32, #tpu.memory_space<vmem>> -> memref<1x1x128xi32, #tpu.memory_space<vmem>>
        %dma_wait3A_280 = tpu.memref_squeeze %dma_wait3A_279 : memref<1x1x128xi32, #tpu.memory_space<vmem>> -> memref<128xi32, #tpu.memory_space<vmem>>
        %dma_wait3A_281 = arith.constant 0 : i32
        %dma_wait3A_282 = arith.constant 0 : i32
        %dma_wait3A_283 = tpu.memref_slice %arg2[%dma_wait3A_281, %dma_wait3A_282] : memref<100000x8xf32, #tpu.memory_space<hbm>> -> memref<100000x8xf32, #tpu.memory_space<hbm>>
        tpu.wait_indirect_dma semaphore(%arg19 : memref<!tpu.dma_semaphore, #tpu.memory_space<semaphore_mem>>) src(%dma_wait3A_283 : memref<100000x8xf32, #tpu.memory_space<hbm>>) dst(%dma_wait3A_277 : memref<128x8xf32, #tpu.memory_space<vmem>>)
        %dma_wait3A_284 = arith.constant 0 : i32
        %dma_wait3A_285 = arith.constant 15 : i32
        %dma_wait3A_286 = arith.constant 0 : i32
        %dma_wait3A_287 = arith.constant 1920 : i32
        %dma_wait3A_288 = arith.constant 0 : i32
        %dma_wait3A_289 = tpu.memref_slice %arg12[%dma_wait3A_286, %dma_wait3A_287, %dma_wait3A_288] : memref<2x2048x8xf32, #tpu.memory_space<vmem>> -> memref<1x128x8xf32, #tpu.memory_space<vmem>>
        %dma_wait3A_290 = tpu.memref_squeeze %dma_wait3A_289 : memref<1x128x8xf32, #tpu.memory_space<vmem>> -> memref<128x8xf32, #tpu.memory_space<vmem>>
        %dma_wait3A_291 = arith.constant 0 : i32
        %dma_wait3A_292 = tpu.memref_slice %arg11[%dma_wait3A_284, %dma_wait3A_285, %dma_wait3A_291] : memref<2x16x128xi32, #tpu.memory_space<vmem>> -> memref<1x1x128xi32, #tpu.memory_space<vmem>>
        %dma_wait3A_293 = tpu.memref_squeeze %dma_wait3A_292 : memref<1x1x128xi32, #tpu.memory_space<vmem>> -> memref<128xi32, #tpu.memory_space<vmem>>
        %dma_wait3A_294 = arith.constant 0 : i32
        %dma_wait3A_295 = arith.constant 0 : i32
        %dma_wait3A_296 = tpu.memref_slice %arg2[%dma_wait3A_294, %dma_wait3A_295] : memref<100000x8xf32, #tpu.memory_space<hbm>> -> memref<100000x8xf32, #tpu.memory_space<hbm>>
        tpu.wait_indirect_dma semaphore(%arg19 : memref<!tpu.dma_semaphore, #tpu.memory_space<semaphore_mem>>) src(%dma_wait3A_296 : memref<100000x8xf32, #tpu.memory_space<hbm>>) dst(%dma_wait3A_290 : memref<128x8xf32, #tpu.memory_space<vmem>>)
        %dma_wait3A_297 = arith.constant 0 : i32
        %dma_wait3A_298 = arith.constant 0 : i32
        %dma_wait3A_299 = tpu.memref_slice %arg13[%dma_wait3A_297, %dma_wait3A_298] : memref<2x1024xf32, #tpu.memory_space<vmem>> -> memref<1x1024xf32, #tpu.memory_space<vmem>>
        %dma_wait3A_300 = tpu.memref_squeeze %dma_wait3A_299 : memref<1x1024xf32, #tpu.memory_space<vmem>> -> memref<1024xf32, #tpu.memory_space<vmem>>
        %dma_wait3A_301 = tpu.memref_slice %arg5[%mul3A_89] : memref<6400000xf32, #tpu.memory_space<hbm>> -> memref<1024xf32, #tpu.memory_space<hbm>>
        %dma_wait3A_302 = arith.constant 0 : i32
        %dma_wait3A_303 = tpu.memref_slice %arg13[%dma_wait3A_297, %dma_wait3A_302] : memref<2x1024xf32, #tpu.memory_space<vmem>> -> memref<1x1024xf32, #tpu.memory_space<vmem>>
        %dma_wait3A_304 = tpu.memref_squeeze %dma_wait3A_303 : memref<1x1024xf32, #tpu.memory_space<vmem>> -> memref<1024xf32, #tpu.memory_space<vmem>>
        %dma_wait3A_305 = tpu.memref_slice %arg5[%mul3A_89] : memref<6400000xf32, #tpu.memory_space<hbm>> -> memref<1024xf32, #tpu.memory_space<hbm>>
        tpu.wait_dma2 semaphore(%arg19 : memref<!tpu.dma_semaphore, #tpu.memory_space<semaphore_mem>>) src(%dma_wait3A_305 : memref<1024xf32, #tpu.memory_space<hbm>>) dst(%dma_wait3A_304 : memref<1024xf32, #tpu.memory_space<vmem>>)
        %dma_wait3A_306 = arith.constant 0 : i32
        %dma_wait3A_307 = arith.constant 0 : i32
        %dma_wait3A_308 = tpu.memref_slice %arg14[%dma_wait3A_306, %dma_wait3A_307] : memref<2x1024xf32, #tpu.memory_space<vmem>> -> memref<1x1024xf32, #tpu.memory_space<vmem>>
        %dma_wait3A_309 = tpu.memref_squeeze %dma_wait3A_308 : memref<1x1024xf32, #tpu.memory_space<vmem>> -> memref<1024xf32, #tpu.memory_space<vmem>>
        %dma_wait3A_310 = tpu.memref_slice %arg6[%mul3A_89] : memref<6400000xf32, #tpu.memory_space<hbm>> -> memref<1024xf32, #tpu.memory_space<hbm>>
        %dma_wait3A_311 = arith.constant 0 : i32
        %dma_wait3A_312 = tpu.memref_slice %arg14[%dma_wait3A_306, %dma_wait3A_311] : memref<2x1024xf32, #tpu.memory_space<vmem>> -> memref<1x1024xf32, #tpu.memory_space<vmem>>
        %dma_wait3A_313 = tpu.memref_squeeze %dma_wait3A_312 : memref<1x1024xf32, #tpu.memory_space<vmem>> -> memref<1024xf32, #tpu.memory_space<vmem>>
        %dma_wait3A_314 = tpu.memref_slice %arg6[%mul3A_89] : memref<6400000xf32, #tpu.memory_space<hbm>> -> memref<1024xf32, #tpu.memory_space<hbm>>
        tpu.wait_dma2 semaphore(%arg19 : memref<!tpu.dma_semaphore, #tpu.memory_space<semaphore_mem>>) src(%dma_wait3A_314 : memref<1024xf32, #tpu.memory_space<hbm>>) dst(%dma_wait3A_313 : memref<1024xf32, #tpu.memory_space<vmem>>)
        %dma_wait3A_315 = arith.constant 0 : i32
        %dma_wait3A_316 = arith.constant 0 : i32
        %dma_wait3A_317 = tpu.memref_slice %arg15[%dma_wait3A_315, %dma_wait3A_316] : memref<2x1024xf32, #tpu.memory_space<vmem>> -> memref<1x1024xf32, #tpu.memory_space<vmem>>
        %dma_wait3A_318 = tpu.memref_squeeze %dma_wait3A_317 : memref<1x1024xf32, #tpu.memory_space<vmem>> -> memref<1024xf32, #tpu.memory_space<vmem>>
        %dma_wait3A_319 = tpu.memref_slice %arg7[%mul3A_89] : memref<6400000xf32, #tpu.memory_space<hbm>> -> memref<1024xf32, #tpu.memory_space<hbm>>
        %dma_wait3A_320 = arith.constant 0 : i32
        %dma_wait3A_321 = tpu.memref_slice %arg15[%dma_wait3A_315, %dma_wait3A_320] : memref<2x1024xf32, #tpu.memory_space<vmem>> -> memref<1x1024xf32, #tpu.memory_space<vmem>>
        %dma_wait3A_322 = tpu.memref_squeeze %dma_wait3A_321 : memref<1x1024xf32, #tpu.memory_space<vmem>> -> memref<1024xf32, #tpu.memory_space<vmem>>
        %dma_wait3A_323 = tpu.memref_slice %arg7[%mul3A_89] : memref<6400000xf32, #tpu.memory_space<hbm>> -> memref<1024xf32, #tpu.memory_space<hbm>>
        tpu.wait_dma2 semaphore(%arg19 : memref<!tpu.dma_semaphore, #tpu.memory_space<semaphore_mem>>) src(%dma_wait3A_323 : memref<1024xf32, #tpu.memory_space<hbm>>) dst(%dma_wait3A_322 : memref<1024xf32, #tpu.memory_space<vmem>>)
        %parallel_loop3A = arith.constant 0 : i32
        %parallel_loop3A_324 = arith.constant 1024 : i32
        %parallel_loop3A_325 = arith.constant 16 : i32
        scf.for %parallel_loop3A_372 = %parallel_loop3A to %parallel_loop3A_324 step %parallel_loop3A_325  : i32 {
          %parallel_loop3A_373 = arith.constant 128 : i32
          %parallel_loop3A_374 = arith.divsi %parallel_loop3A_372, %parallel_loop3A_373 : i32
          %parallel_loop3A_375 = arith.constant 128 : i32
          %parallel_loop3A_376 = arith.muli %parallel_loop3A_374, %parallel_loop3A_375 : i32
          %parallel_loop3A_377 = arith.subi %parallel_loop3A_372, %parallel_loop3A_376 : i32
          %parallel_loop3A_378 = tpu.iota {dimensions = array<i32: 0>} : vector<16xi32>
          %parallel_loop3A_379 = vector.broadcast %parallel_loop3A_372 : i32 to vector<16xi32>
          %parallel_loop3A_380 = arith.addi %parallel_loop3A_378, %parallel_loop3A_379 : vector<16xi32>
          %parallel_loop3A_381 = arith.constant 1024 : i32
          %parallel_loop3A_382 = vector.broadcast %parallel_loop3A_381 : i32 to vector<16xi32>
          %parallel_loop3A_383 = arith.addi %parallel_loop3A_380, %parallel_loop3A_382 : vector<16xi32>
          %parallel_loop3A_384 = arith.constant 0 : i32
          %parallel_loop3A_385 = vector.broadcast %parallel_loop3A_384 : i32 to vector<16xi32>
          %parallel_loop3A_386 = arith.constant 1 : i32
          %parallel_loop3A_387 = vector.broadcast %parallel_loop3A_386 : i32 to vector<16xi32>
          %parallel_loop3A_388 = arith.constant 2 : i32
          %parallel_loop3A_389 = vector.broadcast %parallel_loop3A_388 : i32 to vector<16xi32>
          %parallel_loop3A_390 = arith.constant 0 : i32
          %parallel_loop3A_391 = arith.constant 0 : i32
          %parallel_loop3A_392 = arith.constant 0 : i32
          %parallel_loop3A_393 = tpu.memref_slice %arg12[%parallel_loop3A_390, %parallel_loop3A_391, %parallel_loop3A_392] : memref<2x2048x8xf32, #tpu.memory_space<vmem>> -> memref<1x2048x8xf32, #tpu.memory_space<vmem>>
          %parallel_loop3A_394 = tpu.memref_squeeze %parallel_loop3A_393 : memref<1x2048x8xf32, #tpu.memory_space<vmem>> -> memref<2048x8xf32, #tpu.memory_space<vmem>>
          %parallel_loop3A_395 = tpu.vector_load_idx %parallel_loop3A_394[%parallel_loop3A_383, %parallel_loop3A_385] : memref<2048x8xf32, #tpu.memory_space<vmem>>[vector<16xi32>, vector<16xi32>], vector<16xf32>,
          %parallel_loop3A_396 = arith.constant 0 : i32
          %parallel_loop3A_397 = arith.constant 0 : i32
          %parallel_loop3A_398 = arith.constant 0 : i32
          %parallel_loop3A_399 = tpu.memref_slice %arg12[%parallel_loop3A_396, %parallel_loop3A_397, %parallel_loop3A_398] : memref<2x2048x8xf32, #tpu.memory_space<vmem>> -> memref<1x2048x8xf32, #tpu.memory_space<vmem>>
          %parallel_loop3A_400 = tpu.memref_squeeze %parallel_loop3A_399 : memref<1x2048x8xf32, #tpu.memory_space<vmem>> -> memref<2048x8xf32, #tpu.memory_space<vmem>>
          %parallel_loop3A_401 = tpu.vector_load_idx %parallel_loop3A_400[%parallel_loop3A_380, %parallel_loop3A_385] : memref<2048x8xf32, #tpu.memory_space<vmem>>[vector<16xi32>, vector<16xi32>], vector<16xf32>,
          %parallel_loop3A_402 = arith.subf %parallel_loop3A_395, %parallel_loop3A_401 : vector<16xf32>
          %parallel_loop3A_403 = arith.constant 0 : i32
          %parallel_loop3A_404 = arith.index_cast %parallel_loop3A_403 : i32 to index
          %parallel_loop3A_405 = arith.index_cast %parallel_loop3A_372 : i32 to index
          %parallel_loop3A_406 = tpu.vector_load %arg13[%parallel_loop3A_404, %parallel_loop3A_405] {strides = array<i32>} : memref<2x1024xf32, #tpu.memory_space<vmem>>, vector<16xf32>,
          %parallel_loop3A_407 = arith.addf %parallel_loop3A_402, %parallel_loop3A_406 : vector<16xf32>
          %parallel_loop3A_408 = arith.constant 0 : i32
          %parallel_loop3A_409 = arith.constant 0 : i32
          %parallel_loop3A_410 = arith.constant 0 : i32
          %parallel_loop3A_411 = tpu.memref_slice %arg12[%parallel_loop3A_408, %parallel_loop3A_409, %parallel_loop3A_410] : memref<2x2048x8xf32, #tpu.memory_space<vmem>> -> memref<1x2048x8xf32, #tpu.memory_space<vmem>>
          %parallel_loop3A_412 = tpu.memref_squeeze %parallel_loop3A_411 : memref<1x2048x8xf32, #tpu.memory_space<vmem>> -> memref<2048x8xf32, #tpu.memory_space<vmem>>
          %parallel_loop3A_413 = tpu.vector_load_idx %parallel_loop3A_412[%parallel_loop3A_383, %parallel_loop3A_387] : memref<2048x8xf32, #tpu.memory_space<vmem>>[vector<16xi32>, vector<16xi32>], vector<16xf32>,
          %parallel_loop3A_414 = arith.constant 0 : i32
          %parallel_loop3A_415 = arith.constant 0 : i32
          %parallel_loop3A_416 = arith.constant 0 : i32
          %parallel_loop3A_417 = tpu.memref_slice %arg12[%parallel_loop3A_414, %parallel_loop3A_415, %parallel_loop3A_416] : memref<2x2048x8xf32, #tpu.memory_space<vmem>> -> memref<1x2048x8xf32, #tpu.memory_space<vmem>>
          %parallel_loop3A_418 = tpu.memref_squeeze %parallel_loop3A_417 : memref<1x2048x8xf32, #tpu.memory_space<vmem>> -> memref<2048x8xf32, #tpu.memory_space<vmem>>
          %parallel_loop3A_419 = tpu.vector_load_idx %parallel_loop3A_418[%parallel_loop3A_380, %parallel_loop3A_387] : memref<2048x8xf32, #tpu.memory_space<vmem>>[vector<16xi32>, vector<16xi32>], vector<16xf32>,
          %parallel_loop3A_420 = arith.subf %parallel_loop3A_413, %parallel_loop3A_419 : vector<16xf32>
          %parallel_loop3A_421 = arith.constant 0 : i32
          %parallel_loop3A_422 = arith.index_cast %parallel_loop3A_421 : i32 to index
          %parallel_loop3A_423 = arith.index_cast %parallel_loop3A_372 : i32 to index
          %parallel_loop3A_424 = tpu.vector_load %arg14[%parallel_loop3A_422, %parallel_loop3A_423] {strides = array<i32>} : memref<2x1024xf32, #tpu.memory_space<vmem>>, vector<16xf32>,
          %parallel_loop3A_425 = arith.addf %parallel_loop3A_420, %parallel_loop3A_424 : vector<16xf32>
          %parallel_loop3A_426 = arith.constant 0 : i32
          %parallel_loop3A_427 = arith.constant 0 : i32
          %parallel_loop3A_428 = arith.constant 0 : i32
          %parallel_loop3A_429 = tpu.memref_slice %arg12[%parallel_loop3A_426, %parallel_loop3A_427, %parallel_loop3A_428] : memref<2x2048x8xf32, #tpu.memory_space<vmem>> -> memref<1x2048x8xf32, #tpu.memory_space<vmem>>
          %parallel_loop3A_430 = tpu.memref_squeeze %parallel_loop3A_429 : memref<1x2048x8xf32, #tpu.memory_space<vmem>> -> memref<2048x8xf32, #tpu.memory_space<vmem>>
          %parallel_loop3A_431 = tpu.vector_load_idx %parallel_loop3A_430[%parallel_loop3A_383, %parallel_loop3A_389] : memref<2048x8xf32, #tpu.memory_space<vmem>>[vector<16xi32>, vector<16xi32>], vector<16xf32>,
          %parallel_loop3A_432 = arith.constant 0 : i32
          %parallel_loop3A_433 = arith.constant 0 : i32
          %parallel_loop3A_434 = arith.constant 0 : i32
          %parallel_loop3A_435 = tpu.memref_slice %arg12[%parallel_loop3A_432, %parallel_loop3A_433, %parallel_loop3A_434] : memref<2x2048x8xf32, #tpu.memory_space<vmem>> -> memref<1x2048x8xf32, #tpu.memory_space<vmem>>
          %parallel_loop3A_436 = tpu.memref_squeeze %parallel_loop3A_435 : memref<1x2048x8xf32, #tpu.memory_space<vmem>> -> memref<2048x8xf32, #tpu.memory_space<vmem>>
          %parallel_loop3A_437 = tpu.vector_load_idx %parallel_loop3A_436[%parallel_loop3A_380, %parallel_loop3A_389] : memref<2048x8xf32, #tpu.memory_space<vmem>>[vector<16xi32>, vector<16xi32>], vector<16xf32>,
          %parallel_loop3A_438 = arith.subf %parallel_loop3A_431, %parallel_loop3A_437 : vector<16xf32>
          %parallel_loop3A_439 = arith.constant 0 : i32
          %parallel_loop3A_440 = arith.index_cast %parallel_loop3A_439 : i32 to index
          %parallel_loop3A_441 = arith.index_cast %parallel_loop3A_372 : i32 to index
          %parallel_loop3A_442 = tpu.vector_load %arg15[%parallel_loop3A_440, %parallel_loop3A_441] {strides = array<i32>} : memref<2x1024xf32, #tpu.memory_space<vmem>>, vector<16xf32>,
          %parallel_loop3A_443 = arith.addf %parallel_loop3A_438, %parallel_loop3A_442 : vector<16xf32>
          %parallel_loop3A_444 = arith.mulf %parallel_loop3A_407, %parallel_loop3A_407 : vector<16xf32>
          %parallel_loop3A_445 = arith.mulf %parallel_loop3A_425, %parallel_loop3A_425 : vector<16xf32>
          %parallel_loop3A_446 = arith.addf %parallel_loop3A_444, %parallel_loop3A_445 : vector<16xf32>
          %parallel_loop3A_447 = arith.mulf %parallel_loop3A_443, %parallel_loop3A_443 : vector<16xf32>
          %parallel_loop3A_448 = arith.addf %parallel_loop3A_446, %parallel_loop3A_447 : vector<16xf32>
          %parallel_loop3A_449 = tpu.bitcast %parallel_loop3A_448 : vector<16xf32> -> vector<16xi32>
          %parallel_loop3A_450 = arith.constant 1 : i32
          %parallel_loop3A_451 = vector.broadcast %parallel_loop3A_450 : i32 to vector<16xi32>
          %parallel_loop3A_452 = arith.shrsi %parallel_loop3A_449, %parallel_loop3A_451 : vector<16xi32>
          %parallel_loop3A_453 = arith.constant 1597463007 : i32
          %parallel_loop3A_454 = vector.broadcast %parallel_loop3A_453 : i32 to vector<16xi32>
          %parallel_loop3A_455 = arith.subi %parallel_loop3A_454, %parallel_loop3A_452 : vector<16xi32>
          %parallel_loop3A_456 = tpu.bitcast %parallel_loop3A_455 : vector<16xi32> -> vector<16xf32>
          %parallel_loop3A_457 = arith.constant 5.000000e-01 : f32
          %parallel_loop3A_458 = vector.broadcast %parallel_loop3A_457 : f32 to vector<16xf32>
          %parallel_loop3A_459 = arith.mulf %parallel_loop3A_458, %parallel_loop3A_448 : vector<16xf32>
          %parallel_loop3A_460 = arith.mulf %parallel_loop3A_459, %parallel_loop3A_456 : vector<16xf32>
          %parallel_loop3A_461 = arith.mulf %parallel_loop3A_460, %parallel_loop3A_456 : vector<16xf32>
          %parallel_loop3A_462 = arith.constant 1.500000e+00 : f32
          %parallel_loop3A_463 = vector.broadcast %parallel_loop3A_462 : f32 to vector<16xf32>
          %parallel_loop3A_464 = arith.subf %parallel_loop3A_463, %parallel_loop3A_461 : vector<16xf32>
          %parallel_loop3A_465 = arith.mulf %parallel_loop3A_456, %parallel_loop3A_464 : vector<16xf32>
          %parallel_loop3A_466 = arith.mulf %parallel_loop3A_459, %parallel_loop3A_465 : vector<16xf32>
          %parallel_loop3A_467 = arith.mulf %parallel_loop3A_466, %parallel_loop3A_465 : vector<16xf32>
          %parallel_loop3A_468 = arith.constant 1.500000e+00 : f32
          %parallel_loop3A_469 = vector.broadcast %parallel_loop3A_468 : f32 to vector<16xf32>
          %parallel_loop3A_470 = arith.subf %parallel_loop3A_469, %parallel_loop3A_467 : vector<16xf32>
          %parallel_loop3A_471 = arith.mulf %parallel_loop3A_465, %parallel_loop3A_470 : vector<16xf32>
          %parallel_loop3A_472 = arith.mulf %parallel_loop3A_448, %parallel_loop3A_471 : vector<16xf32>
          %parallel_loop3A_473 = arith.constant 0 : i32
          %parallel_loop3A_474 = arith.index_cast %parallel_loop3A_473 : i32 to index
          %parallel_loop3A_475 = arith.index_cast %parallel_loop3A_372 : i32 to index
          %parallel_loop3A_476 = tpu.vector_load %arg16[%parallel_loop3A_474, %parallel_loop3A_475] {strides = array<i32>} : memref<2x1024xf32, #tpu.memory_space<vmem>>, vector<16xf32>,
          tpu.vector_store %arg16[%parallel_loop3A_474, %parallel_loop3A_475], %parallel_loop3A_472 {strides = array<i32>} : memref<2x1024xf32, #tpu.memory_space<vmem>>, vector<16xf32>,
          %parallel_loop3A_477 = arith.mulf %parallel_loop3A_407, %parallel_loop3A_471 : vector<16xf32>
          %parallel_loop3A_478 = arith.constant 0 : i32
          %parallel_loop3A_479 = arith.constant 0 : i32
          %parallel_loop3A_480 = arith.index_cast %parallel_loop3A_478 : i32 to index
          %parallel_loop3A_481 = arith.index_cast %parallel_loop3A_374 : i32 to index
          %parallel_loop3A_482 = arith.index_cast %parallel_loop3A_479 : i32 to index
          %parallel_loop3A_483 = arith.index_cast %parallel_loop3A_377 : i32 to index
          %parallel_loop3A_484 = tpu.vector_load %arg18[%parallel_loop3A_480, %parallel_loop3A_481, %parallel_loop3A_482, %parallel_loop3A_483] {strides = array<i32>} : memref<2x8x4x128xf32, #tpu.memory_space<vmem>>, vector<16xf32>,
          tpu.vector_store %arg18[%parallel_loop3A_480, %parallel_loop3A_481, %parallel_loop3A_482, %parallel_loop3A_483], %parallel_loop3A_477 {strides = array<i32>} : memref<2x8x4x128xf32, #tpu.memory_space<vmem>>, vector<16xf32>,
          %parallel_loop3A_485 = arith.mulf %parallel_loop3A_425, %parallel_loop3A_471 : vector<16xf32>
          %parallel_loop3A_486 = arith.constant 0 : i32
          %parallel_loop3A_487 = arith.constant 1 : i32
          %parallel_loop3A_488 = arith.index_cast %parallel_loop3A_486 : i32 to index
          %parallel_loop3A_489 = arith.index_cast %parallel_loop3A_374 : i32 to index
          %parallel_loop3A_490 = arith.index_cast %parallel_loop3A_487 : i32 to index
          %parallel_loop3A_491 = arith.index_cast %parallel_loop3A_377 : i32 to index
          %parallel_loop3A_492 = tpu.vector_load %arg18[%parallel_loop3A_488, %parallel_loop3A_489, %parallel_loop3A_490, %parallel_loop3A_491] {strides = array<i32>} : memref<2x8x4x128xf32, #tpu.memory_space<vmem>>, vector<16xf32>,
          tpu.vector_store %arg18[%parallel_loop3A_488, %parallel_loop3A_489, %parallel_loop3A_490, %parallel_loop3A_491], %parallel_loop3A_485 {strides = array<i32>} : memref<2x8x4x128xf32, #tpu.memory_space<vmem>>, vector<16xf32>,
          %parallel_loop3A_493 = arith.mulf %parallel_loop3A_443, %parallel_loop3A_471 : vector<16xf32>
          %parallel_loop3A_494 = arith.constant 0 : i32
          %parallel_loop3A_495 = arith.constant 2 : i32
          %parallel_loop3A_496 = arith.index_cast %parallel_loop3A_494 : i32 to index
          %parallel_loop3A_497 = arith.index_cast %parallel_loop3A_374 : i32 to index
          %parallel_loop3A_498 = arith.index_cast %parallel_loop3A_495 : i32 to index
          %parallel_loop3A_499 = arith.index_cast %parallel_loop3A_377 : i32 to index
          %parallel_loop3A_500 = tpu.vector_load %arg18[%parallel_loop3A_496, %parallel_loop3A_497, %parallel_loop3A_498, %parallel_loop3A_499] {strides = array<i32>} : memref<2x8x4x128xf32, #tpu.memory_space<vmem>>, vector<16xf32>,
          tpu.vector_store %arg18[%parallel_loop3A_496, %parallel_loop3A_497, %parallel_loop3A_498, %parallel_loop3A_499], %parallel_loop3A_493 {strides = array<i32>} : memref<2x8x4x128xf32, #tpu.memory_space<vmem>>, vector<16xf32>,
          %parallel_loop3A_501 = arith.constant 5.000000e+00 : f32
          %parallel_loop3A_502 = vector.broadcast %parallel_loop3A_501 : f32 to vector<16xf32>
          %parallel_loop3A_503 = arith.minimumf %parallel_loop3A_472, %parallel_loop3A_502 : vector<16xf32>
          %parallel_loop3A_504 = arith.constant 0.628318548 : f32
          %parallel_loop3A_505 = vector.broadcast %parallel_loop3A_504 : f32 to vector<16xf32>
          %parallel_loop3A_506 = arith.mulf %parallel_loop3A_505, %parallel_loop3A_503 : vector<16xf32>
          %parallel_loop3A_507 = arith.constant 1.57079637 : f32
          %parallel_loop3A_508 = vector.broadcast %parallel_loop3A_507 : f32 to vector<16xf32>
          %parallel_loop3A_509 = arith.subf %parallel_loop3A_506, %parallel_loop3A_508 : vector<16xf32>
          %parallel_loop3A_510 = arith.mulf %parallel_loop3A_509, %parallel_loop3A_509 : vector<16xf32>
          %parallel_loop3A_511 = arith.constant 1.99427741E-9 : f32
          %parallel_loop3A_512 = vector.broadcast %parallel_loop3A_511 : f32 to vector<16xf32>
          %parallel_loop3A_513 = arith.mulf %parallel_loop3A_512, %parallel_loop3A_510 : vector<16xf32>
          %parallel_loop3A_514 = arith.constant -2.75271134E-7 : f32
          %parallel_loop3A_515 = vector.broadcast %parallel_loop3A_514 : f32 to vector<16xf32>
          %parallel_loop3A_516 = arith.addf %parallel_loop3A_513, %parallel_loop3A_515 : vector<16xf32>
          %parallel_loop3A_517 = arith.mulf %parallel_loop3A_516, %parallel_loop3A_510 : vector<16xf32>
          %parallel_loop3A_518 = arith.constant 2.48011038E-5 : f32
          %parallel_loop3A_519 = vector.broadcast %parallel_loop3A_518 : f32 to vector<16xf32>
          %parallel_loop3A_520 = arith.addf %parallel_loop3A_517, %parallel_loop3A_519 : vector<16xf32>
          %parallel_loop3A_521 = arith.mulf %parallel_loop3A_520, %parallel_loop3A_510 : vector<16xf32>
          %parallel_loop3A_522 = arith.constant -0.00138888846 : f32
          %parallel_loop3A_523 = vector.broadcast %parallel_loop3A_522 : f32 to vector<16xf32>
          %parallel_loop3A_524 = arith.addf %parallel_loop3A_521, %parallel_loop3A_523 : vector<16xf32>
          %parallel_loop3A_525 = arith.mulf %parallel_loop3A_524, %parallel_loop3A_510 : vector<16xf32>
          %parallel_loop3A_526 = arith.constant 0.0416666679 : f32
          %parallel_loop3A_527 = vector.broadcast %parallel_loop3A_526 : f32 to vector<16xf32>
          %parallel_loop3A_528 = arith.addf %parallel_loop3A_525, %parallel_loop3A_527 : vector<16xf32>
          %parallel_loop3A_529 = arith.mulf %parallel_loop3A_528, %parallel_loop3A_510 : vector<16xf32>
          %parallel_loop3A_530 = arith.constant -5.000000e-01 : f32
          %parallel_loop3A_531 = vector.broadcast %parallel_loop3A_530 : f32 to vector<16xf32>
          %parallel_loop3A_532 = arith.addf %parallel_loop3A_529, %parallel_loop3A_531 : vector<16xf32>
          %parallel_loop3A_533 = arith.mulf %parallel_loop3A_532, %parallel_loop3A_510 : vector<16xf32>
          %parallel_loop3A_534 = arith.constant 1.000000e+00 : f32
          %parallel_loop3A_535 = vector.broadcast %parallel_loop3A_534 : f32 to vector<16xf32>
          %parallel_loop3A_536 = arith.addf %parallel_loop3A_533, %parallel_loop3A_535 : vector<16xf32>
          %parallel_loop3A_537 = arith.constant -2.38435653E-8 : f32
          %parallel_loop3A_538 = vector.broadcast %parallel_loop3A_537 : f32 to vector<16xf32>
          %parallel_loop3A_539 = arith.mulf %parallel_loop3A_538, %parallel_loop3A_510 : vector<16xf32>
          %parallel_loop3A_540 = arith.constant 2.75219327E-6 : f32
          %parallel_loop3A_541 = vector.broadcast %parallel_loop3A_540 : f32 to vector<16xf32>
          %parallel_loop3A_542 = arith.addf %parallel_loop3A_539, %parallel_loop3A_541 : vector<16xf32>
          %parallel_loop3A_543 = arith.mulf %parallel_loop3A_542, %parallel_loop3A_510 : vector<16xf32>
          %parallel_loop3A_544 = arith.constant -1.98407724E-4 : f32
          %parallel_loop3A_545 = vector.broadcast %parallel_loop3A_544 : f32 to vector<16xf32>
          %parallel_loop3A_546 = arith.addf %parallel_loop3A_543, %parallel_loop3A_545 : vector<16xf32>
          %parallel_loop3A_547 = arith.mulf %parallel_loop3A_546, %parallel_loop3A_510 : vector<16xf32>
          %parallel_loop3A_548 = arith.constant 8.333330e-03 : f32
          %parallel_loop3A_549 = vector.broadcast %parallel_loop3A_548 : f32 to vector<16xf32>
          %parallel_loop3A_550 = arith.addf %parallel_loop3A_547, %parallel_loop3A_549 : vector<16xf32>
          %parallel_loop3A_551 = arith.mulf %parallel_loop3A_550, %parallel_loop3A_510 : vector<16xf32>
          %parallel_loop3A_552 = arith.constant -0.166666672 : f32
          %parallel_loop3A_553 = vector.broadcast %parallel_loop3A_552 : f32 to vector<16xf32>
          %parallel_loop3A_554 = arith.addf %parallel_loop3A_551, %parallel_loop3A_553 : vector<16xf32>
          %parallel_loop3A_555 = arith.mulf %parallel_loop3A_554, %parallel_loop3A_510 : vector<16xf32>
          %parallel_loop3A_556 = arith.constant 1.000000e+00 : f32
          %parallel_loop3A_557 = vector.broadcast %parallel_loop3A_556 : f32 to vector<16xf32>
          %parallel_loop3A_558 = arith.addf %parallel_loop3A_555, %parallel_loop3A_557 : vector<16xf32>
          %parallel_loop3A_559 = arith.mulf %parallel_loop3A_558, %parallel_loop3A_509 : vector<16xf32>
          %parallel_loop3A_560 = arith.constant 0.000000e+00 : f32
          %parallel_loop3A_561 = vector.broadcast %parallel_loop3A_560 : f32 to vector<16xf32>
          %parallel_loop3A_562 = arith.subf %parallel_loop3A_561, %parallel_loop3A_559 : vector<16xf32>
          %parallel_loop3A_563 = arith.constant 2.000000e-01 : f32
          %parallel_loop3A_564 = vector.broadcast %parallel_loop3A_563 : f32 to vector<16xf32>
          %parallel_loop3A_565 = arith.mulf %parallel_loop3A_472, %parallel_loop3A_564 : vector<16xf32>
          %parallel_loop3A_566 = arith.mulf %parallel_loop3A_565, %parallel_loop3A_565 : vector<16xf32>
          %parallel_loop3A_567 = arith.mulf %parallel_loop3A_566, %parallel_loop3A_565 : vector<16xf32>
          %parallel_loop3A_568 = arith.mulf %parallel_loop3A_567, %parallel_loop3A_567 : vector<16xf32>
          %parallel_loop3A_569 = arith.mulf %parallel_loop3A_568, %parallel_loop3A_565 : vector<16xf32>
          %parallel_loop3A_570 = arith.mulf %parallel_loop3A_569, %parallel_loop3A_565 : vector<16xf32>
          %parallel_loop3A_571 = arith.constant 2.800000e+01 : f32
          %parallel_loop3A_572 = vector.broadcast %parallel_loop3A_571 : f32 to vector<16xf32>
          %parallel_loop3A_573 = arith.mulf %parallel_loop3A_572, %parallel_loop3A_568 : vector<16xf32>
          %parallel_loop3A_574 = arith.constant 1.000000e+00 : f32
          %parallel_loop3A_575 = vector.broadcast %parallel_loop3A_574 : f32 to vector<16xf32>
          %parallel_loop3A_576 = arith.subf %parallel_loop3A_575, %parallel_loop3A_573 : vector<16xf32>
          %parallel_loop3A_577 = arith.constant 4.800000e+01 : f32
          %parallel_loop3A_578 = vector.broadcast %parallel_loop3A_577 : f32 to vector<16xf32>
          %parallel_loop3A_579 = arith.mulf %parallel_loop3A_578, %parallel_loop3A_569 : vector<16xf32>
          %parallel_loop3A_580 = arith.addf %parallel_loop3A_576, %parallel_loop3A_579 : vector<16xf32>
          %parallel_loop3A_581 = arith.constant 2.100000e+01 : f32
          %parallel_loop3A_582 = vector.broadcast %parallel_loop3A_581 : f32 to vector<16xf32>
          %parallel_loop3A_583 = arith.mulf %parallel_loop3A_582, %parallel_loop3A_570 : vector<16xf32>
          %parallel_loop3A_584 = arith.subf %parallel_loop3A_580, %parallel_loop3A_583 : vector<16xf32>
          %parallel_loop3A_585 = arith.constant 1.000000e+00 : f32
          %parallel_loop3A_586 = vector.broadcast %parallel_loop3A_585 : f32 to vector<16xf32>
          %parallel_loop3A_587 = arith.cmpf olt, %parallel_loop3A_565, %parallel_loop3A_586 : vector<16xf32>
          %parallel_loop3A_588 = arith.constant 0.000000e+00 : f32
          %parallel_loop3A_589 = vector.broadcast %parallel_loop3A_588 : f32 to vector<16xf32>
          %parallel_loop3A_590 = arith.select %parallel_loop3A_587, %parallel_loop3A_584, %parallel_loop3A_589 : vector<16xi1>, vector<16xf32>
          %parallel_loop3A_591 = arith.constant 0.632455527 : f32
          %parallel_loop3A_592 = vector.broadcast %parallel_loop3A_591 : f32 to vector<16xf32>
          %parallel_loop3A_593 = arith.mulf %parallel_loop3A_592, %parallel_loop3A_471 : vector<16xf32>
          %parallel_loop3A_594 = arith.mulf %parallel_loop3A_593, %parallel_loop3A_590 : vector<16xf32>
          %parallel_loop3A_595 = arith.constant 2.000000e+00 : f32
          %parallel_loop3A_596 = vector.broadcast %parallel_loop3A_595 : f32 to vector<16xf32>
          %parallel_loop3A_597 = arith.mulf %parallel_loop3A_596, %parallel_loop3A_562 : vector<16xf32>
          %parallel_loop3A_598 = arith.constant 0.000000e+00 : f32
          %parallel_loop3A_599 = vector.broadcast %parallel_loop3A_598 : f32 to vector<16xf32>
          %parallel_loop3A_600 = arith.mulf %parallel_loop3A_536, %parallel_loop3A_594 : vector<16xf32>
          %parallel_loop3A_601 = arith.constant 0 : i32
          %parallel_loop3A_602 = arith.constant 0 : i32
          %parallel_loop3A_603 = arith.index_cast %parallel_loop3A_601 : i32 to index
          %parallel_loop3A_604 = arith.index_cast %parallel_loop3A_374 : i32 to index
          %parallel_loop3A_605 = arith.index_cast %parallel_loop3A_602 : i32 to index
          %parallel_loop3A_606 = arith.index_cast %parallel_loop3A_377 : i32 to index
          %parallel_loop3A_607 = tpu.vector_load %arg17[%parallel_loop3A_603, %parallel_loop3A_604, %parallel_loop3A_605, %parallel_loop3A_606] {strides = array<i32>} : memref<2x8x8x128xf32, #tpu.memory_space<vmem>>, vector<16xf32>,
          tpu.vector_store %arg17[%parallel_loop3A_603, %parallel_loop3A_604, %parallel_loop3A_605, %parallel_loop3A_606], %parallel_loop3A_600 {strides = array<i32>} : memref<2x8x8x128xf32, #tpu.memory_space<vmem>>, vector<16xf32>,
          %parallel_loop3A_608 = arith.mulf %parallel_loop3A_597, %parallel_loop3A_536 : vector<16xf32>
          %parallel_loop3A_609 = arith.subf %parallel_loop3A_608, %parallel_loop3A_599 : vector<16xf32>
          %parallel_loop3A_610 = arith.mulf %parallel_loop3A_609, %parallel_loop3A_594 : vector<16xf32>
          %parallel_loop3A_611 = arith.constant 0 : i32
          %parallel_loop3A_612 = arith.constant 1 : i32
          %parallel_loop3A_613 = arith.index_cast %parallel_loop3A_611 : i32 to index
          %parallel_loop3A_614 = arith.index_cast %parallel_loop3A_374 : i32 to index
          %parallel_loop3A_615 = arith.index_cast %parallel_loop3A_612 : i32 to index
          %parallel_loop3A_616 = arith.index_cast %parallel_loop3A_377 : i32 to index
          %parallel_loop3A_617 = tpu.vector_load %arg17[%parallel_loop3A_613, %parallel_loop3A_614, %parallel_loop3A_615, %parallel_loop3A_616] {strides = array<i32>} : memref<2x8x8x128xf32, #tpu.memory_space<vmem>>, vector<16xf32>,
          tpu.vector_store %arg17[%parallel_loop3A_613, %parallel_loop3A_614, %parallel_loop3A_615, %parallel_loop3A_616], %parallel_loop3A_610 {strides = array<i32>} : memref<2x8x8x128xf32, #tpu.memory_space<vmem>>, vector<16xf32>,
          %parallel_loop3A_618 = arith.mulf %parallel_loop3A_597, %parallel_loop3A_609 : vector<16xf32>
          %parallel_loop3A_619 = arith.subf %parallel_loop3A_618, %parallel_loop3A_536 : vector<16xf32>
          %parallel_loop3A_620 = arith.mulf %parallel_loop3A_619, %parallel_loop3A_594 : vector<16xf32>
          %parallel_loop3A_621 = arith.constant 0 : i32
          %parallel_loop3A_622 = arith.constant 2 : i32
          %parallel_loop3A_623 = arith.index_cast %parallel_loop3A_621 : i32 to index
          %parallel_loop3A_624 = arith.index_cast %parallel_loop3A_374 : i32 to index
          %parallel_loop3A_625 = arith.index_cast %parallel_loop3A_622 : i32 to index
          %parallel_loop3A_626 = arith.index_cast %parallel_loop3A_377 : i32 to index
          %parallel_loop3A_627 = tpu.vector_load %arg17[%parallel_loop3A_623, %parallel_loop3A_624, %parallel_loop3A_625, %parallel_loop3A_626] {strides = array<i32>} : memref<2x8x8x128xf32, #tpu.memory_space<vmem>>, vector<16xf32>,
          tpu.vector_store %arg17[%parallel_loop3A_623, %parallel_loop3A_624, %parallel_loop3A_625, %parallel_loop3A_626], %parallel_loop3A_620 {strides = array<i32>} : memref<2x8x8x128xf32, #tpu.memory_space<vmem>>, vector<16xf32>,
          %parallel_loop3A_628 = arith.mulf %parallel_loop3A_597, %parallel_loop3A_619 : vector<16xf32>
          %parallel_loop3A_629 = arith.subf %parallel_loop3A_628, %parallel_loop3A_609 : vector<16xf32>
          %parallel_loop3A_630 = arith.mulf %parallel_loop3A_629, %parallel_loop3A_594 : vector<16xf32>
          %parallel_loop3A_631 = arith.constant 0 : i32
          %parallel_loop3A_632 = arith.constant 3 : i32
          %parallel_loop3A_633 = arith.index_cast %parallel_loop3A_631 : i32 to index
          %parallel_loop3A_634 = arith.index_cast %parallel_loop3A_374 : i32 to index
          %parallel_loop3A_635 = arith.index_cast %parallel_loop3A_632 : i32 to index
          %parallel_loop3A_636 = arith.index_cast %parallel_loop3A_377 : i32 to index
          %parallel_loop3A_637 = tpu.vector_load %arg17[%parallel_loop3A_633, %parallel_loop3A_634, %parallel_loop3A_635, %parallel_loop3A_636] {strides = array<i32>} : memref<2x8x8x128xf32, #tpu.memory_space<vmem>>, vector<16xf32>,
          tpu.vector_store %arg17[%parallel_loop3A_633, %parallel_loop3A_634, %parallel_loop3A_635, %parallel_loop3A_636], %parallel_loop3A_630 {strides = array<i32>} : memref<2x8x8x128xf32, #tpu.memory_space<vmem>>, vector<16xf32>,
          %parallel_loop3A_638 = arith.mulf %parallel_loop3A_597, %parallel_loop3A_629 : vector<16xf32>
          %parallel_loop3A_639 = arith.subf %parallel_loop3A_638, %parallel_loop3A_619 : vector<16xf32>
          %parallel_loop3A_640 = arith.mulf %parallel_loop3A_639, %parallel_loop3A_594 : vector<16xf32>
          %parallel_loop3A_641 = arith.constant 0 : i32
          %parallel_loop3A_642 = arith.constant 4 : i32
          %parallel_loop3A_643 = arith.index_cast %parallel_loop3A_641 : i32 to index
          %parallel_loop3A_644 = arith.index_cast %parallel_loop3A_374 : i32 to index
          %parallel_loop3A_645 = arith.index_cast %parallel_loop3A_642 : i32 to index
          %parallel_loop3A_646 = arith.index_cast %parallel_loop3A_377 : i32 to index
          %parallel_loop3A_647 = tpu.vector_load %arg17[%parallel_loop3A_643, %parallel_loop3A_644, %parallel_loop3A_645, %parallel_loop3A_646] {strides = array<i32>} : memref<2x8x8x128xf32, #tpu.memory_space<vmem>>, vector<16xf32>,
          tpu.vector_store %arg17[%parallel_loop3A_643, %parallel_loop3A_644, %parallel_loop3A_645, %parallel_loop3A_646], %parallel_loop3A_640 {strides = array<i32>} : memref<2x8x8x128xf32, #tpu.memory_space<vmem>>, vector<16xf32>,
          %parallel_loop3A_648 = arith.mulf %parallel_loop3A_597, %parallel_loop3A_639 : vector<16xf32>
          %parallel_loop3A_649 = arith.subf %parallel_loop3A_648, %parallel_loop3A_629 : vector<16xf32>
          %parallel_loop3A_650 = arith.mulf %parallel_loop3A_649, %parallel_loop3A_594 : vector<16xf32>
          %parallel_loop3A_651 = arith.constant 0 : i32
          %parallel_loop3A_652 = arith.constant 5 : i32
          %parallel_loop3A_653 = arith.index_cast %parallel_loop3A_651 : i32 to index
          %parallel_loop3A_654 = arith.index_cast %parallel_loop3A_374 : i32 to index
          %parallel_loop3A_655 = arith.index_cast %parallel_loop3A_652 : i32 to index
          %parallel_loop3A_656 = arith.index_cast %parallel_loop3A_377 : i32 to index
          %parallel_loop3A_657 = tpu.vector_load %arg17[%parallel_loop3A_653, %parallel_loop3A_654, %parallel_loop3A_655, %parallel_loop3A_656] {strides = array<i32>} : memref<2x8x8x128xf32, #tpu.memory_space<vmem>>, vector<16xf32>,
          tpu.vector_store %arg17[%parallel_loop3A_653, %parallel_loop3A_654, %parallel_loop3A_655, %parallel_loop3A_656], %parallel_loop3A_650 {strides = array<i32>} : memref<2x8x8x128xf32, #tpu.memory_space<vmem>>, vector<16xf32>,
          %parallel_loop3A_658 = arith.mulf %parallel_loop3A_597, %parallel_loop3A_649 : vector<16xf32>
          %parallel_loop3A_659 = arith.subf %parallel_loop3A_658, %parallel_loop3A_639 : vector<16xf32>
        } {sc.loop_unroll_factor = 4 : i64, sc.parallel_access}
        %mul3A_326 = arith.constant 1024 : i32
        %mul3A_327 = arith.muli %add3A_43, %mul3A_326 : i32
        %mul3A_328 = arith.constant 8 : i32
        %mul3A_329 = arith.muli %add3A_43, %mul3A_328 : i32
        %dma_start3A = arith.constant 0 : i32
        %dma_start3A_330 = arith.constant 0 : i32
        %dma_start3A_331 = tpu.memref_slice %arg16[%dma_start3A, %dma_start3A_330] : memref<2x1024xf32, #tpu.memory_space<vmem>> -> memref<1x1024xf32, #tpu.memory_space<vmem>>
        %dma_start3A_332 = tpu.memref_squeeze %dma_start3A_331 : memref<1x1024xf32, #tpu.memory_space<vmem>> -> memref<1024xf32, #tpu.memory_space<vmem>>
        %dma_start3A_333 = tpu.memref_slice %arg8[%mul3A_327] : memref<6400000xf32, #tpu.memory_space<hbm>> -> memref<1024xf32, #tpu.memory_space<hbm>>
        %dma_start3A_334 = tpu.memref_slice %arg8[%mul3A_327] : memref<6400000xf32, #tpu.memory_space<hbm>> -> memref<1024xf32, #tpu.memory_space<hbm>>
        %dma_start3A_335 = arith.constant 0 : i32
        %dma_start3A_336 = tpu.memref_slice %arg16[%dma_start3A, %dma_start3A_335] : memref<2x1024xf32, #tpu.memory_space<vmem>> -> memref<1x1024xf32, #tpu.memory_space<vmem>>
        %dma_start3A_337 = tpu.memref_squeeze %dma_start3A_336 : memref<1x1024xf32, #tpu.memory_space<vmem>> -> memref<1024xf32, #tpu.memory_space<vmem>>
        tpu.enqueue_dma source(%dma_start3A_337 : memref<1024xf32, #tpu.memory_space<vmem>>) target(%dma_start3A_334 : memref<1024xf32, #tpu.memory_space<hbm>>) target_semaphore(%arg21 : memref<!tpu.dma_semaphore, #tpu.memory_space<semaphore_mem>>)
        %dma_start3A_338 = arith.constant 0 : i32
        %dma_start3A_339 = arith.constant 0 : i32
        %dma_start3A_340 = arith.constant 0 : i32
        %dma_start3A_341 = arith.constant 0 : i32
        %dma_start3A_342 = tpu.memref_slice %arg17[%dma_start3A_338, %dma_start3A_339, %dma_start3A_340, %dma_start3A_341] : memref<2x8x8x128xf32, #tpu.memory_space<vmem>> -> memref<1x8x8x128xf32, #tpu.memory_space<vmem>>
        %dma_start3A_343 = tpu.memref_squeeze %dma_start3A_342 : memref<1x8x8x128xf32, #tpu.memory_space<vmem>> -> memref<8x8x128xf32, #tpu.memory_space<vmem>>
        %dma_start3A_344 = arith.constant 0 : i32
        %dma_start3A_345 = arith.constant 0 : i32
        %dma_start3A_346 = tpu.memref_slice %arg9[%mul3A_329, %dma_start3A_344, %dma_start3A_345] : memref<50000x8x128xf32, #tpu.memory_space<hbm>> -> memref<8x8x128xf32, #tpu.memory_space<hbm>>
        %dma_start3A_347 = arith.constant 0 : i32
        %dma_start3A_348 = arith.constant 0 : i32
        %dma_start3A_349 = tpu.memref_slice %arg9[%mul3A_329, %dma_start3A_347, %dma_start3A_348] : memref<50000x8x128xf32, #tpu.memory_space<hbm>> -> memref<8x8x128xf32, #tpu.memory_space<hbm>>
        %dma_start3A_350 = arith.constant 0 : i32
        %dma_start3A_351 = arith.constant 0 : i32
        %dma_start3A_352 = arith.constant 0 : i32
        %dma_start3A_353 = tpu.memref_slice %arg17[%dma_start3A_338, %dma_start3A_350, %dma_start3A_351, %dma_start3A_352] : memref<2x8x8x128xf32, #tpu.memory_space<vmem>> -> memref<1x8x8x128xf32, #tpu.memory_space<vmem>>
        %dma_start3A_354 = tpu.memref_squeeze %dma_start3A_353 : memref<1x8x8x128xf32, #tpu.memory_space<vmem>> -> memref<8x8x128xf32, #tpu.memory_space<vmem>>
        tpu.enqueue_dma source(%dma_start3A_354 : memref<8x8x128xf32, #tpu.memory_space<vmem>>) target(%dma_start3A_349 : memref<8x8x128xf32, #tpu.memory_space<hbm>>) target_semaphore(%arg21 : memref<!tpu.dma_semaphore, #tpu.memory_space<semaphore_mem>>)
        %dma_start3A_355 = arith.constant 0 : i32
        %dma_start3A_356 = arith.constant 0 : i32
        %dma_start3A_357 = arith.constant 0 : i32
        %dma_start3A_358 = arith.constant 0 : i32
        %dma_start3A_359 = tpu.memref_slice %arg18[%dma_start3A_355, %dma_start3A_356, %dma_start3A_357, %dma_start3A_358] : memref<2x8x4x128xf32, #tpu.memory_space<vmem>> -> memref<1x8x4x128xf32, #tpu.memory_space<vmem>>
        %dma_start3A_360 = tpu.memref_squeeze %dma_start3A_359 : memref<1x8x4x128xf32, #tpu.memory_space<vmem>> -> memref<8x4x128xf32, #tpu.memory_space<vmem>>
        %dma_start3A_361 = arith.constant 0 : i32
        %dma_start3A_362 = arith.constant 0 : i32
        %dma_start3A_363 = tpu.memref_slice %arg10[%mul3A_329, %dma_start3A_361, %dma_start3A_362] : memref<50000x4x128xf32, #tpu.memory_space<hbm>> -> memref<8x4x128xf32, #tpu.memory_space<hbm>>
        %dma_start3A_364 = arith.constant 0 : i32
        %dma_start3A_365 = arith.constant 0 : i32
        %dma_start3A_366 = tpu.memref_slice %arg10[%mul3A_329, %dma_start3A_364, %dma_start3A_365] : memref<50000x4x128xf32, #tpu.memory_space<hbm>> -> memref<8x4x128xf32, #tpu.memory_space<hbm>>
        %dma_start3A_367 = arith.constant 0 : i32
        %dma_start3A_368 = arith.constant 0 : i32
        %dma_start3A_369 = arith.constant 0 : i32
        %dma_start3A_370 = tpu.memref_slice %arg18[%dma_start3A_355, %dma_start3A_367, %dma_start3A_368, %dma_start3A_369] : memref<2x8x4x128xf32, #tpu.memory_space<vmem>> -> memref<1x8x4x128xf32, #tpu.memory_space<vmem>>
        %dma_start3A_371 = tpu.memref_squeeze %dma_start3A_370 : memref<1x8x4x128xf32, #tpu.memory_space<vmem>> -> memref<8x4x128xf32, #tpu.memory_space<vmem>>
        tpu.enqueue_dma source(%dma_start3A_371 : memref<8x4x128xf32, #tpu.memory_space<vmem>>) target(%dma_start3A_366 : memref<8x4x128xf32, #tpu.memory_space<hbm>>) target_semaphore(%arg21 : memref<!tpu.dma_semaphore, #tpu.memory_space<semaphore_mem>>)
      } else {
      }
      %add3A_58 = arith.constant 2 : i32
      %add3A_59 = arith.addi %mul3A_30, %add3A_58 : i32
      %mul3A_60 = arith.constant 32 : i32
      %mul3A_61 = arith.muli %add3A_59, %mul3A_60 : i32
      %add3A_62 = arith.addi %add3A, %mul3A_61 : i32
      %lt3A_63 = arith.constant 6250 : i32
      %lt3A_64 = arith.cmpi slt, %add3A_62, %lt3A_63 : i32
      %convert_element_type3A_65 = arith.extui %lt3A_64 : i1 to i32
      %cond3A_66 = arith.constant 0 : i32
      %cond3A_67 = arith.cmpi ne, %convert_element_type3A_65, %cond3A_66 : i32
      scf.if %cond3A_67 {
        %mul3A_88 = arith.constant 8 : i32
        %mul3A_89 = arith.muli %add3A_62, %mul3A_88 : i32
        %run_scoped3A = arith.constant 0 : i32
        "tpu.region"() ({
          %run_scoped3A_327 = tpu.sem_alloc : memref<!tpu.dma_semaphore, #tpu.memory_space<semaphore_mem>>
          %dma_start3A_328 = arith.constant 0 : i32
          %dma_start3A_329 = arith.constant 0 : i32
          %dma_start3A_330 = tpu.memref_slice %arg11[%run_scoped3A, %dma_start3A_328, %dma_start3A_329] : memref<2x16x128xi32, #tpu.memory_space<vmem>> -> memref<1x8x128xi32, #tpu.memory_space<vmem>>
          %dma_start3A_331 = tpu.memref_squeeze %dma_start3A_330 : memref<1x8x128xi32, #tpu.memory_space<vmem>> -> memref<8x128xi32, #tpu.memory_space<vmem>>
          %dma_start3A_332 = arith.constant 0 : i32
          %dma_start3A_333 = tpu.memref_slice %arg3[%mul3A_89, %dma_start3A_332] : memref<50000x128xi32, #tpu.memory_space<hbm>> -> memref<8x128xi32, #tpu.memory_space<hbm>>
          %dma_start3A_334 = arith.constant 0 : i32
          %dma_start3A_335 = arith.constant 0 : i32
          %dma_start3A_336 = tpu.memref_slice %arg11[%run_scoped3A, %dma_start3A_334, %dma_start3A_335] : memref<2x16x128xi32, #tpu.memory_space<vmem>> -> memref<1x8x128xi32, #tpu.memory_space<vmem>>
          %dma_start3A_337 = tpu.memref_squeeze %dma_start3A_336 : memref<1x8x128xi32, #tpu.memory_space<vmem>> -> memref<8x128xi32, #tpu.memory_space<vmem>>
          %dma_start3A_338 = arith.constant 0 : i32
          %dma_start3A_339 = tpu.memref_slice %arg3[%mul3A_89, %dma_start3A_338] : memref<50000x128xi32, #tpu.memory_space<hbm>> -> memref<8x128xi32, #tpu.memory_space<hbm>>
          tpu.enqueue_dma source(%dma_start3A_339 : memref<8x128xi32, #tpu.memory_space<hbm>>) target(%dma_start3A_337 : memref<8x128xi32, #tpu.memory_space<vmem>>) target_semaphore(%run_scoped3A_327 : memref<!tpu.dma_semaphore, #tpu.memory_space<semaphore_mem>>)
          %dma_wait3A = arith.constant 0 : i32
          %dma_wait3A_340 = arith.constant 0 : i32
          %dma_wait3A_341 = tpu.memref_slice %arg11[%run_scoped3A, %dma_wait3A, %dma_wait3A_340] : memref<2x16x128xi32, #tpu.memory_space<vmem>> -> memref<1x8x128xi32, #tpu.memory_space<vmem>>
          %dma_wait3A_342 = tpu.memref_squeeze %dma_wait3A_341 : memref<1x8x128xi32, #tpu.memory_space<vmem>> -> memref<8x128xi32, #tpu.memory_space<vmem>>
          %dma_wait3A_343 = arith.constant 0 : i32
          %dma_wait3A_344 = tpu.memref_slice %arg3[%mul3A_89, %dma_wait3A_343] : memref<50000x128xi32, #tpu.memory_space<hbm>> -> memref<8x128xi32, #tpu.memory_space<hbm>>
          %dma_wait3A_345 = arith.constant 0 : i32
          %dma_wait3A_346 = arith.constant 0 : i32
          %dma_wait3A_347 = tpu.memref_slice %arg11[%run_scoped3A, %dma_wait3A_345, %dma_wait3A_346] : memref<2x16x128xi32, #tpu.memory_space<vmem>> -> memref<1x8x128xi32, #tpu.memory_space<vmem>>
          %dma_wait3A_348 = tpu.memref_squeeze %dma_wait3A_347 : memref<1x8x128xi32, #tpu.memory_space<vmem>> -> memref<8x128xi32, #tpu.memory_space<vmem>>
          %dma_wait3A_349 = arith.constant 0 : i32
          %dma_wait3A_350 = tpu.memref_slice %arg3[%mul3A_89, %dma_wait3A_349] : memref<50000x128xi32, #tpu.memory_space<hbm>> -> memref<8x128xi32, #tpu.memory_space<hbm>>
          tpu.wait_dma2 semaphore(%run_scoped3A_327 : memref<!tpu.dma_semaphore, #tpu.memory_space<semaphore_mem>>) src(%dma_wait3A_350 : memref<8x128xi32, #tpu.memory_space<hbm>>) dst(%dma_wait3A_348 : memref<8x128xi32, #tpu.memory_space<vmem>>)
          tpu.yield
        }) : () -> ()
        %run_scoped3A_90 = arith.constant 0 : i32
        "tpu.region"() ({
          %run_scoped3A_327 = tpu.sem_alloc : memref<!tpu.dma_semaphore, #tpu.memory_space<semaphore_mem>>
          %dma_start3A_328 = arith.constant 8 : i32
          %dma_start3A_329 = arith.constant 0 : i32
          %dma_start3A_330 = tpu.memref_slice %arg11[%run_scoped3A_90, %dma_start3A_328, %dma_start3A_329] : memref<2x16x128xi32, #tpu.memory_space<vmem>> -> memref<1x8x128xi32, #tpu.memory_space<vmem>>
          %dma_start3A_331 = tpu.memref_squeeze %dma_start3A_330 : memref<1x8x128xi32, #tpu.memory_space<vmem>> -> memref<8x128xi32, #tpu.memory_space<vmem>>
          %dma_start3A_332 = arith.constant 0 : i32
          %dma_start3A_333 = tpu.memref_slice %arg4[%mul3A_89, %dma_start3A_332] : memref<50000x128xi32, #tpu.memory_space<hbm>> -> memref<8x128xi32, #tpu.memory_space<hbm>>
          %dma_start3A_334 = arith.constant 8 : i32
          %dma_start3A_335 = arith.constant 0 : i32
          %dma_start3A_336 = tpu.memref_slice %arg11[%run_scoped3A_90, %dma_start3A_334, %dma_start3A_335] : memref<2x16x128xi32, #tpu.memory_space<vmem>> -> memref<1x8x128xi32, #tpu.memory_space<vmem>>
          %dma_start3A_337 = tpu.memref_squeeze %dma_start3A_336 : memref<1x8x128xi32, #tpu.memory_space<vmem>> -> memref<8x128xi32, #tpu.memory_space<vmem>>
          %dma_start3A_338 = arith.constant 0 : i32
          %dma_start3A_339 = tpu.memref_slice %arg4[%mul3A_89, %dma_start3A_338] : memref<50000x128xi32, #tpu.memory_space<hbm>> -> memref<8x128xi32, #tpu.memory_space<hbm>>
          tpu.enqueue_dma source(%dma_start3A_339 : memref<8x128xi32, #tpu.memory_space<hbm>>) target(%dma_start3A_337 : memref<8x128xi32, #tpu.memory_space<vmem>>) target_semaphore(%run_scoped3A_327 : memref<!tpu.dma_semaphore, #tpu.memory_space<semaphore_mem>>)
          %dma_wait3A = arith.constant 8 : i32
          %dma_wait3A_340 = arith.constant 0 : i32
          %dma_wait3A_341 = tpu.memref_slice %arg11[%run_scoped3A_90, %dma_wait3A, %dma_wait3A_340] : memref<2x16x128xi32, #tpu.memory_space<vmem>> -> memref<1x8x128xi32, #tpu.memory_space<vmem>>
          %dma_wait3A_342 = tpu.memref_squeeze %dma_wait3A_341 : memref<1x8x128xi32, #tpu.memory_space<vmem>> -> memref<8x128xi32, #tpu.memory_space<vmem>>
          %dma_wait3A_343 = arith.constant 0 : i32
          %dma_wait3A_344 = tpu.memref_slice %arg4[%mul3A_89, %dma_wait3A_343] : memref<50000x128xi32, #tpu.memory_space<hbm>> -> memref<8x128xi32, #tpu.memory_space<hbm>>
          %dma_wait3A_345 = arith.constant 8 : i32
          %dma_wait3A_346 = arith.constant 0 : i32
          %dma_wait3A_347 = tpu.memref_slice %arg11[%run_scoped3A_90, %dma_wait3A_345, %dma_wait3A_346] : memref<2x16x128xi32, #tpu.memory_space<vmem>> -> memref<1x8x128xi32, #tpu.memory_space<vmem>>
          %dma_wait3A_348 = tpu.memref_squeeze %dma_wait3A_347 : memref<1x8x128xi32, #tpu.memory_space<vmem>> -> memref<8x128xi32, #tpu.memory_space<vmem>>
          %dma_wait3A_349 = arith.constant 0 : i32
          %dma_wait3A_350 = tpu.memref_slice %arg4[%mul3A_89, %dma_wait3A_349] : memref<50000x128xi32, #tpu.memory_space<hbm>> -> memref<8x128xi32, #tpu.memory_space<hbm>>
          tpu.wait_dma2 semaphore(%run_scoped3A_327 : memref<!tpu.dma_semaphore, #tpu.memory_space<semaphore_mem>>) src(%dma_wait3A_350 : memref<8x128xi32, #tpu.memory_space<hbm>>) dst(%dma_wait3A_348 : memref<8x128xi32, #tpu.memory_space<vmem>>)
          tpu.yield
        }) : () -> ()
        %mul3A_91 = arith.constant 1024 : i32
        %mul3A_92 = arith.muli %add3A_62, %mul3A_91 : i32
        %dma_start3A = arith.constant 0 : i32
        %dma_start3A_93 = arith.constant 0 : i32
        %dma_start3A_94 = arith.constant 0 : i32
        %dma_start3A_95 = arith.constant 0 : i32
        %dma_start3A_96 = arith.constant 0 : i32
        %dma_start3A_97 = tpu.memref_slice %arg12[%dma_start3A_94, %dma_start3A_95, %dma_start3A_96] : memref<2x2048x8xf32, #tpu.memory_space<vmem>> -> memref<1x128x8xf32, #tpu.memory_space<vmem>>
        %dma_start3A_98 = tpu.memref_squeeze %dma_start3A_97 : memref<1x128x8xf32, #tpu.memory_space<vmem>> -> memref<128x8xf32, #tpu.memory_space<vmem>>
        %dma_start3A_99 = arith.constant 0 : i32
        %dma_start3A_100 = tpu.memref_slice %arg11[%dma_start3A, %dma_start3A_93, %dma_start3A_99] : memref<2x16x128xi32, #tpu.memory_space<vmem>> -> memref<1x1x128xi32, #tpu.memory_space<vmem>>
        %dma_start3A_101 = tpu.memref_squeeze %dma_start3A_100 : memref<1x1x128xi32, #tpu.memory_space<vmem>> -> memref<128xi32, #tpu.memory_space<vmem>>
        %dma_start3A_102 = arith.constant 0 : i32
        %dma_start3A_103 = arith.constant 0 : i32
        %dma_start3A_104 = tpu.memref_slice %arg2[%dma_start3A_102, %dma_start3A_103] : memref<100000x8xf32, #tpu.memory_space<hbm>> -> memref<100000x8xf32, #tpu.memory_space<hbm>>
        tpu.enqueue_indirect_dma source(%dma_start3A_104 : memref<100000x8xf32, #tpu.memory_space<hbm>>) target(%dma_start3A_98 : memref<128x8xf32, #tpu.memory_space<vmem>>) offsets(%dma_start3A_101 : memref<128xi32, #tpu.memory_space<vmem>>) semaphore(%arg19 : memref<!tpu.dma_semaphore, #tpu.memory_space<semaphore_mem>>)
        %dma_start3A_105 = arith.constant 0 : i32
        %dma_start3A_106 = arith.constant 1 : i32
        %dma_start3A_107 = arith.constant 0 : i32
        %dma_start3A_108 = arith.constant 128 : i32
        %dma_start3A_109 = arith.constant 0 : i32
        %dma_start3A_110 = tpu.memref_slice %arg12[%dma_start3A_107, %dma_start3A_108, %dma_start3A_109] : memref<2x2048x8xf32, #tpu.memory_space<vmem>> -> memref<1x128x8xf32, #tpu.memory_space<vmem>>
        %dma_start3A_111 = tpu.memref_squeeze %dma_start3A_110 : memref<1x128x8xf32, #tpu.memory_space<vmem>> -> memref<128x8xf32, #tpu.memory_space<vmem>>
        %dma_start3A_112 = arith.constant 0 : i32
        %dma_start3A_113 = tpu.memref_slice %arg11[%dma_start3A_105, %dma_start3A_106, %dma_start3A_112] : memref<2x16x128xi32, #tpu.memory_space<vmem>> -> memref<1x1x128xi32, #tpu.memory_space<vmem>>
        %dma_start3A_114 = tpu.memref_squeeze %dma_start3A_113 : memref<1x1x128xi32, #tpu.memory_space<vmem>> -> memref<128xi32, #tpu.memory_space<vmem>>
        %dma_start3A_115 = arith.constant 0 : i32
        %dma_start3A_116 = arith.constant 0 : i32
        %dma_start3A_117 = tpu.memref_slice %arg2[%dma_start3A_115, %dma_start3A_116] : memref<100000x8xf32, #tpu.memory_space<hbm>> -> memref<100000x8xf32, #tpu.memory_space<hbm>>
        tpu.enqueue_indirect_dma source(%dma_start3A_117 : memref<100000x8xf32, #tpu.memory_space<hbm>>) target(%dma_start3A_111 : memref<128x8xf32, #tpu.memory_space<vmem>>) offsets(%dma_start3A_114 : memref<128xi32, #tpu.memory_space<vmem>>) semaphore(%arg19 : memref<!tpu.dma_semaphore, #tpu.memory_space<semaphore_mem>>)
        %dma_start3A_118 = arith.constant 0 : i32
        %dma_start3A_119 = arith.constant 2 : i32
        %dma_start3A_120 = arith.constant 0 : i32
        %dma_start3A_121 = arith.constant 256 : i32
        %dma_start3A_122 = arith.constant 0 : i32
        %dma_start3A_123 = tpu.memref_slice %arg12[%dma_start3A_120, %dma_start3A_121, %dma_start3A_122] : memref<2x2048x8xf32, #tpu.memory_space<vmem>> -> memref<1x128x8xf32, #tpu.memory_space<vmem>>
        %dma_start3A_124 = tpu.memref_squeeze %dma_start3A_123 : memref<1x128x8xf32, #tpu.memory_space<vmem>> -> memref<128x8xf32, #tpu.memory_space<vmem>>
        %dma_start3A_125 = arith.constant 0 : i32
        %dma_start3A_126 = tpu.memref_slice %arg11[%dma_start3A_118, %dma_start3A_119, %dma_start3A_125] : memref<2x16x128xi32, #tpu.memory_space<vmem>> -> memref<1x1x128xi32, #tpu.memory_space<vmem>>
        %dma_start3A_127 = tpu.memref_squeeze %dma_start3A_126 : memref<1x1x128xi32, #tpu.memory_space<vmem>> -> memref<128xi32, #tpu.memory_space<vmem>>
        %dma_start3A_128 = arith.constant 0 : i32
        %dma_start3A_129 = arith.constant 0 : i32
        %dma_start3A_130 = tpu.memref_slice %arg2[%dma_start3A_128, %dma_start3A_129] : memref<100000x8xf32, #tpu.memory_space<hbm>> -> memref<100000x8xf32, #tpu.memory_space<hbm>>
        tpu.enqueue_indirect_dma source(%dma_start3A_130 : memref<100000x8xf32, #tpu.memory_space<hbm>>) target(%dma_start3A_124 : memref<128x8xf32, #tpu.memory_space<vmem>>) offsets(%dma_start3A_127 : memref<128xi32, #tpu.memory_space<vmem>>) semaphore(%arg19 : memref<!tpu.dma_semaphore, #tpu.memory_space<semaphore_mem>>)
        %dma_start3A_131 = arith.constant 0 : i32
        %dma_start3A_132 = arith.constant 3 : i32
        %dma_start3A_133 = arith.constant 0 : i32
        %dma_start3A_134 = arith.constant 384 : i32
        %dma_start3A_135 = arith.constant 0 : i32
        %dma_start3A_136 = tpu.memref_slice %arg12[%dma_start3A_133, %dma_start3A_134, %dma_start3A_135] : memref<2x2048x8xf32, #tpu.memory_space<vmem>> -> memref<1x128x8xf32, #tpu.memory_space<vmem>>
        %dma_start3A_137 = tpu.memref_squeeze %dma_start3A_136 : memref<1x128x8xf32, #tpu.memory_space<vmem>> -> memref<128x8xf32, #tpu.memory_space<vmem>>
        %dma_start3A_138 = arith.constant 0 : i32
        %dma_start3A_139 = tpu.memref_slice %arg11[%dma_start3A_131, %dma_start3A_132, %dma_start3A_138] : memref<2x16x128xi32, #tpu.memory_space<vmem>> -> memref<1x1x128xi32, #tpu.memory_space<vmem>>
        %dma_start3A_140 = tpu.memref_squeeze %dma_start3A_139 : memref<1x1x128xi32, #tpu.memory_space<vmem>> -> memref<128xi32, #tpu.memory_space<vmem>>
        %dma_start3A_141 = arith.constant 0 : i32
        %dma_start3A_142 = arith.constant 0 : i32
        %dma_start3A_143 = tpu.memref_slice %arg2[%dma_start3A_141, %dma_start3A_142] : memref<100000x8xf32, #tpu.memory_space<hbm>> -> memref<100000x8xf32, #tpu.memory_space<hbm>>
        tpu.enqueue_indirect_dma source(%dma_start3A_143 : memref<100000x8xf32, #tpu.memory_space<hbm>>) target(%dma_start3A_137 : memref<128x8xf32, #tpu.memory_space<vmem>>) offsets(%dma_start3A_140 : memref<128xi32, #tpu.memory_space<vmem>>) semaphore(%arg19 : memref<!tpu.dma_semaphore, #tpu.memory_space<semaphore_mem>>)
        %dma_start3A_144 = arith.constant 0 : i32
        %dma_start3A_145 = arith.constant 4 : i32
        %dma_start3A_146 = arith.constant 0 : i32
        %dma_start3A_147 = arith.constant 512 : i32
        %dma_start3A_148 = arith.constant 0 : i32
        %dma_start3A_149 = tpu.memref_slice %arg12[%dma_start3A_146, %dma_start3A_147, %dma_start3A_148] : memref<2x2048x8xf32, #tpu.memory_space<vmem>> -> memref<1x128x8xf32, #tpu.memory_space<vmem>>
        %dma_start3A_150 = tpu.memref_squeeze %dma_start3A_149 : memref<1x128x8xf32, #tpu.memory_space<vmem>> -> memref<128x8xf32, #tpu.memory_space<vmem>>
        %dma_start3A_151 = arith.constant 0 : i32
        %dma_start3A_152 = tpu.memref_slice %arg11[%dma_start3A_144, %dma_start3A_145, %dma_start3A_151] : memref<2x16x128xi32, #tpu.memory_space<vmem>> -> memref<1x1x128xi32, #tpu.memory_space<vmem>>
        %dma_start3A_153 = tpu.memref_squeeze %dma_start3A_152 : memref<1x1x128xi32, #tpu.memory_space<vmem>> -> memref<128xi32, #tpu.memory_space<vmem>>
        %dma_start3A_154 = arith.constant 0 : i32
        %dma_start3A_155 = arith.constant 0 : i32
        %dma_start3A_156 = tpu.memref_slice %arg2[%dma_start3A_154, %dma_start3A_155] : memref<100000x8xf32, #tpu.memory_space<hbm>> -> memref<100000x8xf32, #tpu.memory_space<hbm>>
        tpu.enqueue_indirect_dma source(%dma_start3A_156 : memref<100000x8xf32, #tpu.memory_space<hbm>>) target(%dma_start3A_150 : memref<128x8xf32, #tpu.memory_space<vmem>>) offsets(%dma_start3A_153 : memref<128xi32, #tpu.memory_space<vmem>>) semaphore(%arg19 : memref<!tpu.dma_semaphore, #tpu.memory_space<semaphore_mem>>)
        %dma_start3A_157 = arith.constant 0 : i32
        %dma_start3A_158 = arith.constant 5 : i32
        %dma_start3A_159 = arith.constant 0 : i32
        %dma_start3A_160 = arith.constant 640 : i32
        %dma_start3A_161 = arith.constant 0 : i32
        %dma_start3A_162 = tpu.memref_slice %arg12[%dma_start3A_159, %dma_start3A_160, %dma_start3A_161] : memref<2x2048x8xf32, #tpu.memory_space<vmem>> -> memref<1x128x8xf32, #tpu.memory_space<vmem>>
        %dma_start3A_163 = tpu.memref_squeeze %dma_start3A_162 : memref<1x128x8xf32, #tpu.memory_space<vmem>> -> memref<128x8xf32, #tpu.memory_space<vmem>>
        %dma_start3A_164 = arith.constant 0 : i32
        %dma_start3A_165 = tpu.memref_slice %arg11[%dma_start3A_157, %dma_start3A_158, %dma_start3A_164] : memref<2x16x128xi32, #tpu.memory_space<vmem>> -> memref<1x1x128xi32, #tpu.memory_space<vmem>>
        %dma_start3A_166 = tpu.memref_squeeze %dma_start3A_165 : memref<1x1x128xi32, #tpu.memory_space<vmem>> -> memref<128xi32, #tpu.memory_space<vmem>>
        %dma_start3A_167 = arith.constant 0 : i32
        %dma_start3A_168 = arith.constant 0 : i32
        %dma_start3A_169 = tpu.memref_slice %arg2[%dma_start3A_167, %dma_start3A_168] : memref<100000x8xf32, #tpu.memory_space<hbm>> -> memref<100000x8xf32, #tpu.memory_space<hbm>>
        tpu.enqueue_indirect_dma source(%dma_start3A_169 : memref<100000x8xf32, #tpu.memory_space<hbm>>) target(%dma_start3A_163 : memref<128x8xf32, #tpu.memory_space<vmem>>) offsets(%dma_start3A_166 : memref<128xi32, #tpu.memory_space<vmem>>) semaphore(%arg19 : memref<!tpu.dma_semaphore, #tpu.memory_space<semaphore_mem>>)
        %dma_start3A_170 = arith.constant 0 : i32
        %dma_start3A_171 = arith.constant 6 : i32
        %dma_start3A_172 = arith.constant 0 : i32
        %dma_start3A_173 = arith.constant 768 : i32
        %dma_start3A_174 = arith.constant 0 : i32
        %dma_start3A_175 = tpu.memref_slice %arg12[%dma_start3A_172, %dma_start3A_173, %dma_start3A_174] : memref<2x2048x8xf32, #tpu.memory_space<vmem>> -> memref<1x128x8xf32, #tpu.memory_space<vmem>>
        %dma_start3A_176 = tpu.memref_squeeze %dma_start3A_175 : memref<1x128x8xf32, #tpu.memory_space<vmem>> -> memref<128x8xf32, #tpu.memory_space<vmem>>
        %dma_start3A_177 = arith.constant 0 : i32
        %dma_start3A_178 = tpu.memref_slice %arg11[%dma_start3A_170, %dma_start3A_171, %dma_start3A_177] : memref<2x16x128xi32, #tpu.memory_space<vmem>> -> memref<1x1x128xi32, #tpu.memory_space<vmem>>
        %dma_start3A_179 = tpu.memref_squeeze %dma_start3A_178 : memref<1x1x128xi32, #tpu.memory_space<vmem>> -> memref<128xi32, #tpu.memory_space<vmem>>
        %dma_start3A_180 = arith.constant 0 : i32
        %dma_start3A_181 = arith.constant 0 : i32
        %dma_start3A_182 = tpu.memref_slice %arg2[%dma_start3A_180, %dma_start3A_181] : memref<100000x8xf32, #tpu.memory_space<hbm>> -> memref<100000x8xf32, #tpu.memory_space<hbm>>
        tpu.enqueue_indirect_dma source(%dma_start3A_182 : memref<100000x8xf32, #tpu.memory_space<hbm>>) target(%dma_start3A_176 : memref<128x8xf32, #tpu.memory_space<vmem>>) offsets(%dma_start3A_179 : memref<128xi32, #tpu.memory_space<vmem>>) semaphore(%arg19 : memref<!tpu.dma_semaphore, #tpu.memory_space<semaphore_mem>>)
        %dma_start3A_183 = arith.constant 0 : i32
        %dma_start3A_184 = arith.constant 7 : i32
        %dma_start3A_185 = arith.constant 0 : i32
        %dma_start3A_186 = arith.constant 896 : i32
        %dma_start3A_187 = arith.constant 0 : i32
        %dma_start3A_188 = tpu.memref_slice %arg12[%dma_start3A_185, %dma_start3A_186, %dma_start3A_187] : memref<2x2048x8xf32, #tpu.memory_space<vmem>> -> memref<1x128x8xf32, #tpu.memory_space<vmem>>
        %dma_start3A_189 = tpu.memref_squeeze %dma_start3A_188 : memref<1x128x8xf32, #tpu.memory_space<vmem>> -> memref<128x8xf32, #tpu.memory_space<vmem>>
        %dma_start3A_190 = arith.constant 0 : i32
        %dma_start3A_191 = tpu.memref_slice %arg11[%dma_start3A_183, %dma_start3A_184, %dma_start3A_190] : memref<2x16x128xi32, #tpu.memory_space<vmem>> -> memref<1x1x128xi32, #tpu.memory_space<vmem>>
        %dma_start3A_192 = tpu.memref_squeeze %dma_start3A_191 : memref<1x1x128xi32, #tpu.memory_space<vmem>> -> memref<128xi32, #tpu.memory_space<vmem>>
        %dma_start3A_193 = arith.constant 0 : i32
        %dma_start3A_194 = arith.constant 0 : i32
        %dma_start3A_195 = tpu.memref_slice %arg2[%dma_start3A_193, %dma_start3A_194] : memref<100000x8xf32, #tpu.memory_space<hbm>> -> memref<100000x8xf32, #tpu.memory_space<hbm>>
        tpu.enqueue_indirect_dma source(%dma_start3A_195 : memref<100000x8xf32, #tpu.memory_space<hbm>>) target(%dma_start3A_189 : memref<128x8xf32, #tpu.memory_space<vmem>>) offsets(%dma_start3A_192 : memref<128xi32, #tpu.memory_space<vmem>>) semaphore(%arg19 : memref<!tpu.dma_semaphore, #tpu.memory_space<semaphore_mem>>)
        %dma_start3A_196 = arith.constant 0 : i32
        %dma_start3A_197 = arith.constant 8 : i32
        %dma_start3A_198 = arith.constant 0 : i32
        %dma_start3A_199 = arith.constant 1024 : i32
        %dma_start3A_200 = arith.constant 0 : i32
        %dma_start3A_201 = tpu.memref_slice %arg12[%dma_start3A_198, %dma_start3A_199, %dma_start3A_200] : memref<2x2048x8xf32, #tpu.memory_space<vmem>> -> memref<1x128x8xf32, #tpu.memory_space<vmem>>
        %dma_start3A_202 = tpu.memref_squeeze %dma_start3A_201 : memref<1x128x8xf32, #tpu.memory_space<vmem>> -> memref<128x8xf32, #tpu.memory_space<vmem>>
        %dma_start3A_203 = arith.constant 0 : i32
        %dma_start3A_204 = tpu.memref_slice %arg11[%dma_start3A_196, %dma_start3A_197, %dma_start3A_203] : memref<2x16x128xi32, #tpu.memory_space<vmem>> -> memref<1x1x128xi32, #tpu.memory_space<vmem>>
        %dma_start3A_205 = tpu.memref_squeeze %dma_start3A_204 : memref<1x1x128xi32, #tpu.memory_space<vmem>> -> memref<128xi32, #tpu.memory_space<vmem>>
        %dma_start3A_206 = arith.constant 0 : i32
        %dma_start3A_207 = arith.constant 0 : i32
        %dma_start3A_208 = tpu.memref_slice %arg2[%dma_start3A_206, %dma_start3A_207] : memref<100000x8xf32, #tpu.memory_space<hbm>> -> memref<100000x8xf32, #tpu.memory_space<hbm>>
        tpu.enqueue_indirect_dma source(%dma_start3A_208 : memref<100000x8xf32, #tpu.memory_space<hbm>>) target(%dma_start3A_202 : memref<128x8xf32, #tpu.memory_space<vmem>>) offsets(%dma_start3A_205 : memref<128xi32, #tpu.memory_space<vmem>>) semaphore(%arg19 : memref<!tpu.dma_semaphore, #tpu.memory_space<semaphore_mem>>)
        %dma_start3A_209 = arith.constant 0 : i32
        %dma_start3A_210 = arith.constant 9 : i32
        %dma_start3A_211 = arith.constant 0 : i32
        %dma_start3A_212 = arith.constant 1152 : i32
        %dma_start3A_213 = arith.constant 0 : i32
        %dma_start3A_214 = tpu.memref_slice %arg12[%dma_start3A_211, %dma_start3A_212, %dma_start3A_213] : memref<2x2048x8xf32, #tpu.memory_space<vmem>> -> memref<1x128x8xf32, #tpu.memory_space<vmem>>
        %dma_start3A_215 = tpu.memref_squeeze %dma_start3A_214 : memref<1x128x8xf32, #tpu.memory_space<vmem>> -> memref<128x8xf32, #tpu.memory_space<vmem>>
        %dma_start3A_216 = arith.constant 0 : i32
        %dma_start3A_217 = tpu.memref_slice %arg11[%dma_start3A_209, %dma_start3A_210, %dma_start3A_216] : memref<2x16x128xi32, #tpu.memory_space<vmem>> -> memref<1x1x128xi32, #tpu.memory_space<vmem>>
        %dma_start3A_218 = tpu.memref_squeeze %dma_start3A_217 : memref<1x1x128xi32, #tpu.memory_space<vmem>> -> memref<128xi32, #tpu.memory_space<vmem>>
        %dma_start3A_219 = arith.constant 0 : i32
        %dma_start3A_220 = arith.constant 0 : i32
        %dma_start3A_221 = tpu.memref_slice %arg2[%dma_start3A_219, %dma_start3A_220] : memref<100000x8xf32, #tpu.memory_space<hbm>> -> memref<100000x8xf32, #tpu.memory_space<hbm>>
        tpu.enqueue_indirect_dma source(%dma_start3A_221 : memref<100000x8xf32, #tpu.memory_space<hbm>>) target(%dma_start3A_215 : memref<128x8xf32, #tpu.memory_space<vmem>>) offsets(%dma_start3A_218 : memref<128xi32, #tpu.memory_space<vmem>>) semaphore(%arg19 : memref<!tpu.dma_semaphore, #tpu.memory_space<semaphore_mem>>)
        %dma_start3A_222 = arith.constant 0 : i32
        %dma_start3A_223 = arith.constant 10 : i32
        %dma_start3A_224 = arith.constant 0 : i32
        %dma_start3A_225 = arith.constant 1280 : i32
        %dma_start3A_226 = arith.constant 0 : i32
        %dma_start3A_227 = tpu.memref_slice %arg12[%dma_start3A_224, %dma_start3A_225, %dma_start3A_226] : memref<2x2048x8xf32, #tpu.memory_space<vmem>> -> memref<1x128x8xf32, #tpu.memory_space<vmem>>
        %dma_start3A_228 = tpu.memref_squeeze %dma_start3A_227 : memref<1x128x8xf32, #tpu.memory_space<vmem>> -> memref<128x8xf32, #tpu.memory_space<vmem>>
        %dma_start3A_229 = arith.constant 0 : i32
        %dma_start3A_230 = tpu.memref_slice %arg11[%dma_start3A_222, %dma_start3A_223, %dma_start3A_229] : memref<2x16x128xi32, #tpu.memory_space<vmem>> -> memref<1x1x128xi32, #tpu.memory_space<vmem>>
        %dma_start3A_231 = tpu.memref_squeeze %dma_start3A_230 : memref<1x1x128xi32, #tpu.memory_space<vmem>> -> memref<128xi32, #tpu.memory_space<vmem>>
        %dma_start3A_232 = arith.constant 0 : i32
        %dma_start3A_233 = arith.constant 0 : i32
        %dma_start3A_234 = tpu.memref_slice %arg2[%dma_start3A_232, %dma_start3A_233] : memref<100000x8xf32, #tpu.memory_space<hbm>> -> memref<100000x8xf32, #tpu.memory_space<hbm>>
        tpu.enqueue_indirect_dma source(%dma_start3A_234 : memref<100000x8xf32, #tpu.memory_space<hbm>>) target(%dma_start3A_228 : memref<128x8xf32, #tpu.memory_space<vmem>>) offsets(%dma_start3A_231 : memref<128xi32, #tpu.memory_space<vmem>>) semaphore(%arg19 : memref<!tpu.dma_semaphore, #tpu.memory_space<semaphore_mem>>)
        %dma_start3A_235 = arith.constant 0 : i32
        %dma_start3A_236 = arith.constant 11 : i32
        %dma_start3A_237 = arith.constant 0 : i32
        %dma_start3A_238 = arith.constant 1408 : i32
        %dma_start3A_239 = arith.constant 0 : i32
        %dma_start3A_240 = tpu.memref_slice %arg12[%dma_start3A_237, %dma_start3A_238, %dma_start3A_239] : memref<2x2048x8xf32, #tpu.memory_space<vmem>> -> memref<1x128x8xf32, #tpu.memory_space<vmem>>
        %dma_start3A_241 = tpu.memref_squeeze %dma_start3A_240 : memref<1x128x8xf32, #tpu.memory_space<vmem>> -> memref<128x8xf32, #tpu.memory_space<vmem>>
        %dma_start3A_242 = arith.constant 0 : i32
        %dma_start3A_243 = tpu.memref_slice %arg11[%dma_start3A_235, %dma_start3A_236, %dma_start3A_242] : memref<2x16x128xi32, #tpu.memory_space<vmem>> -> memref<1x1x128xi32, #tpu.memory_space<vmem>>
        %dma_start3A_244 = tpu.memref_squeeze %dma_start3A_243 : memref<1x1x128xi32, #tpu.memory_space<vmem>> -> memref<128xi32, #tpu.memory_space<vmem>>
        %dma_start3A_245 = arith.constant 0 : i32
        %dma_start3A_246 = arith.constant 0 : i32
        %dma_start3A_247 = tpu.memref_slice %arg2[%dma_start3A_245, %dma_start3A_246] : memref<100000x8xf32, #tpu.memory_space<hbm>> -> memref<100000x8xf32, #tpu.memory_space<hbm>>
        tpu.enqueue_indirect_dma source(%dma_start3A_247 : memref<100000x8xf32, #tpu.memory_space<hbm>>) target(%dma_start3A_241 : memref<128x8xf32, #tpu.memory_space<vmem>>) offsets(%dma_start3A_244 : memref<128xi32, #tpu.memory_space<vmem>>) semaphore(%arg19 : memref<!tpu.dma_semaphore, #tpu.memory_space<semaphore_mem>>)
        %dma_start3A_248 = arith.constant 0 : i32
        %dma_start3A_249 = arith.constant 12 : i32
        %dma_start3A_250 = arith.constant 0 : i32
        %dma_start3A_251 = arith.constant 1536 : i32
        %dma_start3A_252 = arith.constant 0 : i32
        %dma_start3A_253 = tpu.memref_slice %arg12[%dma_start3A_250, %dma_start3A_251, %dma_start3A_252] : memref<2x2048x8xf32, #tpu.memory_space<vmem>> -> memref<1x128x8xf32, #tpu.memory_space<vmem>>
        %dma_start3A_254 = tpu.memref_squeeze %dma_start3A_253 : memref<1x128x8xf32, #tpu.memory_space<vmem>> -> memref<128x8xf32, #tpu.memory_space<vmem>>
        %dma_start3A_255 = arith.constant 0 : i32
        %dma_start3A_256 = tpu.memref_slice %arg11[%dma_start3A_248, %dma_start3A_249, %dma_start3A_255] : memref<2x16x128xi32, #tpu.memory_space<vmem>> -> memref<1x1x128xi32, #tpu.memory_space<vmem>>
        %dma_start3A_257 = tpu.memref_squeeze %dma_start3A_256 : memref<1x1x128xi32, #tpu.memory_space<vmem>> -> memref<128xi32, #tpu.memory_space<vmem>>
        %dma_start3A_258 = arith.constant 0 : i32
        %dma_start3A_259 = arith.constant 0 : i32
        %dma_start3A_260 = tpu.memref_slice %arg2[%dma_start3A_258, %dma_start3A_259] : memref<100000x8xf32, #tpu.memory_space<hbm>> -> memref<100000x8xf32, #tpu.memory_space<hbm>>
        tpu.enqueue_indirect_dma source(%dma_start3A_260 : memref<100000x8xf32, #tpu.memory_space<hbm>>) target(%dma_start3A_254 : memref<128x8xf32, #tpu.memory_space<vmem>>) offsets(%dma_start3A_257 : memref<128xi32, #tpu.memory_space<vmem>>) semaphore(%arg19 : memref<!tpu.dma_semaphore, #tpu.memory_space<semaphore_mem>>)
        %dma_start3A_261 = arith.constant 0 : i32
        %dma_start3A_262 = arith.constant 13 : i32
        %dma_start3A_263 = arith.constant 0 : i32
        %dma_start3A_264 = arith.constant 1664 : i32
        %dma_start3A_265 = arith.constant 0 : i32
        %dma_start3A_266 = tpu.memref_slice %arg12[%dma_start3A_263, %dma_start3A_264, %dma_start3A_265] : memref<2x2048x8xf32, #tpu.memory_space<vmem>> -> memref<1x128x8xf32, #tpu.memory_space<vmem>>
        %dma_start3A_267 = tpu.memref_squeeze %dma_start3A_266 : memref<1x128x8xf32, #tpu.memory_space<vmem>> -> memref<128x8xf32, #tpu.memory_space<vmem>>
        %dma_start3A_268 = arith.constant 0 : i32
        %dma_start3A_269 = tpu.memref_slice %arg11[%dma_start3A_261, %dma_start3A_262, %dma_start3A_268] : memref<2x16x128xi32, #tpu.memory_space<vmem>> -> memref<1x1x128xi32, #tpu.memory_space<vmem>>
        %dma_start3A_270 = tpu.memref_squeeze %dma_start3A_269 : memref<1x1x128xi32, #tpu.memory_space<vmem>> -> memref<128xi32, #tpu.memory_space<vmem>>
        %dma_start3A_271 = arith.constant 0 : i32
        %dma_start3A_272 = arith.constant 0 : i32
        %dma_start3A_273 = tpu.memref_slice %arg2[%dma_start3A_271, %dma_start3A_272] : memref<100000x8xf32, #tpu.memory_space<hbm>> -> memref<100000x8xf32, #tpu.memory_space<hbm>>
        tpu.enqueue_indirect_dma source(%dma_start3A_273 : memref<100000x8xf32, #tpu.memory_space<hbm>>) target(%dma_start3A_267 : memref<128x8xf32, #tpu.memory_space<vmem>>) offsets(%dma_start3A_270 : memref<128xi32, #tpu.memory_space<vmem>>) semaphore(%arg19 : memref<!tpu.dma_semaphore, #tpu.memory_space<semaphore_mem>>)
        %dma_start3A_274 = arith.constant 0 : i32
        %dma_start3A_275 = arith.constant 14 : i32
        %dma_start3A_276 = arith.constant 0 : i32
        %dma_start3A_277 = arith.constant 1792 : i32
        %dma_start3A_278 = arith.constant 0 : i32
        %dma_start3A_279 = tpu.memref_slice %arg12[%dma_start3A_276, %dma_start3A_277, %dma_start3A_278] : memref<2x2048x8xf32, #tpu.memory_space<vmem>> -> memref<1x128x8xf32, #tpu.memory_space<vmem>>
        %dma_start3A_280 = tpu.memref_squeeze %dma_start3A_279 : memref<1x128x8xf32, #tpu.memory_space<vmem>> -> memref<128x8xf32, #tpu.memory_space<vmem>>
        %dma_start3A_281 = arith.constant 0 : i32
        %dma_start3A_282 = tpu.memref_slice %arg11[%dma_start3A_274, %dma_start3A_275, %dma_start3A_281] : memref<2x16x128xi32, #tpu.memory_space<vmem>> -> memref<1x1x128xi32, #tpu.memory_space<vmem>>
        %dma_start3A_283 = tpu.memref_squeeze %dma_start3A_282 : memref<1x1x128xi32, #tpu.memory_space<vmem>> -> memref<128xi32, #tpu.memory_space<vmem>>
        %dma_start3A_284 = arith.constant 0 : i32
        %dma_start3A_285 = arith.constant 0 : i32
        %dma_start3A_286 = tpu.memref_slice %arg2[%dma_start3A_284, %dma_start3A_285] : memref<100000x8xf32, #tpu.memory_space<hbm>> -> memref<100000x8xf32, #tpu.memory_space<hbm>>
        tpu.enqueue_indirect_dma source(%dma_start3A_286 : memref<100000x8xf32, #tpu.memory_space<hbm>>) target(%dma_start3A_280 : memref<128x8xf32, #tpu.memory_space<vmem>>) offsets(%dma_start3A_283 : memref<128xi32, #tpu.memory_space<vmem>>) semaphore(%arg19 : memref<!tpu.dma_semaphore, #tpu.memory_space<semaphore_mem>>)
        %dma_start3A_287 = arith.constant 0 : i32
        %dma_start3A_288 = arith.constant 15 : i32
        %dma_start3A_289 = arith.constant 0 : i32
        %dma_start3A_290 = arith.constant 1920 : i32
        %dma_start3A_291 = arith.constant 0 : i32
        %dma_start3A_292 = tpu.memref_slice %arg12[%dma_start3A_289, %dma_start3A_290, %dma_start3A_291] : memref<2x2048x8xf32, #tpu.memory_space<vmem>> -> memref<1x128x8xf32, #tpu.memory_space<vmem>>
        %dma_start3A_293 = tpu.memref_squeeze %dma_start3A_292 : memref<1x128x8xf32, #tpu.memory_space<vmem>> -> memref<128x8xf32, #tpu.memory_space<vmem>>
        %dma_start3A_294 = arith.constant 0 : i32
        %dma_start3A_295 = tpu.memref_slice %arg11[%dma_start3A_287, %dma_start3A_288, %dma_start3A_294] : memref<2x16x128xi32, #tpu.memory_space<vmem>> -> memref<1x1x128xi32, #tpu.memory_space<vmem>>
        %dma_start3A_296 = tpu.memref_squeeze %dma_start3A_295 : memref<1x1x128xi32, #tpu.memory_space<vmem>> -> memref<128xi32, #tpu.memory_space<vmem>>
        %dma_start3A_297 = arith.constant 0 : i32
        %dma_start3A_298 = arith.constant 0 : i32
        %dma_start3A_299 = tpu.memref_slice %arg2[%dma_start3A_297, %dma_start3A_298] : memref<100000x8xf32, #tpu.memory_space<hbm>> -> memref<100000x8xf32, #tpu.memory_space<hbm>>
        tpu.enqueue_indirect_dma source(%dma_start3A_299 : memref<100000x8xf32, #tpu.memory_space<hbm>>) target(%dma_start3A_293 : memref<128x8xf32, #tpu.memory_space<vmem>>) offsets(%dma_start3A_296 : memref<128xi32, #tpu.memory_space<vmem>>) semaphore(%arg19 : memref<!tpu.dma_semaphore, #tpu.memory_space<semaphore_mem>>)
        %dma_start3A_300 = arith.constant 0 : i32
        %dma_start3A_301 = arith.constant 0 : i32
        %dma_start3A_302 = tpu.memref_slice %arg13[%dma_start3A_300, %dma_start3A_301] : memref<2x1024xf32, #tpu.memory_space<vmem>> -> memref<1x1024xf32, #tpu.memory_space<vmem>>
        %dma_start3A_303 = tpu.memref_squeeze %dma_start3A_302 : memref<1x1024xf32, #tpu.memory_space<vmem>> -> memref<1024xf32, #tpu.memory_space<vmem>>
        %dma_start3A_304 = tpu.memref_slice %arg5[%mul3A_92] : memref<6400000xf32, #tpu.memory_space<hbm>> -> memref<1024xf32, #tpu.memory_space<hbm>>
        %dma_start3A_305 = arith.constant 0 : i32
        %dma_start3A_306 = tpu.memref_slice %arg13[%dma_start3A_300, %dma_start3A_305] : memref<2x1024xf32, #tpu.memory_space<vmem>> -> memref<1x1024xf32, #tpu.memory_space<vmem>>
        %dma_start3A_307 = tpu.memref_squeeze %dma_start3A_306 : memref<1x1024xf32, #tpu.memory_space<vmem>> -> memref<1024xf32, #tpu.memory_space<vmem>>
        %dma_start3A_308 = tpu.memref_slice %arg5[%mul3A_92] : memref<6400000xf32, #tpu.memory_space<hbm>> -> memref<1024xf32, #tpu.memory_space<hbm>>
        tpu.enqueue_dma source(%dma_start3A_308 : memref<1024xf32, #tpu.memory_space<hbm>>) target(%dma_start3A_307 : memref<1024xf32, #tpu.memory_space<vmem>>) target_semaphore(%arg19 : memref<!tpu.dma_semaphore, #tpu.memory_space<semaphore_mem>>)
        %dma_start3A_309 = arith.constant 0 : i32
        %dma_start3A_310 = arith.constant 0 : i32
        %dma_start3A_311 = tpu.memref_slice %arg14[%dma_start3A_309, %dma_start3A_310] : memref<2x1024xf32, #tpu.memory_space<vmem>> -> memref<1x1024xf32, #tpu.memory_space<vmem>>
        %dma_start3A_312 = tpu.memref_squeeze %dma_start3A_311 : memref<1x1024xf32, #tpu.memory_space<vmem>> -> memref<1024xf32, #tpu.memory_space<vmem>>
        %dma_start3A_313 = tpu.memref_slice %arg6[%mul3A_92] : memref<6400000xf32, #tpu.memory_space<hbm>> -> memref<1024xf32, #tpu.memory_space<hbm>>
        %dma_start3A_314 = arith.constant 0 : i32
        %dma_start3A_315 = tpu.memref_slice %arg14[%dma_start3A_309, %dma_start3A_314] : memref<2x1024xf32, #tpu.memory_space<vmem>> -> memref<1x1024xf32, #tpu.memory_space<vmem>>
        %dma_start3A_316 = tpu.memref_squeeze %dma_start3A_315 : memref<1x1024xf32, #tpu.memory_space<vmem>> -> memref<1024xf32, #tpu.memory_space<vmem>>
        %dma_start3A_317 = tpu.memref_slice %arg6[%mul3A_92] : memref<6400000xf32, #tpu.memory_space<hbm>> -> memref<1024xf32, #tpu.memory_space<hbm>>
        tpu.enqueue_dma source(%dma_start3A_317 : memref<1024xf32, #tpu.memory_space<hbm>>) target(%dma_start3A_316 : memref<1024xf32, #tpu.memory_space<vmem>>) target_semaphore(%arg19 : memref<!tpu.dma_semaphore, #tpu.memory_space<semaphore_mem>>)
        %dma_start3A_318 = arith.constant 0 : i32
        %dma_start3A_319 = arith.constant 0 : i32
        %dma_start3A_320 = tpu.memref_slice %arg15[%dma_start3A_318, %dma_start3A_319] : memref<2x1024xf32, #tpu.memory_space<vmem>> -> memref<1x1024xf32, #tpu.memory_space<vmem>>
        %dma_start3A_321 = tpu.memref_squeeze %dma_start3A_320 : memref<1x1024xf32, #tpu.memory_space<vmem>> -> memref<1024xf32, #tpu.memory_space<vmem>>
        %dma_start3A_322 = tpu.memref_slice %arg7[%mul3A_92] : memref<6400000xf32, #tpu.memory_space<hbm>> -> memref<1024xf32, #tpu.memory_space<hbm>>
        %dma_start3A_323 = arith.constant 0 : i32
        %dma_start3A_324 = tpu.memref_slice %arg15[%dma_start3A_318, %dma_start3A_323] : memref<2x1024xf32, #tpu.memory_space<vmem>> -> memref<1x1024xf32, #tpu.memory_space<vmem>>
        %dma_start3A_325 = tpu.memref_squeeze %dma_start3A_324 : memref<1x1024xf32, #tpu.memory_space<vmem>> -> memref<1024xf32, #tpu.memory_space<vmem>>
        %dma_start3A_326 = tpu.memref_slice %arg7[%mul3A_92] : memref<6400000xf32, #tpu.memory_space<hbm>> -> memref<1024xf32, #tpu.memory_space<hbm>>
        tpu.enqueue_dma source(%dma_start3A_326 : memref<1024xf32, #tpu.memory_space<hbm>>) target(%dma_start3A_325 : memref<1024xf32, #tpu.memory_space<vmem>>) target_semaphore(%arg19 : memref<!tpu.dma_semaphore, #tpu.memory_space<semaphore_mem>>)
      } else {
      }
      %add3A_68 = arith.constant 1 : i32
      %add3A_69 = arith.addi %mul3A_30, %add3A_68 : i32
      %mul3A_70 = arith.constant 32 : i32
      %mul3A_71 = arith.muli %add3A_69, %mul3A_70 : i32
      %add3A_72 = arith.addi %add3A, %mul3A_71 : i32
      %sub3A_73 = arith.constant 64 : i32
      %sub3A_74 = arith.subi %add3A_72, %sub3A_73 : i32
      %ge3A_75 = arith.constant 0 : i32
      %ge3A_76 = arith.cmpi sge, %sub3A_74, %ge3A_75 : i32
      %lt3A_77 = arith.constant 6250 : i32
      %lt3A_78 = arith.cmpi slt, %sub3A_74, %lt3A_77 : i32
      %and3A_79 = arith.andi %ge3A_76, %lt3A_78 : i1
      %convert_element_type3A_80 = arith.extui %and3A_79 : i1 to i32
      %cond3A_81 = arith.constant 0 : i32
      %cond3A_82 = arith.cmpi ne, %convert_element_type3A_80, %cond3A_81 : i32
      scf.if %cond3A_82 {
        %mul3A_88 = arith.constant 1024 : i32
        %mul3A_89 = arith.muli %sub3A_74, %mul3A_88 : i32
        %mul3A_90 = arith.constant 8 : i32
        %mul3A_91 = arith.muli %sub3A_74, %mul3A_90 : i32
        %dma_wait3A = arith.constant 1 : i32
        %dma_wait3A_92 = arith.constant 0 : i32
        %dma_wait3A_93 = tpu.memref_slice %arg16[%dma_wait3A, %dma_wait3A_92] : memref<2x1024xf32, #tpu.memory_space<vmem>> -> memref<1x1024xf32, #tpu.memory_space<vmem>>
        %dma_wait3A_94 = tpu.memref_squeeze %dma_wait3A_93 : memref<1x1024xf32, #tpu.memory_space<vmem>> -> memref<1024xf32, #tpu.memory_space<vmem>>
        %dma_wait3A_95 = tpu.memref_slice %arg8[%mul3A_89] : memref<6400000xf32, #tpu.memory_space<hbm>> -> memref<1024xf32, #tpu.memory_space<hbm>>
        %dma_wait3A_96 = tpu.memref_slice %arg8[%mul3A_89] : memref<6400000xf32, #tpu.memory_space<hbm>> -> memref<1024xf32, #tpu.memory_space<hbm>>
        %dma_wait3A_97 = arith.constant 0 : i32
        %dma_wait3A_98 = tpu.memref_slice %arg16[%dma_wait3A, %dma_wait3A_97] : memref<2x1024xf32, #tpu.memory_space<vmem>> -> memref<1x1024xf32, #tpu.memory_space<vmem>>
        %dma_wait3A_99 = tpu.memref_squeeze %dma_wait3A_98 : memref<1x1024xf32, #tpu.memory_space<vmem>> -> memref<1024xf32, #tpu.memory_space<vmem>>
        tpu.wait_dma2 semaphore(%arg22 : memref<!tpu.dma_semaphore, #tpu.memory_space<semaphore_mem>>) src(%dma_wait3A_99 : memref<1024xf32, #tpu.memory_space<vmem>>) dst(%dma_wait3A_96 : memref<1024xf32, #tpu.memory_space<hbm>>)
        %dma_wait3A_100 = arith.constant 1 : i32
        %dma_wait3A_101 = arith.constant 0 : i32
        %dma_wait3A_102 = arith.constant 0 : i32
        %dma_wait3A_103 = arith.constant 0 : i32
        %dma_wait3A_104 = tpu.memref_slice %arg17[%dma_wait3A_100, %dma_wait3A_101, %dma_wait3A_102, %dma_wait3A_103] : memref<2x8x8x128xf32, #tpu.memory_space<vmem>> -> memref<1x8x8x128xf32, #tpu.memory_space<vmem>>
        %dma_wait3A_105 = tpu.memref_squeeze %dma_wait3A_104 : memref<1x8x8x128xf32, #tpu.memory_space<vmem>> -> memref<8x8x128xf32, #tpu.memory_space<vmem>>
        %dma_wait3A_106 = arith.constant 0 : i32
        %dma_wait3A_107 = arith.constant 0 : i32
        %dma_wait3A_108 = tpu.memref_slice %arg9[%mul3A_91, %dma_wait3A_106, %dma_wait3A_107] : memref<50000x8x128xf32, #tpu.memory_space<hbm>> -> memref<8x8x128xf32, #tpu.memory_space<hbm>>
        %dma_wait3A_109 = arith.constant 0 : i32
        %dma_wait3A_110 = arith.constant 0 : i32
        %dma_wait3A_111 = tpu.memref_slice %arg9[%mul3A_91, %dma_wait3A_109, %dma_wait3A_110] : memref<50000x8x128xf32, #tpu.memory_space<hbm>> -> memref<8x8x128xf32, #tpu.memory_space<hbm>>
        %dma_wait3A_112 = arith.constant 0 : i32
        %dma_wait3A_113 = arith.constant 0 : i32
        %dma_wait3A_114 = arith.constant 0 : i32
        %dma_wait3A_115 = tpu.memref_slice %arg17[%dma_wait3A_100, %dma_wait3A_112, %dma_wait3A_113, %dma_wait3A_114] : memref<2x8x8x128xf32, #tpu.memory_space<vmem>> -> memref<1x8x8x128xf32, #tpu.memory_space<vmem>>
        %dma_wait3A_116 = tpu.memref_squeeze %dma_wait3A_115 : memref<1x8x8x128xf32, #tpu.memory_space<vmem>> -> memref<8x8x128xf32, #tpu.memory_space<vmem>>
        tpu.wait_dma2 semaphore(%arg22 : memref<!tpu.dma_semaphore, #tpu.memory_space<semaphore_mem>>) src(%dma_wait3A_116 : memref<8x8x128xf32, #tpu.memory_space<vmem>>) dst(%dma_wait3A_111 : memref<8x8x128xf32, #tpu.memory_space<hbm>>)
        %dma_wait3A_117 = arith.constant 1 : i32
        %dma_wait3A_118 = arith.constant 0 : i32
        %dma_wait3A_119 = arith.constant 0 : i32
        %dma_wait3A_120 = arith.constant 0 : i32
        %dma_wait3A_121 = tpu.memref_slice %arg18[%dma_wait3A_117, %dma_wait3A_118, %dma_wait3A_119, %dma_wait3A_120] : memref<2x8x4x128xf32, #tpu.memory_space<vmem>> -> memref<1x8x4x128xf32, #tpu.memory_space<vmem>>
        %dma_wait3A_122 = tpu.memref_squeeze %dma_wait3A_121 : memref<1x8x4x128xf32, #tpu.memory_space<vmem>> -> memref<8x4x128xf32, #tpu.memory_space<vmem>>
        %dma_wait3A_123 = arith.constant 0 : i32
        %dma_wait3A_124 = arith.constant 0 : i32
        %dma_wait3A_125 = tpu.memref_slice %arg10[%mul3A_91, %dma_wait3A_123, %dma_wait3A_124] : memref<50000x4x128xf32, #tpu.memory_space<hbm>> -> memref<8x4x128xf32, #tpu.memory_space<hbm>>
        %dma_wait3A_126 = arith.constant 0 : i32
        %dma_wait3A_127 = arith.constant 0 : i32
        %dma_wait3A_128 = tpu.memref_slice %arg10[%mul3A_91, %dma_wait3A_126, %dma_wait3A_127] : memref<50000x4x128xf32, #tpu.memory_space<hbm>> -> memref<8x4x128xf32, #tpu.memory_space<hbm>>
        %dma_wait3A_129 = arith.constant 0 : i32
        %dma_wait3A_130 = arith.constant 0 : i32
        %dma_wait3A_131 = arith.constant 0 : i32
        %dma_wait3A_132 = tpu.memref_slice %arg18[%dma_wait3A_117, %dma_wait3A_129, %dma_wait3A_130, %dma_wait3A_131] : memref<2x8x4x128xf32, #tpu.memory_space<vmem>> -> memref<1x8x4x128xf32, #tpu.memory_space<vmem>>
        %dma_wait3A_133 = tpu.memref_squeeze %dma_wait3A_132 : memref<1x8x4x128xf32, #tpu.memory_space<vmem>> -> memref<8x4x128xf32, #tpu.memory_space<vmem>>
        tpu.wait_dma2 semaphore(%arg22 : memref<!tpu.dma_semaphore, #tpu.memory_space<semaphore_mem>>) src(%dma_wait3A_133 : memref<8x4x128xf32, #tpu.memory_space<vmem>>) dst(%dma_wait3A_128 : memref<8x4x128xf32, #tpu.memory_space<hbm>>)
      } else {
      }
      %lt3A_83 = arith.constant 6250 : i32
      %lt3A_84 = arith.cmpi slt, %add3A_72, %lt3A_83 : i32
      %convert_element_type3A_85 = arith.extui %lt3A_84 : i1 to i32
      %cond3A_86 = arith.constant 0 : i32
      %cond3A_87 = arith.cmpi ne, %convert_element_type3A_85, %cond3A_86 : i32
      scf.if %cond3A_87 {
        %mul3A_88 = arith.constant 1024 : i32
        %mul3A_89 = arith.muli %add3A_72, %mul3A_88 : i32
        %dma_wait3A = arith.constant 1 : i32
        %dma_wait3A_90 = arith.constant 0 : i32
        %dma_wait3A_91 = arith.constant 1 : i32
        %dma_wait3A_92 = arith.constant 0 : i32
        %dma_wait3A_93 = arith.constant 0 : i32
        %dma_wait3A_94 = tpu.memref_slice %arg12[%dma_wait3A_91, %dma_wait3A_92, %dma_wait3A_93] : memref<2x2048x8xf32, #tpu.memory_space<vmem>> -> memref<1x128x8xf32, #tpu.memory_space<vmem>>
        %dma_wait3A_95 = tpu.memref_squeeze %dma_wait3A_94 : memref<1x128x8xf32, #tpu.memory_space<vmem>> -> memref<128x8xf32, #tpu.memory_space<vmem>>
        %dma_wait3A_96 = arith.constant 0 : i32
        %dma_wait3A_97 = tpu.memref_slice %arg11[%dma_wait3A, %dma_wait3A_90, %dma_wait3A_96] : memref<2x16x128xi32, #tpu.memory_space<vmem>> -> memref<1x1x128xi32, #tpu.memory_space<vmem>>
        %dma_wait3A_98 = tpu.memref_squeeze %dma_wait3A_97 : memref<1x1x128xi32, #tpu.memory_space<vmem>> -> memref<128xi32, #tpu.memory_space<vmem>>
        %dma_wait3A_99 = arith.constant 0 : i32
        %dma_wait3A_100 = arith.constant 0 : i32
        %dma_wait3A_101 = tpu.memref_slice %arg2[%dma_wait3A_99, %dma_wait3A_100] : memref<100000x8xf32, #tpu.memory_space<hbm>> -> memref<100000x8xf32, #tpu.memory_space<hbm>>
        tpu.wait_indirect_dma semaphore(%arg20 : memref<!tpu.dma_semaphore, #tpu.memory_space<semaphore_mem>>) src(%dma_wait3A_101 : memref<100000x8xf32, #tpu.memory_space<hbm>>) dst(%dma_wait3A_95 : memref<128x8xf32, #tpu.memory_space<vmem>>)
        %dma_wait3A_102 = arith.constant 1 : i32
        %dma_wait3A_103 = arith.constant 1 : i32
        %dma_wait3A_104 = arith.constant 1 : i32
        %dma_wait3A_105 = arith.constant 128 : i32
        %dma_wait3A_106 = arith.constant 0 : i32
        %dma_wait3A_107 = tpu.memref_slice %arg12[%dma_wait3A_104, %dma_wait3A_105, %dma_wait3A_106] : memref<2x2048x8xf32, #tpu.memory_space<vmem>> -> memref<1x128x8xf32, #tpu.memory_space<vmem>>
        %dma_wait3A_108 = tpu.memref_squeeze %dma_wait3A_107 : memref<1x128x8xf32, #tpu.memory_space<vmem>> -> memref<128x8xf32, #tpu.memory_space<vmem>>
        %dma_wait3A_109 = arith.constant 0 : i32
        %dma_wait3A_110 = tpu.memref_slice %arg11[%dma_wait3A_102, %dma_wait3A_103, %dma_wait3A_109] : memref<2x16x128xi32, #tpu.memory_space<vmem>> -> memref<1x1x128xi32, #tpu.memory_space<vmem>>
        %dma_wait3A_111 = tpu.memref_squeeze %dma_wait3A_110 : memref<1x1x128xi32, #tpu.memory_space<vmem>> -> memref<128xi32, #tpu.memory_space<vmem>>
        %dma_wait3A_112 = arith.constant 0 : i32
        %dma_wait3A_113 = arith.constant 0 : i32
        %dma_wait3A_114 = tpu.memref_slice %arg2[%dma_wait3A_112, %dma_wait3A_113] : memref<100000x8xf32, #tpu.memory_space<hbm>> -> memref<100000x8xf32, #tpu.memory_space<hbm>>
        tpu.wait_indirect_dma semaphore(%arg20 : memref<!tpu.dma_semaphore, #tpu.memory_space<semaphore_mem>>) src(%dma_wait3A_114 : memref<100000x8xf32, #tpu.memory_space<hbm>>) dst(%dma_wait3A_108 : memref<128x8xf32, #tpu.memory_space<vmem>>)
        %dma_wait3A_115 = arith.constant 1 : i32
        %dma_wait3A_116 = arith.constant 2 : i32
        %dma_wait3A_117 = arith.constant 1 : i32
        %dma_wait3A_118 = arith.constant 256 : i32
        %dma_wait3A_119 = arith.constant 0 : i32
        %dma_wait3A_120 = tpu.memref_slice %arg12[%dma_wait3A_117, %dma_wait3A_118, %dma_wait3A_119] : memref<2x2048x8xf32, #tpu.memory_space<vmem>> -> memref<1x128x8xf32, #tpu.memory_space<vmem>>
        %dma_wait3A_121 = tpu.memref_squeeze %dma_wait3A_120 : memref<1x128x8xf32, #tpu.memory_space<vmem>> -> memref<128x8xf32, #tpu.memory_space<vmem>>
        %dma_wait3A_122 = arith.constant 0 : i32
        %dma_wait3A_123 = tpu.memref_slice %arg11[%dma_wait3A_115, %dma_wait3A_116, %dma_wait3A_122] : memref<2x16x128xi32, #tpu.memory_space<vmem>> -> memref<1x1x128xi32, #tpu.memory_space<vmem>>
        %dma_wait3A_124 = tpu.memref_squeeze %dma_wait3A_123 : memref<1x1x128xi32, #tpu.memory_space<vmem>> -> memref<128xi32, #tpu.memory_space<vmem>>
        %dma_wait3A_125 = arith.constant 0 : i32
        %dma_wait3A_126 = arith.constant 0 : i32
        %dma_wait3A_127 = tpu.memref_slice %arg2[%dma_wait3A_125, %dma_wait3A_126] : memref<100000x8xf32, #tpu.memory_space<hbm>> -> memref<100000x8xf32, #tpu.memory_space<hbm>>
        tpu.wait_indirect_dma semaphore(%arg20 : memref<!tpu.dma_semaphore, #tpu.memory_space<semaphore_mem>>) src(%dma_wait3A_127 : memref<100000x8xf32, #tpu.memory_space<hbm>>) dst(%dma_wait3A_121 : memref<128x8xf32, #tpu.memory_space<vmem>>)
        %dma_wait3A_128 = arith.constant 1 : i32
        %dma_wait3A_129 = arith.constant 3 : i32
        %dma_wait3A_130 = arith.constant 1 : i32
        %dma_wait3A_131 = arith.constant 384 : i32
        %dma_wait3A_132 = arith.constant 0 : i32
        %dma_wait3A_133 = tpu.memref_slice %arg12[%dma_wait3A_130, %dma_wait3A_131, %dma_wait3A_132] : memref<2x2048x8xf32, #tpu.memory_space<vmem>> -> memref<1x128x8xf32, #tpu.memory_space<vmem>>
        %dma_wait3A_134 = tpu.memref_squeeze %dma_wait3A_133 : memref<1x128x8xf32, #tpu.memory_space<vmem>> -> memref<128x8xf32, #tpu.memory_space<vmem>>
        %dma_wait3A_135 = arith.constant 0 : i32
        %dma_wait3A_136 = tpu.memref_slice %arg11[%dma_wait3A_128, %dma_wait3A_129, %dma_wait3A_135] : memref<2x16x128xi32, #tpu.memory_space<vmem>> -> memref<1x1x128xi32, #tpu.memory_space<vmem>>
        %dma_wait3A_137 = tpu.memref_squeeze %dma_wait3A_136 : memref<1x1x128xi32, #tpu.memory_space<vmem>> -> memref<128xi32, #tpu.memory_space<vmem>>
        %dma_wait3A_138 = arith.constant 0 : i32
        %dma_wait3A_139 = arith.constant 0 : i32
        %dma_wait3A_140 = tpu.memref_slice %arg2[%dma_wait3A_138, %dma_wait3A_139] : memref<100000x8xf32, #tpu.memory_space<hbm>> -> memref<100000x8xf32, #tpu.memory_space<hbm>>
        tpu.wait_indirect_dma semaphore(%arg20 : memref<!tpu.dma_semaphore, #tpu.memory_space<semaphore_mem>>) src(%dma_wait3A_140 : memref<100000x8xf32, #tpu.memory_space<hbm>>) dst(%dma_wait3A_134 : memref<128x8xf32, #tpu.memory_space<vmem>>)
        %dma_wait3A_141 = arith.constant 1 : i32
        %dma_wait3A_142 = arith.constant 4 : i32
        %dma_wait3A_143 = arith.constant 1 : i32
        %dma_wait3A_144 = arith.constant 512 : i32
        %dma_wait3A_145 = arith.constant 0 : i32
        %dma_wait3A_146 = tpu.memref_slice %arg12[%dma_wait3A_143, %dma_wait3A_144, %dma_wait3A_145] : memref<2x2048x8xf32, #tpu.memory_space<vmem>> -> memref<1x128x8xf32, #tpu.memory_space<vmem>>
        %dma_wait3A_147 = tpu.memref_squeeze %dma_wait3A_146 : memref<1x128x8xf32, #tpu.memory_space<vmem>> -> memref<128x8xf32, #tpu.memory_space<vmem>>
        %dma_wait3A_148 = arith.constant 0 : i32
        %dma_wait3A_149 = tpu.memref_slice %arg11[%dma_wait3A_141, %dma_wait3A_142, %dma_wait3A_148] : memref<2x16x128xi32, #tpu.memory_space<vmem>> -> memref<1x1x128xi32, #tpu.memory_space<vmem>>
        %dma_wait3A_150 = tpu.memref_squeeze %dma_wait3A_149 : memref<1x1x128xi32, #tpu.memory_space<vmem>> -> memref<128xi32, #tpu.memory_space<vmem>>
        %dma_wait3A_151 = arith.constant 0 : i32
        %dma_wait3A_152 = arith.constant 0 : i32
        %dma_wait3A_153 = tpu.memref_slice %arg2[%dma_wait3A_151, %dma_wait3A_152] : memref<100000x8xf32, #tpu.memory_space<hbm>> -> memref<100000x8xf32, #tpu.memory_space<hbm>>
        tpu.wait_indirect_dma semaphore(%arg20 : memref<!tpu.dma_semaphore, #tpu.memory_space<semaphore_mem>>) src(%dma_wait3A_153 : memref<100000x8xf32, #tpu.memory_space<hbm>>) dst(%dma_wait3A_147 : memref<128x8xf32, #tpu.memory_space<vmem>>)
        %dma_wait3A_154 = arith.constant 1 : i32
        %dma_wait3A_155 = arith.constant 5 : i32
        %dma_wait3A_156 = arith.constant 1 : i32
        %dma_wait3A_157 = arith.constant 640 : i32
        %dma_wait3A_158 = arith.constant 0 : i32
        %dma_wait3A_159 = tpu.memref_slice %arg12[%dma_wait3A_156, %dma_wait3A_157, %dma_wait3A_158] : memref<2x2048x8xf32, #tpu.memory_space<vmem>> -> memref<1x128x8xf32, #tpu.memory_space<vmem>>
        %dma_wait3A_160 = tpu.memref_squeeze %dma_wait3A_159 : memref<1x128x8xf32, #tpu.memory_space<vmem>> -> memref<128x8xf32, #tpu.memory_space<vmem>>
        %dma_wait3A_161 = arith.constant 0 : i32
        %dma_wait3A_162 = tpu.memref_slice %arg11[%dma_wait3A_154, %dma_wait3A_155, %dma_wait3A_161] : memref<2x16x128xi32, #tpu.memory_space<vmem>> -> memref<1x1x128xi32, #tpu.memory_space<vmem>>
        %dma_wait3A_163 = tpu.memref_squeeze %dma_wait3A_162 : memref<1x1x128xi32, #tpu.memory_space<vmem>> -> memref<128xi32, #tpu.memory_space<vmem>>
        %dma_wait3A_164 = arith.constant 0 : i32
        %dma_wait3A_165 = arith.constant 0 : i32
        %dma_wait3A_166 = tpu.memref_slice %arg2[%dma_wait3A_164, %dma_wait3A_165] : memref<100000x8xf32, #tpu.memory_space<hbm>> -> memref<100000x8xf32, #tpu.memory_space<hbm>>
        tpu.wait_indirect_dma semaphore(%arg20 : memref<!tpu.dma_semaphore, #tpu.memory_space<semaphore_mem>>) src(%dma_wait3A_166 : memref<100000x8xf32, #tpu.memory_space<hbm>>) dst(%dma_wait3A_160 : memref<128x8xf32, #tpu.memory_space<vmem>>)
        %dma_wait3A_167 = arith.constant 1 : i32
        %dma_wait3A_168 = arith.constant 6 : i32
        %dma_wait3A_169 = arith.constant 1 : i32
        %dma_wait3A_170 = arith.constant 768 : i32
        %dma_wait3A_171 = arith.constant 0 : i32
        %dma_wait3A_172 = tpu.memref_slice %arg12[%dma_wait3A_169, %dma_wait3A_170, %dma_wait3A_171] : memref<2x2048x8xf32, #tpu.memory_space<vmem>> -> memref<1x128x8xf32, #tpu.memory_space<vmem>>
        %dma_wait3A_173 = tpu.memref_squeeze %dma_wait3A_172 : memref<1x128x8xf32, #tpu.memory_space<vmem>> -> memref<128x8xf32, #tpu.memory_space<vmem>>
        %dma_wait3A_174 = arith.constant 0 : i32
        %dma_wait3A_175 = tpu.memref_slice %arg11[%dma_wait3A_167, %dma_wait3A_168, %dma_wait3A_174] : memref<2x16x128xi32, #tpu.memory_space<vmem>> -> memref<1x1x128xi32, #tpu.memory_space<vmem>>
        %dma_wait3A_176 = tpu.memref_squeeze %dma_wait3A_175 : memref<1x1x128xi32, #tpu.memory_space<vmem>> -> memref<128xi32, #tpu.memory_space<vmem>>
        %dma_wait3A_177 = arith.constant 0 : i32
        %dma_wait3A_178 = arith.constant 0 : i32
        %dma_wait3A_179 = tpu.memref_slice %arg2[%dma_wait3A_177, %dma_wait3A_178] : memref<100000x8xf32, #tpu.memory_space<hbm>> -> memref<100000x8xf32, #tpu.memory_space<hbm>>
        tpu.wait_indirect_dma semaphore(%arg20 : memref<!tpu.dma_semaphore, #tpu.memory_space<semaphore_mem>>) src(%dma_wait3A_179 : memref<100000x8xf32, #tpu.memory_space<hbm>>) dst(%dma_wait3A_173 : memref<128x8xf32, #tpu.memory_space<vmem>>)
        %dma_wait3A_180 = arith.constant 1 : i32
        %dma_wait3A_181 = arith.constant 7 : i32
        %dma_wait3A_182 = arith.constant 1 : i32
        %dma_wait3A_183 = arith.constant 896 : i32
        %dma_wait3A_184 = arith.constant 0 : i32
        %dma_wait3A_185 = tpu.memref_slice %arg12[%dma_wait3A_182, %dma_wait3A_183, %dma_wait3A_184] : memref<2x2048x8xf32, #tpu.memory_space<vmem>> -> memref<1x128x8xf32, #tpu.memory_space<vmem>>
        %dma_wait3A_186 = tpu.memref_squeeze %dma_wait3A_185 : memref<1x128x8xf32, #tpu.memory_space<vmem>> -> memref<128x8xf32, #tpu.memory_space<vmem>>
        %dma_wait3A_187 = arith.constant 0 : i32
        %dma_wait3A_188 = tpu.memref_slice %arg11[%dma_wait3A_180, %dma_wait3A_181, %dma_wait3A_187] : memref<2x16x128xi32, #tpu.memory_space<vmem>> -> memref<1x1x128xi32, #tpu.memory_space<vmem>>
        %dma_wait3A_189 = tpu.memref_squeeze %dma_wait3A_188 : memref<1x1x128xi32, #tpu.memory_space<vmem>> -> memref<128xi32, #tpu.memory_space<vmem>>
        %dma_wait3A_190 = arith.constant 0 : i32
        %dma_wait3A_191 = arith.constant 0 : i32
        %dma_wait3A_192 = tpu.memref_slice %arg2[%dma_wait3A_190, %dma_wait3A_191] : memref<100000x8xf32, #tpu.memory_space<hbm>> -> memref<100000x8xf32, #tpu.memory_space<hbm>>
        tpu.wait_indirect_dma semaphore(%arg20 : memref<!tpu.dma_semaphore, #tpu.memory_space<semaphore_mem>>) src(%dma_wait3A_192 : memref<100000x8xf32, #tpu.memory_space<hbm>>) dst(%dma_wait3A_186 : memref<128x8xf32, #tpu.memory_space<vmem>>)
        %dma_wait3A_193 = arith.constant 1 : i32
        %dma_wait3A_194 = arith.constant 8 : i32
        %dma_wait3A_195 = arith.constant 1 : i32
        %dma_wait3A_196 = arith.constant 1024 : i32
        %dma_wait3A_197 = arith.constant 0 : i32
        %dma_wait3A_198 = tpu.memref_slice %arg12[%dma_wait3A_195, %dma_wait3A_196, %dma_wait3A_197] : memref<2x2048x8xf32, #tpu.memory_space<vmem>> -> memref<1x128x8xf32, #tpu.memory_space<vmem>>
        %dma_wait3A_199 = tpu.memref_squeeze %dma_wait3A_198 : memref<1x128x8xf32, #tpu.memory_space<vmem>> -> memref<128x8xf32, #tpu.memory_space<vmem>>
        %dma_wait3A_200 = arith.constant 0 : i32
        %dma_wait3A_201 = tpu.memref_slice %arg11[%dma_wait3A_193, %dma_wait3A_194, %dma_wait3A_200] : memref<2x16x128xi32, #tpu.memory_space<vmem>> -> memref<1x1x128xi32, #tpu.memory_space<vmem>>
        %dma_wait3A_202 = tpu.memref_squeeze %dma_wait3A_201 : memref<1x1x128xi32, #tpu.memory_space<vmem>> -> memref<128xi32, #tpu.memory_space<vmem>>
        %dma_wait3A_203 = arith.constant 0 : i32
        %dma_wait3A_204 = arith.constant 0 : i32
        %dma_wait3A_205 = tpu.memref_slice %arg2[%dma_wait3A_203, %dma_wait3A_204] : memref<100000x8xf32, #tpu.memory_space<hbm>> -> memref<100000x8xf32, #tpu.memory_space<hbm>>
        tpu.wait_indirect_dma semaphore(%arg20 : memref<!tpu.dma_semaphore, #tpu.memory_space<semaphore_mem>>) src(%dma_wait3A_205 : memref<100000x8xf32, #tpu.memory_space<hbm>>) dst(%dma_wait3A_199 : memref<128x8xf32, #tpu.memory_space<vmem>>)
        %dma_wait3A_206 = arith.constant 1 : i32
        %dma_wait3A_207 = arith.constant 9 : i32
        %dma_wait3A_208 = arith.constant 1 : i32
        %dma_wait3A_209 = arith.constant 1152 : i32
        %dma_wait3A_210 = arith.constant 0 : i32
        %dma_wait3A_211 = tpu.memref_slice %arg12[%dma_wait3A_208, %dma_wait3A_209, %dma_wait3A_210] : memref<2x2048x8xf32, #tpu.memory_space<vmem>> -> memref<1x128x8xf32, #tpu.memory_space<vmem>>
        %dma_wait3A_212 = tpu.memref_squeeze %dma_wait3A_211 : memref<1x128x8xf32, #tpu.memory_space<vmem>> -> memref<128x8xf32, #tpu.memory_space<vmem>>
        %dma_wait3A_213 = arith.constant 0 : i32
        %dma_wait3A_214 = tpu.memref_slice %arg11[%dma_wait3A_206, %dma_wait3A_207, %dma_wait3A_213] : memref<2x16x128xi32, #tpu.memory_space<vmem>> -> memref<1x1x128xi32, #tpu.memory_space<vmem>>
        %dma_wait3A_215 = tpu.memref_squeeze %dma_wait3A_214 : memref<1x1x128xi32, #tpu.memory_space<vmem>> -> memref<128xi32, #tpu.memory_space<vmem>>
        %dma_wait3A_216 = arith.constant 0 : i32
        %dma_wait3A_217 = arith.constant 0 : i32
        %dma_wait3A_218 = tpu.memref_slice %arg2[%dma_wait3A_216, %dma_wait3A_217] : memref<100000x8xf32, #tpu.memory_space<hbm>> -> memref<100000x8xf32, #tpu.memory_space<hbm>>
        tpu.wait_indirect_dma semaphore(%arg20 : memref<!tpu.dma_semaphore, #tpu.memory_space<semaphore_mem>>) src(%dma_wait3A_218 : memref<100000x8xf32, #tpu.memory_space<hbm>>) dst(%dma_wait3A_212 : memref<128x8xf32, #tpu.memory_space<vmem>>)
        %dma_wait3A_219 = arith.constant 1 : i32
        %dma_wait3A_220 = arith.constant 10 : i32
        %dma_wait3A_221 = arith.constant 1 : i32
        %dma_wait3A_222 = arith.constant 1280 : i32
        %dma_wait3A_223 = arith.constant 0 : i32
        %dma_wait3A_224 = tpu.memref_slice %arg12[%dma_wait3A_221, %dma_wait3A_222, %dma_wait3A_223] : memref<2x2048x8xf32, #tpu.memory_space<vmem>> -> memref<1x128x8xf32, #tpu.memory_space<vmem>>
        %dma_wait3A_225 = tpu.memref_squeeze %dma_wait3A_224 : memref<1x128x8xf32, #tpu.memory_space<vmem>> -> memref<128x8xf32, #tpu.memory_space<vmem>>
        %dma_wait3A_226 = arith.constant 0 : i32
        %dma_wait3A_227 = tpu.memref_slice %arg11[%dma_wait3A_219, %dma_wait3A_220, %dma_wait3A_226] : memref<2x16x128xi32, #tpu.memory_space<vmem>> -> memref<1x1x128xi32, #tpu.memory_space<vmem>>
        %dma_wait3A_228 = tpu.memref_squeeze %dma_wait3A_227 : memref<1x1x128xi32, #tpu.memory_space<vmem>> -> memref<128xi32, #tpu.memory_space<vmem>>
        %dma_wait3A_229 = arith.constant 0 : i32
        %dma_wait3A_230 = arith.constant 0 : i32
        %dma_wait3A_231 = tpu.memref_slice %arg2[%dma_wait3A_229, %dma_wait3A_230] : memref<100000x8xf32, #tpu.memory_space<hbm>> -> memref<100000x8xf32, #tpu.memory_space<hbm>>
        tpu.wait_indirect_dma semaphore(%arg20 : memref<!tpu.dma_semaphore, #tpu.memory_space<semaphore_mem>>) src(%dma_wait3A_231 : memref<100000x8xf32, #tpu.memory_space<hbm>>) dst(%dma_wait3A_225 : memref<128x8xf32, #tpu.memory_space<vmem>>)
        %dma_wait3A_232 = arith.constant 1 : i32
        %dma_wait3A_233 = arith.constant 11 : i32
        %dma_wait3A_234 = arith.constant 1 : i32
        %dma_wait3A_235 = arith.constant 1408 : i32
        %dma_wait3A_236 = arith.constant 0 : i32
        %dma_wait3A_237 = tpu.memref_slice %arg12[%dma_wait3A_234, %dma_wait3A_235, %dma_wait3A_236] : memref<2x2048x8xf32, #tpu.memory_space<vmem>> -> memref<1x128x8xf32, #tpu.memory_space<vmem>>
        %dma_wait3A_238 = tpu.memref_squeeze %dma_wait3A_237 : memref<1x128x8xf32, #tpu.memory_space<vmem>> -> memref<128x8xf32, #tpu.memory_space<vmem>>
        %dma_wait3A_239 = arith.constant 0 : i32
        %dma_wait3A_240 = tpu.memref_slice %arg11[%dma_wait3A_232, %dma_wait3A_233, %dma_wait3A_239] : memref<2x16x128xi32, #tpu.memory_space<vmem>> -> memref<1x1x128xi32, #tpu.memory_space<vmem>>
        %dma_wait3A_241 = tpu.memref_squeeze %dma_wait3A_240 : memref<1x1x128xi32, #tpu.memory_space<vmem>> -> memref<128xi32, #tpu.memory_space<vmem>>
        %dma_wait3A_242 = arith.constant 0 : i32
        %dma_wait3A_243 = arith.constant 0 : i32
        %dma_wait3A_244 = tpu.memref_slice %arg2[%dma_wait3A_242, %dma_wait3A_243] : memref<100000x8xf32, #tpu.memory_space<hbm>> -> memref<100000x8xf32, #tpu.memory_space<hbm>>
        tpu.wait_indirect_dma semaphore(%arg20 : memref<!tpu.dma_semaphore, #tpu.memory_space<semaphore_mem>>) src(%dma_wait3A_244 : memref<100000x8xf32, #tpu.memory_space<hbm>>) dst(%dma_wait3A_238 : memref<128x8xf32, #tpu.memory_space<vmem>>)
        %dma_wait3A_245 = arith.constant 1 : i32
        %dma_wait3A_246 = arith.constant 12 : i32
        %dma_wait3A_247 = arith.constant 1 : i32
        %dma_wait3A_248 = arith.constant 1536 : i32
        %dma_wait3A_249 = arith.constant 0 : i32
        %dma_wait3A_250 = tpu.memref_slice %arg12[%dma_wait3A_247, %dma_wait3A_248, %dma_wait3A_249] : memref<2x2048x8xf32, #tpu.memory_space<vmem>> -> memref<1x128x8xf32, #tpu.memory_space<vmem>>
        %dma_wait3A_251 = tpu.memref_squeeze %dma_wait3A_250 : memref<1x128x8xf32, #tpu.memory_space<vmem>> -> memref<128x8xf32, #tpu.memory_space<vmem>>
        %dma_wait3A_252 = arith.constant 0 : i32
        %dma_wait3A_253 = tpu.memref_slice %arg11[%dma_wait3A_245, %dma_wait3A_246, %dma_wait3A_252] : memref<2x16x128xi32, #tpu.memory_space<vmem>> -> memref<1x1x128xi32, #tpu.memory_space<vmem>>
        %dma_wait3A_254 = tpu.memref_squeeze %dma_wait3A_253 : memref<1x1x128xi32, #tpu.memory_space<vmem>> -> memref<128xi32, #tpu.memory_space<vmem>>
        %dma_wait3A_255 = arith.constant 0 : i32
        %dma_wait3A_256 = arith.constant 0 : i32
        %dma_wait3A_257 = tpu.memref_slice %arg2[%dma_wait3A_255, %dma_wait3A_256] : memref<100000x8xf32, #tpu.memory_space<hbm>> -> memref<100000x8xf32, #tpu.memory_space<hbm>>
        tpu.wait_indirect_dma semaphore(%arg20 : memref<!tpu.dma_semaphore, #tpu.memory_space<semaphore_mem>>) src(%dma_wait3A_257 : memref<100000x8xf32, #tpu.memory_space<hbm>>) dst(%dma_wait3A_251 : memref<128x8xf32, #tpu.memory_space<vmem>>)
        %dma_wait3A_258 = arith.constant 1 : i32
        %dma_wait3A_259 = arith.constant 13 : i32
        %dma_wait3A_260 = arith.constant 1 : i32
        %dma_wait3A_261 = arith.constant 1664 : i32
        %dma_wait3A_262 = arith.constant 0 : i32
        %dma_wait3A_263 = tpu.memref_slice %arg12[%dma_wait3A_260, %dma_wait3A_261, %dma_wait3A_262] : memref<2x2048x8xf32, #tpu.memory_space<vmem>> -> memref<1x128x8xf32, #tpu.memory_space<vmem>>
        %dma_wait3A_264 = tpu.memref_squeeze %dma_wait3A_263 : memref<1x128x8xf32, #tpu.memory_space<vmem>> -> memref<128x8xf32, #tpu.memory_space<vmem>>
        %dma_wait3A_265 = arith.constant 0 : i32
        %dma_wait3A_266 = tpu.memref_slice %arg11[%dma_wait3A_258, %dma_wait3A_259, %dma_wait3A_265] : memref<2x16x128xi32, #tpu.memory_space<vmem>> -> memref<1x1x128xi32, #tpu.memory_space<vmem>>
        %dma_wait3A_267 = tpu.memref_squeeze %dma_wait3A_266 : memref<1x1x128xi32, #tpu.memory_space<vmem>> -> memref<128xi32, #tpu.memory_space<vmem>>
        %dma_wait3A_268 = arith.constant 0 : i32
        %dma_wait3A_269 = arith.constant 0 : i32
        %dma_wait3A_270 = tpu.memref_slice %arg2[%dma_wait3A_268, %dma_wait3A_269] : memref<100000x8xf32, #tpu.memory_space<hbm>> -> memref<100000x8xf32, #tpu.memory_space<hbm>>
        tpu.wait_indirect_dma semaphore(%arg20 : memref<!tpu.dma_semaphore, #tpu.memory_space<semaphore_mem>>) src(%dma_wait3A_270 : memref<100000x8xf32, #tpu.memory_space<hbm>>) dst(%dma_wait3A_264 : memref<128x8xf32, #tpu.memory_space<vmem>>)
        %dma_wait3A_271 = arith.constant 1 : i32
        %dma_wait3A_272 = arith.constant 14 : i32
        %dma_wait3A_273 = arith.constant 1 : i32
        %dma_wait3A_274 = arith.constant 1792 : i32
        %dma_wait3A_275 = arith.constant 0 : i32
        %dma_wait3A_276 = tpu.memref_slice %arg12[%dma_wait3A_273, %dma_wait3A_274, %dma_wait3A_275] : memref<2x2048x8xf32, #tpu.memory_space<vmem>> -> memref<1x128x8xf32, #tpu.memory_space<vmem>>
        %dma_wait3A_277 = tpu.memref_squeeze %dma_wait3A_276 : memref<1x128x8xf32, #tpu.memory_space<vmem>> -> memref<128x8xf32, #tpu.memory_space<vmem>>
        %dma_wait3A_278 = arith.constant 0 : i32
        %dma_wait3A_279 = tpu.memref_slice %arg11[%dma_wait3A_271, %dma_wait3A_272, %dma_wait3A_278] : memref<2x16x128xi32, #tpu.memory_space<vmem>> -> memref<1x1x128xi32, #tpu.memory_space<vmem>>
        %dma_wait3A_280 = tpu.memref_squeeze %dma_wait3A_279 : memref<1x1x128xi32, #tpu.memory_space<vmem>> -> memref<128xi32, #tpu.memory_space<vmem>>
        %dma_wait3A_281 = arith.constant 0 : i32
        %dma_wait3A_282 = arith.constant 0 : i32
        %dma_wait3A_283 = tpu.memref_slice %arg2[%dma_wait3A_281, %dma_wait3A_282] : memref<100000x8xf32, #tpu.memory_space<hbm>> -> memref<100000x8xf32, #tpu.memory_space<hbm>>
        tpu.wait_indirect_dma semaphore(%arg20 : memref<!tpu.dma_semaphore, #tpu.memory_space<semaphore_mem>>) src(%dma_wait3A_283 : memref<100000x8xf32, #tpu.memory_space<hbm>>) dst(%dma_wait3A_277 : memref<128x8xf32, #tpu.memory_space<vmem>>)
        %dma_wait3A_284 = arith.constant 1 : i32
        %dma_wait3A_285 = arith.constant 15 : i32
        %dma_wait3A_286 = arith.constant 1 : i32
        %dma_wait3A_287 = arith.constant 1920 : i32
        %dma_wait3A_288 = arith.constant 0 : i32
        %dma_wait3A_289 = tpu.memref_slice %arg12[%dma_wait3A_286, %dma_wait3A_287, %dma_wait3A_288] : memref<2x2048x8xf32, #tpu.memory_space<vmem>> -> memref<1x128x8xf32, #tpu.memory_space<vmem>>
        %dma_wait3A_290 = tpu.memref_squeeze %dma_wait3A_289 : memref<1x128x8xf32, #tpu.memory_space<vmem>> -> memref<128x8xf32, #tpu.memory_space<vmem>>
        %dma_wait3A_291 = arith.constant 0 : i32
        %dma_wait3A_292 = tpu.memref_slice %arg11[%dma_wait3A_284, %dma_wait3A_285, %dma_wait3A_291] : memref<2x16x128xi32, #tpu.memory_space<vmem>> -> memref<1x1x128xi32, #tpu.memory_space<vmem>>
        %dma_wait3A_293 = tpu.memref_squeeze %dma_wait3A_292 : memref<1x1x128xi32, #tpu.memory_space<vmem>> -> memref<128xi32, #tpu.memory_space<vmem>>
        %dma_wait3A_294 = arith.constant 0 : i32
        %dma_wait3A_295 = arith.constant 0 : i32
        %dma_wait3A_296 = tpu.memref_slice %arg2[%dma_wait3A_294, %dma_wait3A_295] : memref<100000x8xf32, #tpu.memory_space<hbm>> -> memref<100000x8xf32, #tpu.memory_space<hbm>>
        tpu.wait_indirect_dma semaphore(%arg20 : memref<!tpu.dma_semaphore, #tpu.memory_space<semaphore_mem>>) src(%dma_wait3A_296 : memref<100000x8xf32, #tpu.memory_space<hbm>>) dst(%dma_wait3A_290 : memref<128x8xf32, #tpu.memory_space<vmem>>)
        %dma_wait3A_297 = arith.constant 1 : i32
        %dma_wait3A_298 = arith.constant 0 : i32
        %dma_wait3A_299 = tpu.memref_slice %arg13[%dma_wait3A_297, %dma_wait3A_298] : memref<2x1024xf32, #tpu.memory_space<vmem>> -> memref<1x1024xf32, #tpu.memory_space<vmem>>
        %dma_wait3A_300 = tpu.memref_squeeze %dma_wait3A_299 : memref<1x1024xf32, #tpu.memory_space<vmem>> -> memref<1024xf32, #tpu.memory_space<vmem>>
        %dma_wait3A_301 = tpu.memref_slice %arg5[%mul3A_89] : memref<6400000xf32, #tpu.memory_space<hbm>> -> memref<1024xf32, #tpu.memory_space<hbm>>
        %dma_wait3A_302 = arith.constant 0 : i32
        %dma_wait3A_303 = tpu.memref_slice %arg13[%dma_wait3A_297, %dma_wait3A_302] : memref<2x1024xf32, #tpu.memory_space<vmem>> -> memref<1x1024xf32, #tpu.memory_space<vmem>>
        %dma_wait3A_304 = tpu.memref_squeeze %dma_wait3A_303 : memref<1x1024xf32, #tpu.memory_space<vmem>> -> memref<1024xf32, #tpu.memory_space<vmem>>
        %dma_wait3A_305 = tpu.memref_slice %arg5[%mul3A_89] : memref<6400000xf32, #tpu.memory_space<hbm>> -> memref<1024xf32, #tpu.memory_space<hbm>>
        tpu.wait_dma2 semaphore(%arg20 : memref<!tpu.dma_semaphore, #tpu.memory_space<semaphore_mem>>) src(%dma_wait3A_305 : memref<1024xf32, #tpu.memory_space<hbm>>) dst(%dma_wait3A_304 : memref<1024xf32, #tpu.memory_space<vmem>>)
        %dma_wait3A_306 = arith.constant 1 : i32
        %dma_wait3A_307 = arith.constant 0 : i32
        %dma_wait3A_308 = tpu.memref_slice %arg14[%dma_wait3A_306, %dma_wait3A_307] : memref<2x1024xf32, #tpu.memory_space<vmem>> -> memref<1x1024xf32, #tpu.memory_space<vmem>>
        %dma_wait3A_309 = tpu.memref_squeeze %dma_wait3A_308 : memref<1x1024xf32, #tpu.memory_space<vmem>> -> memref<1024xf32, #tpu.memory_space<vmem>>
        %dma_wait3A_310 = tpu.memref_slice %arg6[%mul3A_89] : memref<6400000xf32, #tpu.memory_space<hbm>> -> memref<1024xf32, #tpu.memory_space<hbm>>
        %dma_wait3A_311 = arith.constant 0 : i32
        %dma_wait3A_312 = tpu.memref_slice %arg14[%dma_wait3A_306, %dma_wait3A_311] : memref<2x1024xf32, #tpu.memory_space<vmem>> -> memref<1x1024xf32, #tpu.memory_space<vmem>>
        %dma_wait3A_313 = tpu.memref_squeeze %dma_wait3A_312 : memref<1x1024xf32, #tpu.memory_space<vmem>> -> memref<1024xf32, #tpu.memory_space<vmem>>
        %dma_wait3A_314 = tpu.memref_slice %arg6[%mul3A_89] : memref<6400000xf32, #tpu.memory_space<hbm>> -> memref<1024xf32, #tpu.memory_space<hbm>>
        tpu.wait_dma2 semaphore(%arg20 : memref<!tpu.dma_semaphore, #tpu.memory_space<semaphore_mem>>) src(%dma_wait3A_314 : memref<1024xf32, #tpu.memory_space<hbm>>) dst(%dma_wait3A_313 : memref<1024xf32, #tpu.memory_space<vmem>>)
        %dma_wait3A_315 = arith.constant 1 : i32
        %dma_wait3A_316 = arith.constant 0 : i32
        %dma_wait3A_317 = tpu.memref_slice %arg15[%dma_wait3A_315, %dma_wait3A_316] : memref<2x1024xf32, #tpu.memory_space<vmem>> -> memref<1x1024xf32, #tpu.memory_space<vmem>>
        %dma_wait3A_318 = tpu.memref_squeeze %dma_wait3A_317 : memref<1x1024xf32, #tpu.memory_space<vmem>> -> memref<1024xf32, #tpu.memory_space<vmem>>
        %dma_wait3A_319 = tpu.memref_slice %arg7[%mul3A_89] : memref<6400000xf32, #tpu.memory_space<hbm>> -> memref<1024xf32, #tpu.memory_space<hbm>>
        %dma_wait3A_320 = arith.constant 0 : i32
        %dma_wait3A_321 = tpu.memref_slice %arg15[%dma_wait3A_315, %dma_wait3A_320] : memref<2x1024xf32, #tpu.memory_space<vmem>> -> memref<1x1024xf32, #tpu.memory_space<vmem>>
        %dma_wait3A_322 = tpu.memref_squeeze %dma_wait3A_321 : memref<1x1024xf32, #tpu.memory_space<vmem>> -> memref<1024xf32, #tpu.memory_space<vmem>>
        %dma_wait3A_323 = tpu.memref_slice %arg7[%mul3A_89] : memref<6400000xf32, #tpu.memory_space<hbm>> -> memref<1024xf32, #tpu.memory_space<hbm>>
        tpu.wait_dma2 semaphore(%arg20 : memref<!tpu.dma_semaphore, #tpu.memory_space<semaphore_mem>>) src(%dma_wait3A_323 : memref<1024xf32, #tpu.memory_space<hbm>>) dst(%dma_wait3A_322 : memref<1024xf32, #tpu.memory_space<vmem>>)
        %parallel_loop3A = arith.constant 0 : i32
        %parallel_loop3A_324 = arith.constant 1024 : i32
        %parallel_loop3A_325 = arith.constant 16 : i32
        scf.for %parallel_loop3A_372 = %parallel_loop3A to %parallel_loop3A_324 step %parallel_loop3A_325  : i32 {
          %parallel_loop3A_373 = arith.constant 128 : i32
          %parallel_loop3A_374 = arith.divsi %parallel_loop3A_372, %parallel_loop3A_373 : i32
          %parallel_loop3A_375 = arith.constant 128 : i32
          %parallel_loop3A_376 = arith.muli %parallel_loop3A_374, %parallel_loop3A_375 : i32
          %parallel_loop3A_377 = arith.subi %parallel_loop3A_372, %parallel_loop3A_376 : i32
          %parallel_loop3A_378 = tpu.iota {dimensions = array<i32: 0>} : vector<16xi32>
          %parallel_loop3A_379 = vector.broadcast %parallel_loop3A_372 : i32 to vector<16xi32>
          %parallel_loop3A_380 = arith.addi %parallel_loop3A_378, %parallel_loop3A_379 : vector<16xi32>
          %parallel_loop3A_381 = arith.constant 1024 : i32
          %parallel_loop3A_382 = vector.broadcast %parallel_loop3A_381 : i32 to vector<16xi32>
          %parallel_loop3A_383 = arith.addi %parallel_loop3A_380, %parallel_loop3A_382 : vector<16xi32>
          %parallel_loop3A_384 = arith.constant 0 : i32
          %parallel_loop3A_385 = vector.broadcast %parallel_loop3A_384 : i32 to vector<16xi32>
          %parallel_loop3A_386 = arith.constant 1 : i32
          %parallel_loop3A_387 = vector.broadcast %parallel_loop3A_386 : i32 to vector<16xi32>
          %parallel_loop3A_388 = arith.constant 2 : i32
          %parallel_loop3A_389 = vector.broadcast %parallel_loop3A_388 : i32 to vector<16xi32>
          %parallel_loop3A_390 = arith.constant 1 : i32
          %parallel_loop3A_391 = arith.constant 0 : i32
          %parallel_loop3A_392 = arith.constant 0 : i32
          %parallel_loop3A_393 = tpu.memref_slice %arg12[%parallel_loop3A_390, %parallel_loop3A_391, %parallel_loop3A_392] : memref<2x2048x8xf32, #tpu.memory_space<vmem>> -> memref<1x2048x8xf32, #tpu.memory_space<vmem>>
          %parallel_loop3A_394 = tpu.memref_squeeze %parallel_loop3A_393 : memref<1x2048x8xf32, #tpu.memory_space<vmem>> -> memref<2048x8xf32, #tpu.memory_space<vmem>>
          %parallel_loop3A_395 = tpu.vector_load_idx %parallel_loop3A_394[%parallel_loop3A_383, %parallel_loop3A_385] : memref<2048x8xf32, #tpu.memory_space<vmem>>[vector<16xi32>, vector<16xi32>], vector<16xf32>,
          %parallel_loop3A_396 = arith.constant 1 : i32
          %parallel_loop3A_397 = arith.constant 0 : i32
          %parallel_loop3A_398 = arith.constant 0 : i32
          %parallel_loop3A_399 = tpu.memref_slice %arg12[%parallel_loop3A_396, %parallel_loop3A_397, %parallel_loop3A_398] : memref<2x2048x8xf32, #tpu.memory_space<vmem>> -> memref<1x2048x8xf32, #tpu.memory_space<vmem>>
          %parallel_loop3A_400 = tpu.memref_squeeze %parallel_loop3A_399 : memref<1x2048x8xf32, #tpu.memory_space<vmem>> -> memref<2048x8xf32, #tpu.memory_space<vmem>>
          %parallel_loop3A_401 = tpu.vector_load_idx %parallel_loop3A_400[%parallel_loop3A_380, %parallel_loop3A_385] : memref<2048x8xf32, #tpu.memory_space<vmem>>[vector<16xi32>, vector<16xi32>], vector<16xf32>,
          %parallel_loop3A_402 = arith.subf %parallel_loop3A_395, %parallel_loop3A_401 : vector<16xf32>
          %parallel_loop3A_403 = arith.constant 1 : i32
          %parallel_loop3A_404 = arith.index_cast %parallel_loop3A_403 : i32 to index
          %parallel_loop3A_405 = arith.index_cast %parallel_loop3A_372 : i32 to index
          %parallel_loop3A_406 = tpu.vector_load %arg13[%parallel_loop3A_404, %parallel_loop3A_405] {strides = array<i32>} : memref<2x1024xf32, #tpu.memory_space<vmem>>, vector<16xf32>,
          %parallel_loop3A_407 = arith.addf %parallel_loop3A_402, %parallel_loop3A_406 : vector<16xf32>
          %parallel_loop3A_408 = arith.constant 1 : i32
          %parallel_loop3A_409 = arith.constant 0 : i32
          %parallel_loop3A_410 = arith.constant 0 : i32
          %parallel_loop3A_411 = tpu.memref_slice %arg12[%parallel_loop3A_408, %parallel_loop3A_409, %parallel_loop3A_410] : memref<2x2048x8xf32, #tpu.memory_space<vmem>> -> memref<1x2048x8xf32, #tpu.memory_space<vmem>>
          %parallel_loop3A_412 = tpu.memref_squeeze %parallel_loop3A_411 : memref<1x2048x8xf32, #tpu.memory_space<vmem>> -> memref<2048x8xf32, #tpu.memory_space<vmem>>
          %parallel_loop3A_413 = tpu.vector_load_idx %parallel_loop3A_412[%parallel_loop3A_383, %parallel_loop3A_387] : memref<2048x8xf32, #tpu.memory_space<vmem>>[vector<16xi32>, vector<16xi32>], vector<16xf32>,
          %parallel_loop3A_414 = arith.constant 1 : i32
          %parallel_loop3A_415 = arith.constant 0 : i32
          %parallel_loop3A_416 = arith.constant 0 : i32
          %parallel_loop3A_417 = tpu.memref_slice %arg12[%parallel_loop3A_414, %parallel_loop3A_415, %parallel_loop3A_416] : memref<2x2048x8xf32, #tpu.memory_space<vmem>> -> memref<1x2048x8xf32, #tpu.memory_space<vmem>>
          %parallel_loop3A_418 = tpu.memref_squeeze %parallel_loop3A_417 : memref<1x2048x8xf32, #tpu.memory_space<vmem>> -> memref<2048x8xf32, #tpu.memory_space<vmem>>
          %parallel_loop3A_419 = tpu.vector_load_idx %parallel_loop3A_418[%parallel_loop3A_380, %parallel_loop3A_387] : memref<2048x8xf32, #tpu.memory_space<vmem>>[vector<16xi32>, vector<16xi32>], vector<16xf32>,
          %parallel_loop3A_420 = arith.subf %parallel_loop3A_413, %parallel_loop3A_419 : vector<16xf32>
          %parallel_loop3A_421 = arith.constant 1 : i32
          %parallel_loop3A_422 = arith.index_cast %parallel_loop3A_421 : i32 to index
          %parallel_loop3A_423 = arith.index_cast %parallel_loop3A_372 : i32 to index
          %parallel_loop3A_424 = tpu.vector_load %arg14[%parallel_loop3A_422, %parallel_loop3A_423] {strides = array<i32>} : memref<2x1024xf32, #tpu.memory_space<vmem>>, vector<16xf32>,
          %parallel_loop3A_425 = arith.addf %parallel_loop3A_420, %parallel_loop3A_424 : vector<16xf32>
          %parallel_loop3A_426 = arith.constant 1 : i32
          %parallel_loop3A_427 = arith.constant 0 : i32
          %parallel_loop3A_428 = arith.constant 0 : i32
          %parallel_loop3A_429 = tpu.memref_slice %arg12[%parallel_loop3A_426, %parallel_loop3A_427, %parallel_loop3A_428] : memref<2x2048x8xf32, #tpu.memory_space<vmem>> -> memref<1x2048x8xf32, #tpu.memory_space<vmem>>
          %parallel_loop3A_430 = tpu.memref_squeeze %parallel_loop3A_429 : memref<1x2048x8xf32, #tpu.memory_space<vmem>> -> memref<2048x8xf32, #tpu.memory_space<vmem>>
          %parallel_loop3A_431 = tpu.vector_load_idx %parallel_loop3A_430[%parallel_loop3A_383, %parallel_loop3A_389] : memref<2048x8xf32, #tpu.memory_space<vmem>>[vector<16xi32>, vector<16xi32>], vector<16xf32>,
          %parallel_loop3A_432 = arith.constant 1 : i32
          %parallel_loop3A_433 = arith.constant 0 : i32
          %parallel_loop3A_434 = arith.constant 0 : i32
          %parallel_loop3A_435 = tpu.memref_slice %arg12[%parallel_loop3A_432, %parallel_loop3A_433, %parallel_loop3A_434] : memref<2x2048x8xf32, #tpu.memory_space<vmem>> -> memref<1x2048x8xf32, #tpu.memory_space<vmem>>
          %parallel_loop3A_436 = tpu.memref_squeeze %parallel_loop3A_435 : memref<1x2048x8xf32, #tpu.memory_space<vmem>> -> memref<2048x8xf32, #tpu.memory_space<vmem>>
          %parallel_loop3A_437 = tpu.vector_load_idx %parallel_loop3A_436[%parallel_loop3A_380, %parallel_loop3A_389] : memref<2048x8xf32, #tpu.memory_space<vmem>>[vector<16xi32>, vector<16xi32>], vector<16xf32>,
          %parallel_loop3A_438 = arith.subf %parallel_loop3A_431, %parallel_loop3A_437 : vector<16xf32>
          %parallel_loop3A_439 = arith.constant 1 : i32
          %parallel_loop3A_440 = arith.index_cast %parallel_loop3A_439 : i32 to index
          %parallel_loop3A_441 = arith.index_cast %parallel_loop3A_372 : i32 to index
          %parallel_loop3A_442 = tpu.vector_load %arg15[%parallel_loop3A_440, %parallel_loop3A_441] {strides = array<i32>} : memref<2x1024xf32, #tpu.memory_space<vmem>>, vector<16xf32>,
          %parallel_loop3A_443 = arith.addf %parallel_loop3A_438, %parallel_loop3A_442 : vector<16xf32>
          %parallel_loop3A_444 = arith.mulf %parallel_loop3A_407, %parallel_loop3A_407 : vector<16xf32>
          %parallel_loop3A_445 = arith.mulf %parallel_loop3A_425, %parallel_loop3A_425 : vector<16xf32>
          %parallel_loop3A_446 = arith.addf %parallel_loop3A_444, %parallel_loop3A_445 : vector<16xf32>
          %parallel_loop3A_447 = arith.mulf %parallel_loop3A_443, %parallel_loop3A_443 : vector<16xf32>
          %parallel_loop3A_448 = arith.addf %parallel_loop3A_446, %parallel_loop3A_447 : vector<16xf32>
          %parallel_loop3A_449 = tpu.bitcast %parallel_loop3A_448 : vector<16xf32> -> vector<16xi32>
          %parallel_loop3A_450 = arith.constant 1 : i32
          %parallel_loop3A_451 = vector.broadcast %parallel_loop3A_450 : i32 to vector<16xi32>
          %parallel_loop3A_452 = arith.shrsi %parallel_loop3A_449, %parallel_loop3A_451 : vector<16xi32>
          %parallel_loop3A_453 = arith.constant 1597463007 : i32
          %parallel_loop3A_454 = vector.broadcast %parallel_loop3A_453 : i32 to vector<16xi32>
          %parallel_loop3A_455 = arith.subi %parallel_loop3A_454, %parallel_loop3A_452 : vector<16xi32>
          %parallel_loop3A_456 = tpu.bitcast %parallel_loop3A_455 : vector<16xi32> -> vector<16xf32>
          %parallel_loop3A_457 = arith.constant 5.000000e-01 : f32
          %parallel_loop3A_458 = vector.broadcast %parallel_loop3A_457 : f32 to vector<16xf32>
          %parallel_loop3A_459 = arith.mulf %parallel_loop3A_458, %parallel_loop3A_448 : vector<16xf32>
          %parallel_loop3A_460 = arith.mulf %parallel_loop3A_459, %parallel_loop3A_456 : vector<16xf32>
          %parallel_loop3A_461 = arith.mulf %parallel_loop3A_460, %parallel_loop3A_456 : vector<16xf32>
          %parallel_loop3A_462 = arith.constant 1.500000e+00 : f32
          %parallel_loop3A_463 = vector.broadcast %parallel_loop3A_462 : f32 to vector<16xf32>
          %parallel_loop3A_464 = arith.subf %parallel_loop3A_463, %parallel_loop3A_461 : vector<16xf32>
          %parallel_loop3A_465 = arith.mulf %parallel_loop3A_456, %parallel_loop3A_464 : vector<16xf32>
          %parallel_loop3A_466 = arith.mulf %parallel_loop3A_459, %parallel_loop3A_465 : vector<16xf32>
          %parallel_loop3A_467 = arith.mulf %parallel_loop3A_466, %parallel_loop3A_465 : vector<16xf32>
          %parallel_loop3A_468 = arith.constant 1.500000e+00 : f32
          %parallel_loop3A_469 = vector.broadcast %parallel_loop3A_468 : f32 to vector<16xf32>
          %parallel_loop3A_470 = arith.subf %parallel_loop3A_469, %parallel_loop3A_467 : vector<16xf32>
          %parallel_loop3A_471 = arith.mulf %parallel_loop3A_465, %parallel_loop3A_470 : vector<16xf32>
          %parallel_loop3A_472 = arith.mulf %parallel_loop3A_448, %parallel_loop3A_471 : vector<16xf32>
          %parallel_loop3A_473 = arith.constant 1 : i32
          %parallel_loop3A_474 = arith.index_cast %parallel_loop3A_473 : i32 to index
          %parallel_loop3A_475 = arith.index_cast %parallel_loop3A_372 : i32 to index
          %parallel_loop3A_476 = tpu.vector_load %arg16[%parallel_loop3A_474, %parallel_loop3A_475] {strides = array<i32>} : memref<2x1024xf32, #tpu.memory_space<vmem>>, vector<16xf32>,
          tpu.vector_store %arg16[%parallel_loop3A_474, %parallel_loop3A_475], %parallel_loop3A_472 {strides = array<i32>} : memref<2x1024xf32, #tpu.memory_space<vmem>>, vector<16xf32>,
          %parallel_loop3A_477 = arith.mulf %parallel_loop3A_407, %parallel_loop3A_471 : vector<16xf32>
          %parallel_loop3A_478 = arith.constant 1 : i32
          %parallel_loop3A_479 = arith.constant 0 : i32
          %parallel_loop3A_480 = arith.index_cast %parallel_loop3A_478 : i32 to index
          %parallel_loop3A_481 = arith.index_cast %parallel_loop3A_374 : i32 to index
          %parallel_loop3A_482 = arith.index_cast %parallel_loop3A_479 : i32 to index
          %parallel_loop3A_483 = arith.index_cast %parallel_loop3A_377 : i32 to index
          %parallel_loop3A_484 = tpu.vector_load %arg18[%parallel_loop3A_480, %parallel_loop3A_481, %parallel_loop3A_482, %parallel_loop3A_483] {strides = array<i32>} : memref<2x8x4x128xf32, #tpu.memory_space<vmem>>, vector<16xf32>,
          tpu.vector_store %arg18[%parallel_loop3A_480, %parallel_loop3A_481, %parallel_loop3A_482, %parallel_loop3A_483], %parallel_loop3A_477 {strides = array<i32>} : memref<2x8x4x128xf32, #tpu.memory_space<vmem>>, vector<16xf32>,
          %parallel_loop3A_485 = arith.mulf %parallel_loop3A_425, %parallel_loop3A_471 : vector<16xf32>
          %parallel_loop3A_486 = arith.constant 1 : i32
          %parallel_loop3A_487 = arith.constant 1 : i32
          %parallel_loop3A_488 = arith.index_cast %parallel_loop3A_486 : i32 to index
          %parallel_loop3A_489 = arith.index_cast %parallel_loop3A_374 : i32 to index
          %parallel_loop3A_490 = arith.index_cast %parallel_loop3A_487 : i32 to index
          %parallel_loop3A_491 = arith.index_cast %parallel_loop3A_377 : i32 to index
          %parallel_loop3A_492 = tpu.vector_load %arg18[%parallel_loop3A_488, %parallel_loop3A_489, %parallel_loop3A_490, %parallel_loop3A_491] {strides = array<i32>} : memref<2x8x4x128xf32, #tpu.memory_space<vmem>>, vector<16xf32>,
          tpu.vector_store %arg18[%parallel_loop3A_488, %parallel_loop3A_489, %parallel_loop3A_490, %parallel_loop3A_491], %parallel_loop3A_485 {strides = array<i32>} : memref<2x8x4x128xf32, #tpu.memory_space<vmem>>, vector<16xf32>,
          %parallel_loop3A_493 = arith.mulf %parallel_loop3A_443, %parallel_loop3A_471 : vector<16xf32>
          %parallel_loop3A_494 = arith.constant 1 : i32
          %parallel_loop3A_495 = arith.constant 2 : i32
          %parallel_loop3A_496 = arith.index_cast %parallel_loop3A_494 : i32 to index
          %parallel_loop3A_497 = arith.index_cast %parallel_loop3A_374 : i32 to index
          %parallel_loop3A_498 = arith.index_cast %parallel_loop3A_495 : i32 to index
          %parallel_loop3A_499 = arith.index_cast %parallel_loop3A_377 : i32 to index
          %parallel_loop3A_500 = tpu.vector_load %arg18[%parallel_loop3A_496, %parallel_loop3A_497, %parallel_loop3A_498, %parallel_loop3A_499] {strides = array<i32>} : memref<2x8x4x128xf32, #tpu.memory_space<vmem>>, vector<16xf32>,
          tpu.vector_store %arg18[%parallel_loop3A_496, %parallel_loop3A_497, %parallel_loop3A_498, %parallel_loop3A_499], %parallel_loop3A_493 {strides = array<i32>} : memref<2x8x4x128xf32, #tpu.memory_space<vmem>>, vector<16xf32>,
          %parallel_loop3A_501 = arith.constant 5.000000e+00 : f32
          %parallel_loop3A_502 = vector.broadcast %parallel_loop3A_501 : f32 to vector<16xf32>
          %parallel_loop3A_503 = arith.minimumf %parallel_loop3A_472, %parallel_loop3A_502 : vector<16xf32>
          %parallel_loop3A_504 = arith.constant 0.628318548 : f32
          %parallel_loop3A_505 = vector.broadcast %parallel_loop3A_504 : f32 to vector<16xf32>
          %parallel_loop3A_506 = arith.mulf %parallel_loop3A_505, %parallel_loop3A_503 : vector<16xf32>
          %parallel_loop3A_507 = arith.constant 1.57079637 : f32
          %parallel_loop3A_508 = vector.broadcast %parallel_loop3A_507 : f32 to vector<16xf32>
          %parallel_loop3A_509 = arith.subf %parallel_loop3A_506, %parallel_loop3A_508 : vector<16xf32>
          %parallel_loop3A_510 = arith.mulf %parallel_loop3A_509, %parallel_loop3A_509 : vector<16xf32>
          %parallel_loop3A_511 = arith.constant 1.99427741E-9 : f32
          %parallel_loop3A_512 = vector.broadcast %parallel_loop3A_511 : f32 to vector<16xf32>
          %parallel_loop3A_513 = arith.mulf %parallel_loop3A_512, %parallel_loop3A_510 : vector<16xf32>
          %parallel_loop3A_514 = arith.constant -2.75271134E-7 : f32
          %parallel_loop3A_515 = vector.broadcast %parallel_loop3A_514 : f32 to vector<16xf32>
          %parallel_loop3A_516 = arith.addf %parallel_loop3A_513, %parallel_loop3A_515 : vector<16xf32>
          %parallel_loop3A_517 = arith.mulf %parallel_loop3A_516, %parallel_loop3A_510 : vector<16xf32>
          %parallel_loop3A_518 = arith.constant 2.48011038E-5 : f32
          %parallel_loop3A_519 = vector.broadcast %parallel_loop3A_518 : f32 to vector<16xf32>
          %parallel_loop3A_520 = arith.addf %parallel_loop3A_517, %parallel_loop3A_519 : vector<16xf32>
          %parallel_loop3A_521 = arith.mulf %parallel_loop3A_520, %parallel_loop3A_510 : vector<16xf32>
          %parallel_loop3A_522 = arith.constant -0.00138888846 : f32
          %parallel_loop3A_523 = vector.broadcast %parallel_loop3A_522 : f32 to vector<16xf32>
          %parallel_loop3A_524 = arith.addf %parallel_loop3A_521, %parallel_loop3A_523 : vector<16xf32>
          %parallel_loop3A_525 = arith.mulf %parallel_loop3A_524, %parallel_loop3A_510 : vector<16xf32>
          %parallel_loop3A_526 = arith.constant 0.0416666679 : f32
          %parallel_loop3A_527 = vector.broadcast %parallel_loop3A_526 : f32 to vector<16xf32>
          %parallel_loop3A_528 = arith.addf %parallel_loop3A_525, %parallel_loop3A_527 : vector<16xf32>
          %parallel_loop3A_529 = arith.mulf %parallel_loop3A_528, %parallel_loop3A_510 : vector<16xf32>
          %parallel_loop3A_530 = arith.constant -5.000000e-01 : f32
          %parallel_loop3A_531 = vector.broadcast %parallel_loop3A_530 : f32 to vector<16xf32>
          %parallel_loop3A_532 = arith.addf %parallel_loop3A_529, %parallel_loop3A_531 : vector<16xf32>
          %parallel_loop3A_533 = arith.mulf %parallel_loop3A_532, %parallel_loop3A_510 : vector<16xf32>
          %parallel_loop3A_534 = arith.constant 1.000000e+00 : f32
          %parallel_loop3A_535 = vector.broadcast %parallel_loop3A_534 : f32 to vector<16xf32>
          %parallel_loop3A_536 = arith.addf %parallel_loop3A_533, %parallel_loop3A_535 : vector<16xf32>
          %parallel_loop3A_537 = arith.constant -2.38435653E-8 : f32
          %parallel_loop3A_538 = vector.broadcast %parallel_loop3A_537 : f32 to vector<16xf32>
          %parallel_loop3A_539 = arith.mulf %parallel_loop3A_538, %parallel_loop3A_510 : vector<16xf32>
          %parallel_loop3A_540 = arith.constant 2.75219327E-6 : f32
          %parallel_loop3A_541 = vector.broadcast %parallel_loop3A_540 : f32 to vector<16xf32>
          %parallel_loop3A_542 = arith.addf %parallel_loop3A_539, %parallel_loop3A_541 : vector<16xf32>
          %parallel_loop3A_543 = arith.mulf %parallel_loop3A_542, %parallel_loop3A_510 : vector<16xf32>
          %parallel_loop3A_544 = arith.constant -1.98407724E-4 : f32
          %parallel_loop3A_545 = vector.broadcast %parallel_loop3A_544 : f32 to vector<16xf32>
          %parallel_loop3A_546 = arith.addf %parallel_loop3A_543, %parallel_loop3A_545 : vector<16xf32>
          %parallel_loop3A_547 = arith.mulf %parallel_loop3A_546, %parallel_loop3A_510 : vector<16xf32>
          %parallel_loop3A_548 = arith.constant 8.333330e-03 : f32
          %parallel_loop3A_549 = vector.broadcast %parallel_loop3A_548 : f32 to vector<16xf32>
          %parallel_loop3A_550 = arith.addf %parallel_loop3A_547, %parallel_loop3A_549 : vector<16xf32>
          %parallel_loop3A_551 = arith.mulf %parallel_loop3A_550, %parallel_loop3A_510 : vector<16xf32>
          %parallel_loop3A_552 = arith.constant -0.166666672 : f32
          %parallel_loop3A_553 = vector.broadcast %parallel_loop3A_552 : f32 to vector<16xf32>
          %parallel_loop3A_554 = arith.addf %parallel_loop3A_551, %parallel_loop3A_553 : vector<16xf32>
          %parallel_loop3A_555 = arith.mulf %parallel_loop3A_554, %parallel_loop3A_510 : vector<16xf32>
          %parallel_loop3A_556 = arith.constant 1.000000e+00 : f32
          %parallel_loop3A_557 = vector.broadcast %parallel_loop3A_556 : f32 to vector<16xf32>
          %parallel_loop3A_558 = arith.addf %parallel_loop3A_555, %parallel_loop3A_557 : vector<16xf32>
          %parallel_loop3A_559 = arith.mulf %parallel_loop3A_558, %parallel_loop3A_509 : vector<16xf32>
          %parallel_loop3A_560 = arith.constant 0.000000e+00 : f32
          %parallel_loop3A_561 = vector.broadcast %parallel_loop3A_560 : f32 to vector<16xf32>
          %parallel_loop3A_562 = arith.subf %parallel_loop3A_561, %parallel_loop3A_559 : vector<16xf32>
          %parallel_loop3A_563 = arith.constant 2.000000e-01 : f32
          %parallel_loop3A_564 = vector.broadcast %parallel_loop3A_563 : f32 to vector<16xf32>
          %parallel_loop3A_565 = arith.mulf %parallel_loop3A_472, %parallel_loop3A_564 : vector<16xf32>
          %parallel_loop3A_566 = arith.mulf %parallel_loop3A_565, %parallel_loop3A_565 : vector<16xf32>
          %parallel_loop3A_567 = arith.mulf %parallel_loop3A_566, %parallel_loop3A_565 : vector<16xf32>
          %parallel_loop3A_568 = arith.mulf %parallel_loop3A_567, %parallel_loop3A_567 : vector<16xf32>
          %parallel_loop3A_569 = arith.mulf %parallel_loop3A_568, %parallel_loop3A_565 : vector<16xf32>
          %parallel_loop3A_570 = arith.mulf %parallel_loop3A_569, %parallel_loop3A_565 : vector<16xf32>
          %parallel_loop3A_571 = arith.constant 2.800000e+01 : f32
          %parallel_loop3A_572 = vector.broadcast %parallel_loop3A_571 : f32 to vector<16xf32>
          %parallel_loop3A_573 = arith.mulf %parallel_loop3A_572, %parallel_loop3A_568 : vector<16xf32>
          %parallel_loop3A_574 = arith.constant 1.000000e+00 : f32
          %parallel_loop3A_575 = vector.broadcast %parallel_loop3A_574 : f32 to vector<16xf32>
          %parallel_loop3A_576 = arith.subf %parallel_loop3A_575, %parallel_loop3A_573 : vector<16xf32>
          %parallel_loop3A_577 = arith.constant 4.800000e+01 : f32
          %parallel_loop3A_578 = vector.broadcast %parallel_loop3A_577 : f32 to vector<16xf32>
          %parallel_loop3A_579 = arith.mulf %parallel_loop3A_578, %parallel_loop3A_569 : vector<16xf32>
          %parallel_loop3A_580 = arith.addf %parallel_loop3A_576, %parallel_loop3A_579 : vector<16xf32>
          %parallel_loop3A_581 = arith.constant 2.100000e+01 : f32
          %parallel_loop3A_582 = vector.broadcast %parallel_loop3A_581 : f32 to vector<16xf32>
          %parallel_loop3A_583 = arith.mulf %parallel_loop3A_582, %parallel_loop3A_570 : vector<16xf32>
          %parallel_loop3A_584 = arith.subf %parallel_loop3A_580, %parallel_loop3A_583 : vector<16xf32>
          %parallel_loop3A_585 = arith.constant 1.000000e+00 : f32
          %parallel_loop3A_586 = vector.broadcast %parallel_loop3A_585 : f32 to vector<16xf32>
          %parallel_loop3A_587 = arith.cmpf olt, %parallel_loop3A_565, %parallel_loop3A_586 : vector<16xf32>
          %parallel_loop3A_588 = arith.constant 0.000000e+00 : f32
          %parallel_loop3A_589 = vector.broadcast %parallel_loop3A_588 : f32 to vector<16xf32>
          %parallel_loop3A_590 = arith.select %parallel_loop3A_587, %parallel_loop3A_584, %parallel_loop3A_589 : vector<16xi1>, vector<16xf32>
          %parallel_loop3A_591 = arith.constant 0.632455527 : f32
          %parallel_loop3A_592 = vector.broadcast %parallel_loop3A_591 : f32 to vector<16xf32>
          %parallel_loop3A_593 = arith.mulf %parallel_loop3A_592, %parallel_loop3A_471 : vector<16xf32>
          %parallel_loop3A_594 = arith.mulf %parallel_loop3A_593, %parallel_loop3A_590 : vector<16xf32>
          %parallel_loop3A_595 = arith.constant 2.000000e+00 : f32
          %parallel_loop3A_596 = vector.broadcast %parallel_loop3A_595 : f32 to vector<16xf32>
          %parallel_loop3A_597 = arith.mulf %parallel_loop3A_596, %parallel_loop3A_562 : vector<16xf32>
          %parallel_loop3A_598 = arith.constant 0.000000e+00 : f32
          %parallel_loop3A_599 = vector.broadcast %parallel_loop3A_598 : f32 to vector<16xf32>
          %parallel_loop3A_600 = arith.mulf %parallel_loop3A_536, %parallel_loop3A_594 : vector<16xf32>
          %parallel_loop3A_601 = arith.constant 1 : i32
          %parallel_loop3A_602 = arith.constant 0 : i32
          %parallel_loop3A_603 = arith.index_cast %parallel_loop3A_601 : i32 to index
          %parallel_loop3A_604 = arith.index_cast %parallel_loop3A_374 : i32 to index
          %parallel_loop3A_605 = arith.index_cast %parallel_loop3A_602 : i32 to index
          %parallel_loop3A_606 = arith.index_cast %parallel_loop3A_377 : i32 to index
          %parallel_loop3A_607 = tpu.vector_load %arg17[%parallel_loop3A_603, %parallel_loop3A_604, %parallel_loop3A_605, %parallel_loop3A_606] {strides = array<i32>} : memref<2x8x8x128xf32, #tpu.memory_space<vmem>>, vector<16xf32>,
          tpu.vector_store %arg17[%parallel_loop3A_603, %parallel_loop3A_604, %parallel_loop3A_605, %parallel_loop3A_606], %parallel_loop3A_600 {strides = array<i32>} : memref<2x8x8x128xf32, #tpu.memory_space<vmem>>, vector<16xf32>,
          %parallel_loop3A_608 = arith.mulf %parallel_loop3A_597, %parallel_loop3A_536 : vector<16xf32>
          %parallel_loop3A_609 = arith.subf %parallel_loop3A_608, %parallel_loop3A_599 : vector<16xf32>
          %parallel_loop3A_610 = arith.mulf %parallel_loop3A_609, %parallel_loop3A_594 : vector<16xf32>
          %parallel_loop3A_611 = arith.constant 1 : i32
          %parallel_loop3A_612 = arith.constant 1 : i32
          %parallel_loop3A_613 = arith.index_cast %parallel_loop3A_611 : i32 to index
          %parallel_loop3A_614 = arith.index_cast %parallel_loop3A_374 : i32 to index
          %parallel_loop3A_615 = arith.index_cast %parallel_loop3A_612 : i32 to index
          %parallel_loop3A_616 = arith.index_cast %parallel_loop3A_377 : i32 to index
          %parallel_loop3A_617 = tpu.vector_load %arg17[%parallel_loop3A_613, %parallel_loop3A_614, %parallel_loop3A_615, %parallel_loop3A_616] {strides = array<i32>} : memref<2x8x8x128xf32, #tpu.memory_space<vmem>>, vector<16xf32>,
          tpu.vector_store %arg17[%parallel_loop3A_613, %parallel_loop3A_614, %parallel_loop3A_615, %parallel_loop3A_616], %parallel_loop3A_610 {strides = array<i32>} : memref<2x8x8x128xf32, #tpu.memory_space<vmem>>, vector<16xf32>,
          %parallel_loop3A_618 = arith.mulf %parallel_loop3A_597, %parallel_loop3A_609 : vector<16xf32>
          %parallel_loop3A_619 = arith.subf %parallel_loop3A_618, %parallel_loop3A_536 : vector<16xf32>
          %parallel_loop3A_620 = arith.mulf %parallel_loop3A_619, %parallel_loop3A_594 : vector<16xf32>
          %parallel_loop3A_621 = arith.constant 1 : i32
          %parallel_loop3A_622 = arith.constant 2 : i32
          %parallel_loop3A_623 = arith.index_cast %parallel_loop3A_621 : i32 to index
          %parallel_loop3A_624 = arith.index_cast %parallel_loop3A_374 : i32 to index
          %parallel_loop3A_625 = arith.index_cast %parallel_loop3A_622 : i32 to index
          %parallel_loop3A_626 = arith.index_cast %parallel_loop3A_377 : i32 to index
          %parallel_loop3A_627 = tpu.vector_load %arg17[%parallel_loop3A_623, %parallel_loop3A_624, %parallel_loop3A_625, %parallel_loop3A_626] {strides = array<i32>} : memref<2x8x8x128xf32, #tpu.memory_space<vmem>>, vector<16xf32>,
          tpu.vector_store %arg17[%parallel_loop3A_623, %parallel_loop3A_624, %parallel_loop3A_625, %parallel_loop3A_626], %parallel_loop3A_620 {strides = array<i32>} : memref<2x8x8x128xf32, #tpu.memory_space<vmem>>, vector<16xf32>,
          %parallel_loop3A_628 = arith.mulf %parallel_loop3A_597, %parallel_loop3A_619 : vector<16xf32>
          %parallel_loop3A_629 = arith.subf %parallel_loop3A_628, %parallel_loop3A_609 : vector<16xf32>
          %parallel_loop3A_630 = arith.mulf %parallel_loop3A_629, %parallel_loop3A_594 : vector<16xf32>
          %parallel_loop3A_631 = arith.constant 1 : i32
          %parallel_loop3A_632 = arith.constant 3 : i32
          %parallel_loop3A_633 = arith.index_cast %parallel_loop3A_631 : i32 to index
          %parallel_loop3A_634 = arith.index_cast %parallel_loop3A_374 : i32 to index
          %parallel_loop3A_635 = arith.index_cast %parallel_loop3A_632 : i32 to index
          %parallel_loop3A_636 = arith.index_cast %parallel_loop3A_377 : i32 to index
          %parallel_loop3A_637 = tpu.vector_load %arg17[%parallel_loop3A_633, %parallel_loop3A_634, %parallel_loop3A_635, %parallel_loop3A_636] {strides = array<i32>} : memref<2x8x8x128xf32, #tpu.memory_space<vmem>>, vector<16xf32>,
          tpu.vector_store %arg17[%parallel_loop3A_633, %parallel_loop3A_634, %parallel_loop3A_635, %parallel_loop3A_636], %parallel_loop3A_630 {strides = array<i32>} : memref<2x8x8x128xf32, #tpu.memory_space<vmem>>, vector<16xf32>,
          %parallel_loop3A_638 = arith.mulf %parallel_loop3A_597, %parallel_loop3A_629 : vector<16xf32>
          %parallel_loop3A_639 = arith.subf %parallel_loop3A_638, %parallel_loop3A_619 : vector<16xf32>
          %parallel_loop3A_640 = arith.mulf %parallel_loop3A_639, %parallel_loop3A_594 : vector<16xf32>
          %parallel_loop3A_641 = arith.constant 1 : i32
          %parallel_loop3A_642 = arith.constant 4 : i32
          %parallel_loop3A_643 = arith.index_cast %parallel_loop3A_641 : i32 to index
          %parallel_loop3A_644 = arith.index_cast %parallel_loop3A_374 : i32 to index
          %parallel_loop3A_645 = arith.index_cast %parallel_loop3A_642 : i32 to index
          %parallel_loop3A_646 = arith.index_cast %parallel_loop3A_377 : i32 to index
          %parallel_loop3A_647 = tpu.vector_load %arg17[%parallel_loop3A_643, %parallel_loop3A_644, %parallel_loop3A_645, %parallel_loop3A_646] {strides = array<i32>} : memref<2x8x8x128xf32, #tpu.memory_space<vmem>>, vector<16xf32>,
          tpu.vector_store %arg17[%parallel_loop3A_643, %parallel_loop3A_644, %parallel_loop3A_645, %parallel_loop3A_646], %parallel_loop3A_640 {strides = array<i32>} : memref<2x8x8x128xf32, #tpu.memory_space<vmem>>, vector<16xf32>,
          %parallel_loop3A_648 = arith.mulf %parallel_loop3A_597, %parallel_loop3A_639 : vector<16xf32>
          %parallel_loop3A_649 = arith.subf %parallel_loop3A_648, %parallel_loop3A_629 : vector<16xf32>
          %parallel_loop3A_650 = arith.mulf %parallel_loop3A_649, %parallel_loop3A_594 : vector<16xf32>
          %parallel_loop3A_651 = arith.constant 1 : i32
          %parallel_loop3A_652 = arith.constant 5 : i32
          %parallel_loop3A_653 = arith.index_cast %parallel_loop3A_651 : i32 to index
          %parallel_loop3A_654 = arith.index_cast %parallel_loop3A_374 : i32 to index
          %parallel_loop3A_655 = arith.index_cast %parallel_loop3A_652 : i32 to index
          %parallel_loop3A_656 = arith.index_cast %parallel_loop3A_377 : i32 to index
          %parallel_loop3A_657 = tpu.vector_load %arg17[%parallel_loop3A_653, %parallel_loop3A_654, %parallel_loop3A_655, %parallel_loop3A_656] {strides = array<i32>} : memref<2x8x8x128xf32, #tpu.memory_space<vmem>>, vector<16xf32>,
          tpu.vector_store %arg17[%parallel_loop3A_653, %parallel_loop3A_654, %parallel_loop3A_655, %parallel_loop3A_656], %parallel_loop3A_650 {strides = array<i32>} : memref<2x8x8x128xf32, #tpu.memory_space<vmem>>, vector<16xf32>,
          %parallel_loop3A_658 = arith.mulf %parallel_loop3A_597, %parallel_loop3A_649 : vector<16xf32>
          %parallel_loop3A_659 = arith.subf %parallel_loop3A_658, %parallel_loop3A_639 : vector<16xf32>
        } {sc.loop_unroll_factor = 4 : i64, sc.parallel_access}
        %mul3A_326 = arith.constant 1024 : i32
        %mul3A_327 = arith.muli %add3A_72, %mul3A_326 : i32
        %mul3A_328 = arith.constant 8 : i32
        %mul3A_329 = arith.muli %add3A_72, %mul3A_328 : i32
        %dma_start3A = arith.constant 1 : i32
        %dma_start3A_330 = arith.constant 0 : i32
        %dma_start3A_331 = tpu.memref_slice %arg16[%dma_start3A, %dma_start3A_330] : memref<2x1024xf32, #tpu.memory_space<vmem>> -> memref<1x1024xf32, #tpu.memory_space<vmem>>
        %dma_start3A_332 = tpu.memref_squeeze %dma_start3A_331 : memref<1x1024xf32, #tpu.memory_space<vmem>> -> memref<1024xf32, #tpu.memory_space<vmem>>
        %dma_start3A_333 = tpu.memref_slice %arg8[%mul3A_327] : memref<6400000xf32, #tpu.memory_space<hbm>> -> memref<1024xf32, #tpu.memory_space<hbm>>
        %dma_start3A_334 = tpu.memref_slice %arg8[%mul3A_327] : memref<6400000xf32, #tpu.memory_space<hbm>> -> memref<1024xf32, #tpu.memory_space<hbm>>
        %dma_start3A_335 = arith.constant 0 : i32
        %dma_start3A_336 = tpu.memref_slice %arg16[%dma_start3A, %dma_start3A_335] : memref<2x1024xf32, #tpu.memory_space<vmem>> -> memref<1x1024xf32, #tpu.memory_space<vmem>>
        %dma_start3A_337 = tpu.memref_squeeze %dma_start3A_336 : memref<1x1024xf32, #tpu.memory_space<vmem>> -> memref<1024xf32, #tpu.memory_space<vmem>>
        tpu.enqueue_dma source(%dma_start3A_337 : memref<1024xf32, #tpu.memory_space<vmem>>) target(%dma_start3A_334 : memref<1024xf32, #tpu.memory_space<hbm>>) target_semaphore(%arg22 : memref<!tpu.dma_semaphore, #tpu.memory_space<semaphore_mem>>)
        %dma_start3A_338 = arith.constant 1 : i32
        %dma_start3A_339 = arith.constant 0 : i32
        %dma_start3A_340 = arith.constant 0 : i32
        %dma_start3A_341 = arith.constant 0 : i32
        %dma_start3A_342 = tpu.memref_slice %arg17[%dma_start3A_338, %dma_start3A_339, %dma_start3A_340, %dma_start3A_341] : memref<2x8x8x128xf32, #tpu.memory_space<vmem>> -> memref<1x8x8x128xf32, #tpu.memory_space<vmem>>
        %dma_start3A_343 = tpu.memref_squeeze %dma_start3A_342 : memref<1x8x8x128xf32, #tpu.memory_space<vmem>> -> memref<8x8x128xf32, #tpu.memory_space<vmem>>
        %dma_start3A_344 = arith.constant 0 : i32
        %dma_start3A_345 = arith.constant 0 : i32
        %dma_start3A_346 = tpu.memref_slice %arg9[%mul3A_329, %dma_start3A_344, %dma_start3A_345] : memref<50000x8x128xf32, #tpu.memory_space<hbm>> -> memref<8x8x128xf32, #tpu.memory_space<hbm>>
        %dma_start3A_347 = arith.constant 0 : i32
        %dma_start3A_348 = arith.constant 0 : i32
        %dma_start3A_349 = tpu.memref_slice %arg9[%mul3A_329, %dma_start3A_347, %dma_start3A_348] : memref<50000x8x128xf32, #tpu.memory_space<hbm>> -> memref<8x8x128xf32, #tpu.memory_space<hbm>>
        %dma_start3A_350 = arith.constant 0 : i32
        %dma_start3A_351 = arith.constant 0 : i32
        %dma_start3A_352 = arith.constant 0 : i32
        %dma_start3A_353 = tpu.memref_slice %arg17[%dma_start3A_338, %dma_start3A_350, %dma_start3A_351, %dma_start3A_352] : memref<2x8x8x128xf32, #tpu.memory_space<vmem>> -> memref<1x8x8x128xf32, #tpu.memory_space<vmem>>
        %dma_start3A_354 = tpu.memref_squeeze %dma_start3A_353 : memref<1x8x8x128xf32, #tpu.memory_space<vmem>> -> memref<8x8x128xf32, #tpu.memory_space<vmem>>
        tpu.enqueue_dma source(%dma_start3A_354 : memref<8x8x128xf32, #tpu.memory_space<vmem>>) target(%dma_start3A_349 : memref<8x8x128xf32, #tpu.memory_space<hbm>>) target_semaphore(%arg22 : memref<!tpu.dma_semaphore, #tpu.memory_space<semaphore_mem>>)
        %dma_start3A_355 = arith.constant 1 : i32
        %dma_start3A_356 = arith.constant 0 : i32
        %dma_start3A_357 = arith.constant 0 : i32
        %dma_start3A_358 = arith.constant 0 : i32
        %dma_start3A_359 = tpu.memref_slice %arg18[%dma_start3A_355, %dma_start3A_356, %dma_start3A_357, %dma_start3A_358] : memref<2x8x4x128xf32, #tpu.memory_space<vmem>> -> memref<1x8x4x128xf32, #tpu.memory_space<vmem>>
        %dma_start3A_360 = tpu.memref_squeeze %dma_start3A_359 : memref<1x8x4x128xf32, #tpu.memory_space<vmem>> -> memref<8x4x128xf32, #tpu.memory_space<vmem>>
        %dma_start3A_361 = arith.constant 0 : i32
        %dma_start3A_362 = arith.constant 0 : i32
        %dma_start3A_363 = tpu.memref_slice %arg10[%mul3A_329, %dma_start3A_361, %dma_start3A_362] : memref<50000x4x128xf32, #tpu.memory_space<hbm>> -> memref<8x4x128xf32, #tpu.memory_space<hbm>>
        %dma_start3A_364 = arith.constant 0 : i32
        %dma_start3A_365 = arith.constant 0 : i32
        %dma_start3A_366 = tpu.memref_slice %arg10[%mul3A_329, %dma_start3A_364, %dma_start3A_365] : memref<50000x4x128xf32, #tpu.memory_space<hbm>> -> memref<8x4x128xf32, #tpu.memory_space<hbm>>
        %dma_start3A_367 = arith.constant 0 : i32
        %dma_start3A_368 = arith.constant 0 : i32
        %dma_start3A_369 = arith.constant 0 : i32
        %dma_start3A_370 = tpu.memref_slice %arg18[%dma_start3A_355, %dma_start3A_367, %dma_start3A_368, %dma_start3A_369] : memref<2x8x4x128xf32, #tpu.memory_space<vmem>> -> memref<1x8x4x128xf32, #tpu.memory_space<vmem>>
        %dma_start3A_371 = tpu.memref_squeeze %dma_start3A_370 : memref<1x8x4x128xf32, #tpu.memory_space<vmem>> -> memref<8x4x128xf32, #tpu.memory_space<vmem>>
        tpu.enqueue_dma source(%dma_start3A_371 : memref<8x4x128xf32, #tpu.memory_space<vmem>>) target(%dma_start3A_366 : memref<8x4x128xf32, #tpu.memory_space<hbm>>) target_semaphore(%arg22 : memref<!tpu.dma_semaphore, #tpu.memory_space<semaphore_mem>>)
      } else {
      }
    }
    %scan3A_9 = arith.constant 98 : i32
    %add3A_10 = arith.constant 6208 : i32
    %add3A_11 = arith.addi %add3A, %add3A_10 : i32
    %ge3A = arith.constant 0 : i32
    %ge3A_12 = arith.cmpi sge, %add3A_11, %ge3A : i32
    %lt3A_13 = arith.constant 6250 : i32
    %lt3A_14 = arith.cmpi slt, %add3A_11, %lt3A_13 : i32
    %and3A = arith.andi %ge3A_12, %lt3A_14 : i1
    %convert_element_type3A_15 = arith.extui %and3A : i1 to i32
    %cond3A_16 = arith.constant 0 : i32
    %cond3A_17 = arith.cmpi ne, %convert_element_type3A_15, %cond3A_16 : i32
    scf.if %cond3A_17 {
      %mul3A_28 = arith.constant 1024 : i32
      %mul3A_29 = arith.muli %add3A_11, %mul3A_28 : i32
      %mul3A_30 = arith.constant 8 : i32
      %mul3A_31 = arith.muli %add3A_11, %mul3A_30 : i32
      %dma_wait3A = arith.constant 0 : i32
      %dma_wait3A_32 = arith.constant 0 : i32
      %dma_wait3A_33 = tpu.memref_slice %arg16[%dma_wait3A, %dma_wait3A_32] : memref<2x1024xf32, #tpu.memory_space<vmem>> -> memref<1x1024xf32, #tpu.memory_space<vmem>>
      %dma_wait3A_34 = tpu.memref_squeeze %dma_wait3A_33 : memref<1x1024xf32, #tpu.memory_space<vmem>> -> memref<1024xf32, #tpu.memory_space<vmem>>
      %dma_wait3A_35 = tpu.memref_slice %arg8[%mul3A_29] : memref<6400000xf32, #tpu.memory_space<hbm>> -> memref<1024xf32, #tpu.memory_space<hbm>>
      %dma_wait3A_36 = tpu.memref_slice %arg8[%mul3A_29] : memref<6400000xf32, #tpu.memory_space<hbm>> -> memref<1024xf32, #tpu.memory_space<hbm>>
      %dma_wait3A_37 = arith.constant 0 : i32
      %dma_wait3A_38 = tpu.memref_slice %arg16[%dma_wait3A, %dma_wait3A_37] : memref<2x1024xf32, #tpu.memory_space<vmem>> -> memref<1x1024xf32, #tpu.memory_space<vmem>>
      %dma_wait3A_39 = tpu.memref_squeeze %dma_wait3A_38 : memref<1x1024xf32, #tpu.memory_space<vmem>> -> memref<1024xf32, #tpu.memory_space<vmem>>
      tpu.wait_dma2 semaphore(%arg21 : memref<!tpu.dma_semaphore, #tpu.memory_space<semaphore_mem>>) src(%dma_wait3A_39 : memref<1024xf32, #tpu.memory_space<vmem>>) dst(%dma_wait3A_36 : memref<1024xf32, #tpu.memory_space<hbm>>)
      %dma_wait3A_40 = arith.constant 0 : i32
      %dma_wait3A_41 = arith.constant 0 : i32
      %dma_wait3A_42 = arith.constant 0 : i32
      %dma_wait3A_43 = arith.constant 0 : i32
      %dma_wait3A_44 = tpu.memref_slice %arg17[%dma_wait3A_40, %dma_wait3A_41, %dma_wait3A_42, %dma_wait3A_43] : memref<2x8x8x128xf32, #tpu.memory_space<vmem>> -> memref<1x8x8x128xf32, #tpu.memory_space<vmem>>
      %dma_wait3A_45 = tpu.memref_squeeze %dma_wait3A_44 : memref<1x8x8x128xf32, #tpu.memory_space<vmem>> -> memref<8x8x128xf32, #tpu.memory_space<vmem>>
      %dma_wait3A_46 = arith.constant 0 : i32
      %dma_wait3A_47 = arith.constant 0 : i32
      %dma_wait3A_48 = tpu.memref_slice %arg9[%mul3A_31, %dma_wait3A_46, %dma_wait3A_47] : memref<50000x8x128xf32, #tpu.memory_space<hbm>> -> memref<8x8x128xf32, #tpu.memory_space<hbm>>
      %dma_wait3A_49 = arith.constant 0 : i32
      %dma_wait3A_50 = arith.constant 0 : i32
      %dma_wait3A_51 = tpu.memref_slice %arg9[%mul3A_31, %dma_wait3A_49, %dma_wait3A_50] : memref<50000x8x128xf32, #tpu.memory_space<hbm>> -> memref<8x8x128xf32, #tpu.memory_space<hbm>>
      %dma_wait3A_52 = arith.constant 0 : i32
      %dma_wait3A_53 = arith.constant 0 : i32
      %dma_wait3A_54 = arith.constant 0 : i32
      %dma_wait3A_55 = tpu.memref_slice %arg17[%dma_wait3A_40, %dma_wait3A_52, %dma_wait3A_53, %dma_wait3A_54] : memref<2x8x8x128xf32, #tpu.memory_space<vmem>> -> memref<1x8x8x128xf32, #tpu.memory_space<vmem>>
      %dma_wait3A_56 = tpu.memref_squeeze %dma_wait3A_55 : memref<1x8x8x128xf32, #tpu.memory_space<vmem>> -> memref<8x8x128xf32, #tpu.memory_space<vmem>>
      tpu.wait_dma2 semaphore(%arg21 : memref<!tpu.dma_semaphore, #tpu.memory_space<semaphore_mem>>) src(%dma_wait3A_56 : memref<8x8x128xf32, #tpu.memory_space<vmem>>) dst(%dma_wait3A_51 : memref<8x8x128xf32, #tpu.memory_space<hbm>>)
      %dma_wait3A_57 = arith.constant 0 : i32
      %dma_wait3A_58 = arith.constant 0 : i32
      %dma_wait3A_59 = arith.constant 0 : i32
      %dma_wait3A_60 = arith.constant 0 : i32
      %dma_wait3A_61 = tpu.memref_slice %arg18[%dma_wait3A_57, %dma_wait3A_58, %dma_wait3A_59, %dma_wait3A_60] : memref<2x8x4x128xf32, #tpu.memory_space<vmem>> -> memref<1x8x4x128xf32, #tpu.memory_space<vmem>>
      %dma_wait3A_62 = tpu.memref_squeeze %dma_wait3A_61 : memref<1x8x4x128xf32, #tpu.memory_space<vmem>> -> memref<8x4x128xf32, #tpu.memory_space<vmem>>
      %dma_wait3A_63 = arith.constant 0 : i32
      %dma_wait3A_64 = arith.constant 0 : i32
      %dma_wait3A_65 = tpu.memref_slice %arg10[%mul3A_31, %dma_wait3A_63, %dma_wait3A_64] : memref<50000x4x128xf32, #tpu.memory_space<hbm>> -> memref<8x4x128xf32, #tpu.memory_space<hbm>>
      %dma_wait3A_66 = arith.constant 0 : i32
      %dma_wait3A_67 = arith.constant 0 : i32
      %dma_wait3A_68 = tpu.memref_slice %arg10[%mul3A_31, %dma_wait3A_66, %dma_wait3A_67] : memref<50000x4x128xf32, #tpu.memory_space<hbm>> -> memref<8x4x128xf32, #tpu.memory_space<hbm>>
      %dma_wait3A_69 = arith.constant 0 : i32
      %dma_wait3A_70 = arith.constant 0 : i32
      %dma_wait3A_71 = arith.constant 0 : i32
      %dma_wait3A_72 = tpu.memref_slice %arg18[%dma_wait3A_57, %dma_wait3A_69, %dma_wait3A_70, %dma_wait3A_71] : memref<2x8x4x128xf32, #tpu.memory_space<vmem>> -> memref<1x8x4x128xf32, #tpu.memory_space<vmem>>
      %dma_wait3A_73 = tpu.memref_squeeze %dma_wait3A_72 : memref<1x8x4x128xf32, #tpu.memory_space<vmem>> -> memref<8x4x128xf32, #tpu.memory_space<vmem>>
      tpu.wait_dma2 semaphore(%arg21 : memref<!tpu.dma_semaphore, #tpu.memory_space<semaphore_mem>>) src(%dma_wait3A_73 : memref<8x4x128xf32, #tpu.memory_space<vmem>>) dst(%dma_wait3A_68 : memref<8x4x128xf32, #tpu.memory_space<hbm>>)
    } else {
    }
    %add3A_18 = arith.constant 6240 : i32
    %add3A_19 = arith.addi %add3A, %add3A_18 : i32
    %ge3A_20 = arith.constant 0 : i32
    %ge3A_21 = arith.cmpi sge, %add3A_19, %ge3A_20 : i32
    %lt3A_22 = arith.constant 6250 : i32
    %lt3A_23 = arith.cmpi slt, %add3A_19, %lt3A_22 : i32
    %and3A_24 = arith.andi %ge3A_21, %lt3A_23 : i1
    %convert_element_type3A_25 = arith.extui %and3A_24 : i1 to i32
    %cond3A_26 = arith.constant 0 : i32
    %cond3A_27 = arith.cmpi ne, %convert_element_type3A_25, %cond3A_26 : i32
    scf.if %cond3A_27 {
      %mul3A_28 = arith.constant 1024 : i32
      %mul3A_29 = arith.muli %add3A_19, %mul3A_28 : i32
      %mul3A_30 = arith.constant 8 : i32
      %mul3A_31 = arith.muli %add3A_19, %mul3A_30 : i32
      %dma_wait3A = arith.constant 1 : i32
      %dma_wait3A_32 = arith.constant 0 : i32
      %dma_wait3A_33 = tpu.memref_slice %arg16[%dma_wait3A, %dma_wait3A_32] : memref<2x1024xf32, #tpu.memory_space<vmem>> -> memref<1x1024xf32, #tpu.memory_space<vmem>>
      %dma_wait3A_34 = tpu.memref_squeeze %dma_wait3A_33 : memref<1x1024xf32, #tpu.memory_space<vmem>> -> memref<1024xf32, #tpu.memory_space<vmem>>
      %dma_wait3A_35 = tpu.memref_slice %arg8[%mul3A_29] : memref<6400000xf32, #tpu.memory_space<hbm>> -> memref<1024xf32, #tpu.memory_space<hbm>>
      %dma_wait3A_36 = tpu.memref_slice %arg8[%mul3A_29] : memref<6400000xf32, #tpu.memory_space<hbm>> -> memref<1024xf32, #tpu.memory_space<hbm>>
      %dma_wait3A_37 = arith.constant 0 : i32
      %dma_wait3A_38 = tpu.memref_slice %arg16[%dma_wait3A, %dma_wait3A_37] : memref<2x1024xf32, #tpu.memory_space<vmem>> -> memref<1x1024xf32, #tpu.memory_space<vmem>>
      %dma_wait3A_39 = tpu.memref_squeeze %dma_wait3A_38 : memref<1x1024xf32, #tpu.memory_space<vmem>> -> memref<1024xf32, #tpu.memory_space<vmem>>
      tpu.wait_dma2 semaphore(%arg22 : memref<!tpu.dma_semaphore, #tpu.memory_space<semaphore_mem>>) src(%dma_wait3A_39 : memref<1024xf32, #tpu.memory_space<vmem>>) dst(%dma_wait3A_36 : memref<1024xf32, #tpu.memory_space<hbm>>)
      %dma_wait3A_40 = arith.constant 1 : i32
      %dma_wait3A_41 = arith.constant 0 : i32
      %dma_wait3A_42 = arith.constant 0 : i32
      %dma_wait3A_43 = arith.constant 0 : i32
      %dma_wait3A_44 = tpu.memref_slice %arg17[%dma_wait3A_40, %dma_wait3A_41, %dma_wait3A_42, %dma_wait3A_43] : memref<2x8x8x128xf32, #tpu.memory_space<vmem>> -> memref<1x8x8x128xf32, #tpu.memory_space<vmem>>
      %dma_wait3A_45 = tpu.memref_squeeze %dma_wait3A_44 : memref<1x8x8x128xf32, #tpu.memory_space<vmem>> -> memref<8x8x128xf32, #tpu.memory_space<vmem>>
      %dma_wait3A_46 = arith.constant 0 : i32
      %dma_wait3A_47 = arith.constant 0 : i32
      %dma_wait3A_48 = tpu.memref_slice %arg9[%mul3A_31, %dma_wait3A_46, %dma_wait3A_47] : memref<50000x8x128xf32, #tpu.memory_space<hbm>> -> memref<8x8x128xf32, #tpu.memory_space<hbm>>
      %dma_wait3A_49 = arith.constant 0 : i32
      %dma_wait3A_50 = arith.constant 0 : i32
      %dma_wait3A_51 = tpu.memref_slice %arg9[%mul3A_31, %dma_wait3A_49, %dma_wait3A_50] : memref<50000x8x128xf32, #tpu.memory_space<hbm>> -> memref<8x8x128xf32, #tpu.memory_space<hbm>>
      %dma_wait3A_52 = arith.constant 0 : i32
      %dma_wait3A_53 = arith.constant 0 : i32
      %dma_wait3A_54 = arith.constant 0 : i32
      %dma_wait3A_55 = tpu.memref_slice %arg17[%dma_wait3A_40, %dma_wait3A_52, %dma_wait3A_53, %dma_wait3A_54] : memref<2x8x8x128xf32, #tpu.memory_space<vmem>> -> memref<1x8x8x128xf32, #tpu.memory_space<vmem>>
      %dma_wait3A_56 = tpu.memref_squeeze %dma_wait3A_55 : memref<1x8x8x128xf32, #tpu.memory_space<vmem>> -> memref<8x8x128xf32, #tpu.memory_space<vmem>>
      tpu.wait_dma2 semaphore(%arg22 : memref<!tpu.dma_semaphore, #tpu.memory_space<semaphore_mem>>) src(%dma_wait3A_56 : memref<8x8x128xf32, #tpu.memory_space<vmem>>) dst(%dma_wait3A_51 : memref<8x8x128xf32, #tpu.memory_space<hbm>>)
      %dma_wait3A_57 = arith.constant 1 : i32
      %dma_wait3A_58 = arith.constant 0 : i32
      %dma_wait3A_59 = arith.constant 0 : i32
      %dma_wait3A_60 = arith.constant 0 : i32
      %dma_wait3A_61 = tpu.memref_slice %arg18[%dma_wait3A_57, %dma_wait3A_58, %dma_wait3A_59, %dma_wait3A_60] : memref<2x8x4x128xf32, #tpu.memory_space<vmem>> -> memref<1x8x4x128xf32, #tpu.memory_space<vmem>>
      %dma_wait3A_62 = tpu.memref_squeeze %dma_wait3A_61 : memref<1x8x4x128xf32, #tpu.memory_space<vmem>> -> memref<8x4x128xf32, #tpu.memory_space<vmem>>
      %dma_wait3A_63 = arith.constant 0 : i32
      %dma_wait3A_64 = arith.constant 0 : i32
      %dma_wait3A_65 = tpu.memref_slice %arg10[%mul3A_31, %dma_wait3A_63, %dma_wait3A_64] : memref<50000x4x128xf32, #tpu.memory_space<hbm>> -> memref<8x4x128xf32, #tpu.memory_space<hbm>>
      %dma_wait3A_66 = arith.constant 0 : i32
      %dma_wait3A_67 = arith.constant 0 : i32
      %dma_wait3A_68 = tpu.memref_slice %arg10[%mul3A_31, %dma_wait3A_66, %dma_wait3A_67] : memref<50000x4x128xf32, #tpu.memory_space<hbm>> -> memref<8x4x128xf32, #tpu.memory_space<hbm>>
      %dma_wait3A_69 = arith.constant 0 : i32
      %dma_wait3A_70 = arith.constant 0 : i32
      %dma_wait3A_71 = arith.constant 0 : i32
      %dma_wait3A_72 = tpu.memref_slice %arg18[%dma_wait3A_57, %dma_wait3A_69, %dma_wait3A_70, %dma_wait3A_71] : memref<2x8x4x128xf32, #tpu.memory_space<vmem>> -> memref<1x8x4x128xf32, #tpu.memory_space<vmem>>
      %dma_wait3A_73 = tpu.memref_squeeze %dma_wait3A_72 : memref<1x8x4x128xf32, #tpu.memory_space<vmem>> -> memref<8x4x128xf32, #tpu.memory_space<vmem>>
      tpu.wait_dma2 semaphore(%arg22 : memref<!tpu.dma_semaphore, #tpu.memory_space<semaphore_mem>>) src(%dma_wait3A_73 : memref<8x4x128xf32, #tpu.memory_space<vmem>>) dst(%dma_wait3A_68 : memref<8x4x128xf32, #tpu.memory_space<hbm>>)
    } else {
    }
    return
  }
}

</mosaic_0001>

<sc_bundles>
// kernel: kernel.3.cloned.1.call-start
scs
__scs_entry_jumppad:
0x0: {  	(pc) =	sbr.rel $0x88, $3  }
0x1: {  	(tag) =	ssettag $0x0;
	lr =	simm.s32 $0x1  }
0x2: {  	[smem:$0x3F9E] =	sst lr;
	_ =	strace $0xD0000000  }
0x3: {  	_ = 	snop  }
0x4: {  	_ = 	snop  }
0x5: {  	_ = 	snop  }
0x6: {  	_ = 	snop  }
0x7: {  	_ = 	snop  }
__scs_overlays_trampoline_lowered:
0x8: {  	[smem:$0x3FAD] =	sst s0  }
0x9: {  	[smem:$0x3FAE] =	sst s1  }
0xa: {  	[smem:$0x3FAF] =	sst s2  }
0xb: {  	[smem:$0x3FB0] =	sst s3  }
0xc: {  	[smem:$0x3FB1] =	sst s4  }
0xd: {  	[smem:$0x3FB2] =	sst s5  }
0xe: {  	[smem:$0x3FB3] =	sst s6  }
0xf: {  	[smem:$0x3FB4] =	sst s7  }
0x10: {  	[smem:$0x3FB5] =	sst s8  }
0x11: {  	[smem:$0x3FB6] =	sst s9;
	s0 =	simm.s32 @!p0 $0x0  }
0x12: {  	s1 =	sld [smem:$0x3F9C];
	s0 =	simm.s32 @p0 $0x1  }
0x13: {  	[smem:$0x3FB7] =	sst s0;
	s0 =	simm.s32 @!p1 $0x0  }
0x14: {  	s2 =	sld [smem:$0x3F9B];
	s0 =	simm.s32 @p1 $0x1  }
0x15: {  	[smem:$0x3FB8] =	sst s0;
	s0 =	simm.s32 @!p2 $0x0  }
0x16: {  	s3 =	sld [smem:$0x3FDB];
	s0 =	simm.s32 @p2 $0x1  }
0x17: {  	s4 =	simm.s32 $0x1BF5;
	[smem:$0x3FBA] =	sst s0  }
0x18: {  	s0 =	sld [smem:$0x3F9D];
	_ =	swait.ge [sflag:s4], $0x0  }
0x19: {  	s7 =	sld [smem:$0x3F9E]  }
0x1a: {  	s8 =	sadd.s32 $0xFFFFE003, lr  }
0x1b: {  	s9 =	sadd.s32 $0xFFFFFEF7, lr;
	s5 =	simm.s32 $0xFFFFFFFF;
	p2 =	slt.u32 s8, $0xFFFFF086  }
0x1c: {  	p1 =	slt.u32 s9, $0xF7A;
	s5 =	simm.s32 @!p2 $0x0  }
0x1d: {  	s5 =	simm.s32 @p1 $0x1;
	p0 =	seq.s32 s7, s2  }
0x1e: {  	s7 =	smul.u32 @!p0 $0xF7A, s2;
	p2 =	seq.s32 @!p0 s5, $0x0  }
0x1f: {  	s9 =	smul.u32 $0xF7A, s1;
	s8 =	simm.s32 @!p0 $0x1BF5;
	p2 =	por !p2, p0  }
0x20: {  	[sflag:s8] =	ssyncset.s32 @!p0 $0xFFFFF086;
	s6 =	sadd.s32 @!p0 s3, s7;
	s7 =	simm.s32 @!p0 $0x108  }
0x21: {  	s3 =	sadd.s32 s3, s9;
	s6 =	sadd.s32 @!p0 $0x88, s6;
	s7 =	simm.s32 @p2 $0x1082  }
0x22: {  	[simem:s7], [sflag:s8] =	dma.local @!p0 [hbm:s6], $0xF7A  }
0x23: {  	s9 =	sor.u32 $0xD0000000, s2;
	s6 =	simm.s32 $0x108;
	_ =	swait.ge @!p0 [sflag:s8], $0x0  }
0x24: {  	s3 =	sadd.s32 $0x88, s3;
	s6 =	simm.s32 @!p1 $0x1082;
	[sflag:s4] =	ssyncset.s32 $0xFFFFF086  }
0x25: {  	[simem:s6], [sflag:s4] =	dma.local [hbm:s3], $0xF7A  }
0x26: {  	[smem:$0x3F9E] =	sst s1;
	(tag) =	ssettag s2;
	_ =	strace s9  }
0x27: {  	s1 =	sld [smem:$0x3FAE]  }
0x28: {  	s2 =	sld [smem:$0x3FAF]  }
0x29: {  	s4 =	sld [smem:$0x3FB1]  }
0x2a: {  	p0 =	seq.s32 s5, $0x0;
	s5 =	sld [smem:$0x3FB2]  }
0x2b: {  	s6 =	sld [smem:$0x3FB3]  }
0x2c: {  	s7 =	sld [smem:$0x3FB4]  }
0x2d: {  	s3 =	simm.s32 $0x108;
	s8 =	sld [smem:$0x3FB5]  }
0x2e: {  	s3 =	simm.s32 @!p0 $0x1082;
	s9 =	sld [smem:$0x3FB6]  }
0x2f: {  	lr =	sadd.s32 s0, s3;
	s0 =	sld [smem:$0x3FAD]  }
0x30: {  	s3 =	sld [smem:$0x3FB0]  }
0x31: {  	[smem:$0x3FB9] =	sst s10  }
0x32: {  	s10 =	sld [smem:$0x3FB7];
	_ =	sdelay $0x3  }
0x33: {  	p0 =	seq.s32 s10, $0x1;
	s10 =	sld [smem:$0x3FB9];
	_ =	sdelay $0x3  }
0x34: {  	[smem:$0x3FB9] =	sst s10  }
0x35: {  	s10 =	sld [smem:$0x3FB8];
	_ =	sdelay $0x3  }
0x36: {  	p1 =	seq.s32 s10, $0x1;
	s10 =	sld [smem:$0x3FB9];
	_ =	sdelay $0x3  }
0x37: {  	[smem:$0x3FB9] =	sst s10  }
0x38: {  	s10 =	sld [smem:$0x3FBA]  }
0x39: {  	_ = 	snop;
	(pc) =	sbr.ind lr, $3  }
0x3a: {  	_ = 	snop  }
0x3b: {  	_ = 	snop  }
0x3c: {  	p2 =	seq.s32 s10, $0x1;
	s10 =	sld [smem:$0x3FB9]  }
0x3d: {  	_ =	shalt  }
0x3e: {  	_ =	shalt  }
0x3f: {  	_ =	shalt  }
0x40: {  	_ =	shalt  }
0x41: {  	_ =	shalt  }
0x42: {  	_ =	shalt  }
0x43: {  	_ =	shalt  }
0x44: {  	_ =	shalt  }
0x45: {  	_ =	shalt  }
0x46: {  	_ =	shalt  }
0x47: {  	_ =	shalt  }
0x48: {  	_ =	shalt  }
0x49: {  	_ =	shalt  }
0x4a: {  	_ =	shalt  }
0x4b: {  	_ =	shalt  }
0x4c: {  	_ =	shalt  }
0x4d: {  	_ =	shalt  }
0x4e: {  	_ =	shalt  }
0x4f: {  	_ =	shalt  }
0x50: {  	_ =	shalt  }
0x51: {  	_ =	shalt  }
0x52: {  	_ =	shalt  }
0x53: {  	_ =	shalt  }
0x54: {  	_ =	shalt  }
0x55: {  	_ =	shalt  }
0x56: {  	_ =	shalt  }
0x57: {  	_ =	shalt  }
0x58: {  	_ =	shalt  }
0x59: {  	_ =	shalt  }
0x5a: {  	_ =	shalt  }
0x5b: {  	_ =	shalt  }
0x5c: {  	_ =	shalt  }
0x5d: {  	_ =	shalt  }
0x5e: {  	_ =	shalt  }
0x5f: {  	_ =	shalt  }
0x60: {  	_ =	shalt  }
0x61: {  	_ =	shalt  }
0x62: {  	_ =	shalt  }
0x63: {  	_ =	shalt  }
0x64: {  	_ =	shalt  }
0x65: {  	_ =	shalt  }
0x66: {  	_ =	shalt  }
0x67: {  	_ =	shalt  }
0x68: {  	_ =	shalt  }
0x69: {  	_ =	shalt  }
0x6a: {  	_ =	shalt  }
0x6b: {  	_ =	shalt  }
0x6c: {  	_ =	shalt  }
0x6d: {  	_ =	shalt  }
0x6e: {  	_ =	shalt  }
0x6f: {  	_ =	shalt  }
0x70: {  	_ =	shalt  }
0x71: {  	_ =	shalt  }
0x72: {  	_ =	shalt  }
0x73: {  	_ =	shalt  }
0x74: {  	_ =	shalt  }
0x75: {  	_ =	shalt  }
0x76: {  	_ =	shalt  }
0x77: {  	_ =	shalt  }
0x78: {  	_ =	shalt  }
0x79: {  	_ =	shalt  }
0x7a: {  	_ =	shalt  }
0x7b: {  	_ =	shalt  }
0x7c: {  	_ =	shalt  }
0x7d: {  	_ =	shalt  }
0x7e: {  	_ =	shalt  }
0x7f: {  	_ =	shalt  }
0x80: {  	_ =	shalt  }
0x81: {  	_ =	shalt  }
0x82: {  	_ =	shalt  }
0x83: {  	_ =	shalt  }
0x84: {  	_ =	shalt  }
0x85: {  	_ =	shalt  }
0x86: {  	_ =	shalt  }
0x87: {  	_ =	shalt  }
.Lfunc_end0:
.L_simem_size_0:
called_computation_lowered:
.L_overlay_start_0:
0x88: {  	s2 =	sld [smem:$0x3FD9]  }
0x89: {  	s3 =	sld [smem:$0x3FFE];
	_ =	sdelay $0x1  }
0x8a: {  	s1 =	srdreg.scid  }
0x8b: {  	s0 =	sand.u32 $0x1, s1  }
0x8c: {  	s14 =	sshll.u32 s0, $0xA;
	s2 =	sadd.s32 s3, s2  }
0x8d: {  	s2 =	sadd.s32 s2, s14  }
0x8e: {  	[smem:$0x3FC5] =	sst s2  }
0x8f: {  	_ = 	snop  }
0x90: {  	s2 =	sld [smem:$0x3FD0];
	_ =	sdelay $0x2  }
0x91: {  	s15 =	simm.s32 $0xA;
	s4 =	simm.s32 $0x10  }
0x92: {  	[smem:s4], [sflag:s15] =	dma.local [hbm:s2], $0x1  }
0x93: {  	_ =	swait.eq [sflag:s15], $0x1  }
0x94: {  	s16 =	sld [smem:$0x10];
	[sflag:s15] =	ssyncset.done $0x0  }
0x95: {  	s17 =	sld [smem:$0x11];
	[sflag:s15] =	ssyncadd.s32 $0xFFFFFFFF  }
0x96: {  	s18 =	sld [smem:$0x12];
	(tm) =	ssettm $0x1  }
0x97: {  	s5 =	sld [smem:$0x3FFB];
	_ =	sdelay $0x3  }
0x98: {  	_ =	strace s5  }
0x99: {  	s5 =	sld [smem:$0x3FFC];
	_ =	sdelay $0x3  }
0x9a: {  	_ =	strace s5  }
0x9b: {  	s5 =	sld [smem:$0x3FFD];
	_ =	sdelay $0x3  }
0x9c: {  	_ =	strace s5  }
0x9d: {  	_ =	strace $0x8FFFFFFF  }
0x9e: {  	s19 =	sld [smem:$0x3FDB];
	_ =	sdelay $0x1  }
0x9f: {  	s6 =	simm.s32 $_scs_section_size  }
0xa0: {  	s7 =	simm.s32 $_size__tile_overlayer_lowered;
	s8 =	simm.s32 $_tile_overlayer_lowered  }
0xa1: {  	s22 =	simm.s32 $0x1BFF;
	s21 =	sshll.u32 s8, $0x1;
	s5 =	sadd.s32 s6, s19  }
0xa2: {  	s9 =	simm.s32 $0x0;
	s20 =	sshll.u32 s7, $0x1;
	s7 =	sadd.s32 s21, s5  }
0xa3: {  	[timem:s9], [sflag:s22] =	dma.local [hbm:s7], s20  }
0xa4: {  	_ =	swait.ge [sflag:s22], s20  }
0xa5: {  	s6 =	ssub.s32 $0x0, s20;
	[sflag:s22] =	ssyncset.done $0x0  }
0xa6: {  	[sflag:s22] =	ssyncadd.s32 s6;
	_ =	sdelay $0x1  }
0xa7: {  	s23 =	simm.s32 $0x1B8B  }
0xa8: {  	_ =	swait.ge [sflag:s23], $0x1  }
0xa9: {  	[sflag:s23] =	ssyncset.done $0x0  }
0xaa: {  	s25 =	simm.s32 $0x1B8E;
	s24 =	sld [smem:$0x3FFE];
	[sflag:s23] =	ssyncadd.s32 $0xFFFFFFFF  }
0xab: {  	s26 =	simm.s32 $execute0_lowered;
	[smem:$0x3FD2] =	sst s25  }
0xac: {  	s7 =	sshll.u32 s26, $0x1;
	_ =	strace $0x80000046;
	[dreg:$0x1] =	wrdreg $0xFFFFFFFF  }
0xad: {  	s28 =	simm.s32 $_size_execute0_lowered;
	s5 =	sadd.s32 s5, s7;
	[dreg:$0x0] =	wrdreg $0x0  }
0xae: {  	s7 =	sshll.u32 s28, $0x1;
	[dreg:$0x2] =	wrdreg s5  }
0xaf: {  	[dreg:$0x3] =	wrdreg s7  }
0xb0: {  	[dreg:$0x4] =	wrdreg $0xC0  }
0xb1: {  	_ =	task [dreg:s9], $0x5FFFF  }
0xb2: {  	[dreg:$0x1] =	wrdreg $0xFFFFFFFF  }
0xb3: {  	[dreg:$0x0] =	wrdreg $0x60  }
0xb4: {  	[dreg:$0x2] =	wrdreg s24  }
0xb5: {  	[dreg:$0x3] =	wrdreg s16  }
0xb6: {  	[dreg:$0x4] =	wrdreg s17  }
0xb7: {  	[dreg:$0x5] =	wrdreg s18  }
0xb8: {  	[dreg:$0x6] =	wrdreg $0x9  }
0xb9: {  	_ =	task.clear_ibuf [dreg:s9], $0x7FFFF;
	_ =	strace $0x90000046  }
0xba: {  	s29 =	simm.s32 $0x9;
	_ =	strace $0x80000048  }
0xbb: {  	_ =	swait.ge [sflag:s29], $0x1  }
0xbc: {  	[sflag:s29] =	ssyncadd.s32 $0xFFFFFFFF  }
0xbd: {  	_ =	strace $0x90000048  }
0xbe: {  	_ =	sfence  }
0xbf: {  	s30 =	sld [smem:$0x0];
	_ =	sdelay $0x2  }
0xc0: {  	s31 =	sshll.u32 s1, $0xD;
	s1 =	sshrl.u32 s1, $0x2  }
0xc1: {  	s3 =	sand.u32 $0x4000, s31;
	s1 =	sadd.s32 s1, s30  }
0xc2: {  	s0 =	sor.u32 s3, s0;
	s1 =	sshll.u32 s1, $0x11  }
0xc3: {  	s0 =	sor.u32 s1, s0  }
0xc4: {  	s0 =	sadd.s32 $0x8F2B, s0  }
0xc5: {  	[sflag:s0] =	ssyncadd.remote.s32 $0x1  }
0xc6: {  	_ =	sfence.sel $0xFFFF  }
0xc7: {  	[dreg:$0x0] =	wrdreg $0xFFFFFFFF;
	(pc) =	sbr.abs _section_cstart, $3  }
0xc8: {  	[dreg:$0x1] =	wrdreg $0xFFFFFFFF  }
0xc9: {  	_ =	task.clear_ibuf [dreg:s9], $0x2FFFF;
	_ =	strace $0x9FFFFFFF  }
0xca: {  	(tm) =	ssettm $0x7FFFFFFF  }
0xcb: {  	_ =	shalt  }
tec
execute0_lowered:
.L_overlay_start_1:
0x0: {  	(tag) =	ssettag $0x1  }
0x1: {  	s0 =	rddreg [dreg:$0x0]  }
0x2: {  	s1 =	rddreg [dreg:$0x1]  }
0x3: {  	s2 =	rddreg [dreg:$0x2]  }
0x4: {  	s3 =	rddreg [dreg:$0x3]  }
0x5: {  	s4 =	simm.s32 $0x0;
	s5 =	srdreg.scid;
	s15 =	stileid.u32  }
0x6: {  	s20 =	simm.s32 $0x5;
	s21 =	simm.s32 $0x400;
	s28 =	simm.s32 $0x5000  }
0x7: {  	s29 =	simm.s32 $0x1;
	[smem:$0x7FF] =	sst s4;
	s6 =	sadd.s32 $0xC00, s0  }
0x8: {  	s7 =	sadd.s32 $0xDCA00, s0;
	s8 =	sadd.s32 $0x19400, s0;
	s5 =	sand.u32 $0x1, s5  }
0x9: {  	s10 =	sshll.u32 s15, $0x1;
	s9 =	sadd.s32 $0x326C00, s0;
	s11 =	sadd.s32 $0x263600, s0  }
0xa: {  	s12 =	sadd.s32 $0x1A0000, s0;
	p0 =	sgt.u32 s15, $0x4;
	s10 =	sor.u32 s5, s10  }
0xb: {  	s15 =	simm.s32 $0x0;
	_ =	strace $0x80000047;
	s14 =	sshll.u32 s10, $0x7  }
0xc: {  	s13 =	ssub.s32 $0x2, s5;
	s5 =	simm.s32 $0x2;
	s24 =	sadd.s32 s7, s14  }
0xd: {  	s22 =	sshrl.u32 s13, $0x1;
	s25 =	sadd.s32 s8, s14;
	[dreg:$0x5] =	wrdreg s24  }
.Ltmp0:
0xe: {  	s26 =	sadd.s32 s9, s14;
	[dreg:$0x6] =	wrdreg s25;
	(pc) =	sbr.rel .LBB2_1-.Ltmp0, $4  }
0xf: {  	v0 =	vlaneseq.u32;
	s18 =	sor.u32 $0x40, s10;
	s30 =	sadd.s32 s11, s14;
	[dreg:$0x7] =	wrdreg s26  }
0x10: {  	v0 =	vmul.u32 $0x8, v0;
	s23 =	ssub.s32 s13, s22;
	s31 =	sadd.s32 s12, s14;
	[dreg:$0x8] =	wrdreg s30  }
0x11: {  	s22 =	simm.s32 $0x80;
	[dreg:$0x9] =	wrdreg s31;
	s0 =	smax.u32 s23, $0x1  }
0x12: {  	v1 =	vor.u32 $0x2000, v0;
	s23 =	simm.s32 $0x1000;
	[dreg:$0xa] =	wrdreg s0;
	s0 =	simm.s32 $0xF000  }
.LBB2_13:
0x13: {  	s13 =	simm.s32 $0x3  }
0x14: {  	_ =	swait.ge [sflag:s13], $0x400  }
0x15: {  	[sflag:s13] =	ssyncset.done $0x0  }
0x16: {  	[sflag:s13] =	ssyncadd.s32 $0xFFFFFC00  }
0x17: {  	_ =	swait.ge [sflag:s13], $0x2000  }
0x18: {  	[sflag:s13] =	ssyncset.done $0x0  }
0x19: {  	[sflag:s13] =	ssyncadd.s32 $0xFFFFE000  }
0x1a: {  	_ =	swait.ge [sflag:s13], $0x1000  }
0x1b: {  	[sflag:s13] =	ssyncset.done $0x0  }
0x1c: {  	[sflag:s13] =	ssyncadd.s32 $0xFFFFF000;
	s13 =	simm.s32 @!p0 $0x4  }
0x1d: {  	_ =	swait.ge @!p0 [sflag:s13], $0x400  }
0x1e: {  	[sflag:s13] =	ssyncset.done @!p0 $0x0  }
0x1f: {  	[sflag:s13] =	ssyncadd.s32 @!p0 $0xFFFFFC00  }
0x20: {  	_ =	swait.ge @!p0 [sflag:s13], $0x2000  }
0x21: {  	[sflag:s13] =	ssyncset.done @!p0 $0x0  }
0x22: {  	[sflag:s13] =	ssyncadd.s32 @!p0 $0xFFFFE000  }
0x23: {  	_ =	swait.ge @!p0 [sflag:s13], $0x1000  }
0x24: {  	s15 =	rddreg [dreg:$0xb]  }
0x25: {  	s14 =	rddreg [dreg:$0xa];
	s15 =	sadd.s32 $0x1, s15  }
0x26: {  	p1 =	sne.s32 s15, s14  }
.Ltmp1:
0x27: {  	_ = 	snop;
	(pc) =	sbr.rel @!p1 .LBB2_14-.Ltmp1, $3  }
0x28: {  	_ =	sdelay $0x1  }
0x29: {  	[sflag:s13] =	ssyncset.done @!p0 $0x0  }
0x2a: {  	[sflag:s13] =	ssyncadd.s32 @!p0 $0xFFFFF000  }
.LBB2_1:
0x2b: {  	[dreg:$0xb] =	wrdreg s15  }
0x2c: {  	s13 =	rddreg [dreg:$0x5]  }
0x2d: {  	[tilespmem:s4], [sflag:$0x5] =	stream.linear.gather [hbm4b:s13+s4], $0x400, $0x38;
	[tilespmem:$0x11000] =	vst v63  }
0x2e: {  	_ =	swait.ge [sflag:s20], $0x400  }
0x2f: {  	[sflag:s20] =	ssyncset.done $0x0  }
0x30: {  	s24 =	rddreg [dreg:$0x6];
	[sflag:s20] =	ssyncadd.s32 $0xFFFFFC00  }
0x31: {  	[tilespmem:s21], [sflag:$0x5] =	stream.linear.gather [hbm4b:s24+s4], $0x400, $0x38;
	[tilespmem:$0x11000] =	vst v63  }
0x32: {  	_ =	swait.ge [sflag:s20], $0x400  }
0x33: {  	[sflag:s20] =	ssyncset.done $0x0  }
0x34: {  	[sflag:s20] =	ssyncadd.s32 $0xFFFFFC00  }
0x35: {  	[tilespmem:s23], [sflag:$0x1] =	stream.indirect.gather [hbm4b:s6+s22], $0x8, s4, s22, $0xb8;
	[tilespmem:$0x11000] =	vst v63  }
0x36: {  	s25 =	simm.s32 $0x1400  }
0x37: {  	[tilespmem:s25], [sflag:$0x1] =	stream.indirect.gather [hbm4b:s6+s22], $0x8, s22, s22, $0xb8;
	[tilespmem:$0x11000] =	vst v63  }
0x38: {  	s26 =	simm.s32 $0x100;
	s14 =	simm.s32 $0x1800  }
0x39: {  	[tilespmem:s14], [sflag:$0x1] =	stream.indirect.gather [hbm4b:s6+s22], $0x8, s26, s22, $0xb8;
	[tilespmem:$0x11000] =	vst v63  }
0x3a: {  	s30 =	simm.s32 $0x180;
	s31 =	simm.s32 $0x1C00  }
0x3b: {  	[tilespmem:s31], [sflag:$0x1] =	stream.indirect.gather [hbm4b:s6+s22], $0x8, s30, s22, $0xb8;
	[tilespmem:$0x11000] =	vst v63  }
0x3c: {  	s15 =	simm.s32 $0x200;
	s16 =	simm.s32 $0x2000  }
0x3d: {  	[tilespmem:s16], [sflag:$0x1] =	stream.indirect.gather [hbm4b:s6+s22], $0x8, s15, s22, $0xb8;
	[tilespmem:$0x11000] =	vst v63  }
0x3e: {  	s17 =	simm.s32 $0x280;
	s19 =	simm.s32 $0x2400  }
0x3f: {  	[tilespmem:s19], [sflag:$0x1] =	stream.indirect.gather [hbm4b:s6+s22], $0x8, s17, s22, $0xb8;
	[tilespmem:$0x11000] =	vst v63  }
0x40: {  	s24 =	simm.s32 $0x300;
	s25 =	simm.s32 $0x2800  }
0x41: {  	[tilespmem:s25], [sflag:$0x1] =	stream.indirect.gather [hbm4b:s6+s22], $0x8, s24, s22, $0xb8;
	[tilespmem:$0x11000] =	vst v63  }
0x42: {  	s26 =	simm.s32 $0x380;
	s30 =	simm.s32 $0x2C00  }
0x43: {  	[tilespmem:s30], [sflag:$0x1] =	stream.indirect.gather [hbm4b:s6+s22], $0x8, s26, s22, $0xb8;
	[tilespmem:$0x11000] =	vst v63  }
0x44: {  	s31 =	simm.s32 $0x3000  }
0x45: {  	[tilespmem:s31], [sflag:$0x1] =	stream.indirect.gather [hbm4b:s6+s22], $0x8, s21, s22, $0xb8;
	[tilespmem:$0x11000] =	vst v63  }
0x46: {  	s14 =	simm.s32 $0x480;
	s15 =	simm.s32 $0x3400  }
0x47: {  	[tilespmem:s15], [sflag:$0x1] =	stream.indirect.gather [hbm4b:s6+s22], $0x8, s14, s22, $0xb8;
	[tilespmem:$0x11000] =	vst v63  }
0x48: {  	s16 =	simm.s32 $0x500;
	s17 =	simm.s32 $0x3800  }
0x49: {  	[tilespmem:s17], [sflag:$0x1] =	stream.indirect.gather [hbm4b:s6+s22], $0x8, s16, s22, $0xb8;
	[tilespmem:$0x11000] =	vst v63  }
0x4a: {  	s19 =	simm.s32 $0x580;
	s24 =	simm.s32 $0x3C00  }
0x4b: {  	[tilespmem:s24], [sflag:$0x1] =	stream.indirect.gather [hbm4b:s6+s22], $0x8, s19, s22, $0xb8;
	[tilespmem:$0x11000] =	vst v63  }
0x4c: {  	s25 =	simm.s32 $0x600;
	s26 =	simm.s32 $0x4000  }
0x4d: {  	[tilespmem:s26], [sflag:$0x1] =	stream.indirect.gather [hbm4b:s6+s22], $0x8, s25, s22, $0xb8;
	[tilespmem:$0x11000] =	vst v63  }
0x4e: {  	s30 =	simm.s32 $0x680;
	s31 =	simm.s32 $0x4400  }
0x4f: {  	[tilespmem:s31], [sflag:$0x1] =	stream.indirect.gather [hbm4b:s6+s22], $0x8, s30, s22, $0xb8;
	[tilespmem:$0x11000] =	vst v63  }
0x50: {  	s14 =	simm.s32 $0x700;
	s15 =	simm.s32 $0x4800  }
0x51: {  	[tilespmem:s15], [sflag:$0x1] =	stream.indirect.gather [hbm4b:s6+s22], $0x8, s14, s22, $0xb8;
	[tilespmem:$0x11000] =	vst v63  }
0x52: {  	s16 =	simm.s32 $0x780;
	s17 =	simm.s32 $0x4C00  }
0x53: {  	[tilespmem:s17], [sflag:$0x1] =	stream.indirect.gather [hbm4b:s6+s22], $0x8, s16, s22, $0xb8;
	[tilespmem:$0x11000] =	vst v63  }
0x54: {  	s19 =	rddreg [dreg:$0x7];
	s24 =	simm.s32 $0x9000  }
0x55: {  	[tilespmem:s24], [sflag:$0x1] =	stream.linear.gather [hbm4b:s19+s4], $0x400, $0x38;
	[tilespmem:$0x11000] =	vst v63  }
.Ltmp2:
0x56: {  	_ = 	snop;
	(pc) =	sbr.rel .LBB2_2-.Ltmp2, $4  }
0x57: {  	s25 =	rddreg [dreg:$0x8];
	s26 =	simm.s32 $0x9800  }
0x58: {  	[tilespmem:s26], [sflag:$0x1] =	stream.linear.gather [hbm4b:s25+s4], $0x400, $0x38;
	[tilespmem:$0x11000] =	vst v63  }
0x59: {  	s13 =	simm.s32 $0x0;
	s30 =	rddreg [dreg:$0x9];
	s31 =	simm.s32 $0xA000  }
0x5a: {  	[tilespmem:s31], [sflag:$0x1] =	stream.linear.gather [hbm4b:s30+s4], $0x400, $0x38;
	[tilespmem:$0x11000] =	vst v63  }
.LBB2_12:
0x5b: {  	s13 =	sadd.s32 $0x1, s13  }
0x5c: {  	p1 =	sne.s32 s13, $0x62  }
.Ltmp3:
0x5d: {  	_ = 	snop;
	(pc) =	sbr.rel @!p1 .LBB2_13-.Ltmp3, $1  }
0x5e: {  	_ =	sdelay $0x3  }
.LBB2_2:
0x5f: {  	s17 =	sshll.u32 s13, $0x6  }
0x60: {  	s16 =	sor.u32 s17, s10  }
0x61: {  	s14 =	sor.u32 $0x20, s16  }
0x62: {  	p1 =	sgt.u32 s14, $0x1869  }
.Ltmp4:
0x63: {  	_ = 	snop;
	(pc) =	sbr.rel @p1 .LBB2_4-.Ltmp4, $2  }
0x64: {  	_ =	sdelay $0x2  }
0x65: {  	s15 =	sshll.u32 s14, $0x7  }
0x66: {  	s19 =	sadd.s32 s7, s15;
	s24 =	simm.s32 $0x800  }
0x67: {  	[tilespmem:s24], [sflag:$0x5] =	stream.linear.gather [hbm4b:s19+s4], $0x400, $0x38;
	[tilespmem:$0x11000] =	vst v63  }
0x68: {  	_ =	swait.ge [sflag:s20], $0x400  }
0x69: {  	[sflag:s20] =	ssyncset.done $0x0  }
0x6a: {  	s26 =	sadd.s32 s8, s15;
	s25 =	simm.s32 $0xC00;
	[sflag:s20] =	ssyncadd.s32 $0xFFFFFC00  }
0x6b: {  	[tilespmem:s25], [sflag:$0x5] =	stream.linear.gather [hbm4b:s26+s4], $0x400, $0x38;
	[tilespmem:$0x11000] =	vst v63  }
0x6c: {  	_ =	swait.ge [sflag:s20], $0x400  }
0x6d: {  	[sflag:s20] =	ssyncset.done $0x0  }
0x6e: {  	[sflag:s20] =	ssyncadd.s32 $0xFFFFFC00  }
0x6f: {  	[tilespmem:s28], [sflag:$0x2] =	stream.indirect.gather [hbm4b:s6+s22], $0x8, s24, s22, $0xb8;
	[tilespmem:$0x11000] =	vst v63  }
0x70: {  	s30 =	simm.s32 $0x880;
	s31 =	simm.s32 $0x5400  }
0x71: {  	[tilespmem:s31], [sflag:$0x2] =	stream.indirect.gather [hbm4b:s6+s22], $0x8, s30, s22, $0xb8;
	[tilespmem:$0x11000] =	vst v63  }
0x72: {  	s26 =	simm.s32 $0x5800;
	s24 =	simm.s32 $0x900  }
0x73: {  	[tilespmem:s26], [sflag:$0x2] =	stream.indirect.gather [hbm4b:s6+s22], $0x8, s24, s22, $0xb8;
	[tilespmem:$0x11000] =	vst v63  }
0x74: {  	s30 =	simm.s32 $0x980;
	s31 =	simm.s32 $0x5C00  }
0x75: {  	[tilespmem:s31], [sflag:$0x2] =	stream.indirect.gather [hbm4b:s6+s22], $0x8, s30, s22, $0xb8;
	[tilespmem:$0x11000] =	vst v63  }
0x76: {  	s24 =	simm.s32 $0xA00;
	s26 =	simm.s32 $0x6000  }
0x77: {  	[tilespmem:s26], [sflag:$0x2] =	stream.indirect.gather [hbm4b:s6+s22], $0x8, s24, s22, $0xb8;
	[tilespmem:$0x11000] =	vst v63  }
0x78: {  	s30 =	simm.s32 $0xA80;
	s31 =	simm.s32 $0x6400  }
0x79: {  	[tilespmem:s31], [sflag:$0x2] =	stream.indirect.gather [hbm4b:s6+s22], $0x8, s30, s22, $0xb8;
	[tilespmem:$0x11000] =	vst v63  }
0x7a: {  	s24 =	simm.s32 $0xB00;
	s26 =	simm.s32 $0x6800  }
0x7b: {  	[tilespmem:s26], [sflag:$0x2] =	stream.indirect.gather [hbm4b:s6+s22], $0x8, s24, s22, $0xb8;
	[tilespmem:$0x11000] =	vst v63  }
0x7c: {  	s30 =	simm.s32 $0xB80;
	s31 =	simm.s32 $0x6C00  }
0x7d: {  	[tilespmem:s31], [sflag:$0x2] =	stream.indirect.gather [hbm4b:s6+s22], $0x8, s30, s22, $0xb8;
	[tilespmem:$0x11000] =	vst v63  }
0x7e: {  	s24 =	simm.s32 $0x7000  }
0x7f: {  	[tilespmem:s24], [sflag:$0x2] =	stream.indirect.gather [hbm4b:s6+s22], $0x8, s25, s22, $0xb8;
	[tilespmem:$0x11000] =	vst v63  }
0x80: {  	s26 =	simm.s32 $0x7400;
	s25 =	simm.s32 $0xC80  }
0x81: {  	[tilespmem:s26], [sflag:$0x2] =	stream.indirect.gather [hbm4b:s6+s22], $0x8, s25, s22, $0xb8;
	[tilespmem:$0x11000] =	vst v63  }
0x82: {  	s30 =	simm.s32 $0xD00;
	s31 =	simm.s32 $0x7800  }
0x83: {  	[tilespmem:s31], [sflag:$0x2] =	stream.indirect.gather [hbm4b:s6+s22], $0x8, s30, s22, $0xb8;
	[tilespmem:$0x11000] =	vst v63  }
0x84: {  	s25 =	simm.s32 $0xD80;
	s26 =	simm.s32 $0x7C00  }
0x85: {  	[tilespmem:s26], [sflag:$0x2] =	stream.indirect.gather [hbm4b:s6+s22], $0x8, s25, s22, $0xb8;
	[tilespmem:$0x11000] =	vst v63  }
0x86: {  	s30 =	simm.s32 $0xE00;
	s31 =	simm.s32 $0x8000  }
0x87: {  	[tilespmem:s31], [sflag:$0x2] =	stream.indirect.gather [hbm4b:s6+s22], $0x8, s30, s22, $0xb8;
	[tilespmem:$0x11000] =	vst v63  }
0x88: {  	s25 =	simm.s32 $0xE80;
	s26 =	simm.s32 $0x8400  }
0x89: {  	[tilespmem:s26], [sflag:$0x2] =	stream.indirect.gather [hbm4b:s6+s22], $0x8, s25, s22, $0xb8;
	[tilespmem:$0x11000] =	vst v63  }
0x8a: {  	s30 =	simm.s32 $0xF00;
	s31 =	simm.s32 $0x8800  }
0x8b: {  	[tilespmem:s31], [sflag:$0x2] =	stream.indirect.gather [hbm4b:s6+s22], $0x8, s30, s22, $0xb8;
	[tilespmem:$0x11000] =	vst v63  }
0x8c: {  	s25 =	simm.s32 $0xF80;
	s26 =	simm.s32 $0x8C00  }
0x8d: {  	[tilespmem:s26], [sflag:$0x2] =	stream.indirect.gather [hbm4b:s6+s22], $0x8, s25, s22, $0xb8;
	[tilespmem:$0x11000] =	vst v63  }
0x8e: {  	s30 =	sadd.s32 s9, s15;
	s31 =	simm.s32 $0x9400  }
0x8f: {  	[tilespmem:s31], [sflag:$0x2] =	stream.linear.gather [hbm4b:s30+s4], $0x400, $0x38;
	[tilespmem:$0x11000] =	vst v63  }
0x90: {  	s25 =	sadd.s32 s11, s15;
	s26 =	simm.s32 $0x9C00  }
0x91: {  	[tilespmem:s26], [sflag:$0x2] =	stream.linear.gather [hbm4b:s25+s4], $0x400, $0x38;
	[tilespmem:$0x11000] =	vst v63  }
0x92: {  	s30 =	sadd.s32 s12, s15;
	s31 =	simm.s32 $0xA400  }
0x93: {  	[tilespmem:s31], [sflag:$0x2] =	stream.linear.gather [hbm4b:s30+s4], $0x400, $0x38;
	[tilespmem:$0x11000] =	vst v63  }
.LBB2_4:
0x94: {  	s19 =	sadd.s32 $0xFFFFFFC0, s16  }
0x95: {  	p2 =	sgt.u32 s19, $0x1869  }
0x96: {  	s19 =	simm.s32 @!p2 $0x3  }
0x97: {  	_ =	swait.ge @!p2 [sflag:s19], $0x400  }
0x98: {  	[sflag:s19] =	ssyncset.done @!p2 $0x0  }
0x99: {  	[sflag:s19] =	ssyncadd.s32 @!p2 $0xFFFFFC00  }
0x9a: {  	_ =	swait.ge @!p2 [sflag:s19], $0x2000  }
0x9b: {  	[sflag:s19] =	ssyncset.done @!p2 $0x0  }
0x9c: {  	[sflag:s19] =	ssyncadd.s32 @!p2 $0xFFFFE000  }
0x9d: {  	_ =	swait.ge @!p2 [sflag:s19], $0x1000  }
0x9e: {  	[sflag:s19] =	ssyncset.done @!p2 $0x0  }
0x9f: {  	[sflag:s19] =	ssyncadd.s32 @!p2 $0xFFFFF000  }
0xa0: {  	_ =	swait.ge [sflag:s29], $0x400  }
0xa1: {  	[sflag:s29] =	ssyncset.done $0x0  }
0xa2: {  	[sflag:s29] =	ssyncadd.s32 $0xFFFFFC00  }
0xa3: {  	_ =	swait.ge [sflag:s29], $0x400  }
0xa4: {  	[sflag:s29] =	ssyncset.done $0x0  }
0xa5: {  	[sflag:s29] =	ssyncadd.s32 $0xFFFFFC00  }
0xa6: {  	_ =	swait.ge [sflag:s29], $0x400  }
0xa7: {  	[sflag:s29] =	ssyncset.done $0x0  }
0xa8: {  	[sflag:s29] =	ssyncadd.s32 $0xFFFFFC00  }
0xa9: {  	_ =	swait.ge [sflag:s29], $0x400  }
0xaa: {  	[sflag:s29] =	ssyncset.done $0x0  }
0xab: {  	[sflag:s29] =	ssyncadd.s32 $0xFFFFFC00  }
0xac: {  	_ =	swait.ge [sflag:s29], $0x400  }
0xad: {  	[sflag:s29] =	ssyncset.done $0x0  }
0xae: {  	[sflag:s29] =	ssyncadd.s32 $0xFFFFFC00  }
0xaf: {  	_ =	swait.ge [sflag:s29], $0x400  }
0xb0: {  	[sflag:s29] =	ssyncset.done $0x0  }
0xb1: {  	[sflag:s29] =	ssyncadd.s32 $0xFFFFFC00  }
0xb2: {  	_ =	swait.ge [sflag:s29], $0x400  }
0xb3: {  	[sflag:s29] =	ssyncset.done $0x0  }
0xb4: {  	[sflag:s29] =	ssyncadd.s32 $0xFFFFFC00  }
0xb5: {  	_ =	swait.ge [sflag:s29], $0x400  }
0xb6: {  	[sflag:s29] =	ssyncset.done $0x0  }
0xb7: {  	[sflag:s29] =	ssyncadd.s32 $0xFFFFFC00  }
0xb8: {  	_ =	swait.ge [sflag:s29], $0x400  }
0xb9: {  	[sflag:s29] =	ssyncset.done $0x0  }
0xba: {  	[sflag:s29] =	ssyncadd.s32 $0xFFFFFC00  }
0xbb: {  	_ =	swait.ge [sflag:s29], $0x400  }
0xbc: {  	[sflag:s29] =	ssyncset.done $0x0  }
0xbd: {  	[sflag:s29] =	ssyncadd.s32 $0xFFFFFC00  }
0xbe: {  	_ =	swait.ge [sflag:s29], $0x400  }
0xbf: {  	[sflag:s29] =	ssyncset.done $0x0  }
0xc0: {  	[sflag:s29] =	ssyncadd.s32 $0xFFFFFC00  }
0xc1: {  	_ =	swait.ge [sflag:s29], $0x400  }
0xc2: {  	[sflag:s29] =	ssyncset.done $0x0  }
0xc3: {  	[sflag:s29] =	ssyncadd.s32 $0xFFFFFC00  }
0xc4: {  	_ =	swait.ge [sflag:s29], $0x400  }
0xc5: {  	[sflag:s29] =	ssyncset.done $0x0  }
0xc6: {  	[sflag:s29] =	ssyncadd.s32 $0xFFFFFC00  }
0xc7: {  	_ =	swait.ge [sflag:s29], $0x400  }
0xc8: {  	[sflag:s29] =	ssyncset.done $0x0  }
0xc9: {  	[sflag:s29] =	ssyncadd.s32 $0xFFFFFC00  }
0xca: {  	_ =	swait.ge [sflag:s29], $0x400  }
0xcb: {  	[sflag:s29] =	ssyncset.done $0x0  }
0xcc: {  	[sflag:s29] =	ssyncadd.s32 $0xFFFFFC00  }
0xcd: {  	_ =	swait.ge [sflag:s29], $0x400  }
0xce: {  	[sflag:s29] =	ssyncset.done $0x0  }
0xcf: {  	[sflag:s29] =	ssyncadd.s32 $0xFFFFFC00  }
0xd0: {  	_ =	swait.ge [sflag:s29], $0x400  }
0xd1: {  	[sflag:s29] =	ssyncset.done $0x0  }
0xd2: {  	[sflag:s29] =	ssyncadd.s32 $0xFFFFFC00  }
0xd3: {  	_ =	swait.ge [sflag:s29], $0x400  }
0xd4: {  	[sflag:s29] =	ssyncset.done $0x0  }
0xd5: {  	[sflag:s29] =	ssyncadd.s32 $0xFFFFFC00  }
0xd6: {  	_ =	swait.ge [sflag:s29], $0x400  }
0xd7: {  	[sflag:s29] =	ssyncset.done $0x0  }
0xd8: {  	s24 =	simm.s32 $0x0;
	s19 =	simm.s32 $0x0;
	[sflag:s29] =	ssyncadd.s32 $0xFFFFFC00  }
.LBB2_5:
0xd9: {  	v2 =	vmov s24  }
0xda: {  	v2 =	vshll.u32 v2, $0x3  }
0xdb: {  	v3 =	vor.u32 v1, v2  }
0xdc: {  	v2 =	vor.u32 v0, v2;
	_ =	sdelay $0x1  }
0xdd: {  	s25 =	sshra.s32 s19, $0x2;
	v4 =	vor.u32 $0x1, v3  }
0xde: {  	v8 =	vld [tilespmem:s25+$0x9000];
	v5 =	vor.u32 $0x1, v2  }
0xdf: {  	v6 =	vld.idx.msk [tilespmem:v3+s23+$0x0], $0xffff;
	v3 =	vor.u32 $0x2, v3  }
0xe0: {  	v7 =	vld.idx.msk [tilespmem:v2+s23+$0x0], $0xffff;
	v2 =	vor.u32 $0x2, v2  }
0xe1: {  	v9 =	vld [tilespmem:s25+$0x9800]  }
0xe2: {  	v4 =	vld.idx.msk [tilespmem:v4+s23+$0x0], $0xffff  }
0xe3: {  	v5 =	vld.idx.msk [tilespmem:v5+s23+$0x0], $0xffff  }
0xe4: {  	v3 =	vld.idx.msk [tilespmem:v3+s23+$0x0], $0xffff  }
0xe5: {  	v2 =	vld.idx.msk [tilespmem:v2+s23+$0x0], $0xffff;
	_ =	sdelay $0x1  }
0xe6: {  	v16 =	vld [tilespmem:s25+$0xA000];
	v6 =	vsub.f32 v6, v7  }
0xe7: {  	v4 =	vsub.f32 v4, v5  }
0xe8: {  	v6 =	vadd.f32 v8, v6  }
0xe9: {  	v4 =	vadd.f32 v9, v4;
	v2 =	vsub.f32 v3, v2;
	_ =	sdelay $0x1  }
0xea: {  	v17 =	vmul.f32 v4, v4;
	v3 =	vadd.f32 v16, v2;
	v2 =	vmul.f32 v6, v6;
	_ =	sdelay $0x1  }
0xeb: {  	v2 =	vadd.f32 v17, v2;
	v18 =	vmul.f32 v3, v3;
	_ =	sdelay $0x1  }
0xec: {  	v2 =	vadd.f32 v18, v2;
	_ =	sdelay $0x1  }
0xed: {  	v5 =	vshra.s32 v2, $0x1;
	v19 =	vmul.f32 $5.000000000e-01, v2  }
0xee: {  	v5 =	vsub.s32 $0x5F3759DF, v5  }
0xef: {  	v20 =	vmul.f32 v5, v19;
	_ =	sdelay $0x1  }
0xf0: {  	v8 =	vmul.f32 v5, v20;
	_ =	sdelay $0x1  }
0xf1: {  	v8 =	vsub.f32 $1.500000000e+00, v8;
	_ =	sdelay $0x1  }
0xf2: {  	v5 =	vmul.f32 v5, v8;
	_ =	sdelay $0x1  }
0xf3: {  	v7 =	vmul.f32 v5, v19;
	_ =	sdelay $0x1  }
0xf4: {  	v7 =	vmul.f32 v7, v5;
	_ =	sdelay $0x1  }
0xf5: {  	v7 =	vsub.f32 $1.500000000e+00, v7;
	_ =	sdelay $0x1  }
0xf6: {  	v5 =	vmul.f32 v7, v5  }
0xf7: {  	s26 =	sadd.s32 $0x10, s24  }
0xf8: {  	v21 =	vmov s26;
	v2 =	vmul.f32 v5, v2  }
0xf9: {  	v7 =	vshll.u32 v21, $0x3  }
0xfa: {  	v23 =	vor.u32 v1, v7;
	v7 =	vor.u32 v0, v7;
	v22 =	vmin.f32 v2, $5.000000000e+00  }
0xfb: {  	v8 =	vmul.f32 $6.283185480e-01, v22  }
0xfc: {  	v10 =	vor.u32 $0x1, v23  }
0xfd: {  	v16 =	vld [tilespmem:s25+$0x9010];
	v11 =	vor.u32 $0x1, v7;
	v8 =	vadd.f32 $-1.570796370e+00, v8  }
0xfe: {  	v17 =	vld [tilespmem:s25+$0x9810];
	v9 =	vor.u32 $0x2, v23  }
0xff: {  	v13 =	vld.idx.msk [tilespmem:v7+s23+$0x0], $0xffff;
	v7 =	vor.u32 $0x2, v7;
	v14 =	vmul.f32 v8, v8  }
0x100: {  	v12 =	vld.idx.msk [tilespmem:v23+s23+$0x0], $0xffff  }
0x101: {  	v10 =	vld.idx.msk [tilespmem:v10+s23+$0x0], $0xffff;
	v15 =	vmul.f32 $1.994277410e-09, v14  }
0x102: {  	v11 =	vld.idx.msk [tilespmem:v11+s23+$0x0], $0xffff  }
0x103: {  	v9 =	vld.idx.msk [tilespmem:v9+s23+$0x0], $0xffff;
	v15 =	vadd.f32 $-2.752711340e-07, v15  }
0x104: {  	v7 =	vld.idx.msk [tilespmem:v7+s23+$0x0], $0xffff  }
0x105: {  	v15 =	vmul.f32 v15, v14  }
0x106: {  	s31 =	sadd.s32 $0x20, s24;
	v24 =	vld [tilespmem:s25+$0xA010];
	v18 =	vmul.f32 $2.384356530e-08, v14;
	v12 =	vsub.f32 v12, v13  }
0x107: {  	v31 =	vmov s31;
	v10 =	vsub.f32 v10, v11;
	v15 =	vadd.f32 $2.480110380e-05, v15  }
0x108: {  	v18 =	vsub.f32 $2.752193270e-06, v18;
	v12 =	vadd.f32 v16, v12;
	v16 =	vshll.u32 v31, $0x3  }
0x109: {  	v7 =	vsub.f32 v9, v7;
	v25 =	vmul.f32 v15, v14;
	v15 =	vadd.f32 v17, v10  }
0x10a: {  	v32 =	vmul.f32 $2.000000030e-01, v2;
	v34 =	vor.u32 v1, v16;
	v18 =	vmul.f32 v18, v14  }
0x10b: {  	v28 =	vmul.f32 v12, v12;
	v13 =	vadd.f32 v24, v7;
	v29 =	vmul.f32 v15, v15  }
0x10c: {  	v16 =	vor.u32 v0, v16;
	v21 =	vor.u32 $0x1, v34;
	v27 =	vadd.f32 $-1.984077240e-04, v18  }
0x10d: {  	v23 =	vor.u32 $0x1, v16;
	v30 =	vmul.f32 v13, v13;
	v7 =	vadd.f32 v29, v28  }
0x10e: {  	v35 =	vmul.f32 v32, v32;
	v10 =	vmul.f32 v27, v14  }
0x10f: {  	s30 =	sadd.s32 $0x30, s24;
	v33 =	vadd.f32 v30, v7  }
0x110: {  	v48 =	vmov s30;
	v11 =	vmul.f32 v35, v32;
	v10 =	vadd.f32 $8.333330040e-03, v10  }
0x111: {  	v21 =	vld.idx.msk [tilespmem:v21+s23+$0x0], $0xffff;
	v26 =	vadd.f32 $-1.388888460e-03, v25;
	v19 =	vshra.s32 v33, $0x1;
	v20 =	vmul.f32 $5.000000000e-01, v33  }
0x112: {  	v11 =	vmul.f32 v11, v11;
	v23 =	vld.idx.msk [tilespmem:v23+s23+$0x0], $0xffff;
	v10 =	vmul.f32 v10, v14;
	v19 =	vsub.s32 $0x5F3759DF, v19  }
0x113: {  	v25 =	vld.idx.msk [tilespmem:v16+s23+$0x0], $0xffff;
	v16 =	vor.u32 $0x2, v16;
	v9 =	vmul.f32 v26, v14;
	v22 =	vmul.f32 v19, v20  }
0x114: {  	v26 =	vmul.f32 v11, v32;
	v10 =	vadd.f32 $-1.666666720e-01, v10;
	v7 =	vor.u32 $0x2, v34  }
0x115: {  	v11 =	vmul.f32 $2.800000000e+01, v11;
	v9 =	vadd.f32 $4.166666790e-02, v9;
	v22 =	vmul.f32 v19, v22  }
0x116: {  	vm0 =	vlt.f32 v32, $1.000000000e+00;
	v24 =	vld.idx.msk [tilespmem:v34+s23+$0x0], $0xffff;
	v28 =	vmul.f32 v26, v32;
	v10 =	vmul.f32 v10, v14  }
0x117: {  	v27 =	vld [tilespmem:s25+$0x9020];
	v11 =	vsub.f32 $1.000000000e+00, v11;
	v9 =	vmul.f32 v9, v14;
	v22 =	vsub.f32 $1.500000000e+00, v22  }
0x118: {  	v26 =	vmul.f32 $4.800000000e+01, v26;
	v47 =	vsub.f32 v21, v23;
	v42 =	vld.idx.msk [tilespmem:v16+s23+$0x0], $0xffff;
	v10 =	vadd.f32 $1.000000000e+00, v10  }
0x119: {  	v39 =	vmul.f32 $2.100000000e+01, v28;
	v9 =	vadd.f32 $-5.000000000e-01, v9;
	v40 =	vld.idx.msk [tilespmem:v7+s23+$0x0], $0xffff;
	v36 =	vmul.f32 v19, v22  }
0x11a: {  	v37 =	vld [tilespmem:s25+$0x9820];
	v38 =	vadd.f32 v26, v11;
	v11 =	vmul.f32 v5, v4;
	v8 =	vmul.f32 v10, v8  }
0x11b: {  	v45 =	vsub.f32 v24, v25;
	v9 =	vmul.f32 v9, v14;
	v41 =	vmul.f32 v36, v20  }
0x11c: {  	v46 =	vld [tilespmem:s25+$0xA020];
	v44 =	vsub.f32 v38, v39;
	v10 =	vmul.f32 v5, v6;
	v43 =	vsub.f32 $0.0e+00, v8  }
0x11d: {  	v6 =	vadd.f32 $1.000000000e+00, v9;
	v8 =	vadd.f32 v27, v45;
	v7 =	vmul.f32 v41, v36  }
0x11e: {  	v22 =	vadd.f32 v43, v43;
	v50 =	vsub.f32 v40, v42;
	v20 =	vshll.u32 v48, $0x3  }
0x11f: {  	v51 =	vor.u32 v1, v20;
	v49 =	vsub.f32 $1.500000000e+00, v7;
	v7 =	vadd.f32 v37, v47  }
0x120: {  	v53 =	vmul.f32 v8, v8;
	v52 =	vmul.f32 v22, v6;
	v20 =	vor.u32 v0, v20  }
0x121: {  	v4 =	vadd.f32 v46, v50;
	v56 =	vor.u32 $0x1, v51;
	v54 =	vmul.f32 v7, v7  }
0x122: {  	v14 =	vmul.f32 v5, v3;
	v55 =	vmul.f32 v52, v22;
	v58 =	vor.u32 $0x1, v20  }
0x123: {  	v29 =	vld [tilespmem:s25+$0x9030];
	v57 =	vmul.f32 v4, v4;
	v63 =	vor.u32 $0x2, v51;
	v17 =	vadd.f32 v54, v53  }
0x124: {  	v5 =	vmul.f32 $6.324555270e-01, v5;
	v30 =	vor.u32 $0x2, v20;
	v59 =	vsub.f32 v55, v6;
	v60 =	vld.idx.msk [tilespmem:v51+s23+$0x0], $0xffff  }
0x125: {  	v3 =	vnsel vm0, $0x0, v44;
	v25 =	vmul.f32 v49, v36;
	v62 =	vld.idx.msk [tilespmem:v20+s23+$0x0], $0xffff;
	v24 =	vadd.f32 v57, v17  }
0x126: {  	v35 =	vmul.f32 v3, v5;
	v38 =	vmul.f32 v59, v22;
	v32 =	vld.idx.msk [tilespmem:v56+s23+$0x0], $0xffff  }
0x127: {  	v26 =	vld.idx.msk [tilespmem:v58+s23+$0x0], $0xffff;
	v9 =	vmul.f32 v25, v33;
	v39 =	vshra.s32 v24, $0x1;
	v31 =	vmul.f32 $5.000000000e-01, v24  }
0x128: {  	v19 =	vmul.f32 v52, v35;
	v37 =	vld.idx.msk [tilespmem:v63+s23+$0x0], $0xffff;
	v33 =	vsub.f32 v38, v52;
	v34 =	vsub.s32 $0x5F3759DF, v39  }
0x129: {  	v20 =	vmul.f32 v6, v35;
	v30 =	vld.idx.msk [tilespmem:v30+s23+$0x0], $0xffff;
	v61 =	vmin.f32 v9, $5.000000000e+00;
	v3 =	vmul.f32 v34, v31  }
0x12a: {  	v40 =	vld [tilespmem:s25+$0x9830];
	v41 =	vmul.f32 v33, v22;
	v27 =	vmul.f32 $6.283185480e-01, v61  }
0x12b: {  	v17 =	vmul.f32 v59, v35;
	v44 =	vsub.f32 v60, v62;
	v3 =	vmul.f32 v34, v3  }
0x12c: {  	v45 =	vld [tilespmem:s25+$0xA030];
	v18 =	vmul.f32 v33, v35;
	v42 =	vsub.f32 v41, v59;
	v27 =	vadd.f32 $-1.570796370e+00, v27  }
0x12d: {  	v63 =	vmul.f32 $2.000000030e-01, v9;
	v26 =	vsub.f32 v32, v26;
	v3 =	vsub.f32 $1.500000000e+00, v3  }
0x12e: {  	v49 =	vsub.f32 v37, v30;
	v6 =	vadd.f32 v29, v44;
	v36 =	vmul.f32 v27, v27  }
0x12f: {  	v22 =	vmul.f32 v42, v22;
	v47 =	vmul.f32 v34, v3;
	v3 =	vadd.f32 v40, v26  }
0x130: {  	v23 =	vmul.f32 v42, v35;
	v43 =	vmul.f32 $1.994277410e-09, v36  }
0x131: {  	v5 =	vadd.f32 v45, v49;
	v52 =	vmul.f32 v6, v6;
	v53 =	vmul.f32 v3, v3  }
0x132: {  	v50 =	vmul.f32 $2.384356530e-08, v36;
	v46 =	vadd.f32 $-2.752711340e-07, v43;
	v51 =	vmul.f32 v47, v31  }
0x133: {  	v54 =	vmul.f32 v5, v5;
	v40 =	vmul.f32 v63, v63;
	v21 =	vadd.f32 v53, v52  }
0x134: {  	v26 =	vsub.f32 $2.752193270e-06, v50;
	v48 =	vmul.f32 v46, v36;
	v28 =	vmul.f32 v51, v47  }
0x135: {  	v22 =	vsub.f32 v22, v33;
	v43 =	vmul.f32 v40, v63;
	v29 =	vadd.f32 v54, v21  }
0x136: {  	v26 =	vmul.f32 v26, v36;
	v16 =	vadd.f32 $2.480110380e-05, v48;
	v28 =	vsub.f32 $1.500000000e+00, v28  }
0x137: {  	v34 =	vmul.f32 v43, v43;
	v58 =	vshra.s32 v29, $0x1;
	v59 =	vmul.f32 $5.000000000e-01, v29  }
0x138: {  	v55 =	vmul.f32 v16, v36;
	v16 =	vmul.f32 v28, v47;
	v28 =	vsub.s32 $0x5F3759DF, v58  }
0x139: {  	v22 =	vmul.f32 v22, v35;
	v62 =	vmul.f32 v28, v59  }
0x13a: {  	v56 =	vadd.f32 $-1.984077240e-04, v26;
	v21 =	vmul.f32 v25, v12;
	v48 =	vmul.f32 v34, v63  }
0x13b: {  	v12 =	vmul.f32 v16, v24;
	v26 =	vmul.f32 v28, v62  }
0x13c: {  	v60 =	vmul.f32 v56, v36;
	v51 =	vmul.f32 $2.800000000e+01, v34;
	v57 =	vadd.f32 $-1.388888460e-03, v55  }
0x13d: {  	v55 =	vmul.f32 v48, v63;
	v38 =	vmin.f32 v12, $5.000000000e+00;
	v41 =	vsub.f32 $1.500000000e+00, v26  }
0x13e: {  	v31 =	vadd.f32 $8.333330040e-03, v60;
	v61 =	vmul.f32 v57, v36;
	v33 =	vmul.f32 $6.283185480e-01, v38  }
0x13f: {  	v24 =	vmul.f32 v25, v15;
	v15 =	vmul.f32 v28, v41  }
0x140: {  	v31 =	vmul.f32 v31, v36;
	v57 =	vmul.f32 $2.100000000e+01, v55;
	v33 =	vadd.f32 $-1.570796370e+00, v33  }
0x141: {  	v8 =	vmul.f32 v16, v8;
	v30 =	vmul.f32 v15, v59  }
0x142: {  	v7 =	vmul.f32 v16, v7;
	v39 =	vadd.f32 $4.166666790e-02, v61;
	v35 =	vmul.f32 v33, v33  }
0x143: {  	v4 =	vmul.f32 v16, v4;
	v31 =	vadd.f32 $-1.666666720e-01, v31;
	v30 =	vmul.f32 v30, v15  }
0x144: {  	v42 =	vmul.f32 v39, v36;
	v45 =	vmul.f32 $1.994277410e-09, v35  }
0x145: {  	v16 =	vmul.f32 $6.324555270e-01, v16;
	v31 =	vmul.f32 v31, v36;
	v30 =	vsub.f32 $1.500000000e+00, v30  }
0x146: {  	v26 =	vmul.f32 v25, v13;
	v44 =	vadd.f32 $-5.000000000e-01, v42;
	v49 =	vadd.f32 $-2.752711340e-07, v45  }
0x147: {  	v52 =	vmul.f32 $2.384356530e-08, v35;
	v13 =	vmul.f32 v30, v15  }
0x148: {  	v47 =	vadd.f32 $1.000000000e+00, v31;
	v46 =	vmul.f32 v44, v36;
	v53 =	vmul.f32 v49, v35  }
0x149: {  	v38 =	vmul.f32 $4.800000000e+01, v48;
	v34 =	vsub.f32 $2.752193270e-06, v52;
	v15 =	vmul.f32 v13, v29  }
0x14a: {  	v27 =	vmul.f32 v47, v27;
	v50 =	vadd.f32 $1.000000000e+00, v46;
	v28 =	vadd.f32 $2.480110380e-05, v53  }
0x14b: {  	v46 =	vmul.f32 $2.000000030e-01, v12;
	v34 =	vmul.f32 v34, v35;
	v60 =	vmin.f32 v15, $5.000000000e+00  }
0x14c: {  	v54 =	vsub.f32 $1.000000000e+00, v51;
	v28 =	vmul.f32 v28, v35;
	v61 =	vmul.f32 $6.283185480e-01, v60  }
0x14d: {  	v27 =	vsub.f32 $0.0e+00, v27;
	v47 =	vmul.f32 v46, v46;
	v58 =	vadd.f32 $-1.984077240e-04, v34  }
0x14e: {  	v25 =	vmul.f32 $6.324555270e-01, v25;
	v28 =	vadd.f32 $-1.388888460e-03, v28;
	v31 =	vadd.f32 $-1.570796370e+00, v61  }
0x14f: {  	s31 =	sshll.u32 s24, $0x2;
	v27 =	vadd.f32 v27, v27;
	v48 =	vmul.f32 v47, v46;
	v30 =	vmul.f32 v58, v35  }
0x150: {  	s30 =	sand.u32 $0x40, s24;
	s26 =	sand.u32 $0x3FFFFE00, s31;
	v28 =	vmul.f32 v28, v35;
	v32 =	vmul.f32 v31, v31  }
0x151: {  	s26 =	sor.u32 s30, s26;
	[tilespmem:s25+$0xA800] =	vst v2;
	v56 =	vadd.f32 v38, v54;
	v59 =	vmul.f32 v27, v50;
	v30 =	vadd.f32 $8.333330040e-03, v30  }
0x152: {  	[tilespmem:s26+$0xF000] =	vst v10;
	v10 =	vmul.f32 v48, v48;
	v28 =	vadd.f32 $4.166666790e-02, v28;
	v44 =	vmul.f32 $2.384356530e-08, v32  }
0x153: {  	v29 =	vsub.f32 v56, v57;
	v62 =	vmul.f32 v59, v27;
	v30 =	vmul.f32 v30, v35  }
0x154: {  	v28 =	vmul.f32 v28, v35;
	v39 =	vmul.f32 $1.994277410e-09, v32;
	v38 =	vsub.f32 $2.752193270e-06, v44  }
0x155: {  	v3 =	vmul.f32 v13, v3;
	v56 =	vmul.f32 v10, v46;
	v30 =	vadd.f32 $-1.666666720e-01, v30  }
0x156: {  	v28 =	vadd.f32 $-5.000000000e-01, v28;
	v45 =	vadd.f32 $-2.752711340e-07, v39;
	v38 =	vmul.f32 v38, v32  }
0x157: {  	vm13 =	vlt.f32 v63, $1.000000000e+00;
	v10 =	vmul.f32 $2.800000000e+01, v10;
	v30 =	vmul.f32 v30, v35  }
0x158: {  	v28 =	vmul.f32 v28, v35;
	v35 =	vmul.f32 v45, v32;
	v38 =	vadd.f32 $-1.984077240e-04, v38  }
0x159: {  	s31 =	sshll.u32 s24, $0x3;
	v29 =	vnsel vm13, $0x0, v29;
	v63 =	vsub.f32 v62, v50;
	v30 =	vadd.f32 $1.000000000e+00, v30  }
0x15a: {  	s31 =	sand.u32 $0x3FFFFC00, s31;
	[tilespmem:s26+$0xF080] =	vst v11;
	v25 =	vmul.f32 v29, v25;
	v35 =	vadd.f32 $2.480110380e-05, v35;
	v49 =	vmul.f32 v38, v32  }
0x15b: {  	[tilespmem:s26+$0xF100] =	vst v14;
	s26 =	sor.u32 s30, s31;
	v10 =	vsub.f32 $1.000000000e+00, v10;
	v43 =	vmul.f32 v63, v27;
	v30 =	vmul.f32 v30, v33  }
0x15c: {  	[tilespmem:s26+$0xB080] =	vst v19;
	v19 =	vmul.f32 $4.800000000e+01, v56;
	v35 =	vmul.f32 v35, v32;
	v53 =	vadd.f32 $8.333330040e-03, v49  }
0x15d: {  	v37 =	vmul.f32 v50, v25;
	v36 =	vsub.f32 v43, v59;
	v52 =	vsub.f32 $0.0e+00, v30  }
0x15e: {  	[tilespmem:s26+$0xB000] =	vst v20;
	v34 =	vmul.f32 v59, v25;
	v55 =	vadd.f32 $-1.388888460e-03, v35;
	v57 =	vmul.f32 v53, v32  }
0x15f: {  	s30 =	sshrl.u32 s24, $0x7;
	[tilespmem:s25+$0xA810] =	vst v9;
	v40 =	vmul.f32 v36, v27;
	v54 =	vadd.f32 $1.000000000e+00, v28;
	v14 =	vadd.f32 v52, v52  }
0x160: {  	s31 =	smul.u32 $0x600, s30;
	[tilespmem:s26+$0xB100] =	vst v17;
	v29 =	vmul.f32 v63, v25;
	v58 =	vmul.f32 v55, v32;
	v28 =	vadd.f32 $-1.666666720e-01, v57  }
0x161: {  	[tilespmem:s26+$0xB180] =	vst v18;
	v59 =	vmul.f32 v56, v46;
	v40 =	vsub.f32 v40, v63;
	v60 =	vmul.f32 v14, v54  }
0x162: {  	s31 =	sshra.s32 s31, $0x2;
	[tilespmem:s26+$0xB200] =	vst v23;
	v2 =	vmul.f32 v36, v25;
	v17 =	vadd.f32 $4.166666790e-02, v58;
	v62 =	vmul.f32 v28, v32  }
0x163: {  	s31 =	sadd.s32 s25, s31;
	[tilespmem:s26+$0xB280] =	vst v22;
	v63 =	vadd.f32 v19, v10;
	v27 =	vmul.f32 v40, v27;
	v61 =	vmul.f32 v60, v14  }
0x164: {  	[tilespmem:s31+$0xF010] =	vst v21;
	v51 =	vmul.f32 v40, v25;
	v28 =	vmul.f32 v17, v32;
	v35 =	vadd.f32 $1.000000000e+00, v62  }
0x165: {  	[tilespmem:s31+$0xF090] =	vst v24;
	v50 =	vsub.f32 v27, v36;
	v36 =	vmul.f32 $2.000000030e-01, v15;
	v33 =	vsub.f32 v61, v54  }
0x166: {  	[tilespmem:s25+$0xA820] =	vst v12;
	v30 =	vmul.f32 $2.100000000e+01, v59;
	v10 =	vadd.f32 $-5.000000000e-01, v28;
	v38 =	vmul.f32 v35, v31  }
0x167: {  	s30 =	smul.u32 $0xE00, s30;
	[tilespmem:s31+$0xF020] =	vst v8;
	vm14 =	vlt.f32 v46, $1.000000000e+00;
	v41 =	vmul.f32 v36, v36;
	v40 =	vmul.f32 v33, v14  }
0x168: {  	[tilespmem:s31+$0xF0A0] =	vst v7;
	v9 =	vsub.f32 v63, v30;
	v10 =	vmul.f32 v10, v32;
	v17 =	vsub.f32 $0.0e+00, v38  }
0x169: {  	s30 =	sshra.s32 s30, $0x2;
	[tilespmem:s31+$0xF120] =	vst v4;
	v11 =	vmul.f32 v50, v25;
	v22 =	vmul.f32 v41, v36;
	v19 =	vsub.f32 v40, v60  }
0x16a: {  	s30 =	sadd.s32 s30, s25;
	[tilespmem:s31+$0xF110] =	vst v26;
	v9 =	vnsel vm14, $0x0, v9;
	v42 =	vadd.f32 $1.000000000e+00, v10;
	v43 =	vadd.f32 v17, v17  }
0x16b: {  	[tilespmem:s30+$0xB190] =	vst v2;
	v2 =	vmul.f32 v9, v16;
	v45 =	vmul.f32 v22, v22  }
0x16c: {  	[tilespmem:s25+$0xA830] =	vst v15;
	v44 =	vmul.f32 v19, v14;
	v47 =	vmul.f32 v43, v42  }
0x16d: {  	[tilespmem:s31+$0xF0B0] =	vst v3;
	v22 =	vmul.f32 v45, v36;
	v49 =	vmul.f32 $2.800000000e+01, v45  }
0x16e: {  	[tilespmem:s30+$0xB010] =	vst v37;
	v46 =	vmul.f32 v54, v2;
	v16 =	vsub.f32 v44, v33;
	v50 =	vmul.f32 v47, v43  }
0x16f: {  	[tilespmem:s30+$0xB090] =	vst v34;
	v52 =	vmul.f32 v22, v36;
	v53 =	vsub.f32 $1.000000000e+00, v49;
	v54 =	vmul.f32 $4.800000000e+01, v22  }
0x170: {  	[tilespmem:s30+$0xB210] =	vst v51;
	v51 =	vmul.f32 v16, v14;
	v17 =	vsub.f32 v50, v42  }
0x171: {  	[tilespmem:s30+$0xB110] =	vst v29;
	v4 =	vadd.f32 v54, v53;
	v57 =	vmul.f32 $2.100000000e+01, v52  }
0x172: {  	[tilespmem:s30+$0xB290] =	vst v11;
	v48 =	vmul.f32 v60, v2;
	v7 =	vsub.f32 v51, v19;
	v58 =	vmul.f32 v17, v43  }
0x173: {  	[tilespmem:s30+$0xB020] =	vst v46;
	v55 =	vmul.f32 v33, v2;
	v4 =	vsub.f32 v4, v57;
	v56 =	vmul.f32 v19, v2  }
0x174: {  	[tilespmem:s30+$0xB0A0] =	vst v48;
	v59 =	vmul.f32 v16, v2;
	v2 =	vmul.f32 v7, v2;
	v60 =	vsub.f32 v58, v47  }
0x175: {  	vm15 =	vlt.f32 v36, $1.000000000e+00;
	v61 =	vmul.f32 $6.324555270e-01, v13;
	[tilespmem:s30+$0xB120] =	vst v55  }
0x176: {  	v4 =	vnsel vm15, $0x0, v4;
	[tilespmem:s30+$0xB2A0] =	vst v2;
	v2 =	vmul.f32 v13, v6;
	v62 =	vmul.f32 v60, v43  }
0x177: {  	[tilespmem:s30+$0xB1A0] =	vst v56;
	v4 =	vmul.f32 v4, v61  }
0x178: {  	[tilespmem:s31+$0xF030] =	vst v2;
	v2 =	vmul.f32 v13, v5;
	v63 =	vsub.f32 v62, v17  }
0x179: {  	v3 =	vmul.f32 v42, v4;
	[tilespmem:s30+$0xB220] =	vst v59  }
0x17a: {  	[tilespmem:s31+$0xF130] =	vst v2;
	v2 =	vmul.f32 v47, v4;
	v6 =	vmul.f32 v63, v43  }
0x17b: {  	p2 =	slt.u32 s24, $0x3C0;
	[tilespmem:s30+$0xB030] =	vst v3;
	v3 =	vmul.f32 v17, v4  }
.Ltmp5:
0x17c: {  	[tilespmem:s30+$0xB0B0] =	vst v2;
	v2 =	vmul.f32 v60, v4;
	v6 =	vsub.f32 v6, v60;
	(pc) =	sbr.rel @p2 .LBB2_5-.Ltmp5, $4  }
0x17d: {  	[tilespmem:s30+$0xB130] =	vst v3;
	v3 =	vmul.f32 v63, v4  }
0x17e: {  	[tilespmem:s30+$0xB1B0] =	vst v2;
	v2 =	vmul.f32 v6, v4  }
0x17f: {  	[tilespmem:s30+$0xB230] =	vst v3  }
0x180: {  	s19 =	sadd.s32 $0x100, s19;
	s24 =	sadd.s32 $0x40, s24;
	[tilespmem:s30+$0xB2B0] =	vst v2  }
0x181: {  	s19 =	sshll.u32 s16, $0x7;
	s17 =	sadd.s32 s18, s17  }
0x182: {  	s24 =	simm.s32 $0xA800;
	s19 =	sadd.s32 s1, s19;
	p2 =	sgt.u32 s17, $0x1869  }
0x183: {  	[hbm4b:s19+s4] =	stream.linear.scatter [tilespmem:s24], [sflag:$0x3], $0x400, $0x38;
	[tilespmem:$0x11000] =	vst v63  }
.Ltmp6:
0x184: {  	s26 =	sshll.u32 s16, $0xA;
	(pc) =	sbr.rel @p2 .LBB2_8-.Ltmp6, $4  }
0x185: {  	s30 =	simm.s32 $0xB000;
	s31 =	sshll.u32 s16, $0x9;
	s19 =	sadd.s32 s2, s26  }
0x186: {  	[hbm4b:s19+s4] =	stream.linear.scatter [tilespmem:s30], [sflag:$0x3], $0x2000, $0x38;
	[tilespmem:$0x11000] =	vst v63  }
0x187: {  	s19 =	sadd.s32 s3, s31  }
0x188: {  	[hbm4b:s19+s4] =	stream.linear.scatter [tilespmem:s0], [sflag:$0x3], $0x1000, $0x38;
	[tilespmem:$0x11000] =	vst v63  }
0x189: {  	s17 =	sshll.u32 s17, $0x7  }
0x18a: {  	s19 =	sadd.s32 s7, s17  }
0x18b: {  	[tilespmem:s4], [sflag:$0x5] =	stream.linear.gather [hbm4b:s19+s4], $0x400, $0x38;
	[tilespmem:$0x11000] =	vst v63  }
0x18c: {  	_ =	swait.ge [sflag:s20], $0x400  }
0x18d: {  	[sflag:s20] =	ssyncset.done $0x0  }
0x18e: {  	s26 =	sadd.s32 s8, s17;
	[sflag:s20] =	ssyncadd.s32 $0xFFFFFC00  }
0x18f: {  	[tilespmem:s21], [sflag:$0x5] =	stream.linear.gather [hbm4b:s26+s4], $0x400, $0x38;
	[tilespmem:$0x11000] =	vst v63  }
0x190: {  	_ =	swait.ge [sflag:s20], $0x400  }
0x191: {  	[sflag:s20] =	ssyncset.done $0x0  }
0x192: {  	[sflag:s20] =	ssyncadd.s32 $0xFFFFFC00  }
0x193: {  	[tilespmem:s23], [sflag:$0x1] =	stream.indirect.gather [hbm4b:s6+s22], $0x8, s4, s22, $0xb8;
	[tilespmem:$0x11000] =	vst v63  }
0x194: {  	s30 =	simm.s32 $0x1400  }
0x195: {  	[tilespmem:s30], [sflag:$0x1] =	stream.indirect.gather [hbm4b:s6+s22], $0x8, s22, s22, $0xb8;
	[tilespmem:$0x11000] =	vst v63  }
0x196: {  	s31 =	simm.s32 $0x100;
	s24 =	simm.s32 $0x1800  }
0x197: {  	[tilespmem:s24], [sflag:$0x1] =	stream.indirect.gather [hbm4b:s6+s22], $0x8, s31, s22, $0xb8;
	[tilespmem:$0x11000] =	vst v63  }
0x198: {  	s25 =	simm.s32 $0x180;
	s26 =	simm.s32 $0x1C00  }
0x199: {  	[tilespmem:s26], [sflag:$0x1] =	stream.indirect.gather [hbm4b:s6+s22], $0x8, s25, s22, $0xb8;
	[tilespmem:$0x11000] =	vst v63  }
0x19a: {  	s30 =	simm.s32 $0x200;
	s31 =	simm.s32 $0x2000  }
0x19b: {  	[tilespmem:s31], [sflag:$0x1] =	stream.indirect.gather [hbm4b:s6+s22], $0x8, s30, s22, $0xb8;
	[tilespmem:$0x11000] =	vst v63  }
0x19c: {  	s25 =	simm.s32 $0x280;
	s26 =	simm.s32 $0x2400  }
0x19d: {  	[tilespmem:s26], [sflag:$0x1] =	stream.indirect.gather [hbm4b:s6+s22], $0x8, s25, s22, $0xb8;
	[tilespmem:$0x11000] =	vst v63  }
0x19e: {  	s30 =	simm.s32 $0x300;
	s31 =	simm.s32 $0x2800  }
0x19f: {  	[tilespmem:s31], [sflag:$0x1] =	stream.indirect.gather [hbm4b:s6+s22], $0x8, s30, s22, $0xb8;
	[tilespmem:$0x11000] =	vst v63  }
0x1a0: {  	s24 =	simm.s32 $0x380;
	s25 =	simm.s32 $0x2C00  }
0x1a1: {  	[tilespmem:s25], [sflag:$0x1] =	stream.indirect.gather [hbm4b:s6+s22], $0x8, s24, s22, $0xb8;
	[tilespmem:$0x11000] =	vst v63  }
0x1a2: {  	s26 =	simm.s32 $0x3000  }
0x1a3: {  	[tilespmem:s26], [sflag:$0x1] =	stream.indirect.gather [hbm4b:s6+s22], $0x8, s21, s22, $0xb8;
	[tilespmem:$0x11000] =	vst v63  }
0x1a4: {  	s30 =	simm.s32 $0x480;
	s31 =	simm.s32 $0x3400  }
0x1a5: {  	[tilespmem:s31], [sflag:$0x1] =	stream.indirect.gather [hbm4b:s6+s22], $0x8, s30, s22, $0xb8;
	[tilespmem:$0x11000] =	vst v63  }
0x1a6: {  	s25 =	simm.s32 $0x500;
	s26 =	simm.s32 $0x3800  }
0x1a7: {  	[tilespmem:s26], [sflag:$0x1] =	stream.indirect.gather [hbm4b:s6+s22], $0x8, s25, s22, $0xb8;
	[tilespmem:$0x11000] =	vst v63  }
0x1a8: {  	s30 =	simm.s32 $0x580;
	s31 =	simm.s32 $0x3C00  }
0x1a9: {  	[tilespmem:s31], [sflag:$0x1] =	stream.indirect.gather [hbm4b:s6+s22], $0x8, s30, s22, $0xb8;
	[tilespmem:$0x11000] =	vst v63  }
0x1aa: {  	s25 =	simm.s32 $0x600;
	s26 =	simm.s32 $0x4000  }
0x1ab: {  	[tilespmem:s26], [sflag:$0x1] =	stream.indirect.gather [hbm4b:s6+s22], $0x8, s25, s22, $0xb8;
	[tilespmem:$0x11000] =	vst v63  }
0x1ac: {  	s30 =	simm.s32 $0x680;
	s31 =	simm.s32 $0x4400  }
0x1ad: {  	[tilespmem:s31], [sflag:$0x1] =	stream.indirect.gather [hbm4b:s6+s22], $0x8, s30, s22, $0xb8;
	[tilespmem:$0x11000] =	vst v63  }
0x1ae: {  	s25 =	simm.s32 $0x700;
	s26 =	simm.s32 $0x4800  }
0x1af: {  	[tilespmem:s26], [sflag:$0x1] =	stream.indirect.gather [hbm4b:s6+s22], $0x8, s25, s22, $0xb8;
	[tilespmem:$0x11000] =	vst v63  }
0x1b0: {  	s30 =	simm.s32 $0x780;
	s31 =	simm.s32 $0x4C00  }
0x1b1: {  	[tilespmem:s31], [sflag:$0x1] =	stream.indirect.gather [hbm4b:s6+s22], $0x8, s30, s22, $0xb8;
	[tilespmem:$0x11000] =	vst v63  }
0x1b2: {  	s24 =	sadd.s32 s9, s17;
	s25 =	simm.s32 $0x9000  }
0x1b3: {  	[tilespmem:s25], [sflag:$0x1] =	stream.linear.gather [hbm4b:s24+s4], $0x400, $0x38;
	[tilespmem:$0x11000] =	vst v63  }
0x1b4: {  	s26 =	sadd.s32 s11, s17;
	s30 =	simm.s32 $0x9800  }
0x1b5: {  	[tilespmem:s30], [sflag:$0x1] =	stream.linear.gather [hbm4b:s26+s4], $0x400, $0x38;
	[tilespmem:$0x11000] =	vst v63  }
0x1b6: {  	s17 =	sadd.s32 s12, s17;
	s31 =	simm.s32 $0xA000  }
0x1b7: {  	[tilespmem:s31], [sflag:$0x1] =	stream.linear.gather [hbm4b:s17+s4], $0x400, $0x38;
	[tilespmem:$0x11000] =	vst v63  }
.LBB2_8:
0x1b8: {  	s16 =	sadd.s32 $0xFFFFFFE0, s16  }
0x1b9: {  	p2 =	sgt.u32 s16, $0x1869  }
0x1ba: {  	s16 =	simm.s32 @!p2 $0x4  }
0x1bb: {  	_ =	swait.ge @!p2 [sflag:s16], $0x400  }
0x1bc: {  	[sflag:s16] =	ssyncset.done @!p2 $0x0  }
0x1bd: {  	[sflag:s16] =	ssyncadd.s32 @!p2 $0xFFFFFC00  }
0x1be: {  	_ =	swait.ge @!p2 [sflag:s16], $0x2000  }
.Ltmp7:
0x1bf: {  	[sflag:s16] =	ssyncset.done @!p2 $0x0;
	(pc) =	sbr.rel @p1 .LBB2_12-.Ltmp7, $4  }
0x1c0: {  	[sflag:s16] =	ssyncadd.s32 @!p2 $0xFFFFE000  }
0x1c1: {  	_ =	swait.ge @!p2 [sflag:s16], $0x1000  }
0x1c2: {  	[sflag:s16] =	ssyncset.done @!p2 $0x0  }
0x1c3: {  	[sflag:s16] =	ssyncadd.s32 @!p2 $0xFFFFF000  }
0x1c4: {  	_ =	swait.ge [sflag:s5], $0x400  }
0x1c5: {  	[sflag:s5] =	ssyncset.done $0x0  }
0x1c6: {  	[sflag:s5] =	ssyncadd.s32 $0xFFFFFC00  }
0x1c7: {  	_ =	swait.ge [sflag:s5], $0x400  }
0x1c8: {  	[sflag:s5] =	ssyncset.done $0x0  }
0x1c9: {  	[sflag:s5] =	ssyncadd.s32 $0xFFFFFC00  }
0x1ca: {  	_ =	swait.ge [sflag:s5], $0x400  }
0x1cb: {  	[sflag:s5] =	ssyncset.done $0x0  }
0x1cc: {  	[sflag:s5] =	ssyncadd.s32 $0xFFFFFC00  }
0x1cd: {  	_ =	swait.ge [sflag:s5], $0x400  }
0x1ce: {  	[sflag:s5] =	ssyncset.done $0x0  }
0x1cf: {  	[sflag:s5] =	ssyncadd.s32 $0xFFFFFC00  }
0x1d0: {  	_ =	swait.ge [sflag:s5], $0x400  }
0x1d1: {  	[sflag:s5] =	ssyncset.done $0x0  }
0x1d2: {  	[sflag:s5] =	ssyncadd.s32 $0xFFFFFC00  }
0x1d3: {  	_ =	swait.ge [sflag:s5], $0x400  }
0x1d4: {  	[sflag:s5] =	ssyncset.done $0x0  }
0x1d5: {  	[sflag:s5] =	ssyncadd.s32 $0xFFFFFC00  }
0x1d6: {  	_ =	swait.ge [sflag:s5], $0x400  }
0x1d7: {  	[sflag:s5] =	ssyncset.done $0x0  }
0x1d8: {  	[sflag:s5] =	ssyncadd.s32 $0xFFFFFC00  }
0x1d9: {  	_ =	swait.ge [sflag:s5], $0x400  }
0x1da: {  	[sflag:s5] =	ssyncset.done $0x0  }
0x1db: {  	[sflag:s5] =	ssyncadd.s32 $0xFFFFFC00  }
0x1dc: {  	_ =	swait.ge [sflag:s5], $0x400  }
0x1dd: {  	[sflag:s5] =	ssyncset.done $0x0  }
0x1de: {  	[sflag:s5] =	ssyncadd.s32 $0xFFFFFC00  }
0x1df: {  	_ =	swait.ge [sflag:s5], $0x400  }
0x1e0: {  	[sflag:s5] =	ssyncset.done $0x0  }
0x1e1: {  	[sflag:s5] =	ssyncadd.s32 $0xFFFFFC00  }
0x1e2: {  	_ =	swait.ge [sflag:s5], $0x400  }
0x1e3: {  	[sflag:s5] =	ssyncset.done $0x0  }
0x1e4: {  	[sflag:s5] =	ssyncadd.s32 $0xFFFFFC00  }
0x1e5: {  	_ =	swait.ge [sflag:s5], $0x400  }
0x1e6: {  	[sflag:s5] =	ssyncset.done $0x0  }
0x1e7: {  	[sflag:s5] =	ssyncadd.s32 $0xFFFFFC00  }
0x1e8: {  	_ =	swait.ge [sflag:s5], $0x400  }
0x1e9: {  	[sflag:s5] =	ssyncset.done $0x0  }
0x1ea: {  	[sflag:s5] =	ssyncadd.s32 $0xFFFFFC00  }
0x1eb: {  	_ =	swait.ge [sflag:s5], $0x400  }
0x1ec: {  	[sflag:s5] =	ssyncset.done $0x0  }
0x1ed: {  	[sflag:s5] =	ssyncadd.s32 $0xFFFFFC00  }
0x1ee: {  	_ =	swait.ge [sflag:s5], $0x400  }
0x1ef: {  	[sflag:s5] =	ssyncset.done $0x0  }
0x1f0: {  	[sflag:s5] =	ssyncadd.s32 $0xFFFFFC00  }
0x1f1: {  	_ =	swait.ge [sflag:s5], $0x400  }
0x1f2: {  	[sflag:s5] =	ssyncset.done $0x0  }
0x1f3: {  	[sflag:s5] =	ssyncadd.s32 $0xFFFFFC00  }
0x1f4: {  	_ =	swait.ge [sflag:s5], $0x400  }
0x1f5: {  	[sflag:s5] =	ssyncset.done $0x0  }
0x1f6: {  	[sflag:s5] =	ssyncadd.s32 $0xFFFFFC00  }
0x1f7: {  	_ =	swait.ge [sflag:s5], $0x400  }
0x1f8: {  	[sflag:s5] =	ssyncset.done $0x0  }
0x1f9: {  	[sflag:s5] =	ssyncadd.s32 $0xFFFFFC00  }
0x1fa: {  	_ =	swait.ge [sflag:s5], $0x400  }
0x1fb: {  	[sflag:s5] =	ssyncset.done $0x0  }
0x1fc: {  	s16 =	simm.s32 $0x0;
	s17 =	simm.s32 $0x0;
	[sflag:s5] =	ssyncadd.s32 $0xFFFFFC00  }
.LBB2_10:
0x1fd: {  	v2 =	vmov s17  }
0x1fe: {  	v2 =	vshll.u32 v2, $0x3  }
0x1ff: {  	v3 =	vor.u32 v1, v2  }
0x200: {  	v2 =	vor.u32 v0, v2;
	_ =	sdelay $0x1  }
0x201: {  	s19 =	sshra.s32 s16, $0x2;
	v4 =	vor.u32 $0x1, v3  }
0x202: {  	v8 =	vld [tilespmem:s19+$0x9400];
	v5 =	vor.u32 $0x1, v2  }
0x203: {  	v6 =	vld.idx.msk [tilespmem:v3+s28+$0x0], $0xffff;
	v3 =	vor.u32 $0x2, v3  }
0x204: {  	v7 =	vld.idx.msk [tilespmem:v2+s28+$0x0], $0xffff;
	v2 =	vor.u32 $0x2, v2  }
0x205: {  	v9 =	vld [tilespmem:s19+$0x9C00]  }
0x206: {  	v4 =	vld.idx.msk [tilespmem:v4+s28+$0x0], $0xffff  }
0x207: {  	v5 =	vld.idx.msk [tilespmem:v5+s28+$0x0], $0xffff  }
0x208: {  	v3 =	vld.idx.msk [tilespmem:v3+s28+$0x0], $0xffff  }
0x209: {  	v2 =	vld.idx.msk [tilespmem:v2+s28+$0x0], $0xffff;
	_ =	sdelay $0x1  }
0x20a: {  	v15 =	vld [tilespmem:s19+$0xA400];
	v6 =	vsub.f32 v6, v7  }
0x20b: {  	v4 =	vsub.f32 v4, v5  }
0x20c: {  	v6 =	vadd.f32 v8, v6  }
0x20d: {  	v4 =	vadd.f32 v9, v4;
	v2 =	vsub.f32 v3, v2;
	_ =	sdelay $0x1  }
0x20e: {  	v16 =	vmul.f32 v4, v4;
	v3 =	vadd.f32 v15, v2;
	v2 =	vmul.f32 v6, v6;
	_ =	sdelay $0x1  }
0x20f: {  	v2 =	vadd.f32 v16, v2;
	v17 =	vmul.f32 v3, v3;
	_ =	sdelay $0x1  }
0x210: {  	v2 =	vadd.f32 v17, v2;
	_ =	sdelay $0x1  }
0x211: {  	v5 =	vshra.s32 v2, $0x1;
	v18 =	vmul.f32 $5.000000000e-01, v2  }
0x212: {  	v5 =	vsub.s32 $0x5F3759DF, v5  }
0x213: {  	v19 =	vmul.f32 v5, v18;
	_ =	sdelay $0x1  }
0x214: {  	v8 =	vmul.f32 v5, v19;
	_ =	sdelay $0x1  }
0x215: {  	v8 =	vsub.f32 $1.500000000e+00, v8;
	_ =	sdelay $0x1  }
0x216: {  	v5 =	vmul.f32 v5, v8;
	_ =	sdelay $0x1  }
0x217: {  	v7 =	vmul.f32 v5, v18;
	_ =	sdelay $0x1  }
0x218: {  	v7 =	vmul.f32 v7, v5;
	_ =	sdelay $0x1  }
0x219: {  	s24 =	sadd.s32 $0x10, s17;
	v7 =	vsub.f32 $1.500000000e+00, v7  }
0x21a: {  	v20 =	vmov s24  }
0x21b: {  	v5 =	vmul.f32 v7, v5;
	v7 =	vshll.u32 v20, $0x3  }
0x21c: {  	v22 =	vor.u32 v1, v7  }
0x21d: {  	v7 =	vor.u32 v0, v7  }
0x21e: {  	v2 =	vmul.f32 v5, v2;
	v10 =	vor.u32 $0x1, v22  }
0x21f: {  	v11 =	vor.u32 $0x1, v7  }
0x220: {  	v16 =	vld [tilespmem:s19+$0x9410];
	v21 =	vmin.f32 v2, $5.000000000e+00  }
0x221: {  	v9 =	vor.u32 $0x2, v22;
	v8 =	vmul.f32 $6.283185480e-01, v21;
	v12 =	vld.idx.msk [tilespmem:v22+s28+$0x0], $0xffff  }
0x222: {  	v13 =	vld.idx.msk [tilespmem:v7+s28+$0x0], $0xffff;
	v7 =	vor.u32 $0x2, v7  }
0x223: {  	v8 =	vadd.f32 $-1.570796370e+00, v8;
	v10 =	vld.idx.msk [tilespmem:v10+s28+$0x0], $0xffff  }
0x224: {  	v11 =	vld.idx.msk [tilespmem:v11+s28+$0x0], $0xffff  }
0x225: {  	v17 =	vld [tilespmem:s19+$0x9C10];
	v14 =	vmul.f32 v8, v8  }
0x226: {  	v9 =	vld.idx.msk [tilespmem:v9+s28+$0x0], $0xffff  }
0x227: {  	v15 =	vmul.f32 $1.994277410e-09, v14;
	v7 =	vld.idx.msk [tilespmem:v7+s28+$0x0], $0xffff  }
0x228: {  	v18 =	vmul.f32 $2.384356530e-08, v14;
	v12 =	vsub.f32 v12, v13  }
0x229: {  	v23 =	vld [tilespmem:s19+$0xA410];
	v10 =	vsub.f32 v10, v11;
	v15 =	vadd.f32 $-2.752711340e-07, v15  }
0x22a: {  	v32 =	vmul.f32 $2.000000030e-01, v2;
	v18 =	vsub.f32 $2.752193270e-06, v18  }
0x22b: {  	v12 =	vadd.f32 v16, v12;
	v16 =	vadd.f32 v17, v10;
	v15 =	vmul.f32 v15, v14  }
0x22c: {  	v35 =	vmul.f32 v32, v32;
	v25 =	vmul.f32 v18, v14;
	v7 =	vsub.f32 v9, v7  }
0x22d: {  	s26 =	sadd.s32 $0x20, s17;
	v28 =	vmul.f32 v12, v12;
	v29 =	vmul.f32 v16, v16;
	v15 =	vadd.f32 $2.480110380e-05, v15  }
0x22e: {  	v31 =	vmov s26;
	v27 =	vadd.f32 $-1.984077240e-04, v25;
	v13 =	vadd.f32 v23, v7  }
0x22f: {  	v11 =	vmul.f32 v35, v32;
	v7 =	vadd.f32 v29, v28;
	v24 =	vmul.f32 v15, v14  }
0x230: {  	v10 =	vmul.f32 v27, v14;
	v15 =	vshll.u32 v31, $0x3;
	v30 =	vmul.f32 v13, v13  }
0x231: {  	v11 =	vmul.f32 v11, v11;
	v34 =	vor.u32 v1, v15;
	v26 =	vadd.f32 $-1.388888460e-03, v24  }
0x232: {  	v15 =	vor.u32 v0, v15;
	v10 =	vadd.f32 $8.333330040e-03, v10;
	v33 =	vadd.f32 v30, v7  }
0x233: {  	v21 =	vor.u32 $0x1, v34;
	v23 =	vor.u32 $0x1, v15;
	v7 =	vor.u32 $0x2, v34  }
0x234: {  	v9 =	vmul.f32 v26, v14;
	v19 =	vshra.s32 v33, $0x1;
	v20 =	vmul.f32 $5.000000000e-01, v33  }
0x235: {  	v10 =	vmul.f32 v10, v14;
	v26 =	vmul.f32 v11, v32;
	v19 =	vsub.s32 $0x5F3759DF, v19  }
0x236: {  	v11 =	vmul.f32 $2.800000000e+01, v11;
	v9 =	vadd.f32 $4.166666790e-02, v9;
	v24 =	vld.idx.msk [tilespmem:v34+s28+$0x0], $0xffff;
	v22 =	vmul.f32 v19, v20  }
0x237: {  	v10 =	vadd.f32 $-1.666666720e-01, v10;
	v25 =	vld.idx.msk [tilespmem:v15+s28+$0x0], $0xffff;
	v15 =	vor.u32 $0x2, v15;
	v28 =	vmul.f32 v26, v32  }
0x238: {  	s30 =	sadd.s32 $0x30, s17;
	v11 =	vsub.f32 $1.000000000e+00, v11;
	v26 =	vmul.f32 $4.800000000e+01, v26;
	v21 =	vld.idx.msk [tilespmem:v21+s28+$0x0], $0xffff;
	v22 =	vmul.f32 v19, v22  }
0x239: {  	v48 =	vmov s30;
	v23 =	vld.idx.msk [tilespmem:v23+s28+$0x0], $0xffff;
	v9 =	vmul.f32 v9, v14;
	v10 =	vmul.f32 v10, v14  }
0x23a: {  	v27 =	vld [tilespmem:s19+$0x9420];
	v38 =	vadd.f32 v26, v11;
	v39 =	vmul.f32 $2.100000000e+01, v28;
	v22 =	vsub.f32 $1.500000000e+00, v22  }
0x23b: {  	vm0 =	vlt.f32 v32, $1.000000000e+00;
	v40 =	vld.idx.msk [tilespmem:v7+s28+$0x0], $0xffff;
	v9 =	vadd.f32 $-5.000000000e-01, v9;
	v10 =	vadd.f32 $1.000000000e+00, v10  }
0x23c: {  	v11 =	vmul.f32 v5, v4;
	v44 =	vsub.f32 v38, v39;
	v42 =	vld.idx.msk [tilespmem:v15+s28+$0x0], $0xffff;
	v36 =	vmul.f32 v19, v22  }
0x23d: {  	v37 =	vld [tilespmem:s19+$0x9C20];
	v45 =	vsub.f32 v24, v25;
	v9 =	vmul.f32 v9, v14;
	v8 =	vmul.f32 v10, v8  }
0x23e: {  	v10 =	vmul.f32 v5, v6;
	v47 =	vsub.f32 v21, v23;
	v41 =	vmul.f32 v36, v20  }
0x23f: {  	v46 =	vld [tilespmem:s19+$0xA420];
	v14 =	vmul.f32 v5, v3;
	v6 =	vadd.f32 $1.000000000e+00, v9;
	v20 =	vshll.u32 v48, $0x3  }
0x240: {  	v43 =	vsub.f32 $0.0e+00, v8;
	v51 =	vor.u32 v1, v20;
	v7 =	vmul.f32 v41, v36  }
0x241: {  	v8 =	vadd.f32 v27, v45;
	v50 =	vsub.f32 v40, v42;
	v20 =	vor.u32 v0, v20  }
0x242: {  	v56 =	vor.u32 $0x1, v51;
	v49 =	vsub.f32 $1.500000000e+00, v7;
	v7 =	vadd.f32 v37, v47  }
0x243: {  	v22 =	vadd.f32 v43, v43;
	v53 =	vmul.f32 v8, v8;
	v58 =	vor.u32 $0x1, v20  }
0x244: {  	v63 =	vor.u32 $0x2, v51;
	v4 =	vadd.f32 v46, v50;
	v54 =	vmul.f32 v7, v7  }
0x245: {  	v5 =	vmul.f32 $6.324555270e-01, v5;
	v30 =	vor.u32 $0x2, v20;
	v52 =	vmul.f32 v22, v6;
	v60 =	vld.idx.msk [tilespmem:v51+s28+$0x0], $0xffff  }
0x246: {  	v3 =	vnsel vm0, $0x0, v44;
	v57 =	vmul.f32 v4, v4;
	v62 =	vld.idx.msk [tilespmem:v20+s28+$0x0], $0xffff;
	v17 =	vadd.f32 v54, v53  }
0x247: {  	v35 =	vmul.f32 v3, v5;
	v55 =	vmul.f32 v52, v22;
	v32 =	vld.idx.msk [tilespmem:v56+s28+$0x0], $0xffff  }
0x248: {  	v25 =	vmul.f32 v49, v36;
	v26 =	vld.idx.msk [tilespmem:v58+s28+$0x0], $0xffff;
	v24 =	vadd.f32 v57, v17  }
0x249: {  	v19 =	vmul.f32 v52, v35;
	v59 =	vsub.f32 v55, v6;
	v37 =	vld.idx.msk [tilespmem:v63+s28+$0x0], $0xffff  }
0x24a: {  	v30 =	vld.idx.msk [tilespmem:v30+s28+$0x0], $0xffff;
	v9 =	vmul.f32 v25, v33;
	v39 =	vshra.s32 v24, $0x1;
	v31 =	vmul.f32 $5.000000000e-01, v24  }
0x24b: {  	v29 =	vld [tilespmem:s19+$0x9430];
	v20 =	vmul.f32 v6, v35;
	v38 =	vmul.f32 v59, v22;
	v34 =	vsub.s32 $0x5F3759DF, v39  }
0x24c: {  	v45 =	vld [tilespmem:s19+$0xA430];
	v61 =	vmin.f32 v9, $5.000000000e+00;
	v17 =	vmul.f32 v59, v35;
	v3 =	vmul.f32 v34, v31  }
0x24d: {  	v40 =	vld [tilespmem:s19+$0x9C30];
	v63 =	vmul.f32 $2.000000030e-01, v9;
	v27 =	vmul.f32 $6.283185480e-01, v61;
	v33 =	vsub.f32 v38, v52  }
0x24e: {  	v44 =	vsub.f32 v60, v62;
	v26 =	vsub.f32 v32, v26;
	v3 =	vmul.f32 v34, v3  }
0x24f: {  	v49 =	vsub.f32 v37, v30;
	v27 =	vadd.f32 $-1.570796370e+00, v27;
	v41 =	vmul.f32 v33, v22  }
0x250: {  	v18 =	vmul.f32 v33, v35;
	v6 =	vadd.f32 v29, v44;
	v3 =	vsub.f32 $1.500000000e+00, v3  }
0x251: {  	v5 =	vadd.f32 v45, v49;
	v36 =	vmul.f32 v27, v27;
	v42 =	vsub.f32 v41, v59  }
0x252: {  	v52 =	vmul.f32 v6, v6;
	v47 =	vmul.f32 v34, v3;
	v3 =	vadd.f32 v40, v26  }
0x253: {  	v54 =	vmul.f32 v5, v5;
	v43 =	vmul.f32 $1.994277410e-09, v36  }
0x254: {  	v22 =	vmul.f32 v42, v22;
	v53 =	vmul.f32 v3, v3  }
0x255: {  	v50 =	vmul.f32 $2.384356530e-08, v36;
	v46 =	vadd.f32 $-2.752711340e-07, v43;
	v51 =	vmul.f32 v47, v31  }
0x256: {  	v23 =	vmul.f32 v42, v35;
	v40 =	vmul.f32 v63, v63;
	v21 =	vadd.f32 v53, v52  }
0x257: {  	v26 =	vsub.f32 $2.752193270e-06, v50;
	v48 =	vmul.f32 v46, v36;
	v28 =	vmul.f32 v51, v47  }
0x258: {  	v22 =	vsub.f32 v22, v33;
	v43 =	vmul.f32 v40, v63;
	v29 =	vadd.f32 v54, v21  }
0x259: {  	v26 =	vmul.f32 v26, v36;
	v15 =	vadd.f32 $2.480110380e-05, v48;
	v28 =	vsub.f32 $1.500000000e+00, v28  }
0x25a: {  	v34 =	vmul.f32 v43, v43;
	v58 =	vshra.s32 v29, $0x1;
	v59 =	vmul.f32 $5.000000000e-01, v29  }
0x25b: {  	v55 =	vmul.f32 v15, v36;
	v15 =	vmul.f32 v28, v47;
	v28 =	vsub.s32 $0x5F3759DF, v58  }
0x25c: {  	v22 =	vmul.f32 v22, v35;
	v62 =	vmul.f32 v28, v59  }
0x25d: {  	v56 =	vadd.f32 $-1.984077240e-04, v26;
	v21 =	vmul.f32 v25, v12;
	v48 =	vmul.f32 v34, v63  }
0x25e: {  	v12 =	vmul.f32 v15, v24;
	v26 =	vmul.f32 v28, v62  }
0x25f: {  	v60 =	vmul.f32 v56, v36;
	v51 =	vmul.f32 $2.800000000e+01, v34;
	v57 =	vadd.f32 $-1.388888460e-03, v55  }
0x260: {  	v55 =	vmul.f32 v48, v63;
	v38 =	vmin.f32 v12, $5.000000000e+00;
	v41 =	vsub.f32 $1.500000000e+00, v26  }
0x261: {  	v31 =	vadd.f32 $8.333330040e-03, v60;
	v61 =	vmul.f32 v57, v36;
	v33 =	vmul.f32 $6.283185480e-01, v38  }
0x262: {  	v24 =	vmul.f32 v25, v16;
	v16 =	vmul.f32 v28, v41  }
0x263: {  	v31 =	vmul.f32 v31, v36;
	v57 =	vmul.f32 $2.100000000e+01, v55;
	v33 =	vadd.f32 $-1.570796370e+00, v33  }
0x264: {  	v8 =	vmul.f32 v15, v8;
	v30 =	vmul.f32 v16, v59  }
0x265: {  	v7 =	vmul.f32 v15, v7;
	v39 =	vadd.f32 $4.166666790e-02, v61;
	v35 =	vmul.f32 v33, v33  }
0x266: {  	v4 =	vmul.f32 v15, v4;
	v31 =	vadd.f32 $-1.666666720e-01, v31;
	v30 =	vmul.f32 v30, v16  }
0x267: {  	v42 =	vmul.f32 v39, v36;
	v45 =	vmul.f32 $1.994277410e-09, v35  }
0x268: {  	v15 =	vmul.f32 $6.324555270e-01, v15;
	v31 =	vmul.f32 v31, v36;
	v30 =	vsub.f32 $1.500000000e+00, v30  }
0x269: {  	v26 =	vmul.f32 v25, v13;
	v44 =	vadd.f32 $-5.000000000e-01, v42;
	v49 =	vadd.f32 $-2.752711340e-07, v45  }
0x26a: {  	v52 =	vmul.f32 $2.384356530e-08, v35;
	v13 =	vmul.f32 v30, v16  }
0x26b: {  	v47 =	vadd.f32 $1.000000000e+00, v31;
	v46 =	vmul.f32 v44, v36;
	v53 =	vmul.f32 v49, v35  }
0x26c: {  	v38 =	vmul.f32 $4.800000000e+01, v48;
	v34 =	vsub.f32 $2.752193270e-06, v52;
	v16 =	vmul.f32 v13, v29  }
0x26d: {  	v27 =	vmul.f32 v47, v27;
	v50 =	vadd.f32 $1.000000000e+00, v46;
	v28 =	vadd.f32 $2.480110380e-05, v53  }
0x26e: {  	v46 =	vmul.f32 $2.000000030e-01, v12;
	v34 =	vmul.f32 v34, v35;
	v60 =	vmin.f32 v16, $5.000000000e+00  }
0x26f: {  	v54 =	vsub.f32 $1.000000000e+00, v51;
	v28 =	vmul.f32 v28, v35;
	v61 =	vmul.f32 $6.283185480e-01, v60  }
0x270: {  	v27 =	vsub.f32 $0.0e+00, v27;
	v47 =	vmul.f32 v46, v46;
	v58 =	vadd.f32 $-1.984077240e-04, v34  }
0x271: {  	v25 =	vmul.f32 $6.324555270e-01, v25;
	v28 =	vadd.f32 $-1.388888460e-03, v28;
	v31 =	vadd.f32 $-1.570796370e+00, v61  }
0x272: {  	s31 =	sshll.u32 s17, $0x2;
	v27 =	vadd.f32 v27, v27;
	v48 =	vmul.f32 v47, v46;
	v30 =	vmul.f32 v58, v35  }
0x273: {  	s25 =	sand.u32 $0x40, s17;
	s24 =	sand.u32 $0x3FFFFE00, s31;
	v28 =	vmul.f32 v28, v35;
	v32 =	vmul.f32 v31, v31  }
0x274: {  	s24 =	sor.u32 s25, s24;
	[tilespmem:s19+$0xAC00] =	vst v2;
	v56 =	vadd.f32 v38, v54;
	v59 =	vmul.f32 v27, v50;
	v30 =	vadd.f32 $8.333330040e-03, v30  }
0x275: {  	[tilespmem:s24+$0x10000] =	vst v10;
	v10 =	vmul.f32 v48, v48;
	v28 =	vadd.f32 $4.166666790e-02, v28;
	v44 =	vmul.f32 $2.384356530e-08, v32  }
0x276: {  	v29 =	vsub.f32 v56, v57;
	v62 =	vmul.f32 v59, v27;
	v30 =	vmul.f32 v30, v35  }
0x277: {  	v28 =	vmul.f32 v28, v35;
	v39 =	vmul.f32 $1.994277410e-09, v32;
	v38 =	vsub.f32 $2.752193270e-06, v44  }
0x278: {  	v3 =	vmul.f32 v13, v3;
	v56 =	vmul.f32 v10, v46;
	v30 =	vadd.f32 $-1.666666720e-01, v30  }
0x279: {  	v28 =	vadd.f32 $-5.000000000e-01, v28;
	v45 =	vadd.f32 $-2.752711340e-07, v39;
	v38 =	vmul.f32 v38, v32  }
0x27a: {  	vm13 =	vlt.f32 v63, $1.000000000e+00;
	v10 =	vmul.f32 $2.800000000e+01, v10;
	v30 =	vmul.f32 v30, v35  }
0x27b: {  	v28 =	vmul.f32 v28, v35;
	v35 =	vmul.f32 v45, v32;
	v38 =	vadd.f32 $-1.984077240e-04, v38  }
0x27c: {  	s26 =	sshll.u32 s17, $0x3;
	v29 =	vnsel vm13, $0x0, v29;
	v63 =	vsub.f32 v62, v50;
	v30 =	vadd.f32 $1.000000000e+00, v30  }
0x27d: {  	s26 =	sand.u32 $0x3FFFFC00, s26;
	[tilespmem:s24+$0x10080] =	vst v11;
	v25 =	vmul.f32 v29, v25;
	v35 =	vadd.f32 $2.480110380e-05, v35;
	v49 =	vmul.f32 v38, v32  }
0x27e: {  	s25 =	sor.u32 s25, s26;
	[tilespmem:s24+$0x10100] =	vst v14;
	v10 =	vsub.f32 $1.000000000e+00, v10;
	v43 =	vmul.f32 v63, v27;
	v30 =	vmul.f32 v30, v33  }
0x27f: {  	[tilespmem:s25+$0xD080] =	vst v19;
	v19 =	vmul.f32 $4.800000000e+01, v56;
	v35 =	vmul.f32 v35, v32;
	v53 =	vadd.f32 $8.333330040e-03, v49  }
0x280: {  	v37 =	vmul.f32 v50, v25;
	v36 =	vsub.f32 v43, v59;
	v52 =	vsub.f32 $0.0e+00, v30  }
0x281: {  	s30 =	sshrl.u32 s17, $0x7;
	[tilespmem:s25+$0xD000] =	vst v20;
	v34 =	vmul.f32 v59, v25;
	v55 =	vadd.f32 $-1.388888460e-03, v35;
	v57 =	vmul.f32 v53, v32  }
0x282: {  	s31 =	smul.u32 $0x600, s30;
	[tilespmem:s19+$0xAC10] =	vst v9;
	v40 =	vmul.f32 v36, v27;
	v54 =	vadd.f32 $1.000000000e+00, v28;
	v14 =	vadd.f32 v52, v52  }
0x283: {  	[tilespmem:s25+$0xD100] =	vst v17;
	v29 =	vmul.f32 v63, v25;
	v58 =	vmul.f32 v55, v32;
	v28 =	vadd.f32 $-1.666666720e-01, v57  }
0x284: {  	s26 =	sshra.s32 s31, $0x2;
	[tilespmem:s25+$0xD180] =	vst v18;
	v59 =	vmul.f32 v56, v46;
	v40 =	vsub.f32 v40, v63;
	v60 =	vmul.f32 v14, v54  }
0x285: {  	s26 =	sadd.s32 s19, s26;
	[tilespmem:s25+$0xD200] =	vst v23;
	v2 =	vmul.f32 v36, v25;
	v17 =	vadd.f32 $4.166666790e-02, v58;
	v62 =	vmul.f32 v28, v32  }
0x286: {  	s31 =	sadd.s32 $0xF000, s26;
	[tilespmem:s25+$0xD280] =	vst v22;
	v63 =	vadd.f32 v19, v10;
	v27 =	vmul.f32 v40, v27;
	v61 =	vmul.f32 v60, v14  }
0x287: {  	[tilespmem:s31+$0x1010] =	vst v21;
	v51 =	vmul.f32 v40, v25;
	v28 =	vmul.f32 v17, v32;
	v35 =	vadd.f32 $1.000000000e+00, v62  }
0x288: {  	[tilespmem:s31+$0x1090] =	vst v24;
	v50 =	vsub.f32 v27, v36;
	v36 =	vmul.f32 $2.000000030e-01, v16;
	v33 =	vsub.f32 v61, v54  }
0x289: {  	[tilespmem:s19+$0xAC20] =	vst v12;
	v30 =	vmul.f32 $2.100000000e+01, v59;
	v10 =	vadd.f32 $-5.000000000e-01, v28;
	v38 =	vmul.f32 v35, v31  }
0x28a: {  	s30 =	smul.u32 $0xE00, s30;
	[tilespmem:s31+$0x1020] =	vst v8;
	vm14 =	vlt.f32 v46, $1.000000000e+00;
	v41 =	vmul.f32 v36, v36;
	v40 =	vmul.f32 v33, v14  }
0x28b: {  	[tilespmem:s31+$0x10A0] =	vst v7;
	v9 =	vsub.f32 v63, v30;
	v10 =	vmul.f32 v10, v32;
	v17 =	vsub.f32 $0.0e+00, v38  }
0x28c: {  	s24 =	sshra.s32 s30, $0x2;
	[tilespmem:s31+$0x1120] =	vst v4;
	v11 =	vmul.f32 v50, v25;
	v22 =	vmul.f32 v41, v36;
	v19 =	vsub.f32 v40, v60  }
0x28d: {  	s24 =	sadd.s32 s19, s24;
	[tilespmem:s31+$0x1110] =	vst v26;
	v9 =	vnsel vm14, $0x0, v9;
	v42 =	vadd.f32 $1.000000000e+00, v10;
	v43 =	vadd.f32 v17, v17  }
0x28e: {  	[tilespmem:s24+$0xD190] =	vst v2;
	v2 =	vmul.f32 v9, v15;
	v45 =	vmul.f32 v22, v22  }
0x28f: {  	[tilespmem:s19+$0xAC30] =	vst v16;
	v44 =	vmul.f32 v19, v14;
	v47 =	vmul.f32 v43, v42  }
0x290: {  	[tilespmem:s31+$0x10B0] =	vst v3;
	v22 =	vmul.f32 v45, v36;
	v49 =	vmul.f32 $2.800000000e+01, v45  }
0x291: {  	[tilespmem:s24+$0xD010] =	vst v37;
	v46 =	vmul.f32 v54, v2;
	v15 =	vsub.f32 v44, v33;
	v50 =	vmul.f32 v47, v43  }
0x292: {  	[tilespmem:s24+$0xD090] =	vst v34;
	v52 =	vmul.f32 v22, v36;
	v53 =	vsub.f32 $1.000000000e+00, v49;
	v54 =	vmul.f32 $4.800000000e+01, v22  }
0x293: {  	[tilespmem:s24+$0xD210] =	vst v51;
	v51 =	vmul.f32 v15, v14;
	v17 =	vsub.f32 v50, v42  }
0x294: {  	[tilespmem:s24+$0xD110] =	vst v29;
	v4 =	vadd.f32 v54, v53;
	v57 =	vmul.f32 $2.100000000e+01, v52  }
0x295: {  	[tilespmem:s24+$0xD290] =	vst v11;
	v48 =	vmul.f32 v60, v2;
	v7 =	vsub.f32 v51, v19;
	v58 =	vmul.f32 v17, v43  }
0x296: {  	[tilespmem:s24+$0xD020] =	vst v46;
	v55 =	vmul.f32 v33, v2;
	v4 =	vsub.f32 v4, v57;
	v56 =	vmul.f32 v19, v2  }
0x297: {  	[tilespmem:s24+$0xD0A0] =	vst v48;
	v59 =	vmul.f32 v15, v2;
	v2 =	vmul.f32 v7, v2;
	v60 =	vsub.f32 v58, v47  }
0x298: {  	vm15 =	vlt.f32 v36, $1.000000000e+00;
	v61 =	vmul.f32 $6.324555270e-01, v13;
	[tilespmem:s24+$0xD120] =	vst v55  }
0x299: {  	v4 =	vnsel vm15, $0x0, v4;
	[tilespmem:s24+$0xD2A0] =	vst v2;
	v2 =	vmul.f32 v13, v6;
	v62 =	vmul.f32 v60, v43  }
0x29a: {  	[tilespmem:s24+$0xD1A0] =	vst v56;
	v4 =	vmul.f32 v4, v61  }
0x29b: {  	[tilespmem:s31+$0x1030] =	vst v2;
	v2 =	vmul.f32 v13, v5;
	v63 =	vsub.f32 v62, v17  }
0x29c: {  	v3 =	vmul.f32 v42, v4;
	[tilespmem:s24+$0xD220] =	vst v59  }
0x29d: {  	[tilespmem:s31+$0x1130] =	vst v2;
	v2 =	vmul.f32 v47, v4;
	v6 =	vmul.f32 v63, v43  }
0x29e: {  	p1 =	slt.u32 s17, $0x3C0;
	[tilespmem:s24+$0xD030] =	vst v3;
	v3 =	vmul.f32 v17, v4  }
.Ltmp8:
0x29f: {  	[tilespmem:s24+$0xD0B0] =	vst v2;
	v2 =	vmul.f32 v60, v4;
	v6 =	vsub.f32 v6, v60;
	(pc) =	sbr.rel @p1 .LBB2_10-.Ltmp8, $4  }
0x2a0: {  	[tilespmem:s24+$0xD130] =	vst v3;
	v3 =	vmul.f32 v63, v4  }
0x2a1: {  	[tilespmem:s24+$0xD1B0] =	vst v2;
	v2 =	vmul.f32 v6, v4  }
0x2a2: {  	[tilespmem:s24+$0xD230] =	vst v3  }
0x2a3: {  	s16 =	sadd.s32 $0x100, s16;
	s17 =	sadd.s32 $0x40, s17;
	[tilespmem:s24+$0xD2B0] =	vst v2  }
0x2a4: {  	s15 =	sadd.s32 s1, s15;
	s16 =	simm.s32 $0xAC00  }
0x2a5: {  	[hbm4b:s15+s4] =	stream.linear.scatter [tilespmem:s16], [sflag:$0x4], $0x400, $0x38;
	[tilespmem:$0x11000] =	vst v63  }
.Ltmp9:
0x2a6: {  	s25 =	sshll.u32 s14, $0xA;
	(pc) =	sbr.rel .LBB2_12-.Ltmp9, $4  }
0x2a7: {  	s26 =	simm.s32 $0xD000;
	s30 =	sshll.u32 s14, $0x9;
	s15 =	sadd.s32 s2, s25  }
0x2a8: {  	[hbm4b:s15+s4] =	stream.linear.scatter [tilespmem:s26], [sflag:$0x4], $0x2000, $0x38;
	[tilespmem:$0x11000] =	vst v63  }
0x2a9: {  	s31 =	simm.s32 $0x10000;
	s14 =	sadd.s32 s3, s30  }
0x2aa: {  	[hbm4b:s14+s4] =	stream.linear.scatter [tilespmem:s31], [sflag:$0x4], $0x1000, $0x38;
	[tilespmem:$0x11000] =	vst v63  }
.LBB2_14:
0x2ab: {  	_ =	sfence.sel $0x180000  }
0x2ac: {  	[bflag:$0x0] =	sbarrier.arrive $0xFFFF  }
0x2ad: {  	_ =	strace $0x90000047  }
0x2ae: {  	s0 =	stileid.u32;
	[bflag:$0x2] =	sbarrier.arrive $0xFFFF  }
0x2af: {  	p0 =	sne.s32 s0, $0x0;
	s0 =	rddreg [dreg:$0x4]  }
0x2b0: {  	s0 =	sadd.s32 @!p0 $0x100000, s0  }
0x2b1: {  	[sflag:s0] =	ssyncadd.tile.s32 @!p0 $0x1;
	_ =	shalt  }
.Lfunc_end2:
_tile_overlayer_lowered:
.L_overlay_start_2:
0x2b2: {  	(tag) =	ssettag $0x2  }
0x2b3: {  	s0 =	rddreg [dreg:$0x0];
	s2 =	stileid.u32  }
0x2b4: {  	s1 =	rddreg [dreg:$0x1];
	p0 =	sne.s32 s2, $0x0  }
0x2b5: {  	s3 =	rddreg [dreg:$0x2];
	[bflag:$0x3] =	sbarrier.arrive $0xFFFF;
	s2 =	simm.s32 @!p0 $0x1C05  }
0x2b6: {  	[timem:s3], [sflag:s2] =	dma.local @!p0 [hbm:s0], s1  }
0x2b7: {  	s0 =	simm.s32 @!p0 $0x5  }
0x2b8: {  	_ =	swait.ge @!p0 [sflag:s0], s1  }
0x2b9: {  	s1 =	ssub.s32 @!p0 $0x0, s1;
	[sflag:s0] =	ssyncset.done @!p0 $0x0  }
0x2ba: {  	[sflag:s0] =	ssyncadd.s32 @!p0 s1  }
0x2bb: {  	[bflag:$0x3] =	sbarrier.arrive $0xFFFF  }
0x2bc: {  	_ =	shalt  }

</sc_bundles>
